<compile_context>
chip_gen: v7x
topology: tpu7x:2x2x1
jax: 0.10.2.dev20260603
libtpu: 0.0.44.dev20260713+nightly
codegen_flags: <defaults>
</compile_context>

<pallas_src>
import functools

import jax
import jax.numpy as jnp
from jax import lax
from jax.experimental import pallas as pl
from jax.experimental.pallas import tpu as pltpu
from jax.experimental.pallas import tpu_sc as plsc

OUT_H = 7
OUT_W = 7
SPATIAL_SCALE = 0.125
N, C, H, W = 2, 256, 128, 128
K = 1000
KP = 1024
G = OUT_H * OUT_W
P = G * KP
NW = 32
CH = 16
LANES = 16
V = N * H * W
HALF = C // 2


def _tc_index_kernel(rt_ref, idx_ref, w_ref):
    bi = rt_ref[0:1, :].astype(jnp.int32)
    cx = rt_ref[1:2, :]
    cy = rt_ref[2:3, :]
    rw = rt_ref[3:4, :]
    rh = rt_ref[4:5, :]
    ct = rt_ref[5:6, :]
    st = rt_ref[6:7, :]
    gi = lax.broadcasted_iota(jnp.int32, (G, KP), 0)
    gxf = (gi % OUT_W).astype(jnp.float32)
    gyf = (gi // OUT_W).astype(jnp.float32)
    gx = (gxf + 0.5) / OUT_W - 0.5
    gy = (gyf + 0.5) / OUT_H - 0.5
    gxw = gx * rw
    gyh = gy * rh
    ix = gxw * ct - gyh * st + cx - 0.5
    iy = gxw * st + gyh * ct + cy - 0.5
    x0 = jnp.floor(ix)
    y0 = jnp.floor(iy)
    x1 = x0 + 1.0
    y1 = y0 + 1.0
    wx1 = ix - x0
    wx0 = 1.0 - wx1
    wy1 = iy - y0
    wy0 = 1.0 - wy1
    basex = jnp.clip(x0, 0.0, W - 2.0)
    wx0m = jnp.where((x0 >= 0.0) & (x0 <= W - 1.0), wx0, 0.0)
    wx1m = jnp.where((x1 >= 0.0) & (x1 <= W - 1.0), wx1, 0.0)
    a0 = jnp.where(x0 == basex, wx0m, 0.0) + jnp.where(x1 == basex, wx1m, 0.0)
    a1 = (jnp.where(x0 == basex + 1.0, wx0m, 0.0)
          + jnp.where(x1 == basex + 1.0, wx1m, 0.0))
    basex_i = basex.astype(jnp.int32)
    bbase = bi * (H * W)
    for r, (ycf, wyr) in enumerate(((y0, wy0), (y1, wy1))):
        validy = (ycf >= 0.0) & (ycf <= H - 1.0)
        yir = jnp.clip(ycf, 0.0, H - 1.0).astype(jnp.int32)
        s = bbase + yir * W + basex_i
        idx_ref[r] = (s >> 1) + (s & 1) * (V // 2)
        br = jnp.where(validy, wyr, 0.0)
        w_ref[2 * r] = br * a0
        w_ref[2 * r + 1] = br * a1


_tc_index = pl.pallas_call(
    _tc_index_kernel,
    out_shape=(
        jax.ShapeDtypeStruct((2, G, KP), jnp.int32),
        jax.ShapeDtypeStruct((4, G, KP), jnp.float32),
    ),
)


def _make_sc_gather(nw):
    per_w = P // nw
    n_chunks = per_w // CH
    assert n_chunks % 2 == 0
    mesh = plsc.VectorSubcoreMesh(core_axis_name="c", subcore_axis_name="s")

    @functools.partial(
        pl.kernel,
        mesh=mesh,
        out_type=jax.ShapeDtypeStruct((P, HALF), jnp.uint32),
        scratch_types=[
            pltpu.VMEM((n_chunks, 1, 2 * CH), jnp.int32),
            pltpu.VMEM((n_chunks, 1, 4 * CH), jnp.float32),
            pltpu.VMEM((2, 2 * CH, C), jnp.uint32),
            pltpu.VMEM((2, CH, HALF), jnp.uint32),
            pltpu.SemaphoreType.DMA,
            pltpu.SemaphoreType.DMA,
            pltpu.SemaphoreType.DMA,
            pltpu.SemaphoreType.DMA,
        ],
    )
    def sc_fn(feats_hbm, idx_hbm, w_hbm, out_hbm, idx_all, w_all, rows_v, out_v,
              gs0, gs1, os0, os1):
        gsems = (gs0, gs1)
        osems = (os0, os1)
        wid = lax.axis_index("s") * 2 + lax.axis_index("c")
        pbase = wid * per_w
        pltpu.sync_copy(idx_hbm.at[wid], idx_all)
        pltpu.sync_copy(w_hbm.at[wid], w_all)

        def start(ck, b):
            pltpu.async_copy(feats_hbm.at[idx_all.at[ck, 0]], rows_v.at[b],
                             gsems[b])

        def compute(ck, b):
            pltpu.make_async_copy(
                feats_hbm.at[idx_all.at[ck, 0]], rows_v.at[b], gsems[b]).wait()

            @pl.when(ck >= 2)
            def _():
                pltpu.make_async_copy(
                    out_v.at[b], out_hbm.at[pl.ds(0, CH)], osems[b]).wait()

            w0 = w_all[ck, 0, pl.ds(0, LANES)]
            w1 = w_all[ck, 0, pl.ds(CH, LANES)]
            w2 = w_all[ck, 0, pl.ds(2 * CH, LANES)]
            w3 = w_all[ck, 0, pl.ds(3 * CH, LANES)]

            def pbody(p, c2):
                lane = jnp.zeros((LANES,), jnp.int32) + p
                wb = tuple(
                    wv.at[lane].get(mode="promise_in_bounds")
                    for wv in (w0, w1, w2, w3))
                r1 = CH + p
                hm = jnp.uint32(0xFFFF0000)
                for g in range(C // (2 * LANES)):
                    sa = pl.ds(g * LANES, LANES)
                    sb = pl.ds(HALF + g * LANES, LANES)
                    u00 = rows_v[b, p, sa]
                    u01 = rows_v[b, p, sb]
                    u10 = rows_v[b, r1, sa]
                    u11 = rows_v[b, r1, sb]
                    acc_a = lax.bitcast_convert_type(u00 << 16, jnp.float32) * wb[0]
                    acc_b = lax.bitcast_convert_type(u00 & hm, jnp.float32) * wb[0]
                    acc_a += lax.bitcast_convert_type(u01 << 16, jnp.float32) * wb[1]
                    acc_b += lax.bitcast_convert_type(u01 & hm, jnp.float32) * wb[1]
                    acc_a += lax.bitcast_convert_type(u10 << 16, jnp.float32) * wb[2]
                    acc_b += lax.bitcast_convert_type(u10 & hm, jnp.float32) * wb[2]
                    acc_a += lax.bitcast_convert_type(u11 << 16, jnp.float32) * wb[3]
                    acc_b += lax.bitcast_convert_type(u11 & hm, jnp.float32) * wb[3]
                    ua = lax.bitcast_convert_type(acc_a, jnp.uint32) >> 16
                    ub = lax.bitcast_convert_type(acc_b, jnp.uint32) & hm
                    out_v[b, p, sa] = ua | ub
                return c2

            lax.fori_loop(0, CH, pbody, 0)
            pltpu.async_copy(
                out_v.at[b], out_hbm.at[pl.ds(pbase + ck * CH, CH)], osems[b])

        start(0, 0)

        def pair(g, carry):
            ck = 2 * g
            start(ck + 1, 1)
            compute(ck, 0)
            start(ck + 2, 0)
            compute(ck + 1, 1)
            return carry

        lax.fori_loop(0, (n_chunks - 2) // 2, pair, 0)
        start(n_chunks - 1, 1)
        compute(n_chunks - 2, 0)
        compute(n_chunks - 1, 1)
        pltpu.make_async_copy(out_v.at[0], out_hbm.at[pl.ds(0, CH)], osems[0]).wait()
        pltpu.make_async_copy(out_v.at[1], out_hbm.at[pl.ds(0, CH)], osems[1]).wait()

    return sc_fn


@functools.cache
def _sc_gather_cached():
    return _make_sc_gather(NW)


def _pack_pairs(u):
    lo = u[..., 0, :]
    hi = u[..., 1, :]
    one = jnp.uint32(1)
    r = jnp.uint32(0x7FFF)
    lo16 = (lo + r + ((lo >> 16) & one)) >> 16
    hi16 = (((hi + r + ((hi >> 16) & one)) >> 16) << 16)
    return lo16 | hi16


def kernel(features, rois):
    t = jnp.transpose(features, (0, 2, 3, 1)).reshape(V, C)
    u = lax.bitcast_convert_type(t, jnp.uint32).reshape(V, 2, HALF)
    packed = _pack_pairs(u)
    tp_even = packed.reshape(V // 2, C)
    tp_odd = packed[1:V - 1].reshape(V // 2 - 1, C)
    tp = jnp.concatenate([tp_even, tp_odd], axis=0)

    th = rois[:, 5] * SPATIAL_SCALE
    rt = jnp.stack(
        [
            rois[:, 0],
            rois[:, 1] * SPATIAL_SCALE,
            rois[:, 2] * SPATIAL_SCALE,
            rois[:, 3] * SPATIAL_SCALE,
            rois[:, 4] * SPATIAL_SCALE,
            jnp.cos(th),
            jnp.sin(th),
            jnp.zeros_like(th),
        ],
        axis=0,
    )
    rt = jnp.pad(rt, ((0, 0), (0, KP - K)))
    idx2, w4 = _tc_index(rt)
    nck = P // CH
    idx_sc = (
        idx2.reshape(2, nck, CH).transpose(1, 0, 2)
        .reshape(NW, nck // NW, 1, 2 * CH)
    )
    w_sc = (
        w4.reshape(4, nck, CH).transpose(1, 0, 2)
        .reshape(NW, nck // NW, 1, 4 * CH)
    )
    outp = _sc_gather_cached()(tp, idx_sc, w_sc)
    ot = outp.reshape(G, KP, HALF)[:, :K].transpose(1, 2, 0)
    lo = lax.bitcast_convert_type(ot << 16, jnp.float32)
    hi = lax.bitcast_convert_type(ot & jnp.uint32(0xFFFF0000), jnp.float32)
    out = jnp.concatenate([lo, hi], axis=1)
    return out.reshape(K, C, OUT_H, OUT_W)

# --- scband reference (transcript-rebuilt; emitter-appended) ---
"""Pipeline reference for scband-differentiable-ro-ialign-rotated-18107582120058 (READ-ONLY COPY).

The authoritative reference and input builder live on the scoring server;
editing this copy changes nothing except your own understanding.
"""

import jax, jax.numpy as jnp
import numpy as np

OUT_H = 7
OUT_W = 7
SPATIAL_SCALE = 0.125
N, C, H, W = 2, 256, 128, 128
K = 1000


def setup_inputs(seed: int = 0) -> dict:
    key = jax.random.key(seed)
    k1, k2 = jax.random.split(key)
    features = jax.random.normal(k1, (N, C, H, W), dtype=jnp.float32)
    raw = jax.random.uniform(k2, (K, 6), dtype=jnp.float32)
    batch_ind = jnp.floor(raw[:, 0] * N)
    cx = raw[:, 1] * 1024.0
    cy = raw[:, 2] * 1024.0
    w = raw[:, 3] * 200.0 + 8.0
    h = raw[:, 4] * 200.0 + 8.0
    theta = (raw[:, 5] - 0.5) * np.pi
    rois = jnp.stack([batch_ind, cx, cy, w, h, theta], axis=1).astype(jnp.float32)
    return {"features": features, "rois": rois}


def _roi_align_rotated(features, rois):
    num_rois = rois.shape[0]
    _, channels, height, width = features.shape
    out_h, out_w = OUT_H, OUT_W
    batch_inds = rois[:, 0].astype(jnp.int32)
    rf = rois[:, 1:] * SPATIAL_SCALE
    cx, cy, w, h, theta = rf[:, 0], rf[:, 1], rf[:, 2], rf[:, 3], rf[:, 4]
    _y = (jnp.arange(out_h, dtype=jnp.float32) + 0.5) / out_h - 0.5
    _x = (jnp.arange(out_w, dtype=jnp.float32) + 0.5) / out_w - 0.5
    gy, gx = jnp.meshgrid(_y, _x, indexing='ij')
    grid_x = gx.reshape(-1)[None, :]
    grid_y = gy.reshape(-1)[None, :]
    # clockwise=True
    cos_t = jnp.cos(theta)[:, None]
    sin_t = jnp.sin(theta)[:, None]
    gxw = grid_x * w[:, None]
    gyh = grid_y * h[:, None]
    x_s = gxw * cos_t - gyh * sin_t + cx[:, None]
    y_s = gxw * sin_t + gyh * cos_t + cy[:, None]
    # F.grid_sample(align_corners=False): ix = ((x_grid+1)*W - 1)/2 = x_s - 0.5
    ix = x_s - 0.5
    iy = y_s - 0.5
    x0 = jnp.floor(ix)
    y0 = jnp.floor(iy)
    x1 = x0 + 1.0
    y1 = y0 + 1.0
    wx1 = ix - x0
    wx0 = 1.0 - wx1
    wy1 = iy - y0
    wy0 = 1.0 - wy1
    feats_flat = jnp.transpose(features, (0, 2, 3, 1)).reshape(-1, channels)

    def gather(xc, yc):
        valid = (xc >= 0) & (xc <= width - 1) & (yc >= 0) & (yc <= height - 1)
        xi = jnp.clip(xc, 0, width - 1).astype(jnp.int32)
        yi = jnp.clip(yc, 0, height - 1).astype(jnp.int32)
        flat = batch_inds[:, None] * (height * width) + yi * width + xi
        vals = feats_flat[flat]  # [K, P, C] gather
        return vals * valid[..., None].astype(features.dtype)

    v00 = gather(x0, y0)
    v01 = gather(x1, y0)
    v10 = gather(x0, y1)
    v11 = gather(x1, y1)
    out = (v00 * (wx0 * wy0)[..., None] + v01 * (wx1 * wy0)[..., None]
           + v10 * (wx0 * wy1)[..., None] + v11 * (wx1 * wy1)[..., None])
    out = out.reshape(num_rois, out_h, out_w, channels)
    return jnp.transpose(out, (0, 3, 1, 2))


def reference(features, rois):
    return _roi_align_rotated(features, rois)

if __name__ == "__main__":
    import jax
    _d = setup_inputs()
    print(jax.jit(kernel)(*tuple(_d.values())))

</pallas_src>

<mosaic_0001>
#map = affine_map<(d0, d1) -> (0, 0)>
#map1 = affine_map<(d0, d1) -> (0, 0, 0, 0)>
module attributes {stable_mosaic.version = 14 : i64} {
  func.func @sc_fn(%arg0: i32, %arg1: i32, %arg2: memref<32767x256xi32, #tpu.memory_space<hbm>>, %arg3: memref<32x98x1x32xi32, #tpu.memory_space<hbm>>, %arg4: memref<32x98x1x64xf32, #tpu.memory_space<hbm>>, %arg5: memref<50176x128xi32, #tpu.memory_space<hbm>>, %arg6: memref<98x1x32xi32, #tpu.memory_space<vmem>>, %arg7: memref<98x1x64xf32, #tpu.memory_space<vmem>>, %arg8: memref<2x32x256xi32, #tpu.memory_space<vmem>>, %arg9: memref<2x16x128xi32, #tpu.memory_space<vmem>>, %arg10: memref<!tpu.dma_semaphore, #tpu.memory_space<semaphore_mem>>, %arg11: memref<!tpu.dma_semaphore, #tpu.memory_space<semaphore_mem>>, %arg12: memref<!tpu.dma_semaphore, #tpu.memory_space<semaphore_mem>>, %arg13: memref<!tpu.dma_semaphore, #tpu.memory_space<semaphore_mem>>) attributes {dimension_semantics = [#tpu.dimension_semantics<core_parallel>, #tpu.dimension_semantics<subcore_parallel>], iteration_bounds = array<i64: 2, 16>, scalar_prefetch = 0 : i64, scratch_operands = 8 : i64, tpu.core_type = #tpu.core_type<sc_vector_subcore>, window_params = [{transform_indices = #map}, {transform_indices = #map1}, {transform_indices = #map1}, {transform_indices = #map}]} {
    %mul3A = arith.constant 2 : i32
    %mul3A_0 = arith.muli %arg1, %mul3A : i32
    %add3A = arith.addi %mul3A_0, %arg0 : i32
    %mul3A_1 = arith.constant 1568 : i32
    %mul3A_2 = arith.muli %add3A, %mul3A_1 : i32
    "tpu.region"() ({
      %run_scoped3A = tpu.sem_alloc : memref<!tpu.dma_semaphore, #tpu.memory_space<semaphore_mem>>
      %dma_start3A_215 = arith.constant 0 : i32
      %dma_start3A_216 = arith.constant 0 : i32
      %dma_start3A_217 = arith.constant 0 : i32
      %dma_start3A_218 = tpu.memref_slice %arg3[%add3A, %dma_start3A_215, %dma_start3A_216, %dma_start3A_217] : memref<32x98x1x32xi32, #tpu.memory_space<hbm>> -> memref<1x98x1x32xi32, #tpu.memory_space<hbm>>
      %dma_start3A_219 = tpu.memref_squeeze %dma_start3A_218 : memref<1x98x1x32xi32, #tpu.memory_space<hbm>> -> memref<98x1x32xi32, #tpu.memory_space<hbm>>
      %dma_start3A_220 = arith.constant 0 : i32
      %dma_start3A_221 = arith.constant 0 : i32
      %dma_start3A_222 = arith.constant 0 : i32
      %dma_start3A_223 = tpu.memref_slice %arg3[%add3A, %dma_start3A_220, %dma_start3A_221, %dma_start3A_222] : memref<32x98x1x32xi32, #tpu.memory_space<hbm>> -> memref<1x98x1x32xi32, #tpu.memory_space<hbm>>
      %dma_start3A_224 = tpu.memref_squeeze %dma_start3A_223 : memref<1x98x1x32xi32, #tpu.memory_space<hbm>> -> memref<98x1x32xi32, #tpu.memory_space<hbm>>
      tpu.enqueue_dma source(%dma_start3A_224 : memref<98x1x32xi32, #tpu.memory_space<hbm>>) target(%arg6 : memref<98x1x32xi32, #tpu.memory_space<vmem>>) target_semaphore(%run_scoped3A : memref<!tpu.dma_semaphore, #tpu.memory_space<semaphore_mem>>)
      %dma_wait3A_225 = arith.constant 0 : i32
      %dma_wait3A_226 = arith.constant 0 : i32
      %dma_wait3A_227 = arith.constant 0 : i32
      %dma_wait3A_228 = tpu.memref_slice %arg3[%add3A, %dma_wait3A_225, %dma_wait3A_226, %dma_wait3A_227] : memref<32x98x1x32xi32, #tpu.memory_space<hbm>> -> memref<1x98x1x32xi32, #tpu.memory_space<hbm>>
      %dma_wait3A_229 = tpu.memref_squeeze %dma_wait3A_228 : memref<1x98x1x32xi32, #tpu.memory_space<hbm>> -> memref<98x1x32xi32, #tpu.memory_space<hbm>>
      %dma_wait3A_230 = arith.constant 0 : i32
      %dma_wait3A_231 = arith.constant 0 : i32
      %dma_wait3A_232 = arith.constant 0 : i32
      %dma_wait3A_233 = tpu.memref_slice %arg3[%add3A, %dma_wait3A_230, %dma_wait3A_231, %dma_wait3A_232] : memref<32x98x1x32xi32, #tpu.memory_space<hbm>> -> memref<1x98x1x32xi32, #tpu.memory_space<hbm>>
      %dma_wait3A_234 = tpu.memref_squeeze %dma_wait3A_233 : memref<1x98x1x32xi32, #tpu.memory_space<hbm>> -> memref<98x1x32xi32, #tpu.memory_space<hbm>>
      tpu.wait_dma2 semaphore(%run_scoped3A : memref<!tpu.dma_semaphore, #tpu.memory_space<semaphore_mem>>) src(%dma_wait3A_234 : memref<98x1x32xi32, #tpu.memory_space<hbm>>) dst(%arg6 : memref<98x1x32xi32, #tpu.memory_space<vmem>>)
      tpu.yield
    }) : () -> ()
    "tpu.region"() ({
      %run_scoped3A = tpu.sem_alloc : memref<!tpu.dma_semaphore, #tpu.memory_space<semaphore_mem>>
      %dma_start3A_215 = arith.constant 0 : i32
      %dma_start3A_216 = arith.constant 0 : i32
      %dma_start3A_217 = arith.constant 0 : i32
      %dma_start3A_218 = tpu.memref_slice %arg4[%add3A, %dma_start3A_215, %dma_start3A_216, %dma_start3A_217] : memref<32x98x1x64xf32, #tpu.memory_space<hbm>> -> memref<1x98x1x64xf32, #tpu.memory_space<hbm>>
      %dma_start3A_219 = tpu.memref_squeeze %dma_start3A_218 : memref<1x98x1x64xf32, #tpu.memory_space<hbm>> -> memref<98x1x64xf32, #tpu.memory_space<hbm>>
      %dma_start3A_220 = arith.constant 0 : i32
      %dma_start3A_221 = arith.constant 0 : i32
      %dma_start3A_222 = arith.constant 0 : i32
      %dma_start3A_223 = tpu.memref_slice %arg4[%add3A, %dma_start3A_220, %dma_start3A_221, %dma_start3A_222] : memref<32x98x1x64xf32, #tpu.memory_space<hbm>> -> memref<1x98x1x64xf32, #tpu.memory_space<hbm>>
      %dma_start3A_224 = tpu.memref_squeeze %dma_start3A_223 : memref<1x98x1x64xf32, #tpu.memory_space<hbm>> -> memref<98x1x64xf32, #tpu.memory_space<hbm>>
      tpu.enqueue_dma source(%dma_start3A_224 : memref<98x1x64xf32, #tpu.memory_space<hbm>>) target(%arg7 : memref<98x1x64xf32, #tpu.memory_space<vmem>>) target_semaphore(%run_scoped3A : memref<!tpu.dma_semaphore, #tpu.memory_space<semaphore_mem>>)
      %dma_wait3A_225 = arith.constant 0 : i32
      %dma_wait3A_226 = arith.constant 0 : i32
      %dma_wait3A_227 = arith.constant 0 : i32
      %dma_wait3A_228 = tpu.memref_slice %arg4[%add3A, %dma_wait3A_225, %dma_wait3A_226, %dma_wait3A_227] : memref<32x98x1x64xf32, #tpu.memory_space<hbm>> -> memref<1x98x1x64xf32, #tpu.memory_space<hbm>>
      %dma_wait3A_229 = tpu.memref_squeeze %dma_wait3A_228 : memref<1x98x1x64xf32, #tpu.memory_space<hbm>> -> memref<98x1x64xf32, #tpu.memory_space<hbm>>
      %dma_wait3A_230 = arith.constant 0 : i32
      %dma_wait3A_231 = arith.constant 0 : i32
      %dma_wait3A_232 = arith.constant 0 : i32
      %dma_wait3A_233 = tpu.memref_slice %arg4[%add3A, %dma_wait3A_230, %dma_wait3A_231, %dma_wait3A_232] : memref<32x98x1x64xf32, #tpu.memory_space<hbm>> -> memref<1x98x1x64xf32, #tpu.memory_space<hbm>>
      %dma_wait3A_234 = tpu.memref_squeeze %dma_wait3A_233 : memref<1x98x1x64xf32, #tpu.memory_space<hbm>> -> memref<98x1x64xf32, #tpu.memory_space<hbm>>
      tpu.wait_dma2 semaphore(%run_scoped3A : memref<!tpu.dma_semaphore, #tpu.memory_space<semaphore_mem>>) src(%dma_wait3A_234 : memref<98x1x64xf32, #tpu.memory_space<hbm>>) dst(%arg7 : memref<98x1x64xf32, #tpu.memory_space<vmem>>)
      tpu.yield
    }) : () -> ()
    %dma_start3A = arith.constant 0 : i32
    %dma_start3A_3 = arith.constant 0 : i32
    %dma_start3A_4 = arith.constant 0 : i32
    %dma_start3A_5 = arith.constant 0 : i32
    %dma_start3A_6 = arith.constant 0 : i32
    %dma_start3A_7 = tpu.memref_slice %arg8[%dma_start3A_4, %dma_start3A_5, %dma_start3A_6] : memref<2x32x256xi32, #tpu.memory_space<vmem>> -> memref<1x32x256xi32, #tpu.memory_space<vmem>>
    %dma_start3A_8 = tpu.memref_squeeze %dma_start3A_7 : memref<1x32x256xi32, #tpu.memory_space<vmem>> -> memref<32x256xi32, #tpu.memory_space<vmem>>
    %dma_start3A_9 = arith.constant 0 : i32
    %dma_start3A_10 = tpu.memref_slice %arg6[%dma_start3A, %dma_start3A_3, %dma_start3A_9] : memref<98x1x32xi32, #tpu.memory_space<vmem>> -> memref<1x1x32xi32, #tpu.memory_space<vmem>>
    %dma_start3A_11 = tpu.memref_squeeze %dma_start3A_10 : memref<1x1x32xi32, #tpu.memory_space<vmem>> -> memref<32xi32, #tpu.memory_space<vmem>>
    %dma_start3A_12 = arith.constant 0 : i32
    %dma_start3A_13 = arith.constant 0 : i32
    %dma_start3A_14 = tpu.memref_slice %arg2[%dma_start3A_12, %dma_start3A_13] : memref<32767x256xi32, #tpu.memory_space<hbm>> -> memref<32767x256xi32, #tpu.memory_space<hbm>>
    tpu.enqueue_indirect_dma source(%dma_start3A_14 : memref<32767x256xi32, #tpu.memory_space<hbm>>) target(%dma_start3A_8 : memref<32x256xi32, #tpu.memory_space<vmem>>) offsets(%dma_start3A_11 : memref<32xi32, #tpu.memory_space<vmem>>) semaphore(%arg10 : memref<!tpu.dma_semaphore, #tpu.memory_space<semaphore_mem>>)
    %scan3A = arith.constant 0 : i32
    %scan3A_15 = arith.constant 0 : i32
    %scan3A_16 = arith.constant 48 : i32
    %scan3A_17 = arith.addi %scan3A_15, %scan3A_16 : i32
    %scan3A_18 = arith.constant 1 : i32
    scf.for %scan3A_215 = %scan3A_15 to %scan3A_17 step %scan3A_18  : i32 {
      %mul3A_216 = arith.constant 2 : i32
      %mul3A_217 = arith.muli %mul3A_216, %scan3A_215 : i32
      %add3A_218 = arith.constant 1 : i32
      %add3A_219 = arith.addi %mul3A_217, %add3A_218 : i32
      %dma_start3A_220 = arith.constant 0 : i32
      %dma_start3A_221 = arith.constant 1 : i32
      %dma_start3A_222 = arith.constant 0 : i32
      %dma_start3A_223 = arith.constant 0 : i32
      %dma_start3A_224 = tpu.memref_slice %arg8[%dma_start3A_221, %dma_start3A_222, %dma_start3A_223] : memref<2x32x256xi32, #tpu.memory_space<vmem>> -> memref<1x32x256xi32, #tpu.memory_space<vmem>>
      %dma_start3A_225 = tpu.memref_squeeze %dma_start3A_224 : memref<1x32x256xi32, #tpu.memory_space<vmem>> -> memref<32x256xi32, #tpu.memory_space<vmem>>
      %dma_start3A_226 = arith.constant 0 : i32
      %dma_start3A_227 = tpu.memref_slice %arg6[%add3A_219, %dma_start3A_220, %dma_start3A_226] : memref<98x1x32xi32, #tpu.memory_space<vmem>> -> memref<1x1x32xi32, #tpu.memory_space<vmem>>
      %dma_start3A_228 = tpu.memref_squeeze %dma_start3A_227 : memref<1x1x32xi32, #tpu.memory_space<vmem>> -> memref<32xi32, #tpu.memory_space<vmem>>
      %dma_start3A_229 = arith.constant 0 : i32
      %dma_start3A_230 = arith.constant 0 : i32
      %dma_start3A_231 = tpu.memref_slice %arg2[%dma_start3A_229, %dma_start3A_230] : memref<32767x256xi32, #tpu.memory_space<hbm>> -> memref<32767x256xi32, #tpu.memory_space<hbm>>
      tpu.enqueue_indirect_dma source(%dma_start3A_231 : memref<32767x256xi32, #tpu.memory_space<hbm>>) target(%dma_start3A_225 : memref<32x256xi32, #tpu.memory_space<vmem>>) offsets(%dma_start3A_228 : memref<32xi32, #tpu.memory_space<vmem>>) semaphore(%arg11 : memref<!tpu.dma_semaphore, #tpu.memory_space<semaphore_mem>>)
      %dma_wait3A_232 = arith.constant 0 : i32
      %dma_wait3A_233 = arith.constant 0 : i32
      %dma_wait3A_234 = arith.constant 0 : i32
      %dma_wait3A_235 = arith.constant 0 : i32
      %dma_wait3A_236 = tpu.memref_slice %arg8[%dma_wait3A_233, %dma_wait3A_234, %dma_wait3A_235] : memref<2x32x256xi32, #tpu.memory_space<vmem>> -> memref<1x32x256xi32, #tpu.memory_space<vmem>>
      %dma_wait3A_237 = tpu.memref_squeeze %dma_wait3A_236 : memref<1x32x256xi32, #tpu.memory_space<vmem>> -> memref<32x256xi32, #tpu.memory_space<vmem>>
      %dma_wait3A_238 = arith.constant 0 : i32
      %dma_wait3A_239 = tpu.memref_slice %arg6[%mul3A_217, %dma_wait3A_232, %dma_wait3A_238] : memref<98x1x32xi32, #tpu.memory_space<vmem>> -> memref<1x1x32xi32, #tpu.memory_space<vmem>>
      %dma_wait3A_240 = tpu.memref_squeeze %dma_wait3A_239 : memref<1x1x32xi32, #tpu.memory_space<vmem>> -> memref<32xi32, #tpu.memory_space<vmem>>
      %dma_wait3A_241 = arith.constant 0 : i32
      %dma_wait3A_242 = arith.constant 0 : i32
      %dma_wait3A_243 = tpu.memref_slice %arg2[%dma_wait3A_241, %dma_wait3A_242] : memref<32767x256xi32, #tpu.memory_space<hbm>> -> memref<32767x256xi32, #tpu.memory_space<hbm>>
      tpu.wait_indirect_dma semaphore(%arg10 : memref<!tpu.dma_semaphore, #tpu.memory_space<semaphore_mem>>) src(%dma_wait3A_243 : memref<32767x256xi32, #tpu.memory_space<hbm>>) dst(%dma_wait3A_237 : memref<32x256xi32, #tpu.memory_space<vmem>>)
      %ge3A = arith.constant 2 : i32
      %ge3A_244 = arith.cmpi sge, %mul3A_217, %ge3A : i32
      %convert_element_type3A = arith.extui %ge3A_244 : i1 to i32
      %cond3A = arith.constant 0 : i32
      %cond3A_245 = arith.cmpi ne, %convert_element_type3A, %cond3A : i32
      scf.if %cond3A_245 {
        %dma_wait3A_371 = arith.constant 0 : i32
        %dma_wait3A_372 = arith.constant 0 : i32
        %dma_wait3A_373 = arith.constant 0 : i32
        %dma_wait3A_374 = tpu.memref_slice %arg9[%dma_wait3A_371, %dma_wait3A_372, %dma_wait3A_373] : memref<2x16x128xi32, #tpu.memory_space<vmem>> -> memref<1x16x128xi32, #tpu.memory_space<vmem>>
        %dma_wait3A_375 = tpu.memref_squeeze %dma_wait3A_374 : memref<1x16x128xi32, #tpu.memory_space<vmem>> -> memref<16x128xi32, #tpu.memory_space<vmem>>
        %dma_wait3A_376 = arith.constant 0 : i32
        %dma_wait3A_377 = arith.constant 0 : i32
        %dma_wait3A_378 = tpu.memref_slice %arg5[%dma_wait3A_376, %dma_wait3A_377] : memref<50176x128xi32, #tpu.memory_space<hbm>> -> memref<16x128xi32, #tpu.memory_space<hbm>>
        %dma_wait3A_379 = arith.constant 0 : i32
        %dma_wait3A_380 = arith.constant 0 : i32
        %dma_wait3A_381 = tpu.memref_slice %arg5[%dma_wait3A_379, %dma_wait3A_380] : memref<50176x128xi32, #tpu.memory_space<hbm>> -> memref<16x128xi32, #tpu.memory_space<hbm>>
        %dma_wait3A_382 = arith.constant 0 : i32
        %dma_wait3A_383 = arith.constant 0 : i32
        %dma_wait3A_384 = tpu.memref_slice %arg9[%dma_wait3A_371, %dma_wait3A_382, %dma_wait3A_383] : memref<2x16x128xi32, #tpu.memory_space<vmem>> -> memref<1x16x128xi32, #tpu.memory_space<vmem>>
        %dma_wait3A_385 = tpu.memref_squeeze %dma_wait3A_384 : memref<1x16x128xi32, #tpu.memory_space<vmem>> -> memref<16x128xi32, #tpu.memory_space<vmem>>
        tpu.wait_dma2 semaphore(%arg12 : memref<!tpu.dma_semaphore, #tpu.memory_space<semaphore_mem>>) src(%dma_wait3A_385 : memref<16x128xi32, #tpu.memory_space<vmem>>) dst(%dma_wait3A_381 : memref<16x128xi32, #tpu.memory_space<hbm>>)
      } else {
      }
      %get3A_246 = arith.constant 0 : i32
      %get3A_247 = arith.index_cast %mul3A_217 : i32 to index
      %get3A_248 = arith.index_cast %get3A_246 : i32 to index
      %get3A_249 = arith.constant 0 : index
      %get3A_250 = tpu.vector_load %arg7[%get3A_247, %get3A_248, %get3A_249] {strides = array<i32>} : memref<98x1x64xf32, #tpu.memory_space<vmem>>, vector<1x1x16xf32>,
      %get3A_251 = vector.shape_cast %get3A_250 : vector<1x1x16xf32> to vector<16xf32>
      %get3A_252 = arith.constant 0 : i32
      %get3A_253 = arith.index_cast %mul3A_217 : i32 to index
      %get3A_254 = arith.index_cast %get3A_252 : i32 to index
      %get3A_255 = arith.constant 16 : index
      %get3A_256 = tpu.vector_load %arg7[%get3A_253, %get3A_254, %get3A_255] {strides = array<i32>} : memref<98x1x64xf32, #tpu.memory_space<vmem>>, vector<1x1x16xf32>,
      %get3A_257 = vector.shape_cast %get3A_256 : vector<1x1x16xf32> to vector<16xf32>
      %get3A_258 = arith.constant 0 : i32
      %get3A_259 = arith.index_cast %mul3A_217 : i32 to index
      %get3A_260 = arith.index_cast %get3A_258 : i32 to index
      %get3A_261 = arith.constant 32 : index
      %get3A_262 = tpu.vector_load %arg7[%get3A_259, %get3A_260, %get3A_261] {strides = array<i32>} : memref<98x1x64xf32, #tpu.memory_space<vmem>>, vector<1x1x16xf32>,
      %get3A_263 = vector.shape_cast %get3A_262 : vector<1x1x16xf32> to vector<16xf32>
      %get3A_264 = arith.constant 0 : i32
      %get3A_265 = arith.index_cast %mul3A_217 : i32 to index
      %get3A_266 = arith.index_cast %get3A_264 : i32 to index
      %get3A_267 = arith.constant 48 : index
      %get3A_268 = tpu.vector_load %arg7[%get3A_265, %get3A_266, %get3A_267] {strides = array<i32>} : memref<98x1x64xf32, #tpu.memory_space<vmem>>, vector<1x1x16xf32>,
      %get3A_269 = vector.shape_cast %get3A_268 : vector<1x1x16xf32> to vector<16xf32>
      %scan3A_270 = arith.constant 0 : i32
      %scan3A_271 = arith.constant 0 : i32
      %scan3A_272 = arith.constant 16 : i32
      %scan3A_273 = arith.addi %scan3A_271, %scan3A_272 : i32
      %scan3A_274 = arith.constant 1 : i32
      scf.for %scan3A_371 = %scan3A_271 to %scan3A_273 step %scan3A_274  : i32 {
        %broadcast_in_dim3A = arith.constant 0 : i32
        %broadcast_in_dim3A_372 = vector.broadcast %broadcast_in_dim3A : i32 to vector<16xi32>
        %add3A_373 = vector.broadcast %scan3A_371 : i32 to vector<16xi32>
        %add3A_374 = arith.addi %broadcast_in_dim3A_372, %add3A_373 : vector<16xi32>
        %lt3A = arith.constant 0 : i32
        %lt3A_375 = vector.broadcast %lt3A : i32 to vector<16xi32>
        %lt3A_376 = arith.cmpi slt, %add3A_374, %lt3A_375 : vector<16xi32>
        %add3A_377 = arith.constant 16 : i32
        %add3A_378 = vector.broadcast %add3A_377 : i32 to vector<16xi32>
        %add3A_379 = arith.addi %add3A_374, %add3A_378 : vector<16xi32>
        %select_n3A = arith.select %lt3A_376, %add3A_379, %add3A_374 : vector<16xi1>, vector<16xi32>
        %broadcast_in_dim3A_380 = vector.shape_cast %select_n3A : vector<16xi32> to vector<16x1xi32>
        %gather3A = vector.shape_cast %broadcast_in_dim3A_380 : vector<16x1xi32> to vector<16xi32>
        %gather3A_381 = tpu.dynamic_gather %get3A_251[%gather3A] in [0] : vector<16xf32>, vector<16xi32> -> vector<16xf32>
        %lt3A_382 = arith.constant 0 : i32
        %lt3A_383 = vector.broadcast %lt3A_382 : i32 to vector<16xi32>
        %lt3A_384 = arith.cmpi slt, %add3A_374, %lt3A_383 : vector<16xi32>
        %add3A_385 = arith.constant 16 : i32
        %add3A_386 = vector.broadcast %add3A_385 : i32 to vector<16xi32>
        %add3A_387 = arith.addi %add3A_374, %add3A_386 : vector<16xi32>
        %select_n3A_388 = arith.select %lt3A_384, %add3A_387, %add3A_374 : vector<16xi1>, vector<16xi32>
        %broadcast_in_dim3A_389 = vector.shape_cast %select_n3A_388 : vector<16xi32> to vector<16x1xi32>
        %gather3A_390 = vector.shape_cast %broadcast_in_dim3A_389 : vector<16x1xi32> to vector<16xi32>
        %gather3A_391 = tpu.dynamic_gather %get3A_257[%gather3A_390] in [0] : vector<16xf32>, vector<16xi32> -> vector<16xf32>
        %lt3A_392 = arith.constant 0 : i32
        %lt3A_393 = vector.broadcast %lt3A_392 : i32 to vector<16xi32>
        %lt3A_394 = arith.cmpi slt, %add3A_374, %lt3A_393 : vector<16xi32>
        %add3A_395 = arith.constant 16 : i32
        %add3A_396 = vector.broadcast %add3A_395 : i32 to vector<16xi32>
        %add3A_397 = arith.addi %add3A_374, %add3A_396 : vector<16xi32>
        %select_n3A_398 = arith.select %lt3A_394, %add3A_397, %add3A_374 : vector<16xi1>, vector<16xi32>
        %broadcast_in_dim3A_399 = vector.shape_cast %select_n3A_398 : vector<16xi32> to vector<16x1xi32>
        %gather3A_400 = vector.shape_cast %broadcast_in_dim3A_399 : vector<16x1xi32> to vector<16xi32>
        %gather3A_401 = tpu.dynamic_gather %get3A_263[%gather3A_400] in [0] : vector<16xf32>, vector<16xi32> -> vector<16xf32>
        %lt3A_402 = arith.constant 0 : i32
        %lt3A_403 = vector.broadcast %lt3A_402 : i32 to vector<16xi32>
        %lt3A_404 = arith.cmpi slt, %add3A_374, %lt3A_403 : vector<16xi32>
        %add3A_405 = arith.constant 16 : i32
        %add3A_406 = vector.broadcast %add3A_405 : i32 to vector<16xi32>
        %add3A_407 = arith.addi %add3A_374, %add3A_406 : vector<16xi32>
        %select_n3A_408 = arith.select %lt3A_404, %add3A_407, %add3A_374 : vector<16xi1>, vector<16xi32>
        %broadcast_in_dim3A_409 = vector.shape_cast %select_n3A_408 : vector<16xi32> to vector<16x1xi32>
        %gather3A_410 = vector.shape_cast %broadcast_in_dim3A_409 : vector<16x1xi32> to vector<16xi32>
        %gather3A_411 = tpu.dynamic_gather %get3A_269[%gather3A_410] in [0] : vector<16xf32>, vector<16xi32> -> vector<16xf32>
        %add3A_412 = arith.constant 16 : i32
        %add3A_413 = arith.addi %add3A_412, %scan3A_371 : i32
        %get3A_414 = arith.constant 0 : i32
        %get3A_415 = arith.index_cast %get3A_414 : i32 to index
        %get3A_416 = arith.index_cast %scan3A_371 : i32 to index
        %get3A_417 = arith.constant 0 : index
        %get3A_418 = tpu.vector_load %arg8[%get3A_415, %get3A_416, %get3A_417] {strides = array<i32>} : memref<2x32x256xi32, #tpu.memory_space<vmem>>, vector<1x1x16xi32>,
        %get3A_419 = vector.shape_cast %get3A_418 : vector<1x1x16xi32> to vector<16xi32>
        %get3A_420 = arith.constant 0 : i32
        %get3A_421 = arith.index_cast %get3A_420 : i32 to index
        %get3A_422 = arith.index_cast %scan3A_371 : i32 to index
        %get3A_423 = arith.constant 128 : index
        %get3A_424 = tpu.vector_load %arg8[%get3A_421, %get3A_422, %get3A_423] {strides = array<i32>} : memref<2x32x256xi32, #tpu.memory_space<vmem>>, vector<1x1x16xi32>,
        %get3A_425 = vector.shape_cast %get3A_424 : vector<1x1x16xi32> to vector<16xi32>
        %get3A_426 = arith.constant 0 : i32
        %get3A_427 = arith.index_cast %get3A_426 : i32 to index
        %get3A_428 = arith.index_cast %add3A_413 : i32 to index
        %get3A_429 = arith.constant 0 : index
        %get3A_430 = tpu.vector_load %arg8[%get3A_427, %get3A_428, %get3A_429] {strides = array<i32>} : memref<2x32x256xi32, #tpu.memory_space<vmem>>, vector<1x1x16xi32>,
        %get3A_431 = vector.shape_cast %get3A_430 : vector<1x1x16xi32> to vector<16xi32>
        %get3A_432 = arith.constant 0 : i32
        %get3A_433 = arith.index_cast %get3A_432 : i32 to index
        %get3A_434 = arith.index_cast %add3A_413 : i32 to index
        %get3A_435 = arith.constant 128 : index
        %get3A_436 = tpu.vector_load %arg8[%get3A_433, %get3A_434, %get3A_435] {strides = array<i32>} : memref<2x32x256xi32, #tpu.memory_space<vmem>>, vector<1x1x16xi32>,
        %get3A_437 = vector.shape_cast %get3A_436 : vector<1x1x16xi32> to vector<16xi32>
        %shift_left3A = arith.constant 16 : i32
        %shift_left3A_438 = vector.broadcast %shift_left3A : i32 to vector<16xi32>
        %shift_left3A_439 = arith.shli %get3A_419, %shift_left3A_438 : vector<16xi32>
        %bitcast_convert_type3A = tpu.bitcast %shift_left3A_439 : vector<16xi32> -> vector<16xf32>
        %mul3A_440 = arith.mulf %bitcast_convert_type3A, %gather3A_381 : vector<16xf32>
        %and3A = arith.constant -65536 : i32
        %and3A_441 = vector.broadcast %and3A : i32 to vector<16xi32>
        %and3A_442 = arith.andi %get3A_419, %and3A_441 : vector<16xi32>
        %bitcast_convert_type3A_443 = tpu.bitcast %and3A_442 : vector<16xi32> -> vector<16xf32>
        %mul3A_444 = arith.mulf %bitcast_convert_type3A_443, %gather3A_381 : vector<16xf32>
        %shift_left3A_445 = arith.constant 16 : i32
        %shift_left3A_446 = vector.broadcast %shift_left3A_445 : i32 to vector<16xi32>
        %shift_left3A_447 = arith.shli %get3A_425, %shift_left3A_446 : vector<16xi32>
        %bitcast_convert_type3A_448 = tpu.bitcast %shift_left3A_447 : vector<16xi32> -> vector<16xf32>
        %mul3A_449 = arith.mulf %bitcast_convert_type3A_448, %gather3A_391 : vector<16xf32>
        %add3A_450 = arith.addf %mul3A_440, %mul3A_449 : vector<16xf32>
        %and3A_451 = arith.constant -65536 : i32
        %and3A_452 = vector.broadcast %and3A_451 : i32 to vector<16xi32>
        %and3A_453 = arith.andi %get3A_425, %and3A_452 : vector<16xi32>
        %bitcast_convert_type3A_454 = tpu.bitcast %and3A_453 : vector<16xi32> -> vector<16xf32>
        %mul3A_455 = arith.mulf %bitcast_convert_type3A_454, %gather3A_391 : vector<16xf32>
        %add3A_456 = arith.addf %mul3A_444, %mul3A_455 : vector<16xf32>
        %shift_left3A_457 = arith.constant 16 : i32
        %shift_left3A_458 = vector.broadcast %shift_left3A_457 : i32 to vector<16xi32>
        %shift_left3A_459 = arith.shli %get3A_431, %shift_left3A_458 : vector<16xi32>
        %bitcast_convert_type3A_460 = tpu.bitcast %shift_left3A_459 : vector<16xi32> -> vector<16xf32>
        %mul3A_461 = arith.mulf %bitcast_convert_type3A_460, %gather3A_401 : vector<16xf32>
        %add3A_462 = arith.addf %add3A_450, %mul3A_461 : vector<16xf32>
        %and3A_463 = arith.constant -65536 : i32
        %and3A_464 = vector.broadcast %and3A_463 : i32 to vector<16xi32>
        %and3A_465 = arith.andi %get3A_431, %and3A_464 : vector<16xi32>
        %bitcast_convert_type3A_466 = tpu.bitcast %and3A_465 : vector<16xi32> -> vector<16xf32>
        %mul3A_467 = arith.mulf %bitcast_convert_type3A_466, %gather3A_401 : vector<16xf32>
        %add3A_468 = arith.addf %add3A_456, %mul3A_467 : vector<16xf32>
        %shift_left3A_469 = arith.constant 16 : i32
        %shift_left3A_470 = vector.broadcast %shift_left3A_469 : i32 to vector<16xi32>
        %shift_left3A_471 = arith.shli %get3A_437, %shift_left3A_470 : vector<16xi32>
        %bitcast_convert_type3A_472 = tpu.bitcast %shift_left3A_471 : vector<16xi32> -> vector<16xf32>
        %mul3A_473 = arith.mulf %bitcast_convert_type3A_472, %gather3A_411 : vector<16xf32>
        %add3A_474 = arith.addf %add3A_462, %mul3A_473 : vector<16xf32>
        %and3A_475 = arith.constant -65536 : i32
        %and3A_476 = vector.broadcast %and3A_475 : i32 to vector<16xi32>
        %and3A_477 = arith.andi %get3A_437, %and3A_476 : vector<16xi32>
        %bitcast_convert_type3A_478 = tpu.bitcast %and3A_477 : vector<16xi32> -> vector<16xf32>
        %mul3A_479 = arith.mulf %bitcast_convert_type3A_478, %gather3A_411 : vector<16xf32>
        %add3A_480 = arith.addf %add3A_468, %mul3A_479 : vector<16xf32>
        %bitcast_convert_type3A_481 = tpu.bitcast %add3A_474 : vector<16xf32> -> vector<16xi32>
        %shift_right_logical3A = arith.constant 16 : i32
        %shift_right_logical3A_482 = vector.broadcast %shift_right_logical3A : i32 to vector<16xi32>
        %shift_right_logical3A_483 = arith.shrui %bitcast_convert_type3A_481, %shift_right_logical3A_482 : vector<16xi32>
        %bitcast_convert_type3A_484 = tpu.bitcast %add3A_480 : vector<16xf32> -> vector<16xi32>
        %and3A_485 = arith.constant -65536 : i32
        %and3A_486 = vector.broadcast %and3A_485 : i32 to vector<16xi32>
        %and3A_487 = arith.andi %bitcast_convert_type3A_484, %and3A_486 : vector<16xi32>
        %or3A = arith.ori %shift_right_logical3A_483, %and3A_487 : vector<16xi32>
        %swap3A = arith.constant 0 : i32
        %swap3A_488 = arith.index_cast %swap3A : i32 to index
        %swap3A_489 = arith.index_cast %scan3A_371 : i32 to index
        %swap3A_490 = arith.constant 0 : index
        %swap3A_491 = tpu.vector_load %arg9[%swap3A_488, %swap3A_489, %swap3A_490] {strides = array<i32>} : memref<2x16x128xi32, #tpu.memory_space<vmem>>, vector<1x1x16xi32>,
        %swap3A_492 = vector.shape_cast %swap3A_491 : vector<1x1x16xi32> to vector<16xi32>
        %swap3A_493 = vector.shape_cast %or3A : vector<16xi32> to vector<1x1x16xi32>
        tpu.vector_store %arg9[%swap3A_488, %swap3A_489, %swap3A_490], %swap3A_493 {strides = array<i32>} : memref<2x16x128xi32, #tpu.memory_space<vmem>>, vector<1x1x16xi32>,
        %get3A_494 = arith.constant 0 : i32
        %get3A_495 = arith.index_cast %get3A_494 : i32 to index
        %get3A_496 = arith.index_cast %scan3A_371 : i32 to index
        %get3A_497 = arith.constant 16 : index
        %get3A_498 = tpu.vector_load %arg8[%get3A_495, %get3A_496, %get3A_497] {strides = array<i32>} : memref<2x32x256xi32, #tpu.memory_space<vmem>>, vector<1x1x16xi32>,
        %get3A_499 = vector.shape_cast %get3A_498 : vector<1x1x16xi32> to vector<16xi32>
        %get3A_500 = arith.constant 0 : i32
        %get3A_501 = arith.index_cast %get3A_500 : i32 to index
        %get3A_502 = arith.index_cast %scan3A_371 : i32 to index
        %get3A_503 = arith.constant 144 : index
        %get3A_504 = tpu.vector_load %arg8[%get3A_501, %get3A_502, %get3A_503] {strides = array<i32>} : memref<2x32x256xi32, #tpu.memory_space<vmem>>, vector<1x1x16xi32>,
        %get3A_505 = vector.shape_cast %get3A_504 : vector<1x1x16xi32> to vector<16xi32>
        %get3A_506 = arith.constant 0 : i32
        %get3A_507 = arith.index_cast %get3A_506 : i32 to index
        %get3A_508 = arith.index_cast %add3A_413 : i32 to index
        %get3A_509 = arith.constant 16 : index
        %get3A_510 = tpu.vector_load %arg8[%get3A_507, %get3A_508, %get3A_509] {strides = array<i32>} : memref<2x32x256xi32, #tpu.memory_space<vmem>>, vector<1x1x16xi32>,
        %get3A_511 = vector.shape_cast %get3A_510 : vector<1x1x16xi32> to vector<16xi32>
        %get3A_512 = arith.constant 0 : i32
        %get3A_513 = arith.index_cast %get3A_512 : i32 to index
        %get3A_514 = arith.index_cast %add3A_413 : i32 to index
        %get3A_515 = arith.constant 144 : index
        %get3A_516 = tpu.vector_load %arg8[%get3A_513, %get3A_514, %get3A_515] {strides = array<i32>} : memref<2x32x256xi32, #tpu.memory_space<vmem>>, vector<1x1x16xi32>,
        %get3A_517 = vector.shape_cast %get3A_516 : vector<1x1x16xi32> to vector<16xi32>
        %shift_left3A_518 = arith.constant 16 : i32
        %shift_left3A_519 = vector.broadcast %shift_left3A_518 : i32 to vector<16xi32>
        %shift_left3A_520 = arith.shli %get3A_499, %shift_left3A_519 : vector<16xi32>
        %bitcast_convert_type3A_521 = tpu.bitcast %shift_left3A_520 : vector<16xi32> -> vector<16xf32>
        %mul3A_522 = arith.mulf %bitcast_convert_type3A_521, %gather3A_381 : vector<16xf32>
        %and3A_523 = arith.constant -65536 : i32
        %and3A_524 = vector.broadcast %and3A_523 : i32 to vector<16xi32>
        %and3A_525 = arith.andi %get3A_499, %and3A_524 : vector<16xi32>
        %bitcast_convert_type3A_526 = tpu.bitcast %and3A_525 : vector<16xi32> -> vector<16xf32>
        %mul3A_527 = arith.mulf %bitcast_convert_type3A_526, %gather3A_381 : vector<16xf32>
        %shift_left3A_528 = arith.constant 16 : i32
        %shift_left3A_529 = vector.broadcast %shift_left3A_528 : i32 to vector<16xi32>
        %shift_left3A_530 = arith.shli %get3A_505, %shift_left3A_529 : vector<16xi32>
        %bitcast_convert_type3A_531 = tpu.bitcast %shift_left3A_530 : vector<16xi32> -> vector<16xf32>
        %mul3A_532 = arith.mulf %bitcast_convert_type3A_531, %gather3A_391 : vector<16xf32>
        %add3A_533 = arith.addf %mul3A_522, %mul3A_532 : vector<16xf32>
        %and3A_534 = arith.constant -65536 : i32
        %and3A_535 = vector.broadcast %and3A_534 : i32 to vector<16xi32>
        %and3A_536 = arith.andi %get3A_505, %and3A_535 : vector<16xi32>
        %bitcast_convert_type3A_537 = tpu.bitcast %and3A_536 : vector<16xi32> -> vector<16xf32>
        %mul3A_538 = arith.mulf %bitcast_convert_type3A_537, %gather3A_391 : vector<16xf32>
        %add3A_539 = arith.addf %mul3A_527, %mul3A_538 : vector<16xf32>
        %shift_left3A_540 = arith.constant 16 : i32
        %shift_left3A_541 = vector.broadcast %shift_left3A_540 : i32 to vector<16xi32>
        %shift_left3A_542 = arith.shli %get3A_511, %shift_left3A_541 : vector<16xi32>
        %bitcast_convert_type3A_543 = tpu.bitcast %shift_left3A_542 : vector<16xi32> -> vector<16xf32>
        %mul3A_544 = arith.mulf %bitcast_convert_type3A_543, %gather3A_401 : vector<16xf32>
        %add3A_545 = arith.addf %add3A_533, %mul3A_544 : vector<16xf32>
        %and3A_546 = arith.constant -65536 : i32
        %and3A_547 = vector.broadcast %and3A_546 : i32 to vector<16xi32>
        %and3A_548 = arith.andi %get3A_511, %and3A_547 : vector<16xi32>
        %bitcast_convert_type3A_549 = tpu.bitcast %and3A_548 : vector<16xi32> -> vector<16xf32>
        %mul3A_550 = arith.mulf %bitcast_convert_type3A_549, %gather3A_401 : vector<16xf32>
        %add3A_551 = arith.addf %add3A_539, %mul3A_550 : vector<16xf32>
        %shift_left3A_552 = arith.constant 16 : i32
        %shift_left3A_553 = vector.broadcast %shift_left3A_552 : i32 to vector<16xi32>
        %shift_left3A_554 = arith.shli %get3A_517, %shift_left3A_553 : vector<16xi32>
        %bitcast_convert_type3A_555 = tpu.bitcast %shift_left3A_554 : vector<16xi32> -> vector<16xf32>
        %mul3A_556 = arith.mulf %bitcast_convert_type3A_555, %gather3A_411 : vector<16xf32>
        %add3A_557 = arith.addf %add3A_545, %mul3A_556 : vector<16xf32>
        %and3A_558 = arith.constant -65536 : i32
        %and3A_559 = vector.broadcast %and3A_558 : i32 to vector<16xi32>
        %and3A_560 = arith.andi %get3A_517, %and3A_559 : vector<16xi32>
        %bitcast_convert_type3A_561 = tpu.bitcast %and3A_560 : vector<16xi32> -> vector<16xf32>
        %mul3A_562 = arith.mulf %bitcast_convert_type3A_561, %gather3A_411 : vector<16xf32>
        %add3A_563 = arith.addf %add3A_551, %mul3A_562 : vector<16xf32>
        %bitcast_convert_type3A_564 = tpu.bitcast %add3A_557 : vector<16xf32> -> vector<16xi32>
        %shift_right_logical3A_565 = arith.constant 16 : i32
        %shift_right_logical3A_566 = vector.broadcast %shift_right_logical3A_565 : i32 to vector<16xi32>
        %shift_right_logical3A_567 = arith.shrui %bitcast_convert_type3A_564, %shift_right_logical3A_566 : vector<16xi32>
        %bitcast_convert_type3A_568 = tpu.bitcast %add3A_563 : vector<16xf32> -> vector<16xi32>
        %and3A_569 = arith.constant -65536 : i32
        %and3A_570 = vector.broadcast %and3A_569 : i32 to vector<16xi32>
        %and3A_571 = arith.andi %bitcast_convert_type3A_568, %and3A_570 : vector<16xi32>
        %or3A_572 = arith.ori %shift_right_logical3A_567, %and3A_571 : vector<16xi32>
        %swap3A_573 = arith.constant 0 : i32
        %swap3A_574 = arith.index_cast %swap3A_573 : i32 to index
        %swap3A_575 = arith.index_cast %scan3A_371 : i32 to index
        %swap3A_576 = arith.constant 16 : index
        %swap3A_577 = tpu.vector_load %arg9[%swap3A_574, %swap3A_575, %swap3A_576] {strides = array<i32>} : memref<2x16x128xi32, #tpu.memory_space<vmem>>, vector<1x1x16xi32>,
        %swap3A_578 = vector.shape_cast %swap3A_577 : vector<1x1x16xi32> to vector<16xi32>
        %swap3A_579 = vector.shape_cast %or3A_572 : vector<16xi32> to vector<1x1x16xi32>
        tpu.vector_store %arg9[%swap3A_574, %swap3A_575, %swap3A_576], %swap3A_579 {strides = array<i32>} : memref<2x16x128xi32, #tpu.memory_space<vmem>>, vector<1x1x16xi32>,
        %get3A_580 = arith.constant 0 : i32
        %get3A_581 = arith.index_cast %get3A_580 : i32 to index
        %get3A_582 = arith.index_cast %scan3A_371 : i32 to index
        %get3A_583 = arith.constant 32 : index
        %get3A_584 = tpu.vector_load %arg8[%get3A_581, %get3A_582, %get3A_583] {strides = array<i32>} : memref<2x32x256xi32, #tpu.memory_space<vmem>>, vector<1x1x16xi32>,
        %get3A_585 = vector.shape_cast %get3A_584 : vector<1x1x16xi32> to vector<16xi32>
        %get3A_586 = arith.constant 0 : i32
        %get3A_587 = arith.index_cast %get3A_586 : i32 to index
        %get3A_588 = arith.index_cast %scan3A_371 : i32 to index
        %get3A_589 = arith.constant 160 : index
        %get3A_590 = tpu.vector_load %arg8[%get3A_587, %get3A_588, %get3A_589] {strides = array<i32>} : memref<2x32x256xi32, #tpu.memory_space<vmem>>, vector<1x1x16xi32>,
        %get3A_591 = vector.shape_cast %get3A_590 : vector<1x1x16xi32> to vector<16xi32>
        %get3A_592 = arith.constant 0 : i32
        %get3A_593 = arith.index_cast %get3A_592 : i32 to index
        %get3A_594 = arith.index_cast %add3A_413 : i32 to index
        %get3A_595 = arith.constant 32 : index
        %get3A_596 = tpu.vector_load %arg8[%get3A_593, %get3A_594, %get3A_595] {strides = array<i32>} : memref<2x32x256xi32, #tpu.memory_space<vmem>>, vector<1x1x16xi32>,
        %get3A_597 = vector.shape_cast %get3A_596 : vector<1x1x16xi32> to vector<16xi32>
        %get3A_598 = arith.constant 0 : i32
        %get3A_599 = arith.index_cast %get3A_598 : i32 to index
        %get3A_600 = arith.index_cast %add3A_413 : i32 to index
        %get3A_601 = arith.constant 160 : index
        %get3A_602 = tpu.vector_load %arg8[%get3A_599, %get3A_600, %get3A_601] {strides = array<i32>} : memref<2x32x256xi32, #tpu.memory_space<vmem>>, vector<1x1x16xi32>,
        %get3A_603 = vector.shape_cast %get3A_602 : vector<1x1x16xi32> to vector<16xi32>
        %shift_left3A_604 = arith.constant 16 : i32
        %shift_left3A_605 = vector.broadcast %shift_left3A_604 : i32 to vector<16xi32>
        %shift_left3A_606 = arith.shli %get3A_585, %shift_left3A_605 : vector<16xi32>
        %bitcast_convert_type3A_607 = tpu.bitcast %shift_left3A_606 : vector<16xi32> -> vector<16xf32>
        %mul3A_608 = arith.mulf %bitcast_convert_type3A_607, %gather3A_381 : vector<16xf32>
        %and3A_609 = arith.constant -65536 : i32
        %and3A_610 = vector.broadcast %and3A_609 : i32 to vector<16xi32>
        %and3A_611 = arith.andi %get3A_585, %and3A_610 : vector<16xi32>
        %bitcast_convert_type3A_612 = tpu.bitcast %and3A_611 : vector<16xi32> -> vector<16xf32>
        %mul3A_613 = arith.mulf %bitcast_convert_type3A_612, %gather3A_381 : vector<16xf32>
        %shift_left3A_614 = arith.constant 16 : i32
        %shift_left3A_615 = vector.broadcast %shift_left3A_614 : i32 to vector<16xi32>
        %shift_left3A_616 = arith.shli %get3A_591, %shift_left3A_615 : vector<16xi32>
        %bitcast_convert_type3A_617 = tpu.bitcast %shift_left3A_616 : vector<16xi32> -> vector<16xf32>
        %mul3A_618 = arith.mulf %bitcast_convert_type3A_617, %gather3A_391 : vector<16xf32>
        %add3A_619 = arith.addf %mul3A_608, %mul3A_618 : vector<16xf32>
        %and3A_620 = arith.constant -65536 : i32
        %and3A_621 = vector.broadcast %and3A_620 : i32 to vector<16xi32>
        %and3A_622 = arith.andi %get3A_591, %and3A_621 : vector<16xi32>
        %bitcast_convert_type3A_623 = tpu.bitcast %and3A_622 : vector<16xi32> -> vector<16xf32>
        %mul3A_624 = arith.mulf %bitcast_convert_type3A_623, %gather3A_391 : vector<16xf32>
        %add3A_625 = arith.addf %mul3A_613, %mul3A_624 : vector<16xf32>
        %shift_left3A_626 = arith.constant 16 : i32
        %shift_left3A_627 = vector.broadcast %shift_left3A_626 : i32 to vector<16xi32>
        %shift_left3A_628 = arith.shli %get3A_597, %shift_left3A_627 : vector<16xi32>
        %bitcast_convert_type3A_629 = tpu.bitcast %shift_left3A_628 : vector<16xi32> -> vector<16xf32>
        %mul3A_630 = arith.mulf %bitcast_convert_type3A_629, %gather3A_401 : vector<16xf32>
        %add3A_631 = arith.addf %add3A_619, %mul3A_630 : vector<16xf32>
        %and3A_632 = arith.constant -65536 : i32
        %and3A_633 = vector.broadcast %and3A_632 : i32 to vector<16xi32>
        %and3A_634 = arith.andi %get3A_597, %and3A_633 : vector<16xi32>
        %bitcast_convert_type3A_635 = tpu.bitcast %and3A_634 : vector<16xi32> -> vector<16xf32>
        %mul3A_636 = arith.mulf %bitcast_convert_type3A_635, %gather3A_401 : vector<16xf32>
        %add3A_637 = arith.addf %add3A_625, %mul3A_636 : vector<16xf32>
        %shift_left3A_638 = arith.constant 16 : i32
        %shift_left3A_639 = vector.broadcast %shift_left3A_638 : i32 to vector<16xi32>
        %shift_left3A_640 = arith.shli %get3A_603, %shift_left3A_639 : vector<16xi32>
        %bitcast_convert_type3A_641 = tpu.bitcast %shift_left3A_640 : vector<16xi32> -> vector<16xf32>
        %mul3A_642 = arith.mulf %bitcast_convert_type3A_641, %gather3A_411 : vector<16xf32>
        %add3A_643 = arith.addf %add3A_631, %mul3A_642 : vector<16xf32>
        %and3A_644 = arith.constant -65536 : i32
        %and3A_645 = vector.broadcast %and3A_644 : i32 to vector<16xi32>
        %and3A_646 = arith.andi %get3A_603, %and3A_645 : vector<16xi32>
        %bitcast_convert_type3A_647 = tpu.bitcast %and3A_646 : vector<16xi32> -> vector<16xf32>
        %mul3A_648 = arith.mulf %bitcast_convert_type3A_647, %gather3A_411 : vector<16xf32>
        %add3A_649 = arith.addf %add3A_637, %mul3A_648 : vector<16xf32>
        %bitcast_convert_type3A_650 = tpu.bitcast %add3A_643 : vector<16xf32> -> vector<16xi32>
        %shift_right_logical3A_651 = arith.constant 16 : i32
        %shift_right_logical3A_652 = vector.broadcast %shift_right_logical3A_651 : i32 to vector<16xi32>
        %shift_right_logical3A_653 = arith.shrui %bitcast_convert_type3A_650, %shift_right_logical3A_652 : vector<16xi32>
        %bitcast_convert_type3A_654 = tpu.bitcast %add3A_649 : vector<16xf32> -> vector<16xi32>
        %and3A_655 = arith.constant -65536 : i32
        %and3A_656 = vector.broadcast %and3A_655 : i32 to vector<16xi32>
        %and3A_657 = arith.andi %bitcast_convert_type3A_654, %and3A_656 : vector<16xi32>
        %or3A_658 = arith.ori %shift_right_logical3A_653, %and3A_657 : vector<16xi32>
        %swap3A_659 = arith.constant 0 : i32
        %swap3A_660 = arith.index_cast %swap3A_659 : i32 to index
        %swap3A_661 = arith.index_cast %scan3A_371 : i32 to index
        %swap3A_662 = arith.constant 32 : index
        %swap3A_663 = tpu.vector_load %arg9[%swap3A_660, %swap3A_661, %swap3A_662] {strides = array<i32>} : memref<2x16x128xi32, #tpu.memory_space<vmem>>, vector<1x1x16xi32>,
        %swap3A_664 = vector.shape_cast %swap3A_663 : vector<1x1x16xi32> to vector<16xi32>
        %swap3A_665 = vector.shape_cast %or3A_658 : vector<16xi32> to vector<1x1x16xi32>
        tpu.vector_store %arg9[%swap3A_660, %swap3A_661, %swap3A_662], %swap3A_665 {strides = array<i32>} : memref<2x16x128xi32, #tpu.memory_space<vmem>>, vector<1x1x16xi32>,
        %get3A_666 = arith.constant 0 : i32
        %get3A_667 = arith.index_cast %get3A_666 : i32 to index
        %get3A_668 = arith.index_cast %scan3A_371 : i32 to index
        %get3A_669 = arith.constant 48 : index
        %get3A_670 = tpu.vector_load %arg8[%get3A_667, %get3A_668, %get3A_669] {strides = array<i32>} : memref<2x32x256xi32, #tpu.memory_space<vmem>>, vector<1x1x16xi32>,
        %get3A_671 = vector.shape_cast %get3A_670 : vector<1x1x16xi32> to vector<16xi32>
        %get3A_672 = arith.constant 0 : i32
        %get3A_673 = arith.index_cast %get3A_672 : i32 to index
        %get3A_674 = arith.index_cast %scan3A_371 : i32 to index
        %get3A_675 = arith.constant 176 : index
        %get3A_676 = tpu.vector_load %arg8[%get3A_673, %get3A_674, %get3A_675] {strides = array<i32>} : memref<2x32x256xi32, #tpu.memory_space<vmem>>, vector<1x1x16xi32>,
        %get3A_677 = vector.shape_cast %get3A_676 : vector<1x1x16xi32> to vector<16xi32>
        %get3A_678 = arith.constant 0 : i32
        %get3A_679 = arith.index_cast %get3A_678 : i32 to index
        %get3A_680 = arith.index_cast %add3A_413 : i32 to index
        %get3A_681 = arith.constant 48 : index
        %get3A_682 = tpu.vector_load %arg8[%get3A_679, %get3A_680, %get3A_681] {strides = array<i32>} : memref<2x32x256xi32, #tpu.memory_space<vmem>>, vector<1x1x16xi32>,
        %get3A_683 = vector.shape_cast %get3A_682 : vector<1x1x16xi32> to vector<16xi32>
        %get3A_684 = arith.constant 0 : i32
        %get3A_685 = arith.index_cast %get3A_684 : i32 to index
        %get3A_686 = arith.index_cast %add3A_413 : i32 to index
        %get3A_687 = arith.constant 176 : index
        %get3A_688 = tpu.vector_load %arg8[%get3A_685, %get3A_686, %get3A_687] {strides = array<i32>} : memref<2x32x256xi32, #tpu.memory_space<vmem>>, vector<1x1x16xi32>,
        %get3A_689 = vector.shape_cast %get3A_688 : vector<1x1x16xi32> to vector<16xi32>
        %shift_left3A_690 = arith.constant 16 : i32
        %shift_left3A_691 = vector.broadcast %shift_left3A_690 : i32 to vector<16xi32>
        %shift_left3A_692 = arith.shli %get3A_671, %shift_left3A_691 : vector<16xi32>
        %bitcast_convert_type3A_693 = tpu.bitcast %shift_left3A_692 : vector<16xi32> -> vector<16xf32>
        %mul3A_694 = arith.mulf %bitcast_convert_type3A_693, %gather3A_381 : vector<16xf32>
        %and3A_695 = arith.constant -65536 : i32
        %and3A_696 = vector.broadcast %and3A_695 : i32 to vector<16xi32>
        %and3A_697 = arith.andi %get3A_671, %and3A_696 : vector<16xi32>
        %bitcast_convert_type3A_698 = tpu.bitcast %and3A_697 : vector<16xi32> -> vector<16xf32>
        %mul3A_699 = arith.mulf %bitcast_convert_type3A_698, %gather3A_381 : vector<16xf32>
        %shift_left3A_700 = arith.constant 16 : i32
        %shift_left3A_701 = vector.broadcast %shift_left3A_700 : i32 to vector<16xi32>
        %shift_left3A_702 = arith.shli %get3A_677, %shift_left3A_701 : vector<16xi32>
        %bitcast_convert_type3A_703 = tpu.bitcast %shift_left3A_702 : vector<16xi32> -> vector<16xf32>
        %mul3A_704 = arith.mulf %bitcast_convert_type3A_703, %gather3A_391 : vector<16xf32>
        %add3A_705 = arith.addf %mul3A_694, %mul3A_704 : vector<16xf32>
        %and3A_706 = arith.constant -65536 : i32
        %and3A_707 = vector.broadcast %and3A_706 : i32 to vector<16xi32>
        %and3A_708 = arith.andi %get3A_677, %and3A_707 : vector<16xi32>
        %bitcast_convert_type3A_709 = tpu.bitcast %and3A_708 : vector<16xi32> -> vector<16xf32>
        %mul3A_710 = arith.mulf %bitcast_convert_type3A_709, %gather3A_391 : vector<16xf32>
        %add3A_711 = arith.addf %mul3A_699, %mul3A_710 : vector<16xf32>
        %shift_left3A_712 = arith.constant 16 : i32
        %shift_left3A_713 = vector.broadcast %shift_left3A_712 : i32 to vector<16xi32>
        %shift_left3A_714 = arith.shli %get3A_683, %shift_left3A_713 : vector<16xi32>
        %bitcast_convert_type3A_715 = tpu.bitcast %shift_left3A_714 : vector<16xi32> -> vector<16xf32>
        %mul3A_716 = arith.mulf %bitcast_convert_type3A_715, %gather3A_401 : vector<16xf32>
        %add3A_717 = arith.addf %add3A_705, %mul3A_716 : vector<16xf32>
        %and3A_718 = arith.constant -65536 : i32
        %and3A_719 = vector.broadcast %and3A_718 : i32 to vector<16xi32>
        %and3A_720 = arith.andi %get3A_683, %and3A_719 : vector<16xi32>
        %bitcast_convert_type3A_721 = tpu.bitcast %and3A_720 : vector<16xi32> -> vector<16xf32>
        %mul3A_722 = arith.mulf %bitcast_convert_type3A_721, %gather3A_401 : vector<16xf32>
        %add3A_723 = arith.addf %add3A_711, %mul3A_722 : vector<16xf32>
        %shift_left3A_724 = arith.constant 16 : i32
        %shift_left3A_725 = vector.broadcast %shift_left3A_724 : i32 to vector<16xi32>
        %shift_left3A_726 = arith.shli %get3A_689, %shift_left3A_725 : vector<16xi32>
        %bitcast_convert_type3A_727 = tpu.bitcast %shift_left3A_726 : vector<16xi32> -> vector<16xf32>
        %mul3A_728 = arith.mulf %bitcast_convert_type3A_727, %gather3A_411 : vector<16xf32>
        %add3A_729 = arith.addf %add3A_717, %mul3A_728 : vector<16xf32>
        %and3A_730 = arith.constant -65536 : i32
        %and3A_731 = vector.broadcast %and3A_730 : i32 to vector<16xi32>
        %and3A_732 = arith.andi %get3A_689, %and3A_731 : vector<16xi32>
        %bitcast_convert_type3A_733 = tpu.bitcast %and3A_732 : vector<16xi32> -> vector<16xf32>
        %mul3A_734 = arith.mulf %bitcast_convert_type3A_733, %gather3A_411 : vector<16xf32>
        %add3A_735 = arith.addf %add3A_723, %mul3A_734 : vector<16xf32>
        %bitcast_convert_type3A_736 = tpu.bitcast %add3A_729 : vector<16xf32> -> vector<16xi32>
        %shift_right_logical3A_737 = arith.constant 16 : i32
        %shift_right_logical3A_738 = vector.broadcast %shift_right_logical3A_737 : i32 to vector<16xi32>
        %shift_right_logical3A_739 = arith.shrui %bitcast_convert_type3A_736, %shift_right_logical3A_738 : vector<16xi32>
        %bitcast_convert_type3A_740 = tpu.bitcast %add3A_735 : vector<16xf32> -> vector<16xi32>
        %and3A_741 = arith.constant -65536 : i32
        %and3A_742 = vector.broadcast %and3A_741 : i32 to vector<16xi32>
        %and3A_743 = arith.andi %bitcast_convert_type3A_740, %and3A_742 : vector<16xi32>
        %or3A_744 = arith.ori %shift_right_logical3A_739, %and3A_743 : vector<16xi32>
        %swap3A_745 = arith.constant 0 : i32
        %swap3A_746 = arith.index_cast %swap3A_745 : i32 to index
        %swap3A_747 = arith.index_cast %scan3A_371 : i32 to index
        %swap3A_748 = arith.constant 48 : index
        %swap3A_749 = tpu.vector_load %arg9[%swap3A_746, %swap3A_747, %swap3A_748] {strides = array<i32>} : memref<2x16x128xi32, #tpu.memory_space<vmem>>, vector<1x1x16xi32>,
        %swap3A_750 = vector.shape_cast %swap3A_749 : vector<1x1x16xi32> to vector<16xi32>
        %swap3A_751 = vector.shape_cast %or3A_744 : vector<16xi32> to vector<1x1x16xi32>
        tpu.vector_store %arg9[%swap3A_746, %swap3A_747, %swap3A_748], %swap3A_751 {strides = array<i32>} : memref<2x16x128xi32, #tpu.memory_space<vmem>>, vector<1x1x16xi32>,
        %get3A_752 = arith.constant 0 : i32
        %get3A_753 = arith.index_cast %get3A_752 : i32 to index
        %get3A_754 = arith.index_cast %scan3A_371 : i32 to index
        %get3A_755 = arith.constant 64 : index
        %get3A_756 = tpu.vector_load %arg8[%get3A_753, %get3A_754, %get3A_755] {strides = array<i32>} : memref<2x32x256xi32, #tpu.memory_space<vmem>>, vector<1x1x16xi32>,
        %get3A_757 = vector.shape_cast %get3A_756 : vector<1x1x16xi32> to vector<16xi32>
        %get3A_758 = arith.constant 0 : i32
        %get3A_759 = arith.index_cast %get3A_758 : i32 to index
        %get3A_760 = arith.index_cast %scan3A_371 : i32 to index
        %get3A_761 = arith.constant 192 : index
        %get3A_762 = tpu.vector_load %arg8[%get3A_759, %get3A_760, %get3A_761] {strides = array<i32>} : memref<2x32x256xi32, #tpu.memory_space<vmem>>, vector<1x1x16xi32>,
        %get3A_763 = vector.shape_cast %get3A_762 : vector<1x1x16xi32> to vector<16xi32>
        %get3A_764 = arith.constant 0 : i32
        %get3A_765 = arith.index_cast %get3A_764 : i32 to index
        %get3A_766 = arith.index_cast %add3A_413 : i32 to index
        %get3A_767 = arith.constant 64 : index
        %get3A_768 = tpu.vector_load %arg8[%get3A_765, %get3A_766, %get3A_767] {strides = array<i32>} : memref<2x32x256xi32, #tpu.memory_space<vmem>>, vector<1x1x16xi32>,
        %get3A_769 = vector.shape_cast %get3A_768 : vector<1x1x16xi32> to vector<16xi32>
        %get3A_770 = arith.constant 0 : i32
        %get3A_771 = arith.index_cast %get3A_770 : i32 to index
        %get3A_772 = arith.index_cast %add3A_413 : i32 to index
        %get3A_773 = arith.constant 192 : index
        %get3A_774 = tpu.vector_load %arg8[%get3A_771, %get3A_772, %get3A_773] {strides = array<i32>} : memref<2x32x256xi32, #tpu.memory_space<vmem>>, vector<1x1x16xi32>,
        %get3A_775 = vector.shape_cast %get3A_774 : vector<1x1x16xi32> to vector<16xi32>
        %shift_left3A_776 = arith.constant 16 : i32
        %shift_left3A_777 = vector.broadcast %shift_left3A_776 : i32 to vector<16xi32>
        %shift_left3A_778 = arith.shli %get3A_757, %shift_left3A_777 : vector<16xi32>
        %bitcast_convert_type3A_779 = tpu.bitcast %shift_left3A_778 : vector<16xi32> -> vector<16xf32>
        %mul3A_780 = arith.mulf %bitcast_convert_type3A_779, %gather3A_381 : vector<16xf32>
        %and3A_781 = arith.constant -65536 : i32
        %and3A_782 = vector.broadcast %and3A_781 : i32 to vector<16xi32>
        %and3A_783 = arith.andi %get3A_757, %and3A_782 : vector<16xi32>
        %bitcast_convert_type3A_784 = tpu.bitcast %and3A_783 : vector<16xi32> -> vector<16xf32>
        %mul3A_785 = arith.mulf %bitcast_convert_type3A_784, %gather3A_381 : vector<16xf32>
        %shift_left3A_786 = arith.constant 16 : i32
        %shift_left3A_787 = vector.broadcast %shift_left3A_786 : i32 to vector<16xi32>
        %shift_left3A_788 = arith.shli %get3A_763, %shift_left3A_787 : vector<16xi32>
        %bitcast_convert_type3A_789 = tpu.bitcast %shift_left3A_788 : vector<16xi32> -> vector<16xf32>
        %mul3A_790 = arith.mulf %bitcast_convert_type3A_789, %gather3A_391 : vector<16xf32>
        %add3A_791 = arith.addf %mul3A_780, %mul3A_790 : vector<16xf32>
        %and3A_792 = arith.constant -65536 : i32
        %and3A_793 = vector.broadcast %and3A_792 : i32 to vector<16xi32>
        %and3A_794 = arith.andi %get3A_763, %and3A_793 : vector<16xi32>
        %bitcast_convert_type3A_795 = tpu.bitcast %and3A_794 : vector<16xi32> -> vector<16xf32>
        %mul3A_796 = arith.mulf %bitcast_convert_type3A_795, %gather3A_391 : vector<16xf32>
        %add3A_797 = arith.addf %mul3A_785, %mul3A_796 : vector<16xf32>
        %shift_left3A_798 = arith.constant 16 : i32
        %shift_left3A_799 = vector.broadcast %shift_left3A_798 : i32 to vector<16xi32>
        %shift_left3A_800 = arith.shli %get3A_769, %shift_left3A_799 : vector<16xi32>
        %bitcast_convert_type3A_801 = tpu.bitcast %shift_left3A_800 : vector<16xi32> -> vector<16xf32>
        %mul3A_802 = arith.mulf %bitcast_convert_type3A_801, %gather3A_401 : vector<16xf32>
        %add3A_803 = arith.addf %add3A_791, %mul3A_802 : vector<16xf32>
        %and3A_804 = arith.constant -65536 : i32
        %and3A_805 = vector.broadcast %and3A_804 : i32 to vector<16xi32>
        %and3A_806 = arith.andi %get3A_769, %and3A_805 : vector<16xi32>
        %bitcast_convert_type3A_807 = tpu.bitcast %and3A_806 : vector<16xi32> -> vector<16xf32>
        %mul3A_808 = arith.mulf %bitcast_convert_type3A_807, %gather3A_401 : vector<16xf32>
        %add3A_809 = arith.addf %add3A_797, %mul3A_808 : vector<16xf32>
        %shift_left3A_810 = arith.constant 16 : i32
        %shift_left3A_811 = vector.broadcast %shift_left3A_810 : i32 to vector<16xi32>
        %shift_left3A_812 = arith.shli %get3A_775, %shift_left3A_811 : vector<16xi32>
        %bitcast_convert_type3A_813 = tpu.bitcast %shift_left3A_812 : vector<16xi32> -> vector<16xf32>
        %mul3A_814 = arith.mulf %bitcast_convert_type3A_813, %gather3A_411 : vector<16xf32>
        %add3A_815 = arith.addf %add3A_803, %mul3A_814 : vector<16xf32>
        %and3A_816 = arith.constant -65536 : i32
        %and3A_817 = vector.broadcast %and3A_816 : i32 to vector<16xi32>
        %and3A_818 = arith.andi %get3A_775, %and3A_817 : vector<16xi32>
        %bitcast_convert_type3A_819 = tpu.bitcast %and3A_818 : vector<16xi32> -> vector<16xf32>
        %mul3A_820 = arith.mulf %bitcast_convert_type3A_819, %gather3A_411 : vector<16xf32>
        %add3A_821 = arith.addf %add3A_809, %mul3A_820 : vector<16xf32>
        %bitcast_convert_type3A_822 = tpu.bitcast %add3A_815 : vector<16xf32> -> vector<16xi32>
        %shift_right_logical3A_823 = arith.constant 16 : i32
        %shift_right_logical3A_824 = vector.broadcast %shift_right_logical3A_823 : i32 to vector<16xi32>
        %shift_right_logical3A_825 = arith.shrui %bitcast_convert_type3A_822, %shift_right_logical3A_824 : vector<16xi32>
        %bitcast_convert_type3A_826 = tpu.bitcast %add3A_821 : vector<16xf32> -> vector<16xi32>
        %and3A_827 = arith.constant -65536 : i32
        %and3A_828 = vector.broadcast %and3A_827 : i32 to vector<16xi32>
        %and3A_829 = arith.andi %bitcast_convert_type3A_826, %and3A_828 : vector<16xi32>
        %or3A_830 = arith.ori %shift_right_logical3A_825, %and3A_829 : vector<16xi32>
        %swap3A_831 = arith.constant 0 : i32
        %swap3A_832 = arith.index_cast %swap3A_831 : i32 to index
        %swap3A_833 = arith.index_cast %scan3A_371 : i32 to index
        %swap3A_834 = arith.constant 64 : index
        %swap3A_835 = tpu.vector_load %arg9[%swap3A_832, %swap3A_833, %swap3A_834] {strides = array<i32>} : memref<2x16x128xi32, #tpu.memory_space<vmem>>, vector<1x1x16xi32>,
        %swap3A_836 = vector.shape_cast %swap3A_835 : vector<1x1x16xi32> to vector<16xi32>
        %swap3A_837 = vector.shape_cast %or3A_830 : vector<16xi32> to vector<1x1x16xi32>
        tpu.vector_store %arg9[%swap3A_832, %swap3A_833, %swap3A_834], %swap3A_837 {strides = array<i32>} : memref<2x16x128xi32, #tpu.memory_space<vmem>>, vector<1x1x16xi32>,
        %get3A_838 = arith.constant 0 : i32
        %get3A_839 = arith.index_cast %get3A_838 : i32 to index
        %get3A_840 = arith.index_cast %scan3A_371 : i32 to index
        %get3A_841 = arith.constant 80 : index
        %get3A_842 = tpu.vector_load %arg8[%get3A_839, %get3A_840, %get3A_841] {strides = array<i32>} : memref<2x32x256xi32, #tpu.memory_space<vmem>>, vector<1x1x16xi32>,
        %get3A_843 = vector.shape_cast %get3A_842 : vector<1x1x16xi32> to vector<16xi32>
        %get3A_844 = arith.constant 0 : i32
        %get3A_845 = arith.index_cast %get3A_844 : i32 to index
        %get3A_846 = arith.index_cast %scan3A_371 : i32 to index
        %get3A_847 = arith.constant 208 : index
        %get3A_848 = tpu.vector_load %arg8[%get3A_845, %get3A_846, %get3A_847] {strides = array<i32>} : memref<2x32x256xi32, #tpu.memory_space<vmem>>, vector<1x1x16xi32>,
        %get3A_849 = vector.shape_cast %get3A_848 : vector<1x1x16xi32> to vector<16xi32>
        %get3A_850 = arith.constant 0 : i32
        %get3A_851 = arith.index_cast %get3A_850 : i32 to index
        %get3A_852 = arith.index_cast %add3A_413 : i32 to index
        %get3A_853 = arith.constant 80 : index
        %get3A_854 = tpu.vector_load %arg8[%get3A_851, %get3A_852, %get3A_853] {strides = array<i32>} : memref<2x32x256xi32, #tpu.memory_space<vmem>>, vector<1x1x16xi32>,
        %get3A_855 = vector.shape_cast %get3A_854 : vector<1x1x16xi32> to vector<16xi32>
        %get3A_856 = arith.constant 0 : i32
        %get3A_857 = arith.index_cast %get3A_856 : i32 to index
        %get3A_858 = arith.index_cast %add3A_413 : i32 to index
        %get3A_859 = arith.constant 208 : index
        %get3A_860 = tpu.vector_load %arg8[%get3A_857, %get3A_858, %get3A_859] {strides = array<i32>} : memref<2x32x256xi32, #tpu.memory_space<vmem>>, vector<1x1x16xi32>,
        %get3A_861 = vector.shape_cast %get3A_860 : vector<1x1x16xi32> to vector<16xi32>
        %shift_left3A_862 = arith.constant 16 : i32
        %shift_left3A_863 = vector.broadcast %shift_left3A_862 : i32 to vector<16xi32>
        %shift_left3A_864 = arith.shli %get3A_843, %shift_left3A_863 : vector<16xi32>
        %bitcast_convert_type3A_865 = tpu.bitcast %shift_left3A_864 : vector<16xi32> -> vector<16xf32>
        %mul3A_866 = arith.mulf %bitcast_convert_type3A_865, %gather3A_381 : vector<16xf32>
        %and3A_867 = arith.constant -65536 : i32
        %and3A_868 = vector.broadcast %and3A_867 : i32 to vector<16xi32>
        %and3A_869 = arith.andi %get3A_843, %and3A_868 : vector<16xi32>
        %bitcast_convert_type3A_870 = tpu.bitcast %and3A_869 : vector<16xi32> -> vector<16xf32>
        %mul3A_871 = arith.mulf %bitcast_convert_type3A_870, %gather3A_381 : vector<16xf32>
        %shift_left3A_872 = arith.constant 16 : i32
        %shift_left3A_873 = vector.broadcast %shift_left3A_872 : i32 to vector<16xi32>
        %shift_left3A_874 = arith.shli %get3A_849, %shift_left3A_873 : vector<16xi32>
        %bitcast_convert_type3A_875 = tpu.bitcast %shift_left3A_874 : vector<16xi32> -> vector<16xf32>
        %mul3A_876 = arith.mulf %bitcast_convert_type3A_875, %gather3A_391 : vector<16xf32>
        %add3A_877 = arith.addf %mul3A_866, %mul3A_876 : vector<16xf32>
        %and3A_878 = arith.constant -65536 : i32
        %and3A_879 = vector.broadcast %and3A_878 : i32 to vector<16xi32>
        %and3A_880 = arith.andi %get3A_849, %and3A_879 : vector<16xi32>
        %bitcast_convert_type3A_881 = tpu.bitcast %and3A_880 : vector<16xi32> -> vector<16xf32>
        %mul3A_882 = arith.mulf %bitcast_convert_type3A_881, %gather3A_391 : vector<16xf32>
        %add3A_883 = arith.addf %mul3A_871, %mul3A_882 : vector<16xf32>
        %shift_left3A_884 = arith.constant 16 : i32
        %shift_left3A_885 = vector.broadcast %shift_left3A_884 : i32 to vector<16xi32>
        %shift_left3A_886 = arith.shli %get3A_855, %shift_left3A_885 : vector<16xi32>
        %bitcast_convert_type3A_887 = tpu.bitcast %shift_left3A_886 : vector<16xi32> -> vector<16xf32>
        %mul3A_888 = arith.mulf %bitcast_convert_type3A_887, %gather3A_401 : vector<16xf32>
        %add3A_889 = arith.addf %add3A_877, %mul3A_888 : vector<16xf32>
        %and3A_890 = arith.constant -65536 : i32
        %and3A_891 = vector.broadcast %and3A_890 : i32 to vector<16xi32>
        %and3A_892 = arith.andi %get3A_855, %and3A_891 : vector<16xi32>
        %bitcast_convert_type3A_893 = tpu.bitcast %and3A_892 : vector<16xi32> -> vector<16xf32>
        %mul3A_894 = arith.mulf %bitcast_convert_type3A_893, %gather3A_401 : vector<16xf32>
        %add3A_895 = arith.addf %add3A_883, %mul3A_894 : vector<16xf32>
        %shift_left3A_896 = arith.constant 16 : i32
        %shift_left3A_897 = vector.broadcast %shift_left3A_896 : i32 to vector<16xi32>
        %shift_left3A_898 = arith.shli %get3A_861, %shift_left3A_897 : vector<16xi32>
        %bitcast_convert_type3A_899 = tpu.bitcast %shift_left3A_898 : vector<16xi32> -> vector<16xf32>
        %mul3A_900 = arith.mulf %bitcast_convert_type3A_899, %gather3A_411 : vector<16xf32>
        %add3A_901 = arith.addf %add3A_889, %mul3A_900 : vector<16xf32>
        %and3A_902 = arith.constant -65536 : i32
        %and3A_903 = vector.broadcast %and3A_902 : i32 to vector<16xi32>
        %and3A_904 = arith.andi %get3A_861, %and3A_903 : vector<16xi32>
        %bitcast_convert_type3A_905 = tpu.bitcast %and3A_904 : vector<16xi32> -> vector<16xf32>
        %mul3A_906 = arith.mulf %bitcast_convert_type3A_905, %gather3A_411 : vector<16xf32>
        %add3A_907 = arith.addf %add3A_895, %mul3A_906 : vector<16xf32>
        %bitcast_convert_type3A_908 = tpu.bitcast %add3A_901 : vector<16xf32> -> vector<16xi32>
        %shift_right_logical3A_909 = arith.constant 16 : i32
        %shift_right_logical3A_910 = vector.broadcast %shift_right_logical3A_909 : i32 to vector<16xi32>
        %shift_right_logical3A_911 = arith.shrui %bitcast_convert_type3A_908, %shift_right_logical3A_910 : vector<16xi32>
        %bitcast_convert_type3A_912 = tpu.bitcast %add3A_907 : vector<16xf32> -> vector<16xi32>
        %and3A_913 = arith.constant -65536 : i32
        %and3A_914 = vector.broadcast %and3A_913 : i32 to vector<16xi32>
        %and3A_915 = arith.andi %bitcast_convert_type3A_912, %and3A_914 : vector<16xi32>
        %or3A_916 = arith.ori %shift_right_logical3A_911, %and3A_915 : vector<16xi32>
        %swap3A_917 = arith.constant 0 : i32
        %swap3A_918 = arith.index_cast %swap3A_917 : i32 to index
        %swap3A_919 = arith.index_cast %scan3A_371 : i32 to index
        %swap3A_920 = arith.constant 80 : index
        %swap3A_921 = tpu.vector_load %arg9[%swap3A_918, %swap3A_919, %swap3A_920] {strides = array<i32>} : memref<2x16x128xi32, #tpu.memory_space<vmem>>, vector<1x1x16xi32>,
        %swap3A_922 = vector.shape_cast %swap3A_921 : vector<1x1x16xi32> to vector<16xi32>
        %swap3A_923 = vector.shape_cast %or3A_916 : vector<16xi32> to vector<1x1x16xi32>
        tpu.vector_store %arg9[%swap3A_918, %swap3A_919, %swap3A_920], %swap3A_923 {strides = array<i32>} : memref<2x16x128xi32, #tpu.memory_space<vmem>>, vector<1x1x16xi32>,
        %get3A_924 = arith.constant 0 : i32
        %get3A_925 = arith.index_cast %get3A_924 : i32 to index
        %get3A_926 = arith.index_cast %scan3A_371 : i32 to index
        %get3A_927 = arith.constant 96 : index
        %get3A_928 = tpu.vector_load %arg8[%get3A_925, %get3A_926, %get3A_927] {strides = array<i32>} : memref<2x32x256xi32, #tpu.memory_space<vmem>>, vector<1x1x16xi32>,
        %get3A_929 = vector.shape_cast %get3A_928 : vector<1x1x16xi32> to vector<16xi32>
        %get3A_930 = arith.constant 0 : i32
        %get3A_931 = arith.index_cast %get3A_930 : i32 to index
        %get3A_932 = arith.index_cast %scan3A_371 : i32 to index
        %get3A_933 = arith.constant 224 : index
        %get3A_934 = tpu.vector_load %arg8[%get3A_931, %get3A_932, %get3A_933] {strides = array<i32>} : memref<2x32x256xi32, #tpu.memory_space<vmem>>, vector<1x1x16xi32>,
        %get3A_935 = vector.shape_cast %get3A_934 : vector<1x1x16xi32> to vector<16xi32>
        %get3A_936 = arith.constant 0 : i32
        %get3A_937 = arith.index_cast %get3A_936 : i32 to index
        %get3A_938 = arith.index_cast %add3A_413 : i32 to index
        %get3A_939 = arith.constant 96 : index
        %get3A_940 = tpu.vector_load %arg8[%get3A_937, %get3A_938, %get3A_939] {strides = array<i32>} : memref<2x32x256xi32, #tpu.memory_space<vmem>>, vector<1x1x16xi32>,
        %get3A_941 = vector.shape_cast %get3A_940 : vector<1x1x16xi32> to vector<16xi32>
        %get3A_942 = arith.constant 0 : i32
        %get3A_943 = arith.index_cast %get3A_942 : i32 to index
        %get3A_944 = arith.index_cast %add3A_413 : i32 to index
        %get3A_945 = arith.constant 224 : index
        %get3A_946 = tpu.vector_load %arg8[%get3A_943, %get3A_944, %get3A_945] {strides = array<i32>} : memref<2x32x256xi32, #tpu.memory_space<vmem>>, vector<1x1x16xi32>,
        %get3A_947 = vector.shape_cast %get3A_946 : vector<1x1x16xi32> to vector<16xi32>
        %shift_left3A_948 = arith.constant 16 : i32
        %shift_left3A_949 = vector.broadcast %shift_left3A_948 : i32 to vector<16xi32>
        %shift_left3A_950 = arith.shli %get3A_929, %shift_left3A_949 : vector<16xi32>
        %bitcast_convert_type3A_951 = tpu.bitcast %shift_left3A_950 : vector<16xi32> -> vector<16xf32>
        %mul3A_952 = arith.mulf %bitcast_convert_type3A_951, %gather3A_381 : vector<16xf32>
        %and3A_953 = arith.constant -65536 : i32
        %and3A_954 = vector.broadcast %and3A_953 : i32 to vector<16xi32>
        %and3A_955 = arith.andi %get3A_929, %and3A_954 : vector<16xi32>
        %bitcast_convert_type3A_956 = tpu.bitcast %and3A_955 : vector<16xi32> -> vector<16xf32>
        %mul3A_957 = arith.mulf %bitcast_convert_type3A_956, %gather3A_381 : vector<16xf32>
        %shift_left3A_958 = arith.constant 16 : i32
        %shift_left3A_959 = vector.broadcast %shift_left3A_958 : i32 to vector<16xi32>
        %shift_left3A_960 = arith.shli %get3A_935, %shift_left3A_959 : vector<16xi32>
        %bitcast_convert_type3A_961 = tpu.bitcast %shift_left3A_960 : vector<16xi32> -> vector<16xf32>
        %mul3A_962 = arith.mulf %bitcast_convert_type3A_961, %gather3A_391 : vector<16xf32>
        %add3A_963 = arith.addf %mul3A_952, %mul3A_962 : vector<16xf32>
        %and3A_964 = arith.constant -65536 : i32
        %and3A_965 = vector.broadcast %and3A_964 : i32 to vector<16xi32>
        %and3A_966 = arith.andi %get3A_935, %and3A_965 : vector<16xi32>
        %bitcast_convert_type3A_967 = tpu.bitcast %and3A_966 : vector<16xi32> -> vector<16xf32>
        %mul3A_968 = arith.mulf %bitcast_convert_type3A_967, %gather3A_391 : vector<16xf32>
        %add3A_969 = arith.addf %mul3A_957, %mul3A_968 : vector<16xf32>
        %shift_left3A_970 = arith.constant 16 : i32
        %shift_left3A_971 = vector.broadcast %shift_left3A_970 : i32 to vector<16xi32>
        %shift_left3A_972 = arith.shli %get3A_941, %shift_left3A_971 : vector<16xi32>
        %bitcast_convert_type3A_973 = tpu.bitcast %shift_left3A_972 : vector<16xi32> -> vector<16xf32>
        %mul3A_974 = arith.mulf %bitcast_convert_type3A_973, %gather3A_401 : vector<16xf32>
        %add3A_975 = arith.addf %add3A_963, %mul3A_974 : vector<16xf32>
        %and3A_976 = arith.constant -65536 : i32
        %and3A_977 = vector.broadcast %and3A_976 : i32 to vector<16xi32>
        %and3A_978 = arith.andi %get3A_941, %and3A_977 : vector<16xi32>
        %bitcast_convert_type3A_979 = tpu.bitcast %and3A_978 : vector<16xi32> -> vector<16xf32>
        %mul3A_980 = arith.mulf %bitcast_convert_type3A_979, %gather3A_401 : vector<16xf32>
        %add3A_981 = arith.addf %add3A_969, %mul3A_980 : vector<16xf32>
        %shift_left3A_982 = arith.constant 16 : i32
        %shift_left3A_983 = vector.broadcast %shift_left3A_982 : i32 to vector<16xi32>
        %shift_left3A_984 = arith.shli %get3A_947, %shift_left3A_983 : vector<16xi32>
        %bitcast_convert_type3A_985 = tpu.bitcast %shift_left3A_984 : vector<16xi32> -> vector<16xf32>
        %mul3A_986 = arith.mulf %bitcast_convert_type3A_985, %gather3A_411 : vector<16xf32>
        %add3A_987 = arith.addf %add3A_975, %mul3A_986 : vector<16xf32>
        %and3A_988 = arith.constant -65536 : i32
        %and3A_989 = vector.broadcast %and3A_988 : i32 to vector<16xi32>
        %and3A_990 = arith.andi %get3A_947, %and3A_989 : vector<16xi32>
        %bitcast_convert_type3A_991 = tpu.bitcast %and3A_990 : vector<16xi32> -> vector<16xf32>
        %mul3A_992 = arith.mulf %bitcast_convert_type3A_991, %gather3A_411 : vector<16xf32>
        %add3A_993 = arith.addf %add3A_981, %mul3A_992 : vector<16xf32>
        %bitcast_convert_type3A_994 = tpu.bitcast %add3A_987 : vector<16xf32> -> vector<16xi32>
        %shift_right_logical3A_995 = arith.constant 16 : i32
        %shift_right_logical3A_996 = vector.broadcast %shift_right_logical3A_995 : i32 to vector<16xi32>
        %shift_right_logical3A_997 = arith.shrui %bitcast_convert_type3A_994, %shift_right_logical3A_996 : vector<16xi32>
        %bitcast_convert_type3A_998 = tpu.bitcast %add3A_993 : vector<16xf32> -> vector<16xi32>
        %and3A_999 = arith.constant -65536 : i32
        %and3A_1000 = vector.broadcast %and3A_999 : i32 to vector<16xi32>
        %and3A_1001 = arith.andi %bitcast_convert_type3A_998, %and3A_1000 : vector<16xi32>
        %or3A_1002 = arith.ori %shift_right_logical3A_997, %and3A_1001 : vector<16xi32>
        %swap3A_1003 = arith.constant 0 : i32
        %swap3A_1004 = arith.index_cast %swap3A_1003 : i32 to index
        %swap3A_1005 = arith.index_cast %scan3A_371 : i32 to index
        %swap3A_1006 = arith.constant 96 : index
        %swap3A_1007 = tpu.vector_load %arg9[%swap3A_1004, %swap3A_1005, %swap3A_1006] {strides = array<i32>} : memref<2x16x128xi32, #tpu.memory_space<vmem>>, vector<1x1x16xi32>,
        %swap3A_1008 = vector.shape_cast %swap3A_1007 : vector<1x1x16xi32> to vector<16xi32>
        %swap3A_1009 = vector.shape_cast %or3A_1002 : vector<16xi32> to vector<1x1x16xi32>
        tpu.vector_store %arg9[%swap3A_1004, %swap3A_1005, %swap3A_1006], %swap3A_1009 {strides = array<i32>} : memref<2x16x128xi32, #tpu.memory_space<vmem>>, vector<1x1x16xi32>,
        %get3A_1010 = arith.constant 0 : i32
        %get3A_1011 = arith.index_cast %get3A_1010 : i32 to index
        %get3A_1012 = arith.index_cast %scan3A_371 : i32 to index
        %get3A_1013 = arith.constant 112 : index
        %get3A_1014 = tpu.vector_load %arg8[%get3A_1011, %get3A_1012, %get3A_1013] {strides = array<i32>} : memref<2x32x256xi32, #tpu.memory_space<vmem>>, vector<1x1x16xi32>,
        %get3A_1015 = vector.shape_cast %get3A_1014 : vector<1x1x16xi32> to vector<16xi32>
        %get3A_1016 = arith.constant 0 : i32
        %get3A_1017 = arith.index_cast %get3A_1016 : i32 to index
        %get3A_1018 = arith.index_cast %scan3A_371 : i32 to index
        %get3A_1019 = arith.constant 240 : index
        %get3A_1020 = tpu.vector_load %arg8[%get3A_1017, %get3A_1018, %get3A_1019] {strides = array<i32>} : memref<2x32x256xi32, #tpu.memory_space<vmem>>, vector<1x1x16xi32>,
        %get3A_1021 = vector.shape_cast %get3A_1020 : vector<1x1x16xi32> to vector<16xi32>
        %get3A_1022 = arith.constant 0 : i32
        %get3A_1023 = arith.index_cast %get3A_1022 : i32 to index
        %get3A_1024 = arith.index_cast %add3A_413 : i32 to index
        %get3A_1025 = arith.constant 112 : index
        %get3A_1026 = tpu.vector_load %arg8[%get3A_1023, %get3A_1024, %get3A_1025] {strides = array<i32>} : memref<2x32x256xi32, #tpu.memory_space<vmem>>, vector<1x1x16xi32>,
        %get3A_1027 = vector.shape_cast %get3A_1026 : vector<1x1x16xi32> to vector<16xi32>
        %get3A_1028 = arith.constant 0 : i32
        %get3A_1029 = arith.index_cast %get3A_1028 : i32 to index
        %get3A_1030 = arith.index_cast %add3A_413 : i32 to index
        %get3A_1031 = arith.constant 240 : index
        %get3A_1032 = tpu.vector_load %arg8[%get3A_1029, %get3A_1030, %get3A_1031] {strides = array<i32>} : memref<2x32x256xi32, #tpu.memory_space<vmem>>, vector<1x1x16xi32>,
        %get3A_1033 = vector.shape_cast %get3A_1032 : vector<1x1x16xi32> to vector<16xi32>
        %shift_left3A_1034 = arith.constant 16 : i32
        %shift_left3A_1035 = vector.broadcast %shift_left3A_1034 : i32 to vector<16xi32>
        %shift_left3A_1036 = arith.shli %get3A_1015, %shift_left3A_1035 : vector<16xi32>
        %bitcast_convert_type3A_1037 = tpu.bitcast %shift_left3A_1036 : vector<16xi32> -> vector<16xf32>
        %mul3A_1038 = arith.mulf %bitcast_convert_type3A_1037, %gather3A_381 : vector<16xf32>
        %and3A_1039 = arith.constant -65536 : i32
        %and3A_1040 = vector.broadcast %and3A_1039 : i32 to vector<16xi32>
        %and3A_1041 = arith.andi %get3A_1015, %and3A_1040 : vector<16xi32>
        %bitcast_convert_type3A_1042 = tpu.bitcast %and3A_1041 : vector<16xi32> -> vector<16xf32>
        %mul3A_1043 = arith.mulf %bitcast_convert_type3A_1042, %gather3A_381 : vector<16xf32>
        %shift_left3A_1044 = arith.constant 16 : i32
        %shift_left3A_1045 = vector.broadcast %shift_left3A_1044 : i32 to vector<16xi32>
        %shift_left3A_1046 = arith.shli %get3A_1021, %shift_left3A_1045 : vector<16xi32>
        %bitcast_convert_type3A_1047 = tpu.bitcast %shift_left3A_1046 : vector<16xi32> -> vector<16xf32>
        %mul3A_1048 = arith.mulf %bitcast_convert_type3A_1047, %gather3A_391 : vector<16xf32>
        %add3A_1049 = arith.addf %mul3A_1038, %mul3A_1048 : vector<16xf32>
        %and3A_1050 = arith.constant -65536 : i32
        %and3A_1051 = vector.broadcast %and3A_1050 : i32 to vector<16xi32>
        %and3A_1052 = arith.andi %get3A_1021, %and3A_1051 : vector<16xi32>
        %bitcast_convert_type3A_1053 = tpu.bitcast %and3A_1052 : vector<16xi32> -> vector<16xf32>
        %mul3A_1054 = arith.mulf %bitcast_convert_type3A_1053, %gather3A_391 : vector<16xf32>
        %add3A_1055 = arith.addf %mul3A_1043, %mul3A_1054 : vector<16xf32>
        %shift_left3A_1056 = arith.constant 16 : i32
        %shift_left3A_1057 = vector.broadcast %shift_left3A_1056 : i32 to vector<16xi32>
        %shift_left3A_1058 = arith.shli %get3A_1027, %shift_left3A_1057 : vector<16xi32>
        %bitcast_convert_type3A_1059 = tpu.bitcast %shift_left3A_1058 : vector<16xi32> -> vector<16xf32>
        %mul3A_1060 = arith.mulf %bitcast_convert_type3A_1059, %gather3A_401 : vector<16xf32>
        %add3A_1061 = arith.addf %add3A_1049, %mul3A_1060 : vector<16xf32>
        %and3A_1062 = arith.constant -65536 : i32
        %and3A_1063 = vector.broadcast %and3A_1062 : i32 to vector<16xi32>
        %and3A_1064 = arith.andi %get3A_1027, %and3A_1063 : vector<16xi32>
        %bitcast_convert_type3A_1065 = tpu.bitcast %and3A_1064 : vector<16xi32> -> vector<16xf32>
        %mul3A_1066 = arith.mulf %bitcast_convert_type3A_1065, %gather3A_401 : vector<16xf32>
        %add3A_1067 = arith.addf %add3A_1055, %mul3A_1066 : vector<16xf32>
        %shift_left3A_1068 = arith.constant 16 : i32
        %shift_left3A_1069 = vector.broadcast %shift_left3A_1068 : i32 to vector<16xi32>
        %shift_left3A_1070 = arith.shli %get3A_1033, %shift_left3A_1069 : vector<16xi32>
        %bitcast_convert_type3A_1071 = tpu.bitcast %shift_left3A_1070 : vector<16xi32> -> vector<16xf32>
        %mul3A_1072 = arith.mulf %bitcast_convert_type3A_1071, %gather3A_411 : vector<16xf32>
        %add3A_1073 = arith.addf %add3A_1061, %mul3A_1072 : vector<16xf32>
        %and3A_1074 = arith.constant -65536 : i32
        %and3A_1075 = vector.broadcast %and3A_1074 : i32 to vector<16xi32>
        %and3A_1076 = arith.andi %get3A_1033, %and3A_1075 : vector<16xi32>
        %bitcast_convert_type3A_1077 = tpu.bitcast %and3A_1076 : vector<16xi32> -> vector<16xf32>
        %mul3A_1078 = arith.mulf %bitcast_convert_type3A_1077, %gather3A_411 : vector<16xf32>
        %add3A_1079 = arith.addf %add3A_1067, %mul3A_1078 : vector<16xf32>
        %bitcast_convert_type3A_1080 = tpu.bitcast %add3A_1073 : vector<16xf32> -> vector<16xi32>
        %shift_right_logical3A_1081 = arith.constant 16 : i32
        %shift_right_logical3A_1082 = vector.broadcast %shift_right_logical3A_1081 : i32 to vector<16xi32>
        %shift_right_logical3A_1083 = arith.shrui %bitcast_convert_type3A_1080, %shift_right_logical3A_1082 : vector<16xi32>
        %bitcast_convert_type3A_1084 = tpu.bitcast %add3A_1079 : vector<16xf32> -> vector<16xi32>
        %and3A_1085 = arith.constant -65536 : i32
        %and3A_1086 = vector.broadcast %and3A_1085 : i32 to vector<16xi32>
        %and3A_1087 = arith.andi %bitcast_convert_type3A_1084, %and3A_1086 : vector<16xi32>
        %or3A_1088 = arith.ori %shift_right_logical3A_1083, %and3A_1087 : vector<16xi32>
        %swap3A_1089 = arith.constant 0 : i32
        %swap3A_1090 = arith.index_cast %swap3A_1089 : i32 to index
        %swap3A_1091 = arith.index_cast %scan3A_371 : i32 to index
        %swap3A_1092 = arith.constant 112 : index
        %swap3A_1093 = tpu.vector_load %arg9[%swap3A_1090, %swap3A_1091, %swap3A_1092] {strides = array<i32>} : memref<2x16x128xi32, #tpu.memory_space<vmem>>, vector<1x1x16xi32>,
        %swap3A_1094 = vector.shape_cast %swap3A_1093 : vector<1x1x16xi32> to vector<16xi32>
        %swap3A_1095 = vector.shape_cast %or3A_1088 : vector<16xi32> to vector<1x1x16xi32>
        tpu.vector_store %arg9[%swap3A_1090, %swap3A_1091, %swap3A_1092], %swap3A_1095 {strides = array<i32>} : memref<2x16x128xi32, #tpu.memory_space<vmem>>, vector<1x1x16xi32>,
      }
      %scan3A_275 = arith.constant 16 : i32
      %mul3A_276 = arith.constant 16 : i32
      %mul3A_277 = arith.muli %mul3A_217, %mul3A_276 : i32
      %add3A_278 = arith.addi %mul3A_2, %mul3A_277 : i32
      %dma_start3A_279 = arith.constant 0 : i32
      %dma_start3A_280 = arith.constant 0 : i32
      %dma_start3A_281 = arith.constant 0 : i32
      %dma_start3A_282 = tpu.memref_slice %arg9[%dma_start3A_279, %dma_start3A_280, %dma_start3A_281] : memref<2x16x128xi32, #tpu.memory_space<vmem>> -> memref<1x16x128xi32, #tpu.memory_space<vmem>>
      %dma_start3A_283 = tpu.memref_squeeze %dma_start3A_282 : memref<1x16x128xi32, #tpu.memory_space<vmem>> -> memref<16x128xi32, #tpu.memory_space<vmem>>
      %dma_start3A_284 = arith.constant 0 : i32
      %dma_start3A_285 = tpu.memref_slice %arg5[%add3A_278, %dma_start3A_284] : memref<50176x128xi32, #tpu.memory_space<hbm>> -> memref<16x128xi32, #tpu.memory_space<hbm>>
      %dma_start3A_286 = arith.constant 0 : i32
      %dma_start3A_287 = tpu.memref_slice %arg5[%add3A_278, %dma_start3A_286] : memref<50176x128xi32, #tpu.memory_space<hbm>> -> memref<16x128xi32, #tpu.memory_space<hbm>>
      %dma_start3A_288 = arith.constant 0 : i32
      %dma_start3A_289 = arith.constant 0 : i32
      %dma_start3A_290 = tpu.memref_slice %arg9[%dma_start3A_279, %dma_start3A_288, %dma_start3A_289] : memref<2x16x128xi32, #tpu.memory_space<vmem>> -> memref<1x16x128xi32, #tpu.memory_space<vmem>>
      %dma_start3A_291 = tpu.memref_squeeze %dma_start3A_290 : memref<1x16x128xi32, #tpu.memory_space<vmem>> -> memref<16x128xi32, #tpu.memory_space<vmem>>
      tpu.enqueue_dma source(%dma_start3A_291 : memref<16x128xi32, #tpu.memory_space<vmem>>) target(%dma_start3A_287 : memref<16x128xi32, #tpu.memory_space<hbm>>) target_semaphore(%arg12 : memref<!tpu.dma_semaphore, #tpu.memory_space<semaphore_mem>>)
      %add3A_292 = arith.constant 2 : i32
      %add3A_293 = arith.addi %mul3A_217, %add3A_292 : i32
      %dma_start3A_294 = arith.constant 0 : i32
      %dma_start3A_295 = arith.constant 0 : i32
      %dma_start3A_296 = arith.constant 0 : i32
      %dma_start3A_297 = arith.constant 0 : i32
      %dma_start3A_298 = tpu.memref_slice %arg8[%dma_start3A_295, %dma_start3A_296, %dma_start3A_297] : memref<2x32x256xi32, #tpu.memory_space<vmem>> -> memref<1x32x256xi32, #tpu.memory_space<vmem>>
      %dma_start3A_299 = tpu.memref_squeeze %dma_start3A_298 : memref<1x32x256xi32, #tpu.memory_space<vmem>> -> memref<32x256xi32, #tpu.memory_space<vmem>>
      %dma_start3A_300 = arith.constant 0 : i32
      %dma_start3A_301 = tpu.memref_slice %arg6[%add3A_293, %dma_start3A_294, %dma_start3A_300] : memref<98x1x32xi32, #tpu.memory_space<vmem>> -> memref<1x1x32xi32, #tpu.memory_space<vmem>>
      %dma_start3A_302 = tpu.memref_squeeze %dma_start3A_301 : memref<1x1x32xi32, #tpu.memory_space<vmem>> -> memref<32xi32, #tpu.memory_space<vmem>>
      %dma_start3A_303 = arith.constant 0 : i32
      %dma_start3A_304 = arith.constant 0 : i32
      %dma_start3A_305 = tpu.memref_slice %arg2[%dma_start3A_303, %dma_start3A_304] : memref<32767x256xi32, #tpu.memory_space<hbm>> -> memref<32767x256xi32, #tpu.memory_space<hbm>>
      tpu.enqueue_indirect_dma source(%dma_start3A_305 : memref<32767x256xi32, #tpu.memory_space<hbm>>) target(%dma_start3A_299 : memref<32x256xi32, #tpu.memory_space<vmem>>) offsets(%dma_start3A_302 : memref<32xi32, #tpu.memory_space<vmem>>) semaphore(%arg10 : memref<!tpu.dma_semaphore, #tpu.memory_space<semaphore_mem>>)
      %add3A_306 = arith.constant 1 : i32
      %add3A_307 = arith.addi %mul3A_217, %add3A_306 : i32
      %dma_wait3A_308 = arith.constant 0 : i32
      %dma_wait3A_309 = arith.constant 1 : i32
      %dma_wait3A_310 = arith.constant 0 : i32
      %dma_wait3A_311 = arith.constant 0 : i32
      %dma_wait3A_312 = tpu.memref_slice %arg8[%dma_wait3A_309, %dma_wait3A_310, %dma_wait3A_311] : memref<2x32x256xi32, #tpu.memory_space<vmem>> -> memref<1x32x256xi32, #tpu.memory_space<vmem>>
      %dma_wait3A_313 = tpu.memref_squeeze %dma_wait3A_312 : memref<1x32x256xi32, #tpu.memory_space<vmem>> -> memref<32x256xi32, #tpu.memory_space<vmem>>
      %dma_wait3A_314 = arith.constant 0 : i32
      %dma_wait3A_315 = tpu.memref_slice %arg6[%add3A_307, %dma_wait3A_308, %dma_wait3A_314] : memref<98x1x32xi32, #tpu.memory_space<vmem>> -> memref<1x1x32xi32, #tpu.memory_space<vmem>>
      %dma_wait3A_316 = tpu.memref_squeeze %dma_wait3A_315 : memref<1x1x32xi32, #tpu.memory_space<vmem>> -> memref<32xi32, #tpu.memory_space<vmem>>
      %dma_wait3A_317 = arith.constant 0 : i32
      %dma_wait3A_318 = arith.constant 0 : i32
      %dma_wait3A_319 = tpu.memref_slice %arg2[%dma_wait3A_317, %dma_wait3A_318] : memref<32767x256xi32, #tpu.memory_space<hbm>> -> memref<32767x256xi32, #tpu.memory_space<hbm>>
      tpu.wait_indirect_dma semaphore(%arg11 : memref<!tpu.dma_semaphore, #tpu.memory_space<semaphore_mem>>) src(%dma_wait3A_319 : memref<32767x256xi32, #tpu.memory_space<hbm>>) dst(%dma_wait3A_313 : memref<32x256xi32, #tpu.memory_space<vmem>>)
      %ge3A_320 = arith.constant 2 : i32
      %ge3A_321 = arith.cmpi sge, %add3A_307, %ge3A_320 : i32
      %convert_element_type3A_322 = arith.extui %ge3A_321 : i1 to i32
      %cond3A_323 = arith.constant 0 : i32
      %cond3A_324 = arith.cmpi ne, %convert_element_type3A_322, %cond3A_323 : i32
      scf.if %cond3A_324 {
        %dma_wait3A_371 = arith.constant 1 : i32
        %dma_wait3A_372 = arith.constant 0 : i32
        %dma_wait3A_373 = arith.constant 0 : i32
        %dma_wait3A_374 = tpu.memref_slice %arg9[%dma_wait3A_371, %dma_wait3A_372, %dma_wait3A_373] : memref<2x16x128xi32, #tpu.memory_space<vmem>> -> memref<1x16x128xi32, #tpu.memory_space<vmem>>
        %dma_wait3A_375 = tpu.memref_squeeze %dma_wait3A_374 : memref<1x16x128xi32, #tpu.memory_space<vmem>> -> memref<16x128xi32, #tpu.memory_space<vmem>>
        %dma_wait3A_376 = arith.constant 0 : i32
        %dma_wait3A_377 = arith.constant 0 : i32
        %dma_wait3A_378 = tpu.memref_slice %arg5[%dma_wait3A_376, %dma_wait3A_377] : memref<50176x128xi32, #tpu.memory_space<hbm>> -> memref<16x128xi32, #tpu.memory_space<hbm>>
        %dma_wait3A_379 = arith.constant 0 : i32
        %dma_wait3A_380 = arith.constant 0 : i32
        %dma_wait3A_381 = tpu.memref_slice %arg5[%dma_wait3A_379, %dma_wait3A_380] : memref<50176x128xi32, #tpu.memory_space<hbm>> -> memref<16x128xi32, #tpu.memory_space<hbm>>
        %dma_wait3A_382 = arith.constant 0 : i32
        %dma_wait3A_383 = arith.constant 0 : i32
        %dma_wait3A_384 = tpu.memref_slice %arg9[%dma_wait3A_371, %dma_wait3A_382, %dma_wait3A_383] : memref<2x16x128xi32, #tpu.memory_space<vmem>> -> memref<1x16x128xi32, #tpu.memory_space<vmem>>
        %dma_wait3A_385 = tpu.memref_squeeze %dma_wait3A_384 : memref<1x16x128xi32, #tpu.memory_space<vmem>> -> memref<16x128xi32, #tpu.memory_space<vmem>>
        tpu.wait_dma2 semaphore(%arg13 : memref<!tpu.dma_semaphore, #tpu.memory_space<semaphore_mem>>) src(%dma_wait3A_385 : memref<16x128xi32, #tpu.memory_space<vmem>>) dst(%dma_wait3A_381 : memref<16x128xi32, #tpu.memory_space<hbm>>)
      } else {
      }
      %get3A_325 = arith.constant 0 : i32
      %get3A_326 = arith.index_cast %add3A_307 : i32 to index
      %get3A_327 = arith.index_cast %get3A_325 : i32 to index
      %get3A_328 = arith.constant 0 : index
      %get3A_329 = tpu.vector_load %arg7[%get3A_326, %get3A_327, %get3A_328] {strides = array<i32>} : memref<98x1x64xf32, #tpu.memory_space<vmem>>, vector<1x1x16xf32>,
      %get3A_330 = vector.shape_cast %get3A_329 : vector<1x1x16xf32> to vector<16xf32>
      %get3A_331 = arith.constant 0 : i32
      %get3A_332 = arith.index_cast %add3A_307 : i32 to index
      %get3A_333 = arith.index_cast %get3A_331 : i32 to index
      %get3A_334 = arith.constant 16 : index
      %get3A_335 = tpu.vector_load %arg7[%get3A_332, %get3A_333, %get3A_334] {strides = array<i32>} : memref<98x1x64xf32, #tpu.memory_space<vmem>>, vector<1x1x16xf32>,
      %get3A_336 = vector.shape_cast %get3A_335 : vector<1x1x16xf32> to vector<16xf32>
      %get3A_337 = arith.constant 0 : i32
      %get3A_338 = arith.index_cast %add3A_307 : i32 to index
      %get3A_339 = arith.index_cast %get3A_337 : i32 to index
      %get3A_340 = arith.constant 32 : index
      %get3A_341 = tpu.vector_load %arg7[%get3A_338, %get3A_339, %get3A_340] {strides = array<i32>} : memref<98x1x64xf32, #tpu.memory_space<vmem>>, vector<1x1x16xf32>,
      %get3A_342 = vector.shape_cast %get3A_341 : vector<1x1x16xf32> to vector<16xf32>
      %get3A_343 = arith.constant 0 : i32
      %get3A_344 = arith.index_cast %add3A_307 : i32 to index
      %get3A_345 = arith.index_cast %get3A_343 : i32 to index
      %get3A_346 = arith.constant 48 : index
      %get3A_347 = tpu.vector_load %arg7[%get3A_344, %get3A_345, %get3A_346] {strides = array<i32>} : memref<98x1x64xf32, #tpu.memory_space<vmem>>, vector<1x1x16xf32>,
      %get3A_348 = vector.shape_cast %get3A_347 : vector<1x1x16xf32> to vector<16xf32>
      %scan3A_349 = arith.constant 0 : i32
      %scan3A_350 = arith.constant 0 : i32
      %scan3A_351 = arith.constant 16 : i32
      %scan3A_352 = arith.addi %scan3A_350, %scan3A_351 : i32
      %scan3A_353 = arith.constant 1 : i32
      scf.for %scan3A_371 = %scan3A_350 to %scan3A_352 step %scan3A_353  : i32 {
        %broadcast_in_dim3A = arith.constant 0 : i32
        %broadcast_in_dim3A_372 = vector.broadcast %broadcast_in_dim3A : i32 to vector<16xi32>
        %add3A_373 = vector.broadcast %scan3A_371 : i32 to vector<16xi32>
        %add3A_374 = arith.addi %broadcast_in_dim3A_372, %add3A_373 : vector<16xi32>
        %lt3A = arith.constant 0 : i32
        %lt3A_375 = vector.broadcast %lt3A : i32 to vector<16xi32>
        %lt3A_376 = arith.cmpi slt, %add3A_374, %lt3A_375 : vector<16xi32>
        %add3A_377 = arith.constant 16 : i32
        %add3A_378 = vector.broadcast %add3A_377 : i32 to vector<16xi32>
        %add3A_379 = arith.addi %add3A_374, %add3A_378 : vector<16xi32>
        %select_n3A = arith.select %lt3A_376, %add3A_379, %add3A_374 : vector<16xi1>, vector<16xi32>
        %broadcast_in_dim3A_380 = vector.shape_cast %select_n3A : vector<16xi32> to vector<16x1xi32>
        %gather3A = vector.shape_cast %broadcast_in_dim3A_380 : vector<16x1xi32> to vector<16xi32>
        %gather3A_381 = tpu.dynamic_gather %get3A_330[%gather3A] in [0] : vector<16xf32>, vector<16xi32> -> vector<16xf32>
        %lt3A_382 = arith.constant 0 : i32
        %lt3A_383 = vector.broadcast %lt3A_382 : i32 to vector<16xi32>
        %lt3A_384 = arith.cmpi slt, %add3A_374, %lt3A_383 : vector<16xi32>
        %add3A_385 = arith.constant 16 : i32
        %add3A_386 = vector.broadcast %add3A_385 : i32 to vector<16xi32>
        %add3A_387 = arith.addi %add3A_374, %add3A_386 : vector<16xi32>
        %select_n3A_388 = arith.select %lt3A_384, %add3A_387, %add3A_374 : vector<16xi1>, vector<16xi32>
        %broadcast_in_dim3A_389 = vector.shape_cast %select_n3A_388 : vector<16xi32> to vector<16x1xi32>
        %gather3A_390 = vector.shape_cast %broadcast_in_dim3A_389 : vector<16x1xi32> to vector<16xi32>
        %gather3A_391 = tpu.dynamic_gather %get3A_336[%gather3A_390] in [0] : vector<16xf32>, vector<16xi32> -> vector<16xf32>
        %lt3A_392 = arith.constant 0 : i32
        %lt3A_393 = vector.broadcast %lt3A_392 : i32 to vector<16xi32>
        %lt3A_394 = arith.cmpi slt, %add3A_374, %lt3A_393 : vector<16xi32>
        %add3A_395 = arith.constant 16 : i32
        %add3A_396 = vector.broadcast %add3A_395 : i32 to vector<16xi32>
        %add3A_397 = arith.addi %add3A_374, %add3A_396 : vector<16xi32>
        %select_n3A_398 = arith.select %lt3A_394, %add3A_397, %add3A_374 : vector<16xi1>, vector<16xi32>
        %broadcast_in_dim3A_399 = vector.shape_cast %select_n3A_398 : vector<16xi32> to vector<16x1xi32>
        %gather3A_400 = vector.shape_cast %broadcast_in_dim3A_399 : vector<16x1xi32> to vector<16xi32>
        %gather3A_401 = tpu.dynamic_gather %get3A_342[%gather3A_400] in [0] : vector<16xf32>, vector<16xi32> -> vector<16xf32>
        %lt3A_402 = arith.constant 0 : i32
        %lt3A_403 = vector.broadcast %lt3A_402 : i32 to vector<16xi32>
        %lt3A_404 = arith.cmpi slt, %add3A_374, %lt3A_403 : vector<16xi32>
        %add3A_405 = arith.constant 16 : i32
        %add3A_406 = vector.broadcast %add3A_405 : i32 to vector<16xi32>
        %add3A_407 = arith.addi %add3A_374, %add3A_406 : vector<16xi32>
        %select_n3A_408 = arith.select %lt3A_404, %add3A_407, %add3A_374 : vector<16xi1>, vector<16xi32>
        %broadcast_in_dim3A_409 = vector.shape_cast %select_n3A_408 : vector<16xi32> to vector<16x1xi32>
        %gather3A_410 = vector.shape_cast %broadcast_in_dim3A_409 : vector<16x1xi32> to vector<16xi32>
        %gather3A_411 = tpu.dynamic_gather %get3A_348[%gather3A_410] in [0] : vector<16xf32>, vector<16xi32> -> vector<16xf32>
        %add3A_412 = arith.constant 16 : i32
        %add3A_413 = arith.addi %add3A_412, %scan3A_371 : i32
        %get3A_414 = arith.constant 1 : i32
        %get3A_415 = arith.index_cast %get3A_414 : i32 to index
        %get3A_416 = arith.index_cast %scan3A_371 : i32 to index
        %get3A_417 = arith.constant 0 : index
        %get3A_418 = tpu.vector_load %arg8[%get3A_415, %get3A_416, %get3A_417] {strides = array<i32>} : memref<2x32x256xi32, #tpu.memory_space<vmem>>, vector<1x1x16xi32>,
        %get3A_419 = vector.shape_cast %get3A_418 : vector<1x1x16xi32> to vector<16xi32>
        %get3A_420 = arith.constant 1 : i32
        %get3A_421 = arith.index_cast %get3A_420 : i32 to index
        %get3A_422 = arith.index_cast %scan3A_371 : i32 to index
        %get3A_423 = arith.constant 128 : index
        %get3A_424 = tpu.vector_load %arg8[%get3A_421, %get3A_422, %get3A_423] {strides = array<i32>} : memref<2x32x256xi32, #tpu.memory_space<vmem>>, vector<1x1x16xi32>,
        %get3A_425 = vector.shape_cast %get3A_424 : vector<1x1x16xi32> to vector<16xi32>
        %get3A_426 = arith.constant 1 : i32
        %get3A_427 = arith.index_cast %get3A_426 : i32 to index
        %get3A_428 = arith.index_cast %add3A_413 : i32 to index
        %get3A_429 = arith.constant 0 : index
        %get3A_430 = tpu.vector_load %arg8[%get3A_427, %get3A_428, %get3A_429] {strides = array<i32>} : memref<2x32x256xi32, #tpu.memory_space<vmem>>, vector<1x1x16xi32>,
        %get3A_431 = vector.shape_cast %get3A_430 : vector<1x1x16xi32> to vector<16xi32>
        %get3A_432 = arith.constant 1 : i32
        %get3A_433 = arith.index_cast %get3A_432 : i32 to index
        %get3A_434 = arith.index_cast %add3A_413 : i32 to index
        %get3A_435 = arith.constant 128 : index
        %get3A_436 = tpu.vector_load %arg8[%get3A_433, %get3A_434, %get3A_435] {strides = array<i32>} : memref<2x32x256xi32, #tpu.memory_space<vmem>>, vector<1x1x16xi32>,
        %get3A_437 = vector.shape_cast %get3A_436 : vector<1x1x16xi32> to vector<16xi32>
        %shift_left3A = arith.constant 16 : i32
        %shift_left3A_438 = vector.broadcast %shift_left3A : i32 to vector<16xi32>
        %shift_left3A_439 = arith.shli %get3A_419, %shift_left3A_438 : vector<16xi32>
        %bitcast_convert_type3A = tpu.bitcast %shift_left3A_439 : vector<16xi32> -> vector<16xf32>
        %mul3A_440 = arith.mulf %bitcast_convert_type3A, %gather3A_381 : vector<16xf32>
        %and3A = arith.constant -65536 : i32
        %and3A_441 = vector.broadcast %and3A : i32 to vector<16xi32>
        %and3A_442 = arith.andi %get3A_419, %and3A_441 : vector<16xi32>
        %bitcast_convert_type3A_443 = tpu.bitcast %and3A_442 : vector<16xi32> -> vector<16xf32>
        %mul3A_444 = arith.mulf %bitcast_convert_type3A_443, %gather3A_381 : vector<16xf32>
        %shift_left3A_445 = arith.constant 16 : i32
        %shift_left3A_446 = vector.broadcast %shift_left3A_445 : i32 to vector<16xi32>
        %shift_left3A_447 = arith.shli %get3A_425, %shift_left3A_446 : vector<16xi32>
        %bitcast_convert_type3A_448 = tpu.bitcast %shift_left3A_447 : vector<16xi32> -> vector<16xf32>
        %mul3A_449 = arith.mulf %bitcast_convert_type3A_448, %gather3A_391 : vector<16xf32>
        %add3A_450 = arith.addf %mul3A_440, %mul3A_449 : vector<16xf32>
        %and3A_451 = arith.constant -65536 : i32
        %and3A_452 = vector.broadcast %and3A_451 : i32 to vector<16xi32>
        %and3A_453 = arith.andi %get3A_425, %and3A_452 : vector<16xi32>
        %bitcast_convert_type3A_454 = tpu.bitcast %and3A_453 : vector<16xi32> -> vector<16xf32>
        %mul3A_455 = arith.mulf %bitcast_convert_type3A_454, %gather3A_391 : vector<16xf32>
        %add3A_456 = arith.addf %mul3A_444, %mul3A_455 : vector<16xf32>
        %shift_left3A_457 = arith.constant 16 : i32
        %shift_left3A_458 = vector.broadcast %shift_left3A_457 : i32 to vector<16xi32>
        %shift_left3A_459 = arith.shli %get3A_431, %shift_left3A_458 : vector<16xi32>
        %bitcast_convert_type3A_460 = tpu.bitcast %shift_left3A_459 : vector<16xi32> -> vector<16xf32>
        %mul3A_461 = arith.mulf %bitcast_convert_type3A_460, %gather3A_401 : vector<16xf32>
        %add3A_462 = arith.addf %add3A_450, %mul3A_461 : vector<16xf32>
        %and3A_463 = arith.constant -65536 : i32
        %and3A_464 = vector.broadcast %and3A_463 : i32 to vector<16xi32>
        %and3A_465 = arith.andi %get3A_431, %and3A_464 : vector<16xi32>
        %bitcast_convert_type3A_466 = tpu.bitcast %and3A_465 : vector<16xi32> -> vector<16xf32>
        %mul3A_467 = arith.mulf %bitcast_convert_type3A_466, %gather3A_401 : vector<16xf32>
        %add3A_468 = arith.addf %add3A_456, %mul3A_467 : vector<16xf32>
        %shift_left3A_469 = arith.constant 16 : i32
        %shift_left3A_470 = vector.broadcast %shift_left3A_469 : i32 to vector<16xi32>
        %shift_left3A_471 = arith.shli %get3A_437, %shift_left3A_470 : vector<16xi32>
        %bitcast_convert_type3A_472 = tpu.bitcast %shift_left3A_471 : vector<16xi32> -> vector<16xf32>
        %mul3A_473 = arith.mulf %bitcast_convert_type3A_472, %gather3A_411 : vector<16xf32>
        %add3A_474 = arith.addf %add3A_462, %mul3A_473 : vector<16xf32>
        %and3A_475 = arith.constant -65536 : i32
        %and3A_476 = vector.broadcast %and3A_475 : i32 to vector<16xi32>
        %and3A_477 = arith.andi %get3A_437, %and3A_476 : vector<16xi32>
        %bitcast_convert_type3A_478 = tpu.bitcast %and3A_477 : vector<16xi32> -> vector<16xf32>
        %mul3A_479 = arith.mulf %bitcast_convert_type3A_478, %gather3A_411 : vector<16xf32>
        %add3A_480 = arith.addf %add3A_468, %mul3A_479 : vector<16xf32>
        %bitcast_convert_type3A_481 = tpu.bitcast %add3A_474 : vector<16xf32> -> vector<16xi32>
        %shift_right_logical3A = arith.constant 16 : i32
        %shift_right_logical3A_482 = vector.broadcast %shift_right_logical3A : i32 to vector<16xi32>
        %shift_right_logical3A_483 = arith.shrui %bitcast_convert_type3A_481, %shift_right_logical3A_482 : vector<16xi32>
        %bitcast_convert_type3A_484 = tpu.bitcast %add3A_480 : vector<16xf32> -> vector<16xi32>
        %and3A_485 = arith.constant -65536 : i32
        %and3A_486 = vector.broadcast %and3A_485 : i32 to vector<16xi32>
        %and3A_487 = arith.andi %bitcast_convert_type3A_484, %and3A_486 : vector<16xi32>
        %or3A = arith.ori %shift_right_logical3A_483, %and3A_487 : vector<16xi32>
        %swap3A = arith.constant 1 : i32
        %swap3A_488 = arith.index_cast %swap3A : i32 to index
        %swap3A_489 = arith.index_cast %scan3A_371 : i32 to index
        %swap3A_490 = arith.constant 0 : index
        %swap3A_491 = tpu.vector_load %arg9[%swap3A_488, %swap3A_489, %swap3A_490] {strides = array<i32>} : memref<2x16x128xi32, #tpu.memory_space<vmem>>, vector<1x1x16xi32>,
        %swap3A_492 = vector.shape_cast %swap3A_491 : vector<1x1x16xi32> to vector<16xi32>
        %swap3A_493 = vector.shape_cast %or3A : vector<16xi32> to vector<1x1x16xi32>
        tpu.vector_store %arg9[%swap3A_488, %swap3A_489, %swap3A_490], %swap3A_493 {strides = array<i32>} : memref<2x16x128xi32, #tpu.memory_space<vmem>>, vector<1x1x16xi32>,
        %get3A_494 = arith.constant 1 : i32
        %get3A_495 = arith.index_cast %get3A_494 : i32 to index
        %get3A_496 = arith.index_cast %scan3A_371 : i32 to index
        %get3A_497 = arith.constant 16 : index
        %get3A_498 = tpu.vector_load %arg8[%get3A_495, %get3A_496, %get3A_497] {strides = array<i32>} : memref<2x32x256xi32, #tpu.memory_space<vmem>>, vector<1x1x16xi32>,
        %get3A_499 = vector.shape_cast %get3A_498 : vector<1x1x16xi32> to vector<16xi32>
        %get3A_500 = arith.constant 1 : i32
        %get3A_501 = arith.index_cast %get3A_500 : i32 to index
        %get3A_502 = arith.index_cast %scan3A_371 : i32 to index
        %get3A_503 = arith.constant 144 : index
        %get3A_504 = tpu.vector_load %arg8[%get3A_501, %get3A_502, %get3A_503] {strides = array<i32>} : memref<2x32x256xi32, #tpu.memory_space<vmem>>, vector<1x1x16xi32>,
        %get3A_505 = vector.shape_cast %get3A_504 : vector<1x1x16xi32> to vector<16xi32>
        %get3A_506 = arith.constant 1 : i32
        %get3A_507 = arith.index_cast %get3A_506 : i32 to index
        %get3A_508 = arith.index_cast %add3A_413 : i32 to index
        %get3A_509 = arith.constant 16 : index
        %get3A_510 = tpu.vector_load %arg8[%get3A_507, %get3A_508, %get3A_509] {strides = array<i32>} : memref<2x32x256xi32, #tpu.memory_space<vmem>>, vector<1x1x16xi32>,
        %get3A_511 = vector.shape_cast %get3A_510 : vector<1x1x16xi32> to vector<16xi32>
        %get3A_512 = arith.constant 1 : i32
        %get3A_513 = arith.index_cast %get3A_512 : i32 to index
        %get3A_514 = arith.index_cast %add3A_413 : i32 to index
        %get3A_515 = arith.constant 144 : index
        %get3A_516 = tpu.vector_load %arg8[%get3A_513, %get3A_514, %get3A_515] {strides = array<i32>} : memref<2x32x256xi32, #tpu.memory_space<vmem>>, vector<1x1x16xi32>,
        %get3A_517 = vector.shape_cast %get3A_516 : vector<1x1x16xi32> to vector<16xi32>
        %shift_left3A_518 = arith.constant 16 : i32
        %shift_left3A_519 = vector.broadcast %shift_left3A_518 : i32 to vector<16xi32>
        %shift_left3A_520 = arith.shli %get3A_499, %shift_left3A_519 : vector<16xi32>
        %bitcast_convert_type3A_521 = tpu.bitcast %shift_left3A_520 : vector<16xi32> -> vector<16xf32>
        %mul3A_522 = arith.mulf %bitcast_convert_type3A_521, %gather3A_381 : vector<16xf32>
        %and3A_523 = arith.constant -65536 : i32
        %and3A_524 = vector.broadcast %and3A_523 : i32 to vector<16xi32>
        %and3A_525 = arith.andi %get3A_499, %and3A_524 : vector<16xi32>
        %bitcast_convert_type3A_526 = tpu.bitcast %and3A_525 : vector<16xi32> -> vector<16xf32>
        %mul3A_527 = arith.mulf %bitcast_convert_type3A_526, %gather3A_381 : vector<16xf32>
        %shift_left3A_528 = arith.constant 16 : i32
        %shift_left3A_529 = vector.broadcast %shift_left3A_528 : i32 to vector<16xi32>
        %shift_left3A_530 = arith.shli %get3A_505, %shift_left3A_529 : vector<16xi32>
        %bitcast_convert_type3A_531 = tpu.bitcast %shift_left3A_530 : vector<16xi32> -> vector<16xf32>
        %mul3A_532 = arith.mulf %bitcast_convert_type3A_531, %gather3A_391 : vector<16xf32>
        %add3A_533 = arith.addf %mul3A_522, %mul3A_532 : vector<16xf32>
        %and3A_534 = arith.constant -65536 : i32
        %and3A_535 = vector.broadcast %and3A_534 : i32 to vector<16xi32>
        %and3A_536 = arith.andi %get3A_505, %and3A_535 : vector<16xi32>
        %bitcast_convert_type3A_537 = tpu.bitcast %and3A_536 : vector<16xi32> -> vector<16xf32>
        %mul3A_538 = arith.mulf %bitcast_convert_type3A_537, %gather3A_391 : vector<16xf32>
        %add3A_539 = arith.addf %mul3A_527, %mul3A_538 : vector<16xf32>
        %shift_left3A_540 = arith.constant 16 : i32
        %shift_left3A_541 = vector.broadcast %shift_left3A_540 : i32 to vector<16xi32>
        %shift_left3A_542 = arith.shli %get3A_511, %shift_left3A_541 : vector<16xi32>
        %bitcast_convert_type3A_543 = tpu.bitcast %shift_left3A_542 : vector<16xi32> -> vector<16xf32>
        %mul3A_544 = arith.mulf %bitcast_convert_type3A_543, %gather3A_401 : vector<16xf32>
        %add3A_545 = arith.addf %add3A_533, %mul3A_544 : vector<16xf32>
        %and3A_546 = arith.constant -65536 : i32
        %and3A_547 = vector.broadcast %and3A_546 : i32 to vector<16xi32>
        %and3A_548 = arith.andi %get3A_511, %and3A_547 : vector<16xi32>
        %bitcast_convert_type3A_549 = tpu.bitcast %and3A_548 : vector<16xi32> -> vector<16xf32>
        %mul3A_550 = arith.mulf %bitcast_convert_type3A_549, %gather3A_401 : vector<16xf32>
        %add3A_551 = arith.addf %add3A_539, %mul3A_550 : vector<16xf32>
        %shift_left3A_552 = arith.constant 16 : i32
        %shift_left3A_553 = vector.broadcast %shift_left3A_552 : i32 to vector<16xi32>
        %shift_left3A_554 = arith.shli %get3A_517, %shift_left3A_553 : vector<16xi32>
        %bitcast_convert_type3A_555 = tpu.bitcast %shift_left3A_554 : vector<16xi32> -> vector<16xf32>
        %mul3A_556 = arith.mulf %bitcast_convert_type3A_555, %gather3A_411 : vector<16xf32>
        %add3A_557 = arith.addf %add3A_545, %mul3A_556 : vector<16xf32>
        %and3A_558 = arith.constant -65536 : i32
        %and3A_559 = vector.broadcast %and3A_558 : i32 to vector<16xi32>
        %and3A_560 = arith.andi %get3A_517, %and3A_559 : vector<16xi32>
        %bitcast_convert_type3A_561 = tpu.bitcast %and3A_560 : vector<16xi32> -> vector<16xf32>
        %mul3A_562 = arith.mulf %bitcast_convert_type3A_561, %gather3A_411 : vector<16xf32>
        %add3A_563 = arith.addf %add3A_551, %mul3A_562 : vector<16xf32>
        %bitcast_convert_type3A_564 = tpu.bitcast %add3A_557 : vector<16xf32> -> vector<16xi32>
        %shift_right_logical3A_565 = arith.constant 16 : i32
        %shift_right_logical3A_566 = vector.broadcast %shift_right_logical3A_565 : i32 to vector<16xi32>
        %shift_right_logical3A_567 = arith.shrui %bitcast_convert_type3A_564, %shift_right_logical3A_566 : vector<16xi32>
        %bitcast_convert_type3A_568 = tpu.bitcast %add3A_563 : vector<16xf32> -> vector<16xi32>
        %and3A_569 = arith.constant -65536 : i32
        %and3A_570 = vector.broadcast %and3A_569 : i32 to vector<16xi32>
        %and3A_571 = arith.andi %bitcast_convert_type3A_568, %and3A_570 : vector<16xi32>
        %or3A_572 = arith.ori %shift_right_logical3A_567, %and3A_571 : vector<16xi32>
        %swap3A_573 = arith.constant 1 : i32
        %swap3A_574 = arith.index_cast %swap3A_573 : i32 to index
        %swap3A_575 = arith.index_cast %scan3A_371 : i32 to index
        %swap3A_576 = arith.constant 16 : index
        %swap3A_577 = tpu.vector_load %arg9[%swap3A_574, %swap3A_575, %swap3A_576] {strides = array<i32>} : memref<2x16x128xi32, #tpu.memory_space<vmem>>, vector<1x1x16xi32>,
        %swap3A_578 = vector.shape_cast %swap3A_577 : vector<1x1x16xi32> to vector<16xi32>
        %swap3A_579 = vector.shape_cast %or3A_572 : vector<16xi32> to vector<1x1x16xi32>
        tpu.vector_store %arg9[%swap3A_574, %swap3A_575, %swap3A_576], %swap3A_579 {strides = array<i32>} : memref<2x16x128xi32, #tpu.memory_space<vmem>>, vector<1x1x16xi32>,
        %get3A_580 = arith.constant 1 : i32
        %get3A_581 = arith.index_cast %get3A_580 : i32 to index
        %get3A_582 = arith.index_cast %scan3A_371 : i32 to index
        %get3A_583 = arith.constant 32 : index
        %get3A_584 = tpu.vector_load %arg8[%get3A_581, %get3A_582, %get3A_583] {strides = array<i32>} : memref<2x32x256xi32, #tpu.memory_space<vmem>>, vector<1x1x16xi32>,
        %get3A_585 = vector.shape_cast %get3A_584 : vector<1x1x16xi32> to vector<16xi32>
        %get3A_586 = arith.constant 1 : i32
        %get3A_587 = arith.index_cast %get3A_586 : i32 to index
        %get3A_588 = arith.index_cast %scan3A_371 : i32 to index
        %get3A_589 = arith.constant 160 : index
        %get3A_590 = tpu.vector_load %arg8[%get3A_587, %get3A_588, %get3A_589] {strides = array<i32>} : memref<2x32x256xi32, #tpu.memory_space<vmem>>, vector<1x1x16xi32>,
        %get3A_591 = vector.shape_cast %get3A_590 : vector<1x1x16xi32> to vector<16xi32>
        %get3A_592 = arith.constant 1 : i32
        %get3A_593 = arith.index_cast %get3A_592 : i32 to index
        %get3A_594 = arith.index_cast %add3A_413 : i32 to index
        %get3A_595 = arith.constant 32 : index
        %get3A_596 = tpu.vector_load %arg8[%get3A_593, %get3A_594, %get3A_595] {strides = array<i32>} : memref<2x32x256xi32, #tpu.memory_space<vmem>>, vector<1x1x16xi32>,
        %get3A_597 = vector.shape_cast %get3A_596 : vector<1x1x16xi32> to vector<16xi32>
        %get3A_598 = arith.constant 1 : i32
        %get3A_599 = arith.index_cast %get3A_598 : i32 to index
        %get3A_600 = arith.index_cast %add3A_413 : i32 to index
        %get3A_601 = arith.constant 160 : index
        %get3A_602 = tpu.vector_load %arg8[%get3A_599, %get3A_600, %get3A_601] {strides = array<i32>} : memref<2x32x256xi32, #tpu.memory_space<vmem>>, vector<1x1x16xi32>,
        %get3A_603 = vector.shape_cast %get3A_602 : vector<1x1x16xi32> to vector<16xi32>
        %shift_left3A_604 = arith.constant 16 : i32
        %shift_left3A_605 = vector.broadcast %shift_left3A_604 : i32 to vector<16xi32>
        %shift_left3A_606 = arith.shli %get3A_585, %shift_left3A_605 : vector<16xi32>
        %bitcast_convert_type3A_607 = tpu.bitcast %shift_left3A_606 : vector<16xi32> -> vector<16xf32>
        %mul3A_608 = arith.mulf %bitcast_convert_type3A_607, %gather3A_381 : vector<16xf32>
        %and3A_609 = arith.constant -65536 : i32
        %and3A_610 = vector.broadcast %and3A_609 : i32 to vector<16xi32>
        %and3A_611 = arith.andi %get3A_585, %and3A_610 : vector<16xi32>
        %bitcast_convert_type3A_612 = tpu.bitcast %and3A_611 : vector<16xi32> -> vector<16xf32>
        %mul3A_613 = arith.mulf %bitcast_convert_type3A_612, %gather3A_381 : vector<16xf32>
        %shift_left3A_614 = arith.constant 16 : i32
        %shift_left3A_615 = vector.broadcast %shift_left3A_614 : i32 to vector<16xi32>
        %shift_left3A_616 = arith.shli %get3A_591, %shift_left3A_615 : vector<16xi32>
        %bitcast_convert_type3A_617 = tpu.bitcast %shift_left3A_616 : vector<16xi32> -> vector<16xf32>
        %mul3A_618 = arith.mulf %bitcast_convert_type3A_617, %gather3A_391 : vector<16xf32>
        %add3A_619 = arith.addf %mul3A_608, %mul3A_618 : vector<16xf32>
        %and3A_620 = arith.constant -65536 : i32
        %and3A_621 = vector.broadcast %and3A_620 : i32 to vector<16xi32>
        %and3A_622 = arith.andi %get3A_591, %and3A_621 : vector<16xi32>
        %bitcast_convert_type3A_623 = tpu.bitcast %and3A_622 : vector<16xi32> -> vector<16xf32>
        %mul3A_624 = arith.mulf %bitcast_convert_type3A_623, %gather3A_391 : vector<16xf32>
        %add3A_625 = arith.addf %mul3A_613, %mul3A_624 : vector<16xf32>
        %shift_left3A_626 = arith.constant 16 : i32
        %shift_left3A_627 = vector.broadcast %shift_left3A_626 : i32 to vector<16xi32>
        %shift_left3A_628 = arith.shli %get3A_597, %shift_left3A_627 : vector<16xi32>
        %bitcast_convert_type3A_629 = tpu.bitcast %shift_left3A_628 : vector<16xi32> -> vector<16xf32>
        %mul3A_630 = arith.mulf %bitcast_convert_type3A_629, %gather3A_401 : vector<16xf32>
        %add3A_631 = arith.addf %add3A_619, %mul3A_630 : vector<16xf32>
        %and3A_632 = arith.constant -65536 : i32
        %and3A_633 = vector.broadcast %and3A_632 : i32 to vector<16xi32>
        %and3A_634 = arith.andi %get3A_597, %and3A_633 : vector<16xi32>
        %bitcast_convert_type3A_635 = tpu.bitcast %and3A_634 : vector<16xi32> -> vector<16xf32>
        %mul3A_636 = arith.mulf %bitcast_convert_type3A_635, %gather3A_401 : vector<16xf32>
        %add3A_637 = arith.addf %add3A_625, %mul3A_636 : vector<16xf32>
        %shift_left3A_638 = arith.constant 16 : i32
        %shift_left3A_639 = vector.broadcast %shift_left3A_638 : i32 to vector<16xi32>
        %shift_left3A_640 = arith.shli %get3A_603, %shift_left3A_639 : vector<16xi32>
        %bitcast_convert_type3A_641 = tpu.bitcast %shift_left3A_640 : vector<16xi32> -> vector<16xf32>
        %mul3A_642 = arith.mulf %bitcast_convert_type3A_641, %gather3A_411 : vector<16xf32>
        %add3A_643 = arith.addf %add3A_631, %mul3A_642 : vector<16xf32>
        %and3A_644 = arith.constant -65536 : i32
        %and3A_645 = vector.broadcast %and3A_644 : i32 to vector<16xi32>
        %and3A_646 = arith.andi %get3A_603, %and3A_645 : vector<16xi32>
        %bitcast_convert_type3A_647 = tpu.bitcast %and3A_646 : vector<16xi32> -> vector<16xf32>
        %mul3A_648 = arith.mulf %bitcast_convert_type3A_647, %gather3A_411 : vector<16xf32>
        %add3A_649 = arith.addf %add3A_637, %mul3A_648 : vector<16xf32>
        %bitcast_convert_type3A_650 = tpu.bitcast %add3A_643 : vector<16xf32> -> vector<16xi32>
        %shift_right_logical3A_651 = arith.constant 16 : i32
        %shift_right_logical3A_652 = vector.broadcast %shift_right_logical3A_651 : i32 to vector<16xi32>
        %shift_right_logical3A_653 = arith.shrui %bitcast_convert_type3A_650, %shift_right_logical3A_652 : vector<16xi32>
        %bitcast_convert_type3A_654 = tpu.bitcast %add3A_649 : vector<16xf32> -> vector<16xi32>
        %and3A_655 = arith.constant -65536 : i32
        %and3A_656 = vector.broadcast %and3A_655 : i32 to vector<16xi32>
        %and3A_657 = arith.andi %bitcast_convert_type3A_654, %and3A_656 : vector<16xi32>
        %or3A_658 = arith.ori %shift_right_logical3A_653, %and3A_657 : vector<16xi32>
        %swap3A_659 = arith.constant 1 : i32
        %swap3A_660 = arith.index_cast %swap3A_659 : i32 to index
        %swap3A_661 = arith.index_cast %scan3A_371 : i32 to index
        %swap3A_662 = arith.constant 32 : index
        %swap3A_663 = tpu.vector_load %arg9[%swap3A_660, %swap3A_661, %swap3A_662] {strides = array<i32>} : memref<2x16x128xi32, #tpu.memory_space<vmem>>, vector<1x1x16xi32>,
        %swap3A_664 = vector.shape_cast %swap3A_663 : vector<1x1x16xi32> to vector<16xi32>
        %swap3A_665 = vector.shape_cast %or3A_658 : vector<16xi32> to vector<1x1x16xi32>
        tpu.vector_store %arg9[%swap3A_660, %swap3A_661, %swap3A_662], %swap3A_665 {strides = array<i32>} : memref<2x16x128xi32, #tpu.memory_space<vmem>>, vector<1x1x16xi32>,
        %get3A_666 = arith.constant 1 : i32
        %get3A_667 = arith.index_cast %get3A_666 : i32 to index
        %get3A_668 = arith.index_cast %scan3A_371 : i32 to index
        %get3A_669 = arith.constant 48 : index
        %get3A_670 = tpu.vector_load %arg8[%get3A_667, %get3A_668, %get3A_669] {strides = array<i32>} : memref<2x32x256xi32, #tpu.memory_space<vmem>>, vector<1x1x16xi32>,
        %get3A_671 = vector.shape_cast %get3A_670 : vector<1x1x16xi32> to vector<16xi32>
        %get3A_672 = arith.constant 1 : i32
        %get3A_673 = arith.index_cast %get3A_672 : i32 to index
        %get3A_674 = arith.index_cast %scan3A_371 : i32 to index
        %get3A_675 = arith.constant 176 : index
        %get3A_676 = tpu.vector_load %arg8[%get3A_673, %get3A_674, %get3A_675] {strides = array<i32>} : memref<2x32x256xi32, #tpu.memory_space<vmem>>, vector<1x1x16xi32>,
        %get3A_677 = vector.shape_cast %get3A_676 : vector<1x1x16xi32> to vector<16xi32>
        %get3A_678 = arith.constant 1 : i32
        %get3A_679 = arith.index_cast %get3A_678 : i32 to index
        %get3A_680 = arith.index_cast %add3A_413 : i32 to index
        %get3A_681 = arith.constant 48 : index
        %get3A_682 = tpu.vector_load %arg8[%get3A_679, %get3A_680, %get3A_681] {strides = array<i32>} : memref<2x32x256xi32, #tpu.memory_space<vmem>>, vector<1x1x16xi32>,
        %get3A_683 = vector.shape_cast %get3A_682 : vector<1x1x16xi32> to vector<16xi32>
        %get3A_684 = arith.constant 1 : i32
        %get3A_685 = arith.index_cast %get3A_684 : i32 to index
        %get3A_686 = arith.index_cast %add3A_413 : i32 to index
        %get3A_687 = arith.constant 176 : index
        %get3A_688 = tpu.vector_load %arg8[%get3A_685, %get3A_686, %get3A_687] {strides = array<i32>} : memref<2x32x256xi32, #tpu.memory_space<vmem>>, vector<1x1x16xi32>,
        %get3A_689 = vector.shape_cast %get3A_688 : vector<1x1x16xi32> to vector<16xi32>
        %shift_left3A_690 = arith.constant 16 : i32
        %shift_left3A_691 = vector.broadcast %shift_left3A_690 : i32 to vector<16xi32>
        %shift_left3A_692 = arith.shli %get3A_671, %shift_left3A_691 : vector<16xi32>
        %bitcast_convert_type3A_693 = tpu.bitcast %shift_left3A_692 : vector<16xi32> -> vector<16xf32>
        %mul3A_694 = arith.mulf %bitcast_convert_type3A_693, %gather3A_381 : vector<16xf32>
        %and3A_695 = arith.constant -65536 : i32
        %and3A_696 = vector.broadcast %and3A_695 : i32 to vector<16xi32>
        %and3A_697 = arith.andi %get3A_671, %and3A_696 : vector<16xi32>
        %bitcast_convert_type3A_698 = tpu.bitcast %and3A_697 : vector<16xi32> -> vector<16xf32>
        %mul3A_699 = arith.mulf %bitcast_convert_type3A_698, %gather3A_381 : vector<16xf32>
        %shift_left3A_700 = arith.constant 16 : i32
        %shift_left3A_701 = vector.broadcast %shift_left3A_700 : i32 to vector<16xi32>
        %shift_left3A_702 = arith.shli %get3A_677, %shift_left3A_701 : vector<16xi32>
        %bitcast_convert_type3A_703 = tpu.bitcast %shift_left3A_702 : vector<16xi32> -> vector<16xf32>
        %mul3A_704 = arith.mulf %bitcast_convert_type3A_703, %gather3A_391 : vector<16xf32>
        %add3A_705 = arith.addf %mul3A_694, %mul3A_704 : vector<16xf32>
        %and3A_706 = arith.constant -65536 : i32
        %and3A_707 = vector.broadcast %and3A_706 : i32 to vector<16xi32>
        %and3A_708 = arith.andi %get3A_677, %and3A_707 : vector<16xi32>
        %bitcast_convert_type3A_709 = tpu.bitcast %and3A_708 : vector<16xi32> -> vector<16xf32>
        %mul3A_710 = arith.mulf %bitcast_convert_type3A_709, %gather3A_391 : vector<16xf32>
        %add3A_711 = arith.addf %mul3A_699, %mul3A_710 : vector<16xf32>
        %shift_left3A_712 = arith.constant 16 : i32
        %shift_left3A_713 = vector.broadcast %shift_left3A_712 : i32 to vector<16xi32>
        %shift_left3A_714 = arith.shli %get3A_683, %shift_left3A_713 : vector<16xi32>
        %bitcast_convert_type3A_715 = tpu.bitcast %shift_left3A_714 : vector<16xi32> -> vector<16xf32>
        %mul3A_716 = arith.mulf %bitcast_convert_type3A_715, %gather3A_401 : vector<16xf32>
        %add3A_717 = arith.addf %add3A_705, %mul3A_716 : vector<16xf32>
        %and3A_718 = arith.constant -65536 : i32
        %and3A_719 = vector.broadcast %and3A_718 : i32 to vector<16xi32>
        %and3A_720 = arith.andi %get3A_683, %and3A_719 : vector<16xi32>
        %bitcast_convert_type3A_721 = tpu.bitcast %and3A_720 : vector<16xi32> -> vector<16xf32>
        %mul3A_722 = arith.mulf %bitcast_convert_type3A_721, %gather3A_401 : vector<16xf32>
        %add3A_723 = arith.addf %add3A_711, %mul3A_722 : vector<16xf32>
        %shift_left3A_724 = arith.constant 16 : i32
        %shift_left3A_725 = vector.broadcast %shift_left3A_724 : i32 to vector<16xi32>
        %shift_left3A_726 = arith.shli %get3A_689, %shift_left3A_725 : vector<16xi32>
        %bitcast_convert_type3A_727 = tpu.bitcast %shift_left3A_726 : vector<16xi32> -> vector<16xf32>
        %mul3A_728 = arith.mulf %bitcast_convert_type3A_727, %gather3A_411 : vector<16xf32>
        %add3A_729 = arith.addf %add3A_717, %mul3A_728 : vector<16xf32>
        %and3A_730 = arith.constant -65536 : i32
        %and3A_731 = vector.broadcast %and3A_730 : i32 to vector<16xi32>
        %and3A_732 = arith.andi %get3A_689, %and3A_731 : vector<16xi32>
        %bitcast_convert_type3A_733 = tpu.bitcast %and3A_732 : vector<16xi32> -> vector<16xf32>
        %mul3A_734 = arith.mulf %bitcast_convert_type3A_733, %gather3A_411 : vector<16xf32>
        %add3A_735 = arith.addf %add3A_723, %mul3A_734 : vector<16xf32>
        %bitcast_convert_type3A_736 = tpu.bitcast %add3A_729 : vector<16xf32> -> vector<16xi32>
        %shift_right_logical3A_737 = arith.constant 16 : i32
        %shift_right_logical3A_738 = vector.broadcast %shift_right_logical3A_737 : i32 to vector<16xi32>
        %shift_right_logical3A_739 = arith.shrui %bitcast_convert_type3A_736, %shift_right_logical3A_738 : vector<16xi32>
        %bitcast_convert_type3A_740 = tpu.bitcast %add3A_735 : vector<16xf32> -> vector<16xi32>
        %and3A_741 = arith.constant -65536 : i32
        %and3A_742 = vector.broadcast %and3A_741 : i32 to vector<16xi32>
        %and3A_743 = arith.andi %bitcast_convert_type3A_740, %and3A_742 : vector<16xi32>
        %or3A_744 = arith.ori %shift_right_logical3A_739, %and3A_743 : vector<16xi32>
        %swap3A_745 = arith.constant 1 : i32
        %swap3A_746 = arith.index_cast %swap3A_745 : i32 to index
        %swap3A_747 = arith.index_cast %scan3A_371 : i32 to index
        %swap3A_748 = arith.constant 48 : index
        %swap3A_749 = tpu.vector_load %arg9[%swap3A_746, %swap3A_747, %swap3A_748] {strides = array<i32>} : memref<2x16x128xi32, #tpu.memory_space<vmem>>, vector<1x1x16xi32>,
        %swap3A_750 = vector.shape_cast %swap3A_749 : vector<1x1x16xi32> to vector<16xi32>
        %swap3A_751 = vector.shape_cast %or3A_744 : vector<16xi32> to vector<1x1x16xi32>
        tpu.vector_store %arg9[%swap3A_746, %swap3A_747, %swap3A_748], %swap3A_751 {strides = array<i32>} : memref<2x16x128xi32, #tpu.memory_space<vmem>>, vector<1x1x16xi32>,
        %get3A_752 = arith.constant 1 : i32
        %get3A_753 = arith.index_cast %get3A_752 : i32 to index
        %get3A_754 = arith.index_cast %scan3A_371 : i32 to index
        %get3A_755 = arith.constant 64 : index
        %get3A_756 = tpu.vector_load %arg8[%get3A_753, %get3A_754, %get3A_755] {strides = array<i32>} : memref<2x32x256xi32, #tpu.memory_space<vmem>>, vector<1x1x16xi32>,
        %get3A_757 = vector.shape_cast %get3A_756 : vector<1x1x16xi32> to vector<16xi32>
        %get3A_758 = arith.constant 1 : i32
        %get3A_759 = arith.index_cast %get3A_758 : i32 to index
        %get3A_760 = arith.index_cast %scan3A_371 : i32 to index
        %get3A_761 = arith.constant 192 : index
        %get3A_762 = tpu.vector_load %arg8[%get3A_759, %get3A_760, %get3A_761] {strides = array<i32>} : memref<2x32x256xi32, #tpu.memory_space<vmem>>, vector<1x1x16xi32>,
        %get3A_763 = vector.shape_cast %get3A_762 : vector<1x1x16xi32> to vector<16xi32>
        %get3A_764 = arith.constant 1 : i32
        %get3A_765 = arith.index_cast %get3A_764 : i32 to index
        %get3A_766 = arith.index_cast %add3A_413 : i32 to index
        %get3A_767 = arith.constant 64 : index
        %get3A_768 = tpu.vector_load %arg8[%get3A_765, %get3A_766, %get3A_767] {strides = array<i32>} : memref<2x32x256xi32, #tpu.memory_space<vmem>>, vector<1x1x16xi32>,
        %get3A_769 = vector.shape_cast %get3A_768 : vector<1x1x16xi32> to vector<16xi32>
        %get3A_770 = arith.constant 1 : i32
        %get3A_771 = arith.index_cast %get3A_770 : i32 to index
        %get3A_772 = arith.index_cast %add3A_413 : i32 to index
        %get3A_773 = arith.constant 192 : index
        %get3A_774 = tpu.vector_load %arg8[%get3A_771, %get3A_772, %get3A_773] {strides = array<i32>} : memref<2x32x256xi32, #tpu.memory_space<vmem>>, vector<1x1x16xi32>,
        %get3A_775 = vector.shape_cast %get3A_774 : vector<1x1x16xi32> to vector<16xi32>
        %shift_left3A_776 = arith.constant 16 : i32
        %shift_left3A_777 = vector.broadcast %shift_left3A_776 : i32 to vector<16xi32>
        %shift_left3A_778 = arith.shli %get3A_757, %shift_left3A_777 : vector<16xi32>
        %bitcast_convert_type3A_779 = tpu.bitcast %shift_left3A_778 : vector<16xi32> -> vector<16xf32>
        %mul3A_780 = arith.mulf %bitcast_convert_type3A_779, %gather3A_381 : vector<16xf32>
        %and3A_781 = arith.constant -65536 : i32
        %and3A_782 = vector.broadcast %and3A_781 : i32 to vector<16xi32>
        %and3A_783 = arith.andi %get3A_757, %and3A_782 : vector<16xi32>
        %bitcast_convert_type3A_784 = tpu.bitcast %and3A_783 : vector<16xi32> -> vector<16xf32>
        %mul3A_785 = arith.mulf %bitcast_convert_type3A_784, %gather3A_381 : vector<16xf32>
        %shift_left3A_786 = arith.constant 16 : i32
        %shift_left3A_787 = vector.broadcast %shift_left3A_786 : i32 to vector<16xi32>
        %shift_left3A_788 = arith.shli %get3A_763, %shift_left3A_787 : vector<16xi32>
        %bitcast_convert_type3A_789 = tpu.bitcast %shift_left3A_788 : vector<16xi32> -> vector<16xf32>
        %mul3A_790 = arith.mulf %bitcast_convert_type3A_789, %gather3A_391 : vector<16xf32>
        %add3A_791 = arith.addf %mul3A_780, %mul3A_790 : vector<16xf32>
        %and3A_792 = arith.constant -65536 : i32
        %and3A_793 = vector.broadcast %and3A_792 : i32 to vector<16xi32>
        %and3A_794 = arith.andi %get3A_763, %and3A_793 : vector<16xi32>
        %bitcast_convert_type3A_795 = tpu.bitcast %and3A_794 : vector<16xi32> -> vector<16xf32>
        %mul3A_796 = arith.mulf %bitcast_convert_type3A_795, %gather3A_391 : vector<16xf32>
        %add3A_797 = arith.addf %mul3A_785, %mul3A_796 : vector<16xf32>
        %shift_left3A_798 = arith.constant 16 : i32
        %shift_left3A_799 = vector.broadcast %shift_left3A_798 : i32 to vector<16xi32>
        %shift_left3A_800 = arith.shli %get3A_769, %shift_left3A_799 : vector<16xi32>
        %bitcast_convert_type3A_801 = tpu.bitcast %shift_left3A_800 : vector<16xi32> -> vector<16xf32>
        %mul3A_802 = arith.mulf %bitcast_convert_type3A_801, %gather3A_401 : vector<16xf32>
        %add3A_803 = arith.addf %add3A_791, %mul3A_802 : vector<16xf32>
        %and3A_804 = arith.constant -65536 : i32
        %and3A_805 = vector.broadcast %and3A_804 : i32 to vector<16xi32>
        %and3A_806 = arith.andi %get3A_769, %and3A_805 : vector<16xi32>
        %bitcast_convert_type3A_807 = tpu.bitcast %and3A_806 : vector<16xi32> -> vector<16xf32>
        %mul3A_808 = arith.mulf %bitcast_convert_type3A_807, %gather3A_401 : vector<16xf32>
        %add3A_809 = arith.addf %add3A_797, %mul3A_808 : vector<16xf32>
        %shift_left3A_810 = arith.constant 16 : i32
        %shift_left3A_811 = vector.broadcast %shift_left3A_810 : i32 to vector<16xi32>
        %shift_left3A_812 = arith.shli %get3A_775, %shift_left3A_811 : vector<16xi32>
        %bitcast_convert_type3A_813 = tpu.bitcast %shift_left3A_812 : vector<16xi32> -> vector<16xf32>
        %mul3A_814 = arith.mulf %bitcast_convert_type3A_813, %gather3A_411 : vector<16xf32>
        %add3A_815 = arith.addf %add3A_803, %mul3A_814 : vector<16xf32>
        %and3A_816 = arith.constant -65536 : i32
        %and3A_817 = vector.broadcast %and3A_816 : i32 to vector<16xi32>
        %and3A_818 = arith.andi %get3A_775, %and3A_817 : vector<16xi32>
        %bitcast_convert_type3A_819 = tpu.bitcast %and3A_818 : vector<16xi32> -> vector<16xf32>
        %mul3A_820 = arith.mulf %bitcast_convert_type3A_819, %gather3A_411 : vector<16xf32>
        %add3A_821 = arith.addf %add3A_809, %mul3A_820 : vector<16xf32>
        %bitcast_convert_type3A_822 = tpu.bitcast %add3A_815 : vector<16xf32> -> vector<16xi32>
        %shift_right_logical3A_823 = arith.constant 16 : i32
        %shift_right_logical3A_824 = vector.broadcast %shift_right_logical3A_823 : i32 to vector<16xi32>
        %shift_right_logical3A_825 = arith.shrui %bitcast_convert_type3A_822, %shift_right_logical3A_824 : vector<16xi32>
        %bitcast_convert_type3A_826 = tpu.bitcast %add3A_821 : vector<16xf32> -> vector<16xi32>
        %and3A_827 = arith.constant -65536 : i32
        %and3A_828 = vector.broadcast %and3A_827 : i32 to vector<16xi32>
        %and3A_829 = arith.andi %bitcast_convert_type3A_826, %and3A_828 : vector<16xi32>
        %or3A_830 = arith.ori %shift_right_logical3A_825, %and3A_829 : vector<16xi32>
        %swap3A_831 = arith.constant 1 : i32
        %swap3A_832 = arith.index_cast %swap3A_831 : i32 to index
        %swap3A_833 = arith.index_cast %scan3A_371 : i32 to index
        %swap3A_834 = arith.constant 64 : index
        %swap3A_835 = tpu.vector_load %arg9[%swap3A_832, %swap3A_833, %swap3A_834] {strides = array<i32>} : memref<2x16x128xi32, #tpu.memory_space<vmem>>, vector<1x1x16xi32>,
        %swap3A_836 = vector.shape_cast %swap3A_835 : vector<1x1x16xi32> to vector<16xi32>
        %swap3A_837 = vector.shape_cast %or3A_830 : vector<16xi32> to vector<1x1x16xi32>
        tpu.vector_store %arg9[%swap3A_832, %swap3A_833, %swap3A_834], %swap3A_837 {strides = array<i32>} : memref<2x16x128xi32, #tpu.memory_space<vmem>>, vector<1x1x16xi32>,
        %get3A_838 = arith.constant 1 : i32
        %get3A_839 = arith.index_cast %get3A_838 : i32 to index
        %get3A_840 = arith.index_cast %scan3A_371 : i32 to index
        %get3A_841 = arith.constant 80 : index
        %get3A_842 = tpu.vector_load %arg8[%get3A_839, %get3A_840, %get3A_841] {strides = array<i32>} : memref<2x32x256xi32, #tpu.memory_space<vmem>>, vector<1x1x16xi32>,
        %get3A_843 = vector.shape_cast %get3A_842 : vector<1x1x16xi32> to vector<16xi32>
        %get3A_844 = arith.constant 1 : i32
        %get3A_845 = arith.index_cast %get3A_844 : i32 to index
        %get3A_846 = arith.index_cast %scan3A_371 : i32 to index
        %get3A_847 = arith.constant 208 : index
        %get3A_848 = tpu.vector_load %arg8[%get3A_845, %get3A_846, %get3A_847] {strides = array<i32>} : memref<2x32x256xi32, #tpu.memory_space<vmem>>, vector<1x1x16xi32>,
        %get3A_849 = vector.shape_cast %get3A_848 : vector<1x1x16xi32> to vector<16xi32>
        %get3A_850 = arith.constant 1 : i32
        %get3A_851 = arith.index_cast %get3A_850 : i32 to index
        %get3A_852 = arith.index_cast %add3A_413 : i32 to index
        %get3A_853 = arith.constant 80 : index
        %get3A_854 = tpu.vector_load %arg8[%get3A_851, %get3A_852, %get3A_853] {strides = array<i32>} : memref<2x32x256xi32, #tpu.memory_space<vmem>>, vector<1x1x16xi32>,
        %get3A_855 = vector.shape_cast %get3A_854 : vector<1x1x16xi32> to vector<16xi32>
        %get3A_856 = arith.constant 1 : i32
        %get3A_857 = arith.index_cast %get3A_856 : i32 to index
        %get3A_858 = arith.index_cast %add3A_413 : i32 to index
        %get3A_859 = arith.constant 208 : index
        %get3A_860 = tpu.vector_load %arg8[%get3A_857, %get3A_858, %get3A_859] {strides = array<i32>} : memref<2x32x256xi32, #tpu.memory_space<vmem>>, vector<1x1x16xi32>,
        %get3A_861 = vector.shape_cast %get3A_860 : vector<1x1x16xi32> to vector<16xi32>
        %shift_left3A_862 = arith.constant 16 : i32
        %shift_left3A_863 = vector.broadcast %shift_left3A_862 : i32 to vector<16xi32>
        %shift_left3A_864 = arith.shli %get3A_843, %shift_left3A_863 : vector<16xi32>
        %bitcast_convert_type3A_865 = tpu.bitcast %shift_left3A_864 : vector<16xi32> -> vector<16xf32>
        %mul3A_866 = arith.mulf %bitcast_convert_type3A_865, %gather3A_381 : vector<16xf32>
        %and3A_867 = arith.constant -65536 : i32
        %and3A_868 = vector.broadcast %and3A_867 : i32 to vector<16xi32>
        %and3A_869 = arith.andi %get3A_843, %and3A_868 : vector<16xi32>
        %bitcast_convert_type3A_870 = tpu.bitcast %and3A_869 : vector<16xi32> -> vector<16xf32>
        %mul3A_871 = arith.mulf %bitcast_convert_type3A_870, %gather3A_381 : vector<16xf32>
        %shift_left3A_872 = arith.constant 16 : i32
        %shift_left3A_873 = vector.broadcast %shift_left3A_872 : i32 to vector<16xi32>
        %shift_left3A_874 = arith.shli %get3A_849, %shift_left3A_873 : vector<16xi32>
        %bitcast_convert_type3A_875 = tpu.bitcast %shift_left3A_874 : vector<16xi32> -> vector<16xf32>
        %mul3A_876 = arith.mulf %bitcast_convert_type3A_875, %gather3A_391 : vector<16xf32>
        %add3A_877 = arith.addf %mul3A_866, %mul3A_876 : vector<16xf32>
        %and3A_878 = arith.constant -65536 : i32
        %and3A_879 = vector.broadcast %and3A_878 : i32 to vector<16xi32>
        %and3A_880 = arith.andi %get3A_849, %and3A_879 : vector<16xi32>
        %bitcast_convert_type3A_881 = tpu.bitcast %and3A_880 : vector<16xi32> -> vector<16xf32>
        %mul3A_882 = arith.mulf %bitcast_convert_type3A_881, %gather3A_391 : vector<16xf32>
        %add3A_883 = arith.addf %mul3A_871, %mul3A_882 : vector<16xf32>
        %shift_left3A_884 = arith.constant 16 : i32
        %shift_left3A_885 = vector.broadcast %shift_left3A_884 : i32 to vector<16xi32>
        %shift_left3A_886 = arith.shli %get3A_855, %shift_left3A_885 : vector<16xi32>
        %bitcast_convert_type3A_887 = tpu.bitcast %shift_left3A_886 : vector<16xi32> -> vector<16xf32>
        %mul3A_888 = arith.mulf %bitcast_convert_type3A_887, %gather3A_401 : vector<16xf32>
        %add3A_889 = arith.addf %add3A_877, %mul3A_888 : vector<16xf32>
        %and3A_890 = arith.constant -65536 : i32
        %and3A_891 = vector.broadcast %and3A_890 : i32 to vector<16xi32>
        %and3A_892 = arith.andi %get3A_855, %and3A_891 : vector<16xi32>
        %bitcast_convert_type3A_893 = tpu.bitcast %and3A_892 : vector<16xi32> -> vector<16xf32>
        %mul3A_894 = arith.mulf %bitcast_convert_type3A_893, %gather3A_401 : vector<16xf32>
        %add3A_895 = arith.addf %add3A_883, %mul3A_894 : vector<16xf32>
        %shift_left3A_896 = arith.constant 16 : i32
        %shift_left3A_897 = vector.broadcast %shift_left3A_896 : i32 to vector<16xi32>
        %shift_left3A_898 = arith.shli %get3A_861, %shift_left3A_897 : vector<16xi32>
        %bitcast_convert_type3A_899 = tpu.bitcast %shift_left3A_898 : vector<16xi32> -> vector<16xf32>
        %mul3A_900 = arith.mulf %bitcast_convert_type3A_899, %gather3A_411 : vector<16xf32>
        %add3A_901 = arith.addf %add3A_889, %mul3A_900 : vector<16xf32>
        %and3A_902 = arith.constant -65536 : i32
        %and3A_903 = vector.broadcast %and3A_902 : i32 to vector<16xi32>
        %and3A_904 = arith.andi %get3A_861, %and3A_903 : vector<16xi32>
        %bitcast_convert_type3A_905 = tpu.bitcast %and3A_904 : vector<16xi32> -> vector<16xf32>
        %mul3A_906 = arith.mulf %bitcast_convert_type3A_905, %gather3A_411 : vector<16xf32>
        %add3A_907 = arith.addf %add3A_895, %mul3A_906 : vector<16xf32>
        %bitcast_convert_type3A_908 = tpu.bitcast %add3A_901 : vector<16xf32> -> vector<16xi32>
        %shift_right_logical3A_909 = arith.constant 16 : i32
        %shift_right_logical3A_910 = vector.broadcast %shift_right_logical3A_909 : i32 to vector<16xi32>
        %shift_right_logical3A_911 = arith.shrui %bitcast_convert_type3A_908, %shift_right_logical3A_910 : vector<16xi32>
        %bitcast_convert_type3A_912 = tpu.bitcast %add3A_907 : vector<16xf32> -> vector<16xi32>
        %and3A_913 = arith.constant -65536 : i32
        %and3A_914 = vector.broadcast %and3A_913 : i32 to vector<16xi32>
        %and3A_915 = arith.andi %bitcast_convert_type3A_912, %and3A_914 : vector<16xi32>
        %or3A_916 = arith.ori %shift_right_logical3A_911, %and3A_915 : vector<16xi32>
        %swap3A_917 = arith.constant 1 : i32
        %swap3A_918 = arith.index_cast %swap3A_917 : i32 to index
        %swap3A_919 = arith.index_cast %scan3A_371 : i32 to index
        %swap3A_920 = arith.constant 80 : index
        %swap3A_921 = tpu.vector_load %arg9[%swap3A_918, %swap3A_919, %swap3A_920] {strides = array<i32>} : memref<2x16x128xi32, #tpu.memory_space<vmem>>, vector<1x1x16xi32>,
        %swap3A_922 = vector.shape_cast %swap3A_921 : vector<1x1x16xi32> to vector<16xi32>
        %swap3A_923 = vector.shape_cast %or3A_916 : vector<16xi32> to vector<1x1x16xi32>
        tpu.vector_store %arg9[%swap3A_918, %swap3A_919, %swap3A_920], %swap3A_923 {strides = array<i32>} : memref<2x16x128xi32, #tpu.memory_space<vmem>>, vector<1x1x16xi32>,
        %get3A_924 = arith.constant 1 : i32
        %get3A_925 = arith.index_cast %get3A_924 : i32 to index
        %get3A_926 = arith.index_cast %scan3A_371 : i32 to index
        %get3A_927 = arith.constant 96 : index
        %get3A_928 = tpu.vector_load %arg8[%get3A_925, %get3A_926, %get3A_927] {strides = array<i32>} : memref<2x32x256xi32, #tpu.memory_space<vmem>>, vector<1x1x16xi32>,
        %get3A_929 = vector.shape_cast %get3A_928 : vector<1x1x16xi32> to vector<16xi32>
        %get3A_930 = arith.constant 1 : i32
        %get3A_931 = arith.index_cast %get3A_930 : i32 to index
        %get3A_932 = arith.index_cast %scan3A_371 : i32 to index
        %get3A_933 = arith.constant 224 : index
        %get3A_934 = tpu.vector_load %arg8[%get3A_931, %get3A_932, %get3A_933] {strides = array<i32>} : memref<2x32x256xi32, #tpu.memory_space<vmem>>, vector<1x1x16xi32>,
        %get3A_935 = vector.shape_cast %get3A_934 : vector<1x1x16xi32> to vector<16xi32>
        %get3A_936 = arith.constant 1 : i32
        %get3A_937 = arith.index_cast %get3A_936 : i32 to index
        %get3A_938 = arith.index_cast %add3A_413 : i32 to index
        %get3A_939 = arith.constant 96 : index
        %get3A_940 = tpu.vector_load %arg8[%get3A_937, %get3A_938, %get3A_939] {strides = array<i32>} : memref<2x32x256xi32, #tpu.memory_space<vmem>>, vector<1x1x16xi32>,
        %get3A_941 = vector.shape_cast %get3A_940 : vector<1x1x16xi32> to vector<16xi32>
        %get3A_942 = arith.constant 1 : i32
        %get3A_943 = arith.index_cast %get3A_942 : i32 to index
        %get3A_944 = arith.index_cast %add3A_413 : i32 to index
        %get3A_945 = arith.constant 224 : index
        %get3A_946 = tpu.vector_load %arg8[%get3A_943, %get3A_944, %get3A_945] {strides = array<i32>} : memref<2x32x256xi32, #tpu.memory_space<vmem>>, vector<1x1x16xi32>,
        %get3A_947 = vector.shape_cast %get3A_946 : vector<1x1x16xi32> to vector<16xi32>
        %shift_left3A_948 = arith.constant 16 : i32
        %shift_left3A_949 = vector.broadcast %shift_left3A_948 : i32 to vector<16xi32>
        %shift_left3A_950 = arith.shli %get3A_929, %shift_left3A_949 : vector<16xi32>
        %bitcast_convert_type3A_951 = tpu.bitcast %shift_left3A_950 : vector<16xi32> -> vector<16xf32>
        %mul3A_952 = arith.mulf %bitcast_convert_type3A_951, %gather3A_381 : vector<16xf32>
        %and3A_953 = arith.constant -65536 : i32
        %and3A_954 = vector.broadcast %and3A_953 : i32 to vector<16xi32>
        %and3A_955 = arith.andi %get3A_929, %and3A_954 : vector<16xi32>
        %bitcast_convert_type3A_956 = tpu.bitcast %and3A_955 : vector<16xi32> -> vector<16xf32>
        %mul3A_957 = arith.mulf %bitcast_convert_type3A_956, %gather3A_381 : vector<16xf32>
        %shift_left3A_958 = arith.constant 16 : i32
        %shift_left3A_959 = vector.broadcast %shift_left3A_958 : i32 to vector<16xi32>
        %shift_left3A_960 = arith.shli %get3A_935, %shift_left3A_959 : vector<16xi32>
        %bitcast_convert_type3A_961 = tpu.bitcast %shift_left3A_960 : vector<16xi32> -> vector<16xf32>
        %mul3A_962 = arith.mulf %bitcast_convert_type3A_961, %gather3A_391 : vector<16xf32>
        %add3A_963 = arith.addf %mul3A_952, %mul3A_962 : vector<16xf32>
        %and3A_964 = arith.constant -65536 : i32
        %and3A_965 = vector.broadcast %and3A_964 : i32 to vector<16xi32>
        %and3A_966 = arith.andi %get3A_935, %and3A_965 : vector<16xi32>
        %bitcast_convert_type3A_967 = tpu.bitcast %and3A_966 : vector<16xi32> -> vector<16xf32>
        %mul3A_968 = arith.mulf %bitcast_convert_type3A_967, %gather3A_391 : vector<16xf32>
        %add3A_969 = arith.addf %mul3A_957, %mul3A_968 : vector<16xf32>
        %shift_left3A_970 = arith.constant 16 : i32
        %shift_left3A_971 = vector.broadcast %shift_left3A_970 : i32 to vector<16xi32>
        %shift_left3A_972 = arith.shli %get3A_941, %shift_left3A_971 : vector<16xi32>
        %bitcast_convert_type3A_973 = tpu.bitcast %shift_left3A_972 : vector<16xi32> -> vector<16xf32>
        %mul3A_974 = arith.mulf %bitcast_convert_type3A_973, %gather3A_401 : vector<16xf32>
        %add3A_975 = arith.addf %add3A_963, %mul3A_974 : vector<16xf32>
        %and3A_976 = arith.constant -65536 : i32
        %and3A_977 = vector.broadcast %and3A_976 : i32 to vector<16xi32>
        %and3A_978 = arith.andi %get3A_941, %and3A_977 : vector<16xi32>
        %bitcast_convert_type3A_979 = tpu.bitcast %and3A_978 : vector<16xi32> -> vector<16xf32>
        %mul3A_980 = arith.mulf %bitcast_convert_type3A_979, %gather3A_401 : vector<16xf32>
        %add3A_981 = arith.addf %add3A_969, %mul3A_980 : vector<16xf32>
        %shift_left3A_982 = arith.constant 16 : i32
        %shift_left3A_983 = vector.broadcast %shift_left3A_982 : i32 to vector<16xi32>
        %shift_left3A_984 = arith.shli %get3A_947, %shift_left3A_983 : vector<16xi32>
        %bitcast_convert_type3A_985 = tpu.bitcast %shift_left3A_984 : vector<16xi32> -> vector<16xf32>
        %mul3A_986 = arith.mulf %bitcast_convert_type3A_985, %gather3A_411 : vector<16xf32>
        %add3A_987 = arith.addf %add3A_975, %mul3A_986 : vector<16xf32>
        %and3A_988 = arith.constant -65536 : i32
        %and3A_989 = vector.broadcast %and3A_988 : i32 to vector<16xi32>
        %and3A_990 = arith.andi %get3A_947, %and3A_989 : vector<16xi32>
        %bitcast_convert_type3A_991 = tpu.bitcast %and3A_990 : vector<16xi32> -> vector<16xf32>
        %mul3A_992 = arith.mulf %bitcast_convert_type3A_991, %gather3A_411 : vector<16xf32>
        %add3A_993 = arith.addf %add3A_981, %mul3A_992 : vector<16xf32>
        %bitcast_convert_type3A_994 = tpu.bitcast %add3A_987 : vector<16xf32> -> vector<16xi32>
        %shift_right_logical3A_995 = arith.constant 16 : i32
        %shift_right_logical3A_996 = vector.broadcast %shift_right_logical3A_995 : i32 to vector<16xi32>
        %shift_right_logical3A_997 = arith.shrui %bitcast_convert_type3A_994, %shift_right_logical3A_996 : vector<16xi32>
        %bitcast_convert_type3A_998 = tpu.bitcast %add3A_993 : vector<16xf32> -> vector<16xi32>
        %and3A_999 = arith.constant -65536 : i32
        %and3A_1000 = vector.broadcast %and3A_999 : i32 to vector<16xi32>
        %and3A_1001 = arith.andi %bitcast_convert_type3A_998, %and3A_1000 : vector<16xi32>
        %or3A_1002 = arith.ori %shift_right_logical3A_997, %and3A_1001 : vector<16xi32>
        %swap3A_1003 = arith.constant 1 : i32
        %swap3A_1004 = arith.index_cast %swap3A_1003 : i32 to index
        %swap3A_1005 = arith.index_cast %scan3A_371 : i32 to index
        %swap3A_1006 = arith.constant 96 : index
        %swap3A_1007 = tpu.vector_load %arg9[%swap3A_1004, %swap3A_1005, %swap3A_1006] {strides = array<i32>} : memref<2x16x128xi32, #tpu.memory_space<vmem>>, vector<1x1x16xi32>,
        %swap3A_1008 = vector.shape_cast %swap3A_1007 : vector<1x1x16xi32> to vector<16xi32>
        %swap3A_1009 = vector.shape_cast %or3A_1002 : vector<16xi32> to vector<1x1x16xi32>
        tpu.vector_store %arg9[%swap3A_1004, %swap3A_1005, %swap3A_1006], %swap3A_1009 {strides = array<i32>} : memref<2x16x128xi32, #tpu.memory_space<vmem>>, vector<1x1x16xi32>,
        %get3A_1010 = arith.constant 1 : i32
        %get3A_1011 = arith.index_cast %get3A_1010 : i32 to index
        %get3A_1012 = arith.index_cast %scan3A_371 : i32 to index
        %get3A_1013 = arith.constant 112 : index
        %get3A_1014 = tpu.vector_load %arg8[%get3A_1011, %get3A_1012, %get3A_1013] {strides = array<i32>} : memref<2x32x256xi32, #tpu.memory_space<vmem>>, vector<1x1x16xi32>,
        %get3A_1015 = vector.shape_cast %get3A_1014 : vector<1x1x16xi32> to vector<16xi32>
        %get3A_1016 = arith.constant 1 : i32
        %get3A_1017 = arith.index_cast %get3A_1016 : i32 to index
        %get3A_1018 = arith.index_cast %scan3A_371 : i32 to index
        %get3A_1019 = arith.constant 240 : index
        %get3A_1020 = tpu.vector_load %arg8[%get3A_1017, %get3A_1018, %get3A_1019] {strides = array<i32>} : memref<2x32x256xi32, #tpu.memory_space<vmem>>, vector<1x1x16xi32>,
        %get3A_1021 = vector.shape_cast %get3A_1020 : vector<1x1x16xi32> to vector<16xi32>
        %get3A_1022 = arith.constant 1 : i32
        %get3A_1023 = arith.index_cast %get3A_1022 : i32 to index
        %get3A_1024 = arith.index_cast %add3A_413 : i32 to index
        %get3A_1025 = arith.constant 112 : index
        %get3A_1026 = tpu.vector_load %arg8[%get3A_1023, %get3A_1024, %get3A_1025] {strides = array<i32>} : memref<2x32x256xi32, #tpu.memory_space<vmem>>, vector<1x1x16xi32>,
        %get3A_1027 = vector.shape_cast %get3A_1026 : vector<1x1x16xi32> to vector<16xi32>
        %get3A_1028 = arith.constant 1 : i32
        %get3A_1029 = arith.index_cast %get3A_1028 : i32 to index
        %get3A_1030 = arith.index_cast %add3A_413 : i32 to index
        %get3A_1031 = arith.constant 240 : index
        %get3A_1032 = tpu.vector_load %arg8[%get3A_1029, %get3A_1030, %get3A_1031] {strides = array<i32>} : memref<2x32x256xi32, #tpu.memory_space<vmem>>, vector<1x1x16xi32>,
        %get3A_1033 = vector.shape_cast %get3A_1032 : vector<1x1x16xi32> to vector<16xi32>
        %shift_left3A_1034 = arith.constant 16 : i32
        %shift_left3A_1035 = vector.broadcast %shift_left3A_1034 : i32 to vector<16xi32>
        %shift_left3A_1036 = arith.shli %get3A_1015, %shift_left3A_1035 : vector<16xi32>
        %bitcast_convert_type3A_1037 = tpu.bitcast %shift_left3A_1036 : vector<16xi32> -> vector<16xf32>
        %mul3A_1038 = arith.mulf %bitcast_convert_type3A_1037, %gather3A_381 : vector<16xf32>
        %and3A_1039 = arith.constant -65536 : i32
        %and3A_1040 = vector.broadcast %and3A_1039 : i32 to vector<16xi32>
        %and3A_1041 = arith.andi %get3A_1015, %and3A_1040 : vector<16xi32>
        %bitcast_convert_type3A_1042 = tpu.bitcast %and3A_1041 : vector<16xi32> -> vector<16xf32>
        %mul3A_1043 = arith.mulf %bitcast_convert_type3A_1042, %gather3A_381 : vector<16xf32>
        %shift_left3A_1044 = arith.constant 16 : i32
        %shift_left3A_1045 = vector.broadcast %shift_left3A_1044 : i32 to vector<16xi32>
        %shift_left3A_1046 = arith.shli %get3A_1021, %shift_left3A_1045 : vector<16xi32>
        %bitcast_convert_type3A_1047 = tpu.bitcast %shift_left3A_1046 : vector<16xi32> -> vector<16xf32>
        %mul3A_1048 = arith.mulf %bitcast_convert_type3A_1047, %gather3A_391 : vector<16xf32>
        %add3A_1049 = arith.addf %mul3A_1038, %mul3A_1048 : vector<16xf32>
        %and3A_1050 = arith.constant -65536 : i32
        %and3A_1051 = vector.broadcast %and3A_1050 : i32 to vector<16xi32>
        %and3A_1052 = arith.andi %get3A_1021, %and3A_1051 : vector<16xi32>
        %bitcast_convert_type3A_1053 = tpu.bitcast %and3A_1052 : vector<16xi32> -> vector<16xf32>
        %mul3A_1054 = arith.mulf %bitcast_convert_type3A_1053, %gather3A_391 : vector<16xf32>
        %add3A_1055 = arith.addf %mul3A_1043, %mul3A_1054 : vector<16xf32>
        %shift_left3A_1056 = arith.constant 16 : i32
        %shift_left3A_1057 = vector.broadcast %shift_left3A_1056 : i32 to vector<16xi32>
        %shift_left3A_1058 = arith.shli %get3A_1027, %shift_left3A_1057 : vector<16xi32>
        %bitcast_convert_type3A_1059 = tpu.bitcast %shift_left3A_1058 : vector<16xi32> -> vector<16xf32>
        %mul3A_1060 = arith.mulf %bitcast_convert_type3A_1059, %gather3A_401 : vector<16xf32>
        %add3A_1061 = arith.addf %add3A_1049, %mul3A_1060 : vector<16xf32>
        %and3A_1062 = arith.constant -65536 : i32
        %and3A_1063 = vector.broadcast %and3A_1062 : i32 to vector<16xi32>
        %and3A_1064 = arith.andi %get3A_1027, %and3A_1063 : vector<16xi32>
        %bitcast_convert_type3A_1065 = tpu.bitcast %and3A_1064 : vector<16xi32> -> vector<16xf32>
        %mul3A_1066 = arith.mulf %bitcast_convert_type3A_1065, %gather3A_401 : vector<16xf32>
        %add3A_1067 = arith.addf %add3A_1055, %mul3A_1066 : vector<16xf32>
        %shift_left3A_1068 = arith.constant 16 : i32
        %shift_left3A_1069 = vector.broadcast %shift_left3A_1068 : i32 to vector<16xi32>
        %shift_left3A_1070 = arith.shli %get3A_1033, %shift_left3A_1069 : vector<16xi32>
        %bitcast_convert_type3A_1071 = tpu.bitcast %shift_left3A_1070 : vector<16xi32> -> vector<16xf32>
        %mul3A_1072 = arith.mulf %bitcast_convert_type3A_1071, %gather3A_411 : vector<16xf32>
        %add3A_1073 = arith.addf %add3A_1061, %mul3A_1072 : vector<16xf32>
        %and3A_1074 = arith.constant -65536 : i32
        %and3A_1075 = vector.broadcast %and3A_1074 : i32 to vector<16xi32>
        %and3A_1076 = arith.andi %get3A_1033, %and3A_1075 : vector<16xi32>
        %bitcast_convert_type3A_1077 = tpu.bitcast %and3A_1076 : vector<16xi32> -> vector<16xf32>
        %mul3A_1078 = arith.mulf %bitcast_convert_type3A_1077, %gather3A_411 : vector<16xf32>
        %add3A_1079 = arith.addf %add3A_1067, %mul3A_1078 : vector<16xf32>
        %bitcast_convert_type3A_1080 = tpu.bitcast %add3A_1073 : vector<16xf32> -> vector<16xi32>
        %shift_right_logical3A_1081 = arith.constant 16 : i32
        %shift_right_logical3A_1082 = vector.broadcast %shift_right_logical3A_1081 : i32 to vector<16xi32>
        %shift_right_logical3A_1083 = arith.shrui %bitcast_convert_type3A_1080, %shift_right_logical3A_1082 : vector<16xi32>
        %bitcast_convert_type3A_1084 = tpu.bitcast %add3A_1079 : vector<16xf32> -> vector<16xi32>
        %and3A_1085 = arith.constant -65536 : i32
        %and3A_1086 = vector.broadcast %and3A_1085 : i32 to vector<16xi32>
        %and3A_1087 = arith.andi %bitcast_convert_type3A_1084, %and3A_1086 : vector<16xi32>
        %or3A_1088 = arith.ori %shift_right_logical3A_1083, %and3A_1087 : vector<16xi32>
        %swap3A_1089 = arith.constant 1 : i32
        %swap3A_1090 = arith.index_cast %swap3A_1089 : i32 to index
        %swap3A_1091 = arith.index_cast %scan3A_371 : i32 to index
        %swap3A_1092 = arith.constant 112 : index
        %swap3A_1093 = tpu.vector_load %arg9[%swap3A_1090, %swap3A_1091, %swap3A_1092] {strides = array<i32>} : memref<2x16x128xi32, #tpu.memory_space<vmem>>, vector<1x1x16xi32>,
        %swap3A_1094 = vector.shape_cast %swap3A_1093 : vector<1x1x16xi32> to vector<16xi32>
        %swap3A_1095 = vector.shape_cast %or3A_1088 : vector<16xi32> to vector<1x1x16xi32>
        tpu.vector_store %arg9[%swap3A_1090, %swap3A_1091, %swap3A_1092], %swap3A_1095 {strides = array<i32>} : memref<2x16x128xi32, #tpu.memory_space<vmem>>, vector<1x1x16xi32>,
      }
      %scan3A_354 = arith.constant 16 : i32
      %mul3A_355 = arith.constant 16 : i32
      %mul3A_356 = arith.muli %add3A_307, %mul3A_355 : i32
      %add3A_357 = arith.addi %mul3A_2, %mul3A_356 : i32
      %dma_start3A_358 = arith.constant 1 : i32
      %dma_start3A_359 = arith.constant 0 : i32
      %dma_start3A_360 = arith.constant 0 : i32
      %dma_start3A_361 = tpu.memref_slice %arg9[%dma_start3A_358, %dma_start3A_359, %dma_start3A_360] : memref<2x16x128xi32, #tpu.memory_space<vmem>> -> memref<1x16x128xi32, #tpu.memory_space<vmem>>
      %dma_start3A_362 = tpu.memref_squeeze %dma_start3A_361 : memref<1x16x128xi32, #tpu.memory_space<vmem>> -> memref<16x128xi32, #tpu.memory_space<vmem>>
      %dma_start3A_363 = arith.constant 0 : i32
      %dma_start3A_364 = tpu.memref_slice %arg5[%add3A_357, %dma_start3A_363] : memref<50176x128xi32, #tpu.memory_space<hbm>> -> memref<16x128xi32, #tpu.memory_space<hbm>>
      %dma_start3A_365 = arith.constant 0 : i32
      %dma_start3A_366 = tpu.memref_slice %arg5[%add3A_357, %dma_start3A_365] : memref<50176x128xi32, #tpu.memory_space<hbm>> -> memref<16x128xi32, #tpu.memory_space<hbm>>
      %dma_start3A_367 = arith.constant 0 : i32
      %dma_start3A_368 = arith.constant 0 : i32
      %dma_start3A_369 = tpu.memref_slice %arg9[%dma_start3A_358, %dma_start3A_367, %dma_start3A_368] : memref<2x16x128xi32, #tpu.memory_space<vmem>> -> memref<1x16x128xi32, #tpu.memory_space<vmem>>
      %dma_start3A_370 = tpu.memref_squeeze %dma_start3A_369 : memref<1x16x128xi32, #tpu.memory_space<vmem>> -> memref<16x128xi32, #tpu.memory_space<vmem>>
      tpu.enqueue_dma source(%dma_start3A_370 : memref<16x128xi32, #tpu.memory_space<vmem>>) target(%dma_start3A_366 : memref<16x128xi32, #tpu.memory_space<hbm>>) target_semaphore(%arg13 : memref<!tpu.dma_semaphore, #tpu.memory_space<semaphore_mem>>)
    }
    %scan3A_19 = arith.constant 48 : i32
    %dma_start3A_20 = arith.constant 97 : i32
    %dma_start3A_21 = arith.constant 0 : i32
    %dma_start3A_22 = arith.constant 1 : i32
    %dma_start3A_23 = arith.constant 0 : i32
    %dma_start3A_24 = arith.constant 0 : i32
    %dma_start3A_25 = tpu.memref_slice %arg8[%dma_start3A_22, %dma_start3A_23, %dma_start3A_24] : memref<2x32x256xi32, #tpu.memory_space<vmem>> -> memref<1x32x256xi32, #tpu.memory_space<vmem>>
    %dma_start3A_26 = tpu.memref_squeeze %dma_start3A_25 : memref<1x32x256xi32, #tpu.memory_space<vmem>> -> memref<32x256xi32, #tpu.memory_space<vmem>>
    %dma_start3A_27 = arith.constant 0 : i32
    %dma_start3A_28 = tpu.memref_slice %arg6[%dma_start3A_20, %dma_start3A_21, %dma_start3A_27] : memref<98x1x32xi32, #tpu.memory_space<vmem>> -> memref<1x1x32xi32, #tpu.memory_space<vmem>>
    %dma_start3A_29 = tpu.memref_squeeze %dma_start3A_28 : memref<1x1x32xi32, #tpu.memory_space<vmem>> -> memref<32xi32, #tpu.memory_space<vmem>>
    %dma_start3A_30 = arith.constant 0 : i32
    %dma_start3A_31 = arith.constant 0 : i32
    %dma_start3A_32 = tpu.memref_slice %arg2[%dma_start3A_30, %dma_start3A_31] : memref<32767x256xi32, #tpu.memory_space<hbm>> -> memref<32767x256xi32, #tpu.memory_space<hbm>>
    tpu.enqueue_indirect_dma source(%dma_start3A_32 : memref<32767x256xi32, #tpu.memory_space<hbm>>) target(%dma_start3A_26 : memref<32x256xi32, #tpu.memory_space<vmem>>) offsets(%dma_start3A_29 : memref<32xi32, #tpu.memory_space<vmem>>) semaphore(%arg11 : memref<!tpu.dma_semaphore, #tpu.memory_space<semaphore_mem>>)
    %dma_wait3A = arith.constant 96 : i32
    %dma_wait3A_33 = arith.constant 0 : i32
    %dma_wait3A_34 = arith.constant 0 : i32
    %dma_wait3A_35 = arith.constant 0 : i32
    %dma_wait3A_36 = arith.constant 0 : i32
    %dma_wait3A_37 = tpu.memref_slice %arg8[%dma_wait3A_34, %dma_wait3A_35, %dma_wait3A_36] : memref<2x32x256xi32, #tpu.memory_space<vmem>> -> memref<1x32x256xi32, #tpu.memory_space<vmem>>
    %dma_wait3A_38 = tpu.memref_squeeze %dma_wait3A_37 : memref<1x32x256xi32, #tpu.memory_space<vmem>> -> memref<32x256xi32, #tpu.memory_space<vmem>>
    %dma_wait3A_39 = arith.constant 0 : i32
    %dma_wait3A_40 = tpu.memref_slice %arg6[%dma_wait3A, %dma_wait3A_33, %dma_wait3A_39] : memref<98x1x32xi32, #tpu.memory_space<vmem>> -> memref<1x1x32xi32, #tpu.memory_space<vmem>>
    %dma_wait3A_41 = tpu.memref_squeeze %dma_wait3A_40 : memref<1x1x32xi32, #tpu.memory_space<vmem>> -> memref<32xi32, #tpu.memory_space<vmem>>
    %dma_wait3A_42 = arith.constant 0 : i32
    %dma_wait3A_43 = arith.constant 0 : i32
    %dma_wait3A_44 = tpu.memref_slice %arg2[%dma_wait3A_42, %dma_wait3A_43] : memref<32767x256xi32, #tpu.memory_space<hbm>> -> memref<32767x256xi32, #tpu.memory_space<hbm>>
    tpu.wait_indirect_dma semaphore(%arg10 : memref<!tpu.dma_semaphore, #tpu.memory_space<semaphore_mem>>) src(%dma_wait3A_44 : memref<32767x256xi32, #tpu.memory_space<hbm>>) dst(%dma_wait3A_38 : memref<32x256xi32, #tpu.memory_space<vmem>>)
    %dma_wait3A_45 = arith.constant 0 : i32
    %dma_wait3A_46 = arith.constant 0 : i32
    %dma_wait3A_47 = arith.constant 0 : i32
    %dma_wait3A_48 = tpu.memref_slice %arg9[%dma_wait3A_45, %dma_wait3A_46, %dma_wait3A_47] : memref<2x16x128xi32, #tpu.memory_space<vmem>> -> memref<1x16x128xi32, #tpu.memory_space<vmem>>
    %dma_wait3A_49 = tpu.memref_squeeze %dma_wait3A_48 : memref<1x16x128xi32, #tpu.memory_space<vmem>> -> memref<16x128xi32, #tpu.memory_space<vmem>>
    %dma_wait3A_50 = arith.constant 0 : i32
    %dma_wait3A_51 = arith.constant 0 : i32
    %dma_wait3A_52 = tpu.memref_slice %arg5[%dma_wait3A_50, %dma_wait3A_51] : memref<50176x128xi32, #tpu.memory_space<hbm>> -> memref<16x128xi32, #tpu.memory_space<hbm>>
    %dma_wait3A_53 = arith.constant 0 : i32
    %dma_wait3A_54 = arith.constant 0 : i32
    %dma_wait3A_55 = tpu.memref_slice %arg5[%dma_wait3A_53, %dma_wait3A_54] : memref<50176x128xi32, #tpu.memory_space<hbm>> -> memref<16x128xi32, #tpu.memory_space<hbm>>
    %dma_wait3A_56 = arith.constant 0 : i32
    %dma_wait3A_57 = arith.constant 0 : i32
    %dma_wait3A_58 = tpu.memref_slice %arg9[%dma_wait3A_45, %dma_wait3A_56, %dma_wait3A_57] : memref<2x16x128xi32, #tpu.memory_space<vmem>> -> memref<1x16x128xi32, #tpu.memory_space<vmem>>
    %dma_wait3A_59 = tpu.memref_squeeze %dma_wait3A_58 : memref<1x16x128xi32, #tpu.memory_space<vmem>> -> memref<16x128xi32, #tpu.memory_space<vmem>>
    tpu.wait_dma2 semaphore(%arg12 : memref<!tpu.dma_semaphore, #tpu.memory_space<semaphore_mem>>) src(%dma_wait3A_59 : memref<16x128xi32, #tpu.memory_space<vmem>>) dst(%dma_wait3A_55 : memref<16x128xi32, #tpu.memory_space<hbm>>)
    %get3A = arith.constant 96 : i32
    %get3A_60 = arith.constant 0 : i32
    %get3A_61 = arith.index_cast %get3A : i32 to index
    %get3A_62 = arith.index_cast %get3A_60 : i32 to index
    %get3A_63 = arith.constant 0 : index
    %get3A_64 = tpu.vector_load %arg7[%get3A_61, %get3A_62, %get3A_63] {strides = array<i32>} : memref<98x1x64xf32, #tpu.memory_space<vmem>>, vector<1x1x16xf32>,
    %get3A_65 = vector.shape_cast %get3A_64 : vector<1x1x16xf32> to vector<16xf32>
    %get3A_66 = arith.constant 96 : i32
    %get3A_67 = arith.constant 0 : i32
    %get3A_68 = arith.index_cast %get3A_66 : i32 to index
    %get3A_69 = arith.index_cast %get3A_67 : i32 to index
    %get3A_70 = arith.constant 16 : index
    %get3A_71 = tpu.vector_load %arg7[%get3A_68, %get3A_69, %get3A_70] {strides = array<i32>} : memref<98x1x64xf32, #tpu.memory_space<vmem>>, vector<1x1x16xf32>,
    %get3A_72 = vector.shape_cast %get3A_71 : vector<1x1x16xf32> to vector<16xf32>
    %get3A_73 = arith.constant 96 : i32
    %get3A_74 = arith.constant 0 : i32
    %get3A_75 = arith.index_cast %get3A_73 : i32 to index
    %get3A_76 = arith.index_cast %get3A_74 : i32 to index
    %get3A_77 = arith.constant 32 : index
    %get3A_78 = tpu.vector_load %arg7[%get3A_75, %get3A_76, %get3A_77] {strides = array<i32>} : memref<98x1x64xf32, #tpu.memory_space<vmem>>, vector<1x1x16xf32>,
    %get3A_79 = vector.shape_cast %get3A_78 : vector<1x1x16xf32> to vector<16xf32>
    %get3A_80 = arith.constant 96 : i32
    %get3A_81 = arith.constant 0 : i32
    %get3A_82 = arith.index_cast %get3A_80 : i32 to index
    %get3A_83 = arith.index_cast %get3A_81 : i32 to index
    %get3A_84 = arith.constant 48 : index
    %get3A_85 = tpu.vector_load %arg7[%get3A_82, %get3A_83, %get3A_84] {strides = array<i32>} : memref<98x1x64xf32, #tpu.memory_space<vmem>>, vector<1x1x16xf32>,
    %get3A_86 = vector.shape_cast %get3A_85 : vector<1x1x16xf32> to vector<16xf32>
    %scan3A_87 = arith.constant 0 : i32
    %scan3A_88 = arith.constant 0 : i32
    %scan3A_89 = arith.constant 16 : i32
    %scan3A_90 = arith.addi %scan3A_88, %scan3A_89 : i32
    %scan3A_91 = arith.constant 1 : i32
    scf.for %scan3A_215 = %scan3A_88 to %scan3A_90 step %scan3A_91  : i32 {
      %broadcast_in_dim3A = arith.constant 0 : i32
      %broadcast_in_dim3A_216 = vector.broadcast %broadcast_in_dim3A : i32 to vector<16xi32>
      %add3A_217 = vector.broadcast %scan3A_215 : i32 to vector<16xi32>
      %add3A_218 = arith.addi %broadcast_in_dim3A_216, %add3A_217 : vector<16xi32>
      %lt3A = arith.constant 0 : i32
      %lt3A_219 = vector.broadcast %lt3A : i32 to vector<16xi32>
      %lt3A_220 = arith.cmpi slt, %add3A_218, %lt3A_219 : vector<16xi32>
      %add3A_221 = arith.constant 16 : i32
      %add3A_222 = vector.broadcast %add3A_221 : i32 to vector<16xi32>
      %add3A_223 = arith.addi %add3A_218, %add3A_222 : vector<16xi32>
      %select_n3A = arith.select %lt3A_220, %add3A_223, %add3A_218 : vector<16xi1>, vector<16xi32>
      %broadcast_in_dim3A_224 = vector.shape_cast %select_n3A : vector<16xi32> to vector<16x1xi32>
      %gather3A = vector.shape_cast %broadcast_in_dim3A_224 : vector<16x1xi32> to vector<16xi32>
      %gather3A_225 = tpu.dynamic_gather %get3A_65[%gather3A] in [0] : vector<16xf32>, vector<16xi32> -> vector<16xf32>
      %lt3A_226 = arith.constant 0 : i32
      %lt3A_227 = vector.broadcast %lt3A_226 : i32 to vector<16xi32>
      %lt3A_228 = arith.cmpi slt, %add3A_218, %lt3A_227 : vector<16xi32>
      %add3A_229 = arith.constant 16 : i32
      %add3A_230 = vector.broadcast %add3A_229 : i32 to vector<16xi32>
      %add3A_231 = arith.addi %add3A_218, %add3A_230 : vector<16xi32>
      %select_n3A_232 = arith.select %lt3A_228, %add3A_231, %add3A_218 : vector<16xi1>, vector<16xi32>
      %broadcast_in_dim3A_233 = vector.shape_cast %select_n3A_232 : vector<16xi32> to vector<16x1xi32>
      %gather3A_234 = vector.shape_cast %broadcast_in_dim3A_233 : vector<16x1xi32> to vector<16xi32>
      %gather3A_235 = tpu.dynamic_gather %get3A_72[%gather3A_234] in [0] : vector<16xf32>, vector<16xi32> -> vector<16xf32>
      %lt3A_236 = arith.constant 0 : i32
      %lt3A_237 = vector.broadcast %lt3A_236 : i32 to vector<16xi32>
      %lt3A_238 = arith.cmpi slt, %add3A_218, %lt3A_237 : vector<16xi32>
      %add3A_239 = arith.constant 16 : i32
      %add3A_240 = vector.broadcast %add3A_239 : i32 to vector<16xi32>
      %add3A_241 = arith.addi %add3A_218, %add3A_240 : vector<16xi32>
      %select_n3A_242 = arith.select %lt3A_238, %add3A_241, %add3A_218 : vector<16xi1>, vector<16xi32>
      %broadcast_in_dim3A_243 = vector.shape_cast %select_n3A_242 : vector<16xi32> to vector<16x1xi32>
      %gather3A_244 = vector.shape_cast %broadcast_in_dim3A_243 : vector<16x1xi32> to vector<16xi32>
      %gather3A_245 = tpu.dynamic_gather %get3A_79[%gather3A_244] in [0] : vector<16xf32>, vector<16xi32> -> vector<16xf32>
      %lt3A_246 = arith.constant 0 : i32
      %lt3A_247 = vector.broadcast %lt3A_246 : i32 to vector<16xi32>
      %lt3A_248 = arith.cmpi slt, %add3A_218, %lt3A_247 : vector<16xi32>
      %add3A_249 = arith.constant 16 : i32
      %add3A_250 = vector.broadcast %add3A_249 : i32 to vector<16xi32>
      %add3A_251 = arith.addi %add3A_218, %add3A_250 : vector<16xi32>
      %select_n3A_252 = arith.select %lt3A_248, %add3A_251, %add3A_218 : vector<16xi1>, vector<16xi32>
      %broadcast_in_dim3A_253 = vector.shape_cast %select_n3A_252 : vector<16xi32> to vector<16x1xi32>
      %gather3A_254 = vector.shape_cast %broadcast_in_dim3A_253 : vector<16x1xi32> to vector<16xi32>
      %gather3A_255 = tpu.dynamic_gather %get3A_86[%gather3A_254] in [0] : vector<16xf32>, vector<16xi32> -> vector<16xf32>
      %add3A_256 = arith.constant 16 : i32
      %add3A_257 = arith.addi %add3A_256, %scan3A_215 : i32
      %get3A_258 = arith.constant 0 : i32
      %get3A_259 = arith.index_cast %get3A_258 : i32 to index
      %get3A_260 = arith.index_cast %scan3A_215 : i32 to index
      %get3A_261 = arith.constant 0 : index
      %get3A_262 = tpu.vector_load %arg8[%get3A_259, %get3A_260, %get3A_261] {strides = array<i32>} : memref<2x32x256xi32, #tpu.memory_space<vmem>>, vector<1x1x16xi32>,
      %get3A_263 = vector.shape_cast %get3A_262 : vector<1x1x16xi32> to vector<16xi32>
      %get3A_264 = arith.constant 0 : i32
      %get3A_265 = arith.index_cast %get3A_264 : i32 to index
      %get3A_266 = arith.index_cast %scan3A_215 : i32 to index
      %get3A_267 = arith.constant 128 : index
      %get3A_268 = tpu.vector_load %arg8[%get3A_265, %get3A_266, %get3A_267] {strides = array<i32>} : memref<2x32x256xi32, #tpu.memory_space<vmem>>, vector<1x1x16xi32>,
      %get3A_269 = vector.shape_cast %get3A_268 : vector<1x1x16xi32> to vector<16xi32>
      %get3A_270 = arith.constant 0 : i32
      %get3A_271 = arith.index_cast %get3A_270 : i32 to index
      %get3A_272 = arith.index_cast %add3A_257 : i32 to index
      %get3A_273 = arith.constant 0 : index
      %get3A_274 = tpu.vector_load %arg8[%get3A_271, %get3A_272, %get3A_273] {strides = array<i32>} : memref<2x32x256xi32, #tpu.memory_space<vmem>>, vector<1x1x16xi32>,
      %get3A_275 = vector.shape_cast %get3A_274 : vector<1x1x16xi32> to vector<16xi32>
      %get3A_276 = arith.constant 0 : i32
      %get3A_277 = arith.index_cast %get3A_276 : i32 to index
      %get3A_278 = arith.index_cast %add3A_257 : i32 to index
      %get3A_279 = arith.constant 128 : index
      %get3A_280 = tpu.vector_load %arg8[%get3A_277, %get3A_278, %get3A_279] {strides = array<i32>} : memref<2x32x256xi32, #tpu.memory_space<vmem>>, vector<1x1x16xi32>,
      %get3A_281 = vector.shape_cast %get3A_280 : vector<1x1x16xi32> to vector<16xi32>
      %shift_left3A = arith.constant 16 : i32
      %shift_left3A_282 = vector.broadcast %shift_left3A : i32 to vector<16xi32>
      %shift_left3A_283 = arith.shli %get3A_263, %shift_left3A_282 : vector<16xi32>
      %bitcast_convert_type3A = tpu.bitcast %shift_left3A_283 : vector<16xi32> -> vector<16xf32>
      %mul3A_284 = arith.mulf %bitcast_convert_type3A, %gather3A_225 : vector<16xf32>
      %and3A = arith.constant -65536 : i32
      %and3A_285 = vector.broadcast %and3A : i32 to vector<16xi32>
      %and3A_286 = arith.andi %get3A_263, %and3A_285 : vector<16xi32>
      %bitcast_convert_type3A_287 = tpu.bitcast %and3A_286 : vector<16xi32> -> vector<16xf32>
      %mul3A_288 = arith.mulf %bitcast_convert_type3A_287, %gather3A_225 : vector<16xf32>
      %shift_left3A_289 = arith.constant 16 : i32
      %shift_left3A_290 = vector.broadcast %shift_left3A_289 : i32 to vector<16xi32>
      %shift_left3A_291 = arith.shli %get3A_269, %shift_left3A_290 : vector<16xi32>
      %bitcast_convert_type3A_292 = tpu.bitcast %shift_left3A_291 : vector<16xi32> -> vector<16xf32>
      %mul3A_293 = arith.mulf %bitcast_convert_type3A_292, %gather3A_235 : vector<16xf32>
      %add3A_294 = arith.addf %mul3A_284, %mul3A_293 : vector<16xf32>
      %and3A_295 = arith.constant -65536 : i32
      %and3A_296 = vector.broadcast %and3A_295 : i32 to vector<16xi32>
      %and3A_297 = arith.andi %get3A_269, %and3A_296 : vector<16xi32>
      %bitcast_convert_type3A_298 = tpu.bitcast %and3A_297 : vector<16xi32> -> vector<16xf32>
      %mul3A_299 = arith.mulf %bitcast_convert_type3A_298, %gather3A_235 : vector<16xf32>
      %add3A_300 = arith.addf %mul3A_288, %mul3A_299 : vector<16xf32>
      %shift_left3A_301 = arith.constant 16 : i32
      %shift_left3A_302 = vector.broadcast %shift_left3A_301 : i32 to vector<16xi32>
      %shift_left3A_303 = arith.shli %get3A_275, %shift_left3A_302 : vector<16xi32>
      %bitcast_convert_type3A_304 = tpu.bitcast %shift_left3A_303 : vector<16xi32> -> vector<16xf32>
      %mul3A_305 = arith.mulf %bitcast_convert_type3A_304, %gather3A_245 : vector<16xf32>
      %add3A_306 = arith.addf %add3A_294, %mul3A_305 : vector<16xf32>
      %and3A_307 = arith.constant -65536 : i32
      %and3A_308 = vector.broadcast %and3A_307 : i32 to vector<16xi32>
      %and3A_309 = arith.andi %get3A_275, %and3A_308 : vector<16xi32>
      %bitcast_convert_type3A_310 = tpu.bitcast %and3A_309 : vector<16xi32> -> vector<16xf32>
      %mul3A_311 = arith.mulf %bitcast_convert_type3A_310, %gather3A_245 : vector<16xf32>
      %add3A_312 = arith.addf %add3A_300, %mul3A_311 : vector<16xf32>
      %shift_left3A_313 = arith.constant 16 : i32
      %shift_left3A_314 = vector.broadcast %shift_left3A_313 : i32 to vector<16xi32>
      %shift_left3A_315 = arith.shli %get3A_281, %shift_left3A_314 : vector<16xi32>
      %bitcast_convert_type3A_316 = tpu.bitcast %shift_left3A_315 : vector<16xi32> -> vector<16xf32>
      %mul3A_317 = arith.mulf %bitcast_convert_type3A_316, %gather3A_255 : vector<16xf32>
      %add3A_318 = arith.addf %add3A_306, %mul3A_317 : vector<16xf32>
      %and3A_319 = arith.constant -65536 : i32
      %and3A_320 = vector.broadcast %and3A_319 : i32 to vector<16xi32>
      %and3A_321 = arith.andi %get3A_281, %and3A_320 : vector<16xi32>
      %bitcast_convert_type3A_322 = tpu.bitcast %and3A_321 : vector<16xi32> -> vector<16xf32>
      %mul3A_323 = arith.mulf %bitcast_convert_type3A_322, %gather3A_255 : vector<16xf32>
      %add3A_324 = arith.addf %add3A_312, %mul3A_323 : vector<16xf32>
      %bitcast_convert_type3A_325 = tpu.bitcast %add3A_318 : vector<16xf32> -> vector<16xi32>
      %shift_right_logical3A = arith.constant 16 : i32
      %shift_right_logical3A_326 = vector.broadcast %shift_right_logical3A : i32 to vector<16xi32>
      %shift_right_logical3A_327 = arith.shrui %bitcast_convert_type3A_325, %shift_right_logical3A_326 : vector<16xi32>
      %bitcast_convert_type3A_328 = tpu.bitcast %add3A_324 : vector<16xf32> -> vector<16xi32>
      %and3A_329 = arith.constant -65536 : i32
      %and3A_330 = vector.broadcast %and3A_329 : i32 to vector<16xi32>
      %and3A_331 = arith.andi %bitcast_convert_type3A_328, %and3A_330 : vector<16xi32>
      %or3A = arith.ori %shift_right_logical3A_327, %and3A_331 : vector<16xi32>
      %swap3A = arith.constant 0 : i32
      %swap3A_332 = arith.index_cast %swap3A : i32 to index
      %swap3A_333 = arith.index_cast %scan3A_215 : i32 to index
      %swap3A_334 = arith.constant 0 : index
      %swap3A_335 = tpu.vector_load %arg9[%swap3A_332, %swap3A_333, %swap3A_334] {strides = array<i32>} : memref<2x16x128xi32, #tpu.memory_space<vmem>>, vector<1x1x16xi32>,
      %swap3A_336 = vector.shape_cast %swap3A_335 : vector<1x1x16xi32> to vector<16xi32>
      %swap3A_337 = vector.shape_cast %or3A : vector<16xi32> to vector<1x1x16xi32>
      tpu.vector_store %arg9[%swap3A_332, %swap3A_333, %swap3A_334], %swap3A_337 {strides = array<i32>} : memref<2x16x128xi32, #tpu.memory_space<vmem>>, vector<1x1x16xi32>,
      %get3A_338 = arith.constant 0 : i32
      %get3A_339 = arith.index_cast %get3A_338 : i32 to index
      %get3A_340 = arith.index_cast %scan3A_215 : i32 to index
      %get3A_341 = arith.constant 16 : index
      %get3A_342 = tpu.vector_load %arg8[%get3A_339, %get3A_340, %get3A_341] {strides = array<i32>} : memref<2x32x256xi32, #tpu.memory_space<vmem>>, vector<1x1x16xi32>,
      %get3A_343 = vector.shape_cast %get3A_342 : vector<1x1x16xi32> to vector<16xi32>
      %get3A_344 = arith.constant 0 : i32
      %get3A_345 = arith.index_cast %get3A_344 : i32 to index
      %get3A_346 = arith.index_cast %scan3A_215 : i32 to index
      %get3A_347 = arith.constant 144 : index
      %get3A_348 = tpu.vector_load %arg8[%get3A_345, %get3A_346, %get3A_347] {strides = array<i32>} : memref<2x32x256xi32, #tpu.memory_space<vmem>>, vector<1x1x16xi32>,
      %get3A_349 = vector.shape_cast %get3A_348 : vector<1x1x16xi32> to vector<16xi32>
      %get3A_350 = arith.constant 0 : i32
      %get3A_351 = arith.index_cast %get3A_350 : i32 to index
      %get3A_352 = arith.index_cast %add3A_257 : i32 to index
      %get3A_353 = arith.constant 16 : index
      %get3A_354 = tpu.vector_load %arg8[%get3A_351, %get3A_352, %get3A_353] {strides = array<i32>} : memref<2x32x256xi32, #tpu.memory_space<vmem>>, vector<1x1x16xi32>,
      %get3A_355 = vector.shape_cast %get3A_354 : vector<1x1x16xi32> to vector<16xi32>
      %get3A_356 = arith.constant 0 : i32
      %get3A_357 = arith.index_cast %get3A_356 : i32 to index
      %get3A_358 = arith.index_cast %add3A_257 : i32 to index
      %get3A_359 = arith.constant 144 : index
      %get3A_360 = tpu.vector_load %arg8[%get3A_357, %get3A_358, %get3A_359] {strides = array<i32>} : memref<2x32x256xi32, #tpu.memory_space<vmem>>, vector<1x1x16xi32>,
      %get3A_361 = vector.shape_cast %get3A_360 : vector<1x1x16xi32> to vector<16xi32>
      %shift_left3A_362 = arith.constant 16 : i32
      %shift_left3A_363 = vector.broadcast %shift_left3A_362 : i32 to vector<16xi32>
      %shift_left3A_364 = arith.shli %get3A_343, %shift_left3A_363 : vector<16xi32>
      %bitcast_convert_type3A_365 = tpu.bitcast %shift_left3A_364 : vector<16xi32> -> vector<16xf32>
      %mul3A_366 = arith.mulf %bitcast_convert_type3A_365, %gather3A_225 : vector<16xf32>
      %and3A_367 = arith.constant -65536 : i32
      %and3A_368 = vector.broadcast %and3A_367 : i32 to vector<16xi32>
      %and3A_369 = arith.andi %get3A_343, %and3A_368 : vector<16xi32>
      %bitcast_convert_type3A_370 = tpu.bitcast %and3A_369 : vector<16xi32> -> vector<16xf32>
      %mul3A_371 = arith.mulf %bitcast_convert_type3A_370, %gather3A_225 : vector<16xf32>
      %shift_left3A_372 = arith.constant 16 : i32
      %shift_left3A_373 = vector.broadcast %shift_left3A_372 : i32 to vector<16xi32>
      %shift_left3A_374 = arith.shli %get3A_349, %shift_left3A_373 : vector<16xi32>
      %bitcast_convert_type3A_375 = tpu.bitcast %shift_left3A_374 : vector<16xi32> -> vector<16xf32>
      %mul3A_376 = arith.mulf %bitcast_convert_type3A_375, %gather3A_235 : vector<16xf32>
      %add3A_377 = arith.addf %mul3A_366, %mul3A_376 : vector<16xf32>
      %and3A_378 = arith.constant -65536 : i32
      %and3A_379 = vector.broadcast %and3A_378 : i32 to vector<16xi32>
      %and3A_380 = arith.andi %get3A_349, %and3A_379 : vector<16xi32>
      %bitcast_convert_type3A_381 = tpu.bitcast %and3A_380 : vector<16xi32> -> vector<16xf32>
      %mul3A_382 = arith.mulf %bitcast_convert_type3A_381, %gather3A_235 : vector<16xf32>
      %add3A_383 = arith.addf %mul3A_371, %mul3A_382 : vector<16xf32>
      %shift_left3A_384 = arith.constant 16 : i32
      %shift_left3A_385 = vector.broadcast %shift_left3A_384 : i32 to vector<16xi32>
      %shift_left3A_386 = arith.shli %get3A_355, %shift_left3A_385 : vector<16xi32>
      %bitcast_convert_type3A_387 = tpu.bitcast %shift_left3A_386 : vector<16xi32> -> vector<16xf32>
      %mul3A_388 = arith.mulf %bitcast_convert_type3A_387, %gather3A_245 : vector<16xf32>
      %add3A_389 = arith.addf %add3A_377, %mul3A_388 : vector<16xf32>
      %and3A_390 = arith.constant -65536 : i32
      %and3A_391 = vector.broadcast %and3A_390 : i32 to vector<16xi32>
      %and3A_392 = arith.andi %get3A_355, %and3A_391 : vector<16xi32>
      %bitcast_convert_type3A_393 = tpu.bitcast %and3A_392 : vector<16xi32> -> vector<16xf32>
      %mul3A_394 = arith.mulf %bitcast_convert_type3A_393, %gather3A_245 : vector<16xf32>
      %add3A_395 = arith.addf %add3A_383, %mul3A_394 : vector<16xf32>
      %shift_left3A_396 = arith.constant 16 : i32
      %shift_left3A_397 = vector.broadcast %shift_left3A_396 : i32 to vector<16xi32>
      %shift_left3A_398 = arith.shli %get3A_361, %shift_left3A_397 : vector<16xi32>
      %bitcast_convert_type3A_399 = tpu.bitcast %shift_left3A_398 : vector<16xi32> -> vector<16xf32>
      %mul3A_400 = arith.mulf %bitcast_convert_type3A_399, %gather3A_255 : vector<16xf32>
      %add3A_401 = arith.addf %add3A_389, %mul3A_400 : vector<16xf32>
      %and3A_402 = arith.constant -65536 : i32
      %and3A_403 = vector.broadcast %and3A_402 : i32 to vector<16xi32>
      %and3A_404 = arith.andi %get3A_361, %and3A_403 : vector<16xi32>
      %bitcast_convert_type3A_405 = tpu.bitcast %and3A_404 : vector<16xi32> -> vector<16xf32>
      %mul3A_406 = arith.mulf %bitcast_convert_type3A_405, %gather3A_255 : vector<16xf32>
      %add3A_407 = arith.addf %add3A_395, %mul3A_406 : vector<16xf32>
      %bitcast_convert_type3A_408 = tpu.bitcast %add3A_401 : vector<16xf32> -> vector<16xi32>
      %shift_right_logical3A_409 = arith.constant 16 : i32
      %shift_right_logical3A_410 = vector.broadcast %shift_right_logical3A_409 : i32 to vector<16xi32>
      %shift_right_logical3A_411 = arith.shrui %bitcast_convert_type3A_408, %shift_right_logical3A_410 : vector<16xi32>
      %bitcast_convert_type3A_412 = tpu.bitcast %add3A_407 : vector<16xf32> -> vector<16xi32>
      %and3A_413 = arith.constant -65536 : i32
      %and3A_414 = vector.broadcast %and3A_413 : i32 to vector<16xi32>
      %and3A_415 = arith.andi %bitcast_convert_type3A_412, %and3A_414 : vector<16xi32>
      %or3A_416 = arith.ori %shift_right_logical3A_411, %and3A_415 : vector<16xi32>
      %swap3A_417 = arith.constant 0 : i32
      %swap3A_418 = arith.index_cast %swap3A_417 : i32 to index
      %swap3A_419 = arith.index_cast %scan3A_215 : i32 to index
      %swap3A_420 = arith.constant 16 : index
      %swap3A_421 = tpu.vector_load %arg9[%swap3A_418, %swap3A_419, %swap3A_420] {strides = array<i32>} : memref<2x16x128xi32, #tpu.memory_space<vmem>>, vector<1x1x16xi32>,
      %swap3A_422 = vector.shape_cast %swap3A_421 : vector<1x1x16xi32> to vector<16xi32>
      %swap3A_423 = vector.shape_cast %or3A_416 : vector<16xi32> to vector<1x1x16xi32>
      tpu.vector_store %arg9[%swap3A_418, %swap3A_419, %swap3A_420], %swap3A_423 {strides = array<i32>} : memref<2x16x128xi32, #tpu.memory_space<vmem>>, vector<1x1x16xi32>,
      %get3A_424 = arith.constant 0 : i32
      %get3A_425 = arith.index_cast %get3A_424 : i32 to index
      %get3A_426 = arith.index_cast %scan3A_215 : i32 to index
      %get3A_427 = arith.constant 32 : index
      %get3A_428 = tpu.vector_load %arg8[%get3A_425, %get3A_426, %get3A_427] {strides = array<i32>} : memref<2x32x256xi32, #tpu.memory_space<vmem>>, vector<1x1x16xi32>,
      %get3A_429 = vector.shape_cast %get3A_428 : vector<1x1x16xi32> to vector<16xi32>
      %get3A_430 = arith.constant 0 : i32
      %get3A_431 = arith.index_cast %get3A_430 : i32 to index
      %get3A_432 = arith.index_cast %scan3A_215 : i32 to index
      %get3A_433 = arith.constant 160 : index
      %get3A_434 = tpu.vector_load %arg8[%get3A_431, %get3A_432, %get3A_433] {strides = array<i32>} : memref<2x32x256xi32, #tpu.memory_space<vmem>>, vector<1x1x16xi32>,
      %get3A_435 = vector.shape_cast %get3A_434 : vector<1x1x16xi32> to vector<16xi32>
      %get3A_436 = arith.constant 0 : i32
      %get3A_437 = arith.index_cast %get3A_436 : i32 to index
      %get3A_438 = arith.index_cast %add3A_257 : i32 to index
      %get3A_439 = arith.constant 32 : index
      %get3A_440 = tpu.vector_load %arg8[%get3A_437, %get3A_438, %get3A_439] {strides = array<i32>} : memref<2x32x256xi32, #tpu.memory_space<vmem>>, vector<1x1x16xi32>,
      %get3A_441 = vector.shape_cast %get3A_440 : vector<1x1x16xi32> to vector<16xi32>
      %get3A_442 = arith.constant 0 : i32
      %get3A_443 = arith.index_cast %get3A_442 : i32 to index
      %get3A_444 = arith.index_cast %add3A_257 : i32 to index
      %get3A_445 = arith.constant 160 : index
      %get3A_446 = tpu.vector_load %arg8[%get3A_443, %get3A_444, %get3A_445] {strides = array<i32>} : memref<2x32x256xi32, #tpu.memory_space<vmem>>, vector<1x1x16xi32>,
      %get3A_447 = vector.shape_cast %get3A_446 : vector<1x1x16xi32> to vector<16xi32>
      %shift_left3A_448 = arith.constant 16 : i32
      %shift_left3A_449 = vector.broadcast %shift_left3A_448 : i32 to vector<16xi32>
      %shift_left3A_450 = arith.shli %get3A_429, %shift_left3A_449 : vector<16xi32>
      %bitcast_convert_type3A_451 = tpu.bitcast %shift_left3A_450 : vector<16xi32> -> vector<16xf32>
      %mul3A_452 = arith.mulf %bitcast_convert_type3A_451, %gather3A_225 : vector<16xf32>
      %and3A_453 = arith.constant -65536 : i32
      %and3A_454 = vector.broadcast %and3A_453 : i32 to vector<16xi32>
      %and3A_455 = arith.andi %get3A_429, %and3A_454 : vector<16xi32>
      %bitcast_convert_type3A_456 = tpu.bitcast %and3A_455 : vector<16xi32> -> vector<16xf32>
      %mul3A_457 = arith.mulf %bitcast_convert_type3A_456, %gather3A_225 : vector<16xf32>
      %shift_left3A_458 = arith.constant 16 : i32
      %shift_left3A_459 = vector.broadcast %shift_left3A_458 : i32 to vector<16xi32>
      %shift_left3A_460 = arith.shli %get3A_435, %shift_left3A_459 : vector<16xi32>
      %bitcast_convert_type3A_461 = tpu.bitcast %shift_left3A_460 : vector<16xi32> -> vector<16xf32>
      %mul3A_462 = arith.mulf %bitcast_convert_type3A_461, %gather3A_235 : vector<16xf32>
      %add3A_463 = arith.addf %mul3A_452, %mul3A_462 : vector<16xf32>
      %and3A_464 = arith.constant -65536 : i32
      %and3A_465 = vector.broadcast %and3A_464 : i32 to vector<16xi32>
      %and3A_466 = arith.andi %get3A_435, %and3A_465 : vector<16xi32>
      %bitcast_convert_type3A_467 = tpu.bitcast %and3A_466 : vector<16xi32> -> vector<16xf32>
      %mul3A_468 = arith.mulf %bitcast_convert_type3A_467, %gather3A_235 : vector<16xf32>
      %add3A_469 = arith.addf %mul3A_457, %mul3A_468 : vector<16xf32>
      %shift_left3A_470 = arith.constant 16 : i32
      %shift_left3A_471 = vector.broadcast %shift_left3A_470 : i32 to vector<16xi32>
      %shift_left3A_472 = arith.shli %get3A_441, %shift_left3A_471 : vector<16xi32>
      %bitcast_convert_type3A_473 = tpu.bitcast %shift_left3A_472 : vector<16xi32> -> vector<16xf32>
      %mul3A_474 = arith.mulf %bitcast_convert_type3A_473, %gather3A_245 : vector<16xf32>
      %add3A_475 = arith.addf %add3A_463, %mul3A_474 : vector<16xf32>
      %and3A_476 = arith.constant -65536 : i32
      %and3A_477 = vector.broadcast %and3A_476 : i32 to vector<16xi32>
      %and3A_478 = arith.andi %get3A_441, %and3A_477 : vector<16xi32>
      %bitcast_convert_type3A_479 = tpu.bitcast %and3A_478 : vector<16xi32> -> vector<16xf32>
      %mul3A_480 = arith.mulf %bitcast_convert_type3A_479, %gather3A_245 : vector<16xf32>
      %add3A_481 = arith.addf %add3A_469, %mul3A_480 : vector<16xf32>
      %shift_left3A_482 = arith.constant 16 : i32
      %shift_left3A_483 = vector.broadcast %shift_left3A_482 : i32 to vector<16xi32>
      %shift_left3A_484 = arith.shli %get3A_447, %shift_left3A_483 : vector<16xi32>
      %bitcast_convert_type3A_485 = tpu.bitcast %shift_left3A_484 : vector<16xi32> -> vector<16xf32>
      %mul3A_486 = arith.mulf %bitcast_convert_type3A_485, %gather3A_255 : vector<16xf32>
      %add3A_487 = arith.addf %add3A_475, %mul3A_486 : vector<16xf32>
      %and3A_488 = arith.constant -65536 : i32
      %and3A_489 = vector.broadcast %and3A_488 : i32 to vector<16xi32>
      %and3A_490 = arith.andi %get3A_447, %and3A_489 : vector<16xi32>
      %bitcast_convert_type3A_491 = tpu.bitcast %and3A_490 : vector<16xi32> -> vector<16xf32>
      %mul3A_492 = arith.mulf %bitcast_convert_type3A_491, %gather3A_255 : vector<16xf32>
      %add3A_493 = arith.addf %add3A_481, %mul3A_492 : vector<16xf32>
      %bitcast_convert_type3A_494 = tpu.bitcast %add3A_487 : vector<16xf32> -> vector<16xi32>
      %shift_right_logical3A_495 = arith.constant 16 : i32
      %shift_right_logical3A_496 = vector.broadcast %shift_right_logical3A_495 : i32 to vector<16xi32>
      %shift_right_logical3A_497 = arith.shrui %bitcast_convert_type3A_494, %shift_right_logical3A_496 : vector<16xi32>
      %bitcast_convert_type3A_498 = tpu.bitcast %add3A_493 : vector<16xf32> -> vector<16xi32>
      %and3A_499 = arith.constant -65536 : i32
      %and3A_500 = vector.broadcast %and3A_499 : i32 to vector<16xi32>
      %and3A_501 = arith.andi %bitcast_convert_type3A_498, %and3A_500 : vector<16xi32>
      %or3A_502 = arith.ori %shift_right_logical3A_497, %and3A_501 : vector<16xi32>
      %swap3A_503 = arith.constant 0 : i32
      %swap3A_504 = arith.index_cast %swap3A_503 : i32 to index
      %swap3A_505 = arith.index_cast %scan3A_215 : i32 to index
      %swap3A_506 = arith.constant 32 : index
      %swap3A_507 = tpu.vector_load %arg9[%swap3A_504, %swap3A_505, %swap3A_506] {strides = array<i32>} : memref<2x16x128xi32, #tpu.memory_space<vmem>>, vector<1x1x16xi32>,
      %swap3A_508 = vector.shape_cast %swap3A_507 : vector<1x1x16xi32> to vector<16xi32>
      %swap3A_509 = vector.shape_cast %or3A_502 : vector<16xi32> to vector<1x1x16xi32>
      tpu.vector_store %arg9[%swap3A_504, %swap3A_505, %swap3A_506], %swap3A_509 {strides = array<i32>} : memref<2x16x128xi32, #tpu.memory_space<vmem>>, vector<1x1x16xi32>,
      %get3A_510 = arith.constant 0 : i32
      %get3A_511 = arith.index_cast %get3A_510 : i32 to index
      %get3A_512 = arith.index_cast %scan3A_215 : i32 to index
      %get3A_513 = arith.constant 48 : index
      %get3A_514 = tpu.vector_load %arg8[%get3A_511, %get3A_512, %get3A_513] {strides = array<i32>} : memref<2x32x256xi32, #tpu.memory_space<vmem>>, vector<1x1x16xi32>,
      %get3A_515 = vector.shape_cast %get3A_514 : vector<1x1x16xi32> to vector<16xi32>
      %get3A_516 = arith.constant 0 : i32
      %get3A_517 = arith.index_cast %get3A_516 : i32 to index
      %get3A_518 = arith.index_cast %scan3A_215 : i32 to index
      %get3A_519 = arith.constant 176 : index
      %get3A_520 = tpu.vector_load %arg8[%get3A_517, %get3A_518, %get3A_519] {strides = array<i32>} : memref<2x32x256xi32, #tpu.memory_space<vmem>>, vector<1x1x16xi32>,
      %get3A_521 = vector.shape_cast %get3A_520 : vector<1x1x16xi32> to vector<16xi32>
      %get3A_522 = arith.constant 0 : i32
      %get3A_523 = arith.index_cast %get3A_522 : i32 to index
      %get3A_524 = arith.index_cast %add3A_257 : i32 to index
      %get3A_525 = arith.constant 48 : index
      %get3A_526 = tpu.vector_load %arg8[%get3A_523, %get3A_524, %get3A_525] {strides = array<i32>} : memref<2x32x256xi32, #tpu.memory_space<vmem>>, vector<1x1x16xi32>,
      %get3A_527 = vector.shape_cast %get3A_526 : vector<1x1x16xi32> to vector<16xi32>
      %get3A_528 = arith.constant 0 : i32
      %get3A_529 = arith.index_cast %get3A_528 : i32 to index
      %get3A_530 = arith.index_cast %add3A_257 : i32 to index
      %get3A_531 = arith.constant 176 : index
      %get3A_532 = tpu.vector_load %arg8[%get3A_529, %get3A_530, %get3A_531] {strides = array<i32>} : memref<2x32x256xi32, #tpu.memory_space<vmem>>, vector<1x1x16xi32>,
      %get3A_533 = vector.shape_cast %get3A_532 : vector<1x1x16xi32> to vector<16xi32>
      %shift_left3A_534 = arith.constant 16 : i32
      %shift_left3A_535 = vector.broadcast %shift_left3A_534 : i32 to vector<16xi32>
      %shift_left3A_536 = arith.shli %get3A_515, %shift_left3A_535 : vector<16xi32>
      %bitcast_convert_type3A_537 = tpu.bitcast %shift_left3A_536 : vector<16xi32> -> vector<16xf32>
      %mul3A_538 = arith.mulf %bitcast_convert_type3A_537, %gather3A_225 : vector<16xf32>
      %and3A_539 = arith.constant -65536 : i32
      %and3A_540 = vector.broadcast %and3A_539 : i32 to vector<16xi32>
      %and3A_541 = arith.andi %get3A_515, %and3A_540 : vector<16xi32>
      %bitcast_convert_type3A_542 = tpu.bitcast %and3A_541 : vector<16xi32> -> vector<16xf32>
      %mul3A_543 = arith.mulf %bitcast_convert_type3A_542, %gather3A_225 : vector<16xf32>
      %shift_left3A_544 = arith.constant 16 : i32
      %shift_left3A_545 = vector.broadcast %shift_left3A_544 : i32 to vector<16xi32>
      %shift_left3A_546 = arith.shli %get3A_521, %shift_left3A_545 : vector<16xi32>
      %bitcast_convert_type3A_547 = tpu.bitcast %shift_left3A_546 : vector<16xi32> -> vector<16xf32>
      %mul3A_548 = arith.mulf %bitcast_convert_type3A_547, %gather3A_235 : vector<16xf32>
      %add3A_549 = arith.addf %mul3A_538, %mul3A_548 : vector<16xf32>
      %and3A_550 = arith.constant -65536 : i32
      %and3A_551 = vector.broadcast %and3A_550 : i32 to vector<16xi32>
      %and3A_552 = arith.andi %get3A_521, %and3A_551 : vector<16xi32>
      %bitcast_convert_type3A_553 = tpu.bitcast %and3A_552 : vector<16xi32> -> vector<16xf32>
      %mul3A_554 = arith.mulf %bitcast_convert_type3A_553, %gather3A_235 : vector<16xf32>
      %add3A_555 = arith.addf %mul3A_543, %mul3A_554 : vector<16xf32>
      %shift_left3A_556 = arith.constant 16 : i32
      %shift_left3A_557 = vector.broadcast %shift_left3A_556 : i32 to vector<16xi32>
      %shift_left3A_558 = arith.shli %get3A_527, %shift_left3A_557 : vector<16xi32>
      %bitcast_convert_type3A_559 = tpu.bitcast %shift_left3A_558 : vector<16xi32> -> vector<16xf32>
      %mul3A_560 = arith.mulf %bitcast_convert_type3A_559, %gather3A_245 : vector<16xf32>
      %add3A_561 = arith.addf %add3A_549, %mul3A_560 : vector<16xf32>
      %and3A_562 = arith.constant -65536 : i32
      %and3A_563 = vector.broadcast %and3A_562 : i32 to vector<16xi32>
      %and3A_564 = arith.andi %get3A_527, %and3A_563 : vector<16xi32>
      %bitcast_convert_type3A_565 = tpu.bitcast %and3A_564 : vector<16xi32> -> vector<16xf32>
      %mul3A_566 = arith.mulf %bitcast_convert_type3A_565, %gather3A_245 : vector<16xf32>
      %add3A_567 = arith.addf %add3A_555, %mul3A_566 : vector<16xf32>
      %shift_left3A_568 = arith.constant 16 : i32
      %shift_left3A_569 = vector.broadcast %shift_left3A_568 : i32 to vector<16xi32>
      %shift_left3A_570 = arith.shli %get3A_533, %shift_left3A_569 : vector<16xi32>
      %bitcast_convert_type3A_571 = tpu.bitcast %shift_left3A_570 : vector<16xi32> -> vector<16xf32>
      %mul3A_572 = arith.mulf %bitcast_convert_type3A_571, %gather3A_255 : vector<16xf32>
      %add3A_573 = arith.addf %add3A_561, %mul3A_572 : vector<16xf32>
      %and3A_574 = arith.constant -65536 : i32
      %and3A_575 = vector.broadcast %and3A_574 : i32 to vector<16xi32>
      %and3A_576 = arith.andi %get3A_533, %and3A_575 : vector<16xi32>
      %bitcast_convert_type3A_577 = tpu.bitcast %and3A_576 : vector<16xi32> -> vector<16xf32>
      %mul3A_578 = arith.mulf %bitcast_convert_type3A_577, %gather3A_255 : vector<16xf32>
      %add3A_579 = arith.addf %add3A_567, %mul3A_578 : vector<16xf32>
      %bitcast_convert_type3A_580 = tpu.bitcast %add3A_573 : vector<16xf32> -> vector<16xi32>
      %shift_right_logical3A_581 = arith.constant 16 : i32
      %shift_right_logical3A_582 = vector.broadcast %shift_right_logical3A_581 : i32 to vector<16xi32>
      %shift_right_logical3A_583 = arith.shrui %bitcast_convert_type3A_580, %shift_right_logical3A_582 : vector<16xi32>
      %bitcast_convert_type3A_584 = tpu.bitcast %add3A_579 : vector<16xf32> -> vector<16xi32>
      %and3A_585 = arith.constant -65536 : i32
      %and3A_586 = vector.broadcast %and3A_585 : i32 to vector<16xi32>
      %and3A_587 = arith.andi %bitcast_convert_type3A_584, %and3A_586 : vector<16xi32>
      %or3A_588 = arith.ori %shift_right_logical3A_583, %and3A_587 : vector<16xi32>
      %swap3A_589 = arith.constant 0 : i32
      %swap3A_590 = arith.index_cast %swap3A_589 : i32 to index
      %swap3A_591 = arith.index_cast %scan3A_215 : i32 to index
      %swap3A_592 = arith.constant 48 : index
      %swap3A_593 = tpu.vector_load %arg9[%swap3A_590, %swap3A_591, %swap3A_592] {strides = array<i32>} : memref<2x16x128xi32, #tpu.memory_space<vmem>>, vector<1x1x16xi32>,
      %swap3A_594 = vector.shape_cast %swap3A_593 : vector<1x1x16xi32> to vector<16xi32>
      %swap3A_595 = vector.shape_cast %or3A_588 : vector<16xi32> to vector<1x1x16xi32>
      tpu.vector_store %arg9[%swap3A_590, %swap3A_591, %swap3A_592], %swap3A_595 {strides = array<i32>} : memref<2x16x128xi32, #tpu.memory_space<vmem>>, vector<1x1x16xi32>,
      %get3A_596 = arith.constant 0 : i32
      %get3A_597 = arith.index_cast %get3A_596 : i32 to index
      %get3A_598 = arith.index_cast %scan3A_215 : i32 to index
      %get3A_599 = arith.constant 64 : index
      %get3A_600 = tpu.vector_load %arg8[%get3A_597, %get3A_598, %get3A_599] {strides = array<i32>} : memref<2x32x256xi32, #tpu.memory_space<vmem>>, vector<1x1x16xi32>,
      %get3A_601 = vector.shape_cast %get3A_600 : vector<1x1x16xi32> to vector<16xi32>
      %get3A_602 = arith.constant 0 : i32
      %get3A_603 = arith.index_cast %get3A_602 : i32 to index
      %get3A_604 = arith.index_cast %scan3A_215 : i32 to index
      %get3A_605 = arith.constant 192 : index
      %get3A_606 = tpu.vector_load %arg8[%get3A_603, %get3A_604, %get3A_605] {strides = array<i32>} : memref<2x32x256xi32, #tpu.memory_space<vmem>>, vector<1x1x16xi32>,
      %get3A_607 = vector.shape_cast %get3A_606 : vector<1x1x16xi32> to vector<16xi32>
      %get3A_608 = arith.constant 0 : i32
      %get3A_609 = arith.index_cast %get3A_608 : i32 to index
      %get3A_610 = arith.index_cast %add3A_257 : i32 to index
      %get3A_611 = arith.constant 64 : index
      %get3A_612 = tpu.vector_load %arg8[%get3A_609, %get3A_610, %get3A_611] {strides = array<i32>} : memref<2x32x256xi32, #tpu.memory_space<vmem>>, vector<1x1x16xi32>,
      %get3A_613 = vector.shape_cast %get3A_612 : vector<1x1x16xi32> to vector<16xi32>
      %get3A_614 = arith.constant 0 : i32
      %get3A_615 = arith.index_cast %get3A_614 : i32 to index
      %get3A_616 = arith.index_cast %add3A_257 : i32 to index
      %get3A_617 = arith.constant 192 : index
      %get3A_618 = tpu.vector_load %arg8[%get3A_615, %get3A_616, %get3A_617] {strides = array<i32>} : memref<2x32x256xi32, #tpu.memory_space<vmem>>, vector<1x1x16xi32>,
      %get3A_619 = vector.shape_cast %get3A_618 : vector<1x1x16xi32> to vector<16xi32>
      %shift_left3A_620 = arith.constant 16 : i32
      %shift_left3A_621 = vector.broadcast %shift_left3A_620 : i32 to vector<16xi32>
      %shift_left3A_622 = arith.shli %get3A_601, %shift_left3A_621 : vector<16xi32>
      %bitcast_convert_type3A_623 = tpu.bitcast %shift_left3A_622 : vector<16xi32> -> vector<16xf32>
      %mul3A_624 = arith.mulf %bitcast_convert_type3A_623, %gather3A_225 : vector<16xf32>
      %and3A_625 = arith.constant -65536 : i32
      %and3A_626 = vector.broadcast %and3A_625 : i32 to vector<16xi32>
      %and3A_627 = arith.andi %get3A_601, %and3A_626 : vector<16xi32>
      %bitcast_convert_type3A_628 = tpu.bitcast %and3A_627 : vector<16xi32> -> vector<16xf32>
      %mul3A_629 = arith.mulf %bitcast_convert_type3A_628, %gather3A_225 : vector<16xf32>
      %shift_left3A_630 = arith.constant 16 : i32
      %shift_left3A_631 = vector.broadcast %shift_left3A_630 : i32 to vector<16xi32>
      %shift_left3A_632 = arith.shli %get3A_607, %shift_left3A_631 : vector<16xi32>
      %bitcast_convert_type3A_633 = tpu.bitcast %shift_left3A_632 : vector<16xi32> -> vector<16xf32>
      %mul3A_634 = arith.mulf %bitcast_convert_type3A_633, %gather3A_235 : vector<16xf32>
      %add3A_635 = arith.addf %mul3A_624, %mul3A_634 : vector<16xf32>
      %and3A_636 = arith.constant -65536 : i32
      %and3A_637 = vector.broadcast %and3A_636 : i32 to vector<16xi32>
      %and3A_638 = arith.andi %get3A_607, %and3A_637 : vector<16xi32>
      %bitcast_convert_type3A_639 = tpu.bitcast %and3A_638 : vector<16xi32> -> vector<16xf32>
      %mul3A_640 = arith.mulf %bitcast_convert_type3A_639, %gather3A_235 : vector<16xf32>
      %add3A_641 = arith.addf %mul3A_629, %mul3A_640 : vector<16xf32>
      %shift_left3A_642 = arith.constant 16 : i32
      %shift_left3A_643 = vector.broadcast %shift_left3A_642 : i32 to vector<16xi32>
      %shift_left3A_644 = arith.shli %get3A_613, %shift_left3A_643 : vector<16xi32>
      %bitcast_convert_type3A_645 = tpu.bitcast %shift_left3A_644 : vector<16xi32> -> vector<16xf32>
      %mul3A_646 = arith.mulf %bitcast_convert_type3A_645, %gather3A_245 : vector<16xf32>
      %add3A_647 = arith.addf %add3A_635, %mul3A_646 : vector<16xf32>
      %and3A_648 = arith.constant -65536 : i32
      %and3A_649 = vector.broadcast %and3A_648 : i32 to vector<16xi32>
      %and3A_650 = arith.andi %get3A_613, %and3A_649 : vector<16xi32>
      %bitcast_convert_type3A_651 = tpu.bitcast %and3A_650 : vector<16xi32> -> vector<16xf32>
      %mul3A_652 = arith.mulf %bitcast_convert_type3A_651, %gather3A_245 : vector<16xf32>
      %add3A_653 = arith.addf %add3A_641, %mul3A_652 : vector<16xf32>
      %shift_left3A_654 = arith.constant 16 : i32
      %shift_left3A_655 = vector.broadcast %shift_left3A_654 : i32 to vector<16xi32>
      %shift_left3A_656 = arith.shli %get3A_619, %shift_left3A_655 : vector<16xi32>
      %bitcast_convert_type3A_657 = tpu.bitcast %shift_left3A_656 : vector<16xi32> -> vector<16xf32>
      %mul3A_658 = arith.mulf %bitcast_convert_type3A_657, %gather3A_255 : vector<16xf32>
      %add3A_659 = arith.addf %add3A_647, %mul3A_658 : vector<16xf32>
      %and3A_660 = arith.constant -65536 : i32
      %and3A_661 = vector.broadcast %and3A_660 : i32 to vector<16xi32>
      %and3A_662 = arith.andi %get3A_619, %and3A_661 : vector<16xi32>
      %bitcast_convert_type3A_663 = tpu.bitcast %and3A_662 : vector<16xi32> -> vector<16xf32>
      %mul3A_664 = arith.mulf %bitcast_convert_type3A_663, %gather3A_255 : vector<16xf32>
      %add3A_665 = arith.addf %add3A_653, %mul3A_664 : vector<16xf32>
      %bitcast_convert_type3A_666 = tpu.bitcast %add3A_659 : vector<16xf32> -> vector<16xi32>
      %shift_right_logical3A_667 = arith.constant 16 : i32
      %shift_right_logical3A_668 = vector.broadcast %shift_right_logical3A_667 : i32 to vector<16xi32>
      %shift_right_logical3A_669 = arith.shrui %bitcast_convert_type3A_666, %shift_right_logical3A_668 : vector<16xi32>
      %bitcast_convert_type3A_670 = tpu.bitcast %add3A_665 : vector<16xf32> -> vector<16xi32>
      %and3A_671 = arith.constant -65536 : i32
      %and3A_672 = vector.broadcast %and3A_671 : i32 to vector<16xi32>
      %and3A_673 = arith.andi %bitcast_convert_type3A_670, %and3A_672 : vector<16xi32>
      %or3A_674 = arith.ori %shift_right_logical3A_669, %and3A_673 : vector<16xi32>
      %swap3A_675 = arith.constant 0 : i32
      %swap3A_676 = arith.index_cast %swap3A_675 : i32 to index
      %swap3A_677 = arith.index_cast %scan3A_215 : i32 to index
      %swap3A_678 = arith.constant 64 : index
      %swap3A_679 = tpu.vector_load %arg9[%swap3A_676, %swap3A_677, %swap3A_678] {strides = array<i32>} : memref<2x16x128xi32, #tpu.memory_space<vmem>>, vector<1x1x16xi32>,
      %swap3A_680 = vector.shape_cast %swap3A_679 : vector<1x1x16xi32> to vector<16xi32>
      %swap3A_681 = vector.shape_cast %or3A_674 : vector<16xi32> to vector<1x1x16xi32>
      tpu.vector_store %arg9[%swap3A_676, %swap3A_677, %swap3A_678], %swap3A_681 {strides = array<i32>} : memref<2x16x128xi32, #tpu.memory_space<vmem>>, vector<1x1x16xi32>,
      %get3A_682 = arith.constant 0 : i32
      %get3A_683 = arith.index_cast %get3A_682 : i32 to index
      %get3A_684 = arith.index_cast %scan3A_215 : i32 to index
      %get3A_685 = arith.constant 80 : index
      %get3A_686 = tpu.vector_load %arg8[%get3A_683, %get3A_684, %get3A_685] {strides = array<i32>} : memref<2x32x256xi32, #tpu.memory_space<vmem>>, vector<1x1x16xi32>,
      %get3A_687 = vector.shape_cast %get3A_686 : vector<1x1x16xi32> to vector<16xi32>
      %get3A_688 = arith.constant 0 : i32
      %get3A_689 = arith.index_cast %get3A_688 : i32 to index
      %get3A_690 = arith.index_cast %scan3A_215 : i32 to index
      %get3A_691 = arith.constant 208 : index
      %get3A_692 = tpu.vector_load %arg8[%get3A_689, %get3A_690, %get3A_691] {strides = array<i32>} : memref<2x32x256xi32, #tpu.memory_space<vmem>>, vector<1x1x16xi32>,
      %get3A_693 = vector.shape_cast %get3A_692 : vector<1x1x16xi32> to vector<16xi32>
      %get3A_694 = arith.constant 0 : i32
      %get3A_695 = arith.index_cast %get3A_694 : i32 to index
      %get3A_696 = arith.index_cast %add3A_257 : i32 to index
      %get3A_697 = arith.constant 80 : index
      %get3A_698 = tpu.vector_load %arg8[%get3A_695, %get3A_696, %get3A_697] {strides = array<i32>} : memref<2x32x256xi32, #tpu.memory_space<vmem>>, vector<1x1x16xi32>,
      %get3A_699 = vector.shape_cast %get3A_698 : vector<1x1x16xi32> to vector<16xi32>
      %get3A_700 = arith.constant 0 : i32
      %get3A_701 = arith.index_cast %get3A_700 : i32 to index
      %get3A_702 = arith.index_cast %add3A_257 : i32 to index
      %get3A_703 = arith.constant 208 : index
      %get3A_704 = tpu.vector_load %arg8[%get3A_701, %get3A_702, %get3A_703] {strides = array<i32>} : memref<2x32x256xi32, #tpu.memory_space<vmem>>, vector<1x1x16xi32>,
      %get3A_705 = vector.shape_cast %get3A_704 : vector<1x1x16xi32> to vector<16xi32>
      %shift_left3A_706 = arith.constant 16 : i32
      %shift_left3A_707 = vector.broadcast %shift_left3A_706 : i32 to vector<16xi32>
      %shift_left3A_708 = arith.shli %get3A_687, %shift_left3A_707 : vector<16xi32>
      %bitcast_convert_type3A_709 = tpu.bitcast %shift_left3A_708 : vector<16xi32> -> vector<16xf32>
      %mul3A_710 = arith.mulf %bitcast_convert_type3A_709, %gather3A_225 : vector<16xf32>
      %and3A_711 = arith.constant -65536 : i32
      %and3A_712 = vector.broadcast %and3A_711 : i32 to vector<16xi32>
      %and3A_713 = arith.andi %get3A_687, %and3A_712 : vector<16xi32>
      %bitcast_convert_type3A_714 = tpu.bitcast %and3A_713 : vector<16xi32> -> vector<16xf32>
      %mul3A_715 = arith.mulf %bitcast_convert_type3A_714, %gather3A_225 : vector<16xf32>
      %shift_left3A_716 = arith.constant 16 : i32
      %shift_left3A_717 = vector.broadcast %shift_left3A_716 : i32 to vector<16xi32>
      %shift_left3A_718 = arith.shli %get3A_693, %shift_left3A_717 : vector<16xi32>
      %bitcast_convert_type3A_719 = tpu.bitcast %shift_left3A_718 : vector<16xi32> -> vector<16xf32>
      %mul3A_720 = arith.mulf %bitcast_convert_type3A_719, %gather3A_235 : vector<16xf32>
      %add3A_721 = arith.addf %mul3A_710, %mul3A_720 : vector<16xf32>
      %and3A_722 = arith.constant -65536 : i32
      %and3A_723 = vector.broadcast %and3A_722 : i32 to vector<16xi32>
      %and3A_724 = arith.andi %get3A_693, %and3A_723 : vector<16xi32>
      %bitcast_convert_type3A_725 = tpu.bitcast %and3A_724 : vector<16xi32> -> vector<16xf32>
      %mul3A_726 = arith.mulf %bitcast_convert_type3A_725, %gather3A_235 : vector<16xf32>
      %add3A_727 = arith.addf %mul3A_715, %mul3A_726 : vector<16xf32>
      %shift_left3A_728 = arith.constant 16 : i32
      %shift_left3A_729 = vector.broadcast %shift_left3A_728 : i32 to vector<16xi32>
      %shift_left3A_730 = arith.shli %get3A_699, %shift_left3A_729 : vector<16xi32>
      %bitcast_convert_type3A_731 = tpu.bitcast %shift_left3A_730 : vector<16xi32> -> vector<16xf32>
      %mul3A_732 = arith.mulf %bitcast_convert_type3A_731, %gather3A_245 : vector<16xf32>
      %add3A_733 = arith.addf %add3A_721, %mul3A_732 : vector<16xf32>
      %and3A_734 = arith.constant -65536 : i32
      %and3A_735 = vector.broadcast %and3A_734 : i32 to vector<16xi32>
      %and3A_736 = arith.andi %get3A_699, %and3A_735 : vector<16xi32>
      %bitcast_convert_type3A_737 = tpu.bitcast %and3A_736 : vector<16xi32> -> vector<16xf32>
      %mul3A_738 = arith.mulf %bitcast_convert_type3A_737, %gather3A_245 : vector<16xf32>
      %add3A_739 = arith.addf %add3A_727, %mul3A_738 : vector<16xf32>
      %shift_left3A_740 = arith.constant 16 : i32
      %shift_left3A_741 = vector.broadcast %shift_left3A_740 : i32 to vector<16xi32>
      %shift_left3A_742 = arith.shli %get3A_705, %shift_left3A_741 : vector<16xi32>
      %bitcast_convert_type3A_743 = tpu.bitcast %shift_left3A_742 : vector<16xi32> -> vector<16xf32>
      %mul3A_744 = arith.mulf %bitcast_convert_type3A_743, %gather3A_255 : vector<16xf32>
      %add3A_745 = arith.addf %add3A_733, %mul3A_744 : vector<16xf32>
      %and3A_746 = arith.constant -65536 : i32
      %and3A_747 = vector.broadcast %and3A_746 : i32 to vector<16xi32>
      %and3A_748 = arith.andi %get3A_705, %and3A_747 : vector<16xi32>
      %bitcast_convert_type3A_749 = tpu.bitcast %and3A_748 : vector<16xi32> -> vector<16xf32>
      %mul3A_750 = arith.mulf %bitcast_convert_type3A_749, %gather3A_255 : vector<16xf32>
      %add3A_751 = arith.addf %add3A_739, %mul3A_750 : vector<16xf32>
      %bitcast_convert_type3A_752 = tpu.bitcast %add3A_745 : vector<16xf32> -> vector<16xi32>
      %shift_right_logical3A_753 = arith.constant 16 : i32
      %shift_right_logical3A_754 = vector.broadcast %shift_right_logical3A_753 : i32 to vector<16xi32>
      %shift_right_logical3A_755 = arith.shrui %bitcast_convert_type3A_752, %shift_right_logical3A_754 : vector<16xi32>
      %bitcast_convert_type3A_756 = tpu.bitcast %add3A_751 : vector<16xf32> -> vector<16xi32>
      %and3A_757 = arith.constant -65536 : i32
      %and3A_758 = vector.broadcast %and3A_757 : i32 to vector<16xi32>
      %and3A_759 = arith.andi %bitcast_convert_type3A_756, %and3A_758 : vector<16xi32>
      %or3A_760 = arith.ori %shift_right_logical3A_755, %and3A_759 : vector<16xi32>
      %swap3A_761 = arith.constant 0 : i32
      %swap3A_762 = arith.index_cast %swap3A_761 : i32 to index
      %swap3A_763 = arith.index_cast %scan3A_215 : i32 to index
      %swap3A_764 = arith.constant 80 : index
      %swap3A_765 = tpu.vector_load %arg9[%swap3A_762, %swap3A_763, %swap3A_764] {strides = array<i32>} : memref<2x16x128xi32, #tpu.memory_space<vmem>>, vector<1x1x16xi32>,
      %swap3A_766 = vector.shape_cast %swap3A_765 : vector<1x1x16xi32> to vector<16xi32>
      %swap3A_767 = vector.shape_cast %or3A_760 : vector<16xi32> to vector<1x1x16xi32>
      tpu.vector_store %arg9[%swap3A_762, %swap3A_763, %swap3A_764], %swap3A_767 {strides = array<i32>} : memref<2x16x128xi32, #tpu.memory_space<vmem>>, vector<1x1x16xi32>,
      %get3A_768 = arith.constant 0 : i32
      %get3A_769 = arith.index_cast %get3A_768 : i32 to index
      %get3A_770 = arith.index_cast %scan3A_215 : i32 to index
      %get3A_771 = arith.constant 96 : index
      %get3A_772 = tpu.vector_load %arg8[%get3A_769, %get3A_770, %get3A_771] {strides = array<i32>} : memref<2x32x256xi32, #tpu.memory_space<vmem>>, vector<1x1x16xi32>,
      %get3A_773 = vector.shape_cast %get3A_772 : vector<1x1x16xi32> to vector<16xi32>
      %get3A_774 = arith.constant 0 : i32
      %get3A_775 = arith.index_cast %get3A_774 : i32 to index
      %get3A_776 = arith.index_cast %scan3A_215 : i32 to index
      %get3A_777 = arith.constant 224 : index
      %get3A_778 = tpu.vector_load %arg8[%get3A_775, %get3A_776, %get3A_777] {strides = array<i32>} : memref<2x32x256xi32, #tpu.memory_space<vmem>>, vector<1x1x16xi32>,
      %get3A_779 = vector.shape_cast %get3A_778 : vector<1x1x16xi32> to vector<16xi32>
      %get3A_780 = arith.constant 0 : i32
      %get3A_781 = arith.index_cast %get3A_780 : i32 to index
      %get3A_782 = arith.index_cast %add3A_257 : i32 to index
      %get3A_783 = arith.constant 96 : index
      %get3A_784 = tpu.vector_load %arg8[%get3A_781, %get3A_782, %get3A_783] {strides = array<i32>} : memref<2x32x256xi32, #tpu.memory_space<vmem>>, vector<1x1x16xi32>,
      %get3A_785 = vector.shape_cast %get3A_784 : vector<1x1x16xi32> to vector<16xi32>
      %get3A_786 = arith.constant 0 : i32
      %get3A_787 = arith.index_cast %get3A_786 : i32 to index
      %get3A_788 = arith.index_cast %add3A_257 : i32 to index
      %get3A_789 = arith.constant 224 : index
      %get3A_790 = tpu.vector_load %arg8[%get3A_787, %get3A_788, %get3A_789] {strides = array<i32>} : memref<2x32x256xi32, #tpu.memory_space<vmem>>, vector<1x1x16xi32>,
      %get3A_791 = vector.shape_cast %get3A_790 : vector<1x1x16xi32> to vector<16xi32>
      %shift_left3A_792 = arith.constant 16 : i32
      %shift_left3A_793 = vector.broadcast %shift_left3A_792 : i32 to vector<16xi32>
      %shift_left3A_794 = arith.shli %get3A_773, %shift_left3A_793 : vector<16xi32>
      %bitcast_convert_type3A_795 = tpu.bitcast %shift_left3A_794 : vector<16xi32> -> vector<16xf32>
      %mul3A_796 = arith.mulf %bitcast_convert_type3A_795, %gather3A_225 : vector<16xf32>
      %and3A_797 = arith.constant -65536 : i32
      %and3A_798 = vector.broadcast %and3A_797 : i32 to vector<16xi32>
      %and3A_799 = arith.andi %get3A_773, %and3A_798 : vector<16xi32>
      %bitcast_convert_type3A_800 = tpu.bitcast %and3A_799 : vector<16xi32> -> vector<16xf32>
      %mul3A_801 = arith.mulf %bitcast_convert_type3A_800, %gather3A_225 : vector<16xf32>
      %shift_left3A_802 = arith.constant 16 : i32
      %shift_left3A_803 = vector.broadcast %shift_left3A_802 : i32 to vector<16xi32>
      %shift_left3A_804 = arith.shli %get3A_779, %shift_left3A_803 : vector<16xi32>
      %bitcast_convert_type3A_805 = tpu.bitcast %shift_left3A_804 : vector<16xi32> -> vector<16xf32>
      %mul3A_806 = arith.mulf %bitcast_convert_type3A_805, %gather3A_235 : vector<16xf32>
      %add3A_807 = arith.addf %mul3A_796, %mul3A_806 : vector<16xf32>
      %and3A_808 = arith.constant -65536 : i32
      %and3A_809 = vector.broadcast %and3A_808 : i32 to vector<16xi32>
      %and3A_810 = arith.andi %get3A_779, %and3A_809 : vector<16xi32>
      %bitcast_convert_type3A_811 = tpu.bitcast %and3A_810 : vector<16xi32> -> vector<16xf32>
      %mul3A_812 = arith.mulf %bitcast_convert_type3A_811, %gather3A_235 : vector<16xf32>
      %add3A_813 = arith.addf %mul3A_801, %mul3A_812 : vector<16xf32>
      %shift_left3A_814 = arith.constant 16 : i32
      %shift_left3A_815 = vector.broadcast %shift_left3A_814 : i32 to vector<16xi32>
      %shift_left3A_816 = arith.shli %get3A_785, %shift_left3A_815 : vector<16xi32>
      %bitcast_convert_type3A_817 = tpu.bitcast %shift_left3A_816 : vector<16xi32> -> vector<16xf32>
      %mul3A_818 = arith.mulf %bitcast_convert_type3A_817, %gather3A_245 : vector<16xf32>
      %add3A_819 = arith.addf %add3A_807, %mul3A_818 : vector<16xf32>
      %and3A_820 = arith.constant -65536 : i32
      %and3A_821 = vector.broadcast %and3A_820 : i32 to vector<16xi32>
      %and3A_822 = arith.andi %get3A_785, %and3A_821 : vector<16xi32>
      %bitcast_convert_type3A_823 = tpu.bitcast %and3A_822 : vector<16xi32> -> vector<16xf32>
      %mul3A_824 = arith.mulf %bitcast_convert_type3A_823, %gather3A_245 : vector<16xf32>
      %add3A_825 = arith.addf %add3A_813, %mul3A_824 : vector<16xf32>
      %shift_left3A_826 = arith.constant 16 : i32
      %shift_left3A_827 = vector.broadcast %shift_left3A_826 : i32 to vector<16xi32>
      %shift_left3A_828 = arith.shli %get3A_791, %shift_left3A_827 : vector<16xi32>
      %bitcast_convert_type3A_829 = tpu.bitcast %shift_left3A_828 : vector<16xi32> -> vector<16xf32>
      %mul3A_830 = arith.mulf %bitcast_convert_type3A_829, %gather3A_255 : vector<16xf32>
      %add3A_831 = arith.addf %add3A_819, %mul3A_830 : vector<16xf32>
      %and3A_832 = arith.constant -65536 : i32
      %and3A_833 = vector.broadcast %and3A_832 : i32 to vector<16xi32>
      %and3A_834 = arith.andi %get3A_791, %and3A_833 : vector<16xi32>
      %bitcast_convert_type3A_835 = tpu.bitcast %and3A_834 : vector<16xi32> -> vector<16xf32>
      %mul3A_836 = arith.mulf %bitcast_convert_type3A_835, %gather3A_255 : vector<16xf32>
      %add3A_837 = arith.addf %add3A_825, %mul3A_836 : vector<16xf32>
      %bitcast_convert_type3A_838 = tpu.bitcast %add3A_831 : vector<16xf32> -> vector<16xi32>
      %shift_right_logical3A_839 = arith.constant 16 : i32
      %shift_right_logical3A_840 = vector.broadcast %shift_right_logical3A_839 : i32 to vector<16xi32>
      %shift_right_logical3A_841 = arith.shrui %bitcast_convert_type3A_838, %shift_right_logical3A_840 : vector<16xi32>
      %bitcast_convert_type3A_842 = tpu.bitcast %add3A_837 : vector<16xf32> -> vector<16xi32>
      %and3A_843 = arith.constant -65536 : i32
      %and3A_844 = vector.broadcast %and3A_843 : i32 to vector<16xi32>
      %and3A_845 = arith.andi %bitcast_convert_type3A_842, %and3A_844 : vector<16xi32>
      %or3A_846 = arith.ori %shift_right_logical3A_841, %and3A_845 : vector<16xi32>
      %swap3A_847 = arith.constant 0 : i32
      %swap3A_848 = arith.index_cast %swap3A_847 : i32 to index
      %swap3A_849 = arith.index_cast %scan3A_215 : i32 to index
      %swap3A_850 = arith.constant 96 : index
      %swap3A_851 = tpu.vector_load %arg9[%swap3A_848, %swap3A_849, %swap3A_850] {strides = array<i32>} : memref<2x16x128xi32, #tpu.memory_space<vmem>>, vector<1x1x16xi32>,
      %swap3A_852 = vector.shape_cast %swap3A_851 : vector<1x1x16xi32> to vector<16xi32>
      %swap3A_853 = vector.shape_cast %or3A_846 : vector<16xi32> to vector<1x1x16xi32>
      tpu.vector_store %arg9[%swap3A_848, %swap3A_849, %swap3A_850], %swap3A_853 {strides = array<i32>} : memref<2x16x128xi32, #tpu.memory_space<vmem>>, vector<1x1x16xi32>,
      %get3A_854 = arith.constant 0 : i32
      %get3A_855 = arith.index_cast %get3A_854 : i32 to index
      %get3A_856 = arith.index_cast %scan3A_215 : i32 to index
      %get3A_857 = arith.constant 112 : index
      %get3A_858 = tpu.vector_load %arg8[%get3A_855, %get3A_856, %get3A_857] {strides = array<i32>} : memref<2x32x256xi32, #tpu.memory_space<vmem>>, vector<1x1x16xi32>,
      %get3A_859 = vector.shape_cast %get3A_858 : vector<1x1x16xi32> to vector<16xi32>
      %get3A_860 = arith.constant 0 : i32
      %get3A_861 = arith.index_cast %get3A_860 : i32 to index
      %get3A_862 = arith.index_cast %scan3A_215 : i32 to index
      %get3A_863 = arith.constant 240 : index
      %get3A_864 = tpu.vector_load %arg8[%get3A_861, %get3A_862, %get3A_863] {strides = array<i32>} : memref<2x32x256xi32, #tpu.memory_space<vmem>>, vector<1x1x16xi32>,
      %get3A_865 = vector.shape_cast %get3A_864 : vector<1x1x16xi32> to vector<16xi32>
      %get3A_866 = arith.constant 0 : i32
      %get3A_867 = arith.index_cast %get3A_866 : i32 to index
      %get3A_868 = arith.index_cast %add3A_257 : i32 to index
      %get3A_869 = arith.constant 112 : index
      %get3A_870 = tpu.vector_load %arg8[%get3A_867, %get3A_868, %get3A_869] {strides = array<i32>} : memref<2x32x256xi32, #tpu.memory_space<vmem>>, vector<1x1x16xi32>,
      %get3A_871 = vector.shape_cast %get3A_870 : vector<1x1x16xi32> to vector<16xi32>
      %get3A_872 = arith.constant 0 : i32
      %get3A_873 = arith.index_cast %get3A_872 : i32 to index
      %get3A_874 = arith.index_cast %add3A_257 : i32 to index
      %get3A_875 = arith.constant 240 : index
      %get3A_876 = tpu.vector_load %arg8[%get3A_873, %get3A_874, %get3A_875] {strides = array<i32>} : memref<2x32x256xi32, #tpu.memory_space<vmem>>, vector<1x1x16xi32>,
      %get3A_877 = vector.shape_cast %get3A_876 : vector<1x1x16xi32> to vector<16xi32>
      %shift_left3A_878 = arith.constant 16 : i32
      %shift_left3A_879 = vector.broadcast %shift_left3A_878 : i32 to vector<16xi32>
      %shift_left3A_880 = arith.shli %get3A_859, %shift_left3A_879 : vector<16xi32>
      %bitcast_convert_type3A_881 = tpu.bitcast %shift_left3A_880 : vector<16xi32> -> vector<16xf32>
      %mul3A_882 = arith.mulf %bitcast_convert_type3A_881, %gather3A_225 : vector<16xf32>
      %and3A_883 = arith.constant -65536 : i32
      %and3A_884 = vector.broadcast %and3A_883 : i32 to vector<16xi32>
      %and3A_885 = arith.andi %get3A_859, %and3A_884 : vector<16xi32>
      %bitcast_convert_type3A_886 = tpu.bitcast %and3A_885 : vector<16xi32> -> vector<16xf32>
      %mul3A_887 = arith.mulf %bitcast_convert_type3A_886, %gather3A_225 : vector<16xf32>
      %shift_left3A_888 = arith.constant 16 : i32
      %shift_left3A_889 = vector.broadcast %shift_left3A_888 : i32 to vector<16xi32>
      %shift_left3A_890 = arith.shli %get3A_865, %shift_left3A_889 : vector<16xi32>
      %bitcast_convert_type3A_891 = tpu.bitcast %shift_left3A_890 : vector<16xi32> -> vector<16xf32>
      %mul3A_892 = arith.mulf %bitcast_convert_type3A_891, %gather3A_235 : vector<16xf32>
      %add3A_893 = arith.addf %mul3A_882, %mul3A_892 : vector<16xf32>
      %and3A_894 = arith.constant -65536 : i32
      %and3A_895 = vector.broadcast %and3A_894 : i32 to vector<16xi32>
      %and3A_896 = arith.andi %get3A_865, %and3A_895 : vector<16xi32>
      %bitcast_convert_type3A_897 = tpu.bitcast %and3A_896 : vector<16xi32> -> vector<16xf32>
      %mul3A_898 = arith.mulf %bitcast_convert_type3A_897, %gather3A_235 : vector<16xf32>
      %add3A_899 = arith.addf %mul3A_887, %mul3A_898 : vector<16xf32>
      %shift_left3A_900 = arith.constant 16 : i32
      %shift_left3A_901 = vector.broadcast %shift_left3A_900 : i32 to vector<16xi32>
      %shift_left3A_902 = arith.shli %get3A_871, %shift_left3A_901 : vector<16xi32>
      %bitcast_convert_type3A_903 = tpu.bitcast %shift_left3A_902 : vector<16xi32> -> vector<16xf32>
      %mul3A_904 = arith.mulf %bitcast_convert_type3A_903, %gather3A_245 : vector<16xf32>
      %add3A_905 = arith.addf %add3A_893, %mul3A_904 : vector<16xf32>
      %and3A_906 = arith.constant -65536 : i32
      %and3A_907 = vector.broadcast %and3A_906 : i32 to vector<16xi32>
      %and3A_908 = arith.andi %get3A_871, %and3A_907 : vector<16xi32>
      %bitcast_convert_type3A_909 = tpu.bitcast %and3A_908 : vector<16xi32> -> vector<16xf32>
      %mul3A_910 = arith.mulf %bitcast_convert_type3A_909, %gather3A_245 : vector<16xf32>
      %add3A_911 = arith.addf %add3A_899, %mul3A_910 : vector<16xf32>
      %shift_left3A_912 = arith.constant 16 : i32
      %shift_left3A_913 = vector.broadcast %shift_left3A_912 : i32 to vector<16xi32>
      %shift_left3A_914 = arith.shli %get3A_877, %shift_left3A_913 : vector<16xi32>
      %bitcast_convert_type3A_915 = tpu.bitcast %shift_left3A_914 : vector<16xi32> -> vector<16xf32>
      %mul3A_916 = arith.mulf %bitcast_convert_type3A_915, %gather3A_255 : vector<16xf32>
      %add3A_917 = arith.addf %add3A_905, %mul3A_916 : vector<16xf32>
      %and3A_918 = arith.constant -65536 : i32
      %and3A_919 = vector.broadcast %and3A_918 : i32 to vector<16xi32>
      %and3A_920 = arith.andi %get3A_877, %and3A_919 : vector<16xi32>
      %bitcast_convert_type3A_921 = tpu.bitcast %and3A_920 : vector<16xi32> -> vector<16xf32>
      %mul3A_922 = arith.mulf %bitcast_convert_type3A_921, %gather3A_255 : vector<16xf32>
      %add3A_923 = arith.addf %add3A_911, %mul3A_922 : vector<16xf32>
      %bitcast_convert_type3A_924 = tpu.bitcast %add3A_917 : vector<16xf32> -> vector<16xi32>
      %shift_right_logical3A_925 = arith.constant 16 : i32
      %shift_right_logical3A_926 = vector.broadcast %shift_right_logical3A_925 : i32 to vector<16xi32>
      %shift_right_logical3A_927 = arith.shrui %bitcast_convert_type3A_924, %shift_right_logical3A_926 : vector<16xi32>
      %bitcast_convert_type3A_928 = tpu.bitcast %add3A_923 : vector<16xf32> -> vector<16xi32>
      %and3A_929 = arith.constant -65536 : i32
      %and3A_930 = vector.broadcast %and3A_929 : i32 to vector<16xi32>
      %and3A_931 = arith.andi %bitcast_convert_type3A_928, %and3A_930 : vector<16xi32>
      %or3A_932 = arith.ori %shift_right_logical3A_927, %and3A_931 : vector<16xi32>
      %swap3A_933 = arith.constant 0 : i32
      %swap3A_934 = arith.index_cast %swap3A_933 : i32 to index
      %swap3A_935 = arith.index_cast %scan3A_215 : i32 to index
      %swap3A_936 = arith.constant 112 : index
      %swap3A_937 = tpu.vector_load %arg9[%swap3A_934, %swap3A_935, %swap3A_936] {strides = array<i32>} : memref<2x16x128xi32, #tpu.memory_space<vmem>>, vector<1x1x16xi32>,
      %swap3A_938 = vector.shape_cast %swap3A_937 : vector<1x1x16xi32> to vector<16xi32>
      %swap3A_939 = vector.shape_cast %or3A_932 : vector<16xi32> to vector<1x1x16xi32>
      tpu.vector_store %arg9[%swap3A_934, %swap3A_935, %swap3A_936], %swap3A_939 {strides = array<i32>} : memref<2x16x128xi32, #tpu.memory_space<vmem>>, vector<1x1x16xi32>,
    }
    %scan3A_92 = arith.constant 16 : i32
    %add3A_93 = arith.constant 1536 : i32
    %add3A_94 = arith.addi %mul3A_2, %add3A_93 : i32
    %dma_start3A_95 = arith.constant 0 : i32
    %dma_start3A_96 = arith.constant 0 : i32
    %dma_start3A_97 = arith.constant 0 : i32
    %dma_start3A_98 = tpu.memref_slice %arg9[%dma_start3A_95, %dma_start3A_96, %dma_start3A_97] : memref<2x16x128xi32, #tpu.memory_space<vmem>> -> memref<1x16x128xi32, #tpu.memory_space<vmem>>
    %dma_start3A_99 = tpu.memref_squeeze %dma_start3A_98 : memref<1x16x128xi32, #tpu.memory_space<vmem>> -> memref<16x128xi32, #tpu.memory_space<vmem>>
    %dma_start3A_100 = arith.constant 0 : i32
    %dma_start3A_101 = tpu.memref_slice %arg5[%add3A_94, %dma_start3A_100] : memref<50176x128xi32, #tpu.memory_space<hbm>> -> memref<16x128xi32, #tpu.memory_space<hbm>>
    %dma_start3A_102 = arith.constant 0 : i32
    %dma_start3A_103 = tpu.memref_slice %arg5[%add3A_94, %dma_start3A_102] : memref<50176x128xi32, #tpu.memory_space<hbm>> -> memref<16x128xi32, #tpu.memory_space<hbm>>
    %dma_start3A_104 = arith.constant 0 : i32
    %dma_start3A_105 = arith.constant 0 : i32
    %dma_start3A_106 = tpu.memref_slice %arg9[%dma_start3A_95, %dma_start3A_104, %dma_start3A_105] : memref<2x16x128xi32, #tpu.memory_space<vmem>> -> memref<1x16x128xi32, #tpu.memory_space<vmem>>
    %dma_start3A_107 = tpu.memref_squeeze %dma_start3A_106 : memref<1x16x128xi32, #tpu.memory_space<vmem>> -> memref<16x128xi32, #tpu.memory_space<vmem>>
    tpu.enqueue_dma source(%dma_start3A_107 : memref<16x128xi32, #tpu.memory_space<vmem>>) target(%dma_start3A_103 : memref<16x128xi32, #tpu.memory_space<hbm>>) target_semaphore(%arg12 : memref<!tpu.dma_semaphore, #tpu.memory_space<semaphore_mem>>)
    %dma_wait3A_108 = arith.constant 97 : i32
    %dma_wait3A_109 = arith.constant 0 : i32
    %dma_wait3A_110 = arith.constant 1 : i32
    %dma_wait3A_111 = arith.constant 0 : i32
    %dma_wait3A_112 = arith.constant 0 : i32
    %dma_wait3A_113 = tpu.memref_slice %arg8[%dma_wait3A_110, %dma_wait3A_111, %dma_wait3A_112] : memref<2x32x256xi32, #tpu.memory_space<vmem>> -> memref<1x32x256xi32, #tpu.memory_space<vmem>>
    %dma_wait3A_114 = tpu.memref_squeeze %dma_wait3A_113 : memref<1x32x256xi32, #tpu.memory_space<vmem>> -> memref<32x256xi32, #tpu.memory_space<vmem>>
    %dma_wait3A_115 = arith.constant 0 : i32
    %dma_wait3A_116 = tpu.memref_slice %arg6[%dma_wait3A_108, %dma_wait3A_109, %dma_wait3A_115] : memref<98x1x32xi32, #tpu.memory_space<vmem>> -> memref<1x1x32xi32, #tpu.memory_space<vmem>>
    %dma_wait3A_117 = tpu.memref_squeeze %dma_wait3A_116 : memref<1x1x32xi32, #tpu.memory_space<vmem>> -> memref<32xi32, #tpu.memory_space<vmem>>
    %dma_wait3A_118 = arith.constant 0 : i32
    %dma_wait3A_119 = arith.constant 0 : i32
    %dma_wait3A_120 = tpu.memref_slice %arg2[%dma_wait3A_118, %dma_wait3A_119] : memref<32767x256xi32, #tpu.memory_space<hbm>> -> memref<32767x256xi32, #tpu.memory_space<hbm>>
    tpu.wait_indirect_dma semaphore(%arg11 : memref<!tpu.dma_semaphore, #tpu.memory_space<semaphore_mem>>) src(%dma_wait3A_120 : memref<32767x256xi32, #tpu.memory_space<hbm>>) dst(%dma_wait3A_114 : memref<32x256xi32, #tpu.memory_space<vmem>>)
    %dma_wait3A_121 = arith.constant 1 : i32
    %dma_wait3A_122 = arith.constant 0 : i32
    %dma_wait3A_123 = arith.constant 0 : i32
    %dma_wait3A_124 = tpu.memref_slice %arg9[%dma_wait3A_121, %dma_wait3A_122, %dma_wait3A_123] : memref<2x16x128xi32, #tpu.memory_space<vmem>> -> memref<1x16x128xi32, #tpu.memory_space<vmem>>
    %dma_wait3A_125 = tpu.memref_squeeze %dma_wait3A_124 : memref<1x16x128xi32, #tpu.memory_space<vmem>> -> memref<16x128xi32, #tpu.memory_space<vmem>>
    %dma_wait3A_126 = arith.constant 0 : i32
    %dma_wait3A_127 = arith.constant 0 : i32
    %dma_wait3A_128 = tpu.memref_slice %arg5[%dma_wait3A_126, %dma_wait3A_127] : memref<50176x128xi32, #tpu.memory_space<hbm>> -> memref<16x128xi32, #tpu.memory_space<hbm>>
    %dma_wait3A_129 = arith.constant 0 : i32
    %dma_wait3A_130 = arith.constant 0 : i32
    %dma_wait3A_131 = tpu.memref_slice %arg5[%dma_wait3A_129, %dma_wait3A_130] : memref<50176x128xi32, #tpu.memory_space<hbm>> -> memref<16x128xi32, #tpu.memory_space<hbm>>
    %dma_wait3A_132 = arith.constant 0 : i32
    %dma_wait3A_133 = arith.constant 0 : i32
    %dma_wait3A_134 = tpu.memref_slice %arg9[%dma_wait3A_121, %dma_wait3A_132, %dma_wait3A_133] : memref<2x16x128xi32, #tpu.memory_space<vmem>> -> memref<1x16x128xi32, #tpu.memory_space<vmem>>
    %dma_wait3A_135 = tpu.memref_squeeze %dma_wait3A_134 : memref<1x16x128xi32, #tpu.memory_space<vmem>> -> memref<16x128xi32, #tpu.memory_space<vmem>>
    tpu.wait_dma2 semaphore(%arg13 : memref<!tpu.dma_semaphore, #tpu.memory_space<semaphore_mem>>) src(%dma_wait3A_135 : memref<16x128xi32, #tpu.memory_space<vmem>>) dst(%dma_wait3A_131 : memref<16x128xi32, #tpu.memory_space<hbm>>)
    %get3A_136 = arith.constant 97 : i32
    %get3A_137 = arith.constant 0 : i32
    %get3A_138 = arith.index_cast %get3A_136 : i32 to index
    %get3A_139 = arith.index_cast %get3A_137 : i32 to index
    %get3A_140 = arith.constant 0 : index
    %get3A_141 = tpu.vector_load %arg7[%get3A_138, %get3A_139, %get3A_140] {strides = array<i32>} : memref<98x1x64xf32, #tpu.memory_space<vmem>>, vector<1x1x16xf32>,
    %get3A_142 = vector.shape_cast %get3A_141 : vector<1x1x16xf32> to vector<16xf32>
    %get3A_143 = arith.constant 97 : i32
    %get3A_144 = arith.constant 0 : i32
    %get3A_145 = arith.index_cast %get3A_143 : i32 to index
    %get3A_146 = arith.index_cast %get3A_144 : i32 to index
    %get3A_147 = arith.constant 16 : index
    %get3A_148 = tpu.vector_load %arg7[%get3A_145, %get3A_146, %get3A_147] {strides = array<i32>} : memref<98x1x64xf32, #tpu.memory_space<vmem>>, vector<1x1x16xf32>,
    %get3A_149 = vector.shape_cast %get3A_148 : vector<1x1x16xf32> to vector<16xf32>
    %get3A_150 = arith.constant 97 : i32
    %get3A_151 = arith.constant 0 : i32
    %get3A_152 = arith.index_cast %get3A_150 : i32 to index
    %get3A_153 = arith.index_cast %get3A_151 : i32 to index
    %get3A_154 = arith.constant 32 : index
    %get3A_155 = tpu.vector_load %arg7[%get3A_152, %get3A_153, %get3A_154] {strides = array<i32>} : memref<98x1x64xf32, #tpu.memory_space<vmem>>, vector<1x1x16xf32>,
    %get3A_156 = vector.shape_cast %get3A_155 : vector<1x1x16xf32> to vector<16xf32>
    %get3A_157 = arith.constant 97 : i32
    %get3A_158 = arith.constant 0 : i32
    %get3A_159 = arith.index_cast %get3A_157 : i32 to index
    %get3A_160 = arith.index_cast %get3A_158 : i32 to index
    %get3A_161 = arith.constant 48 : index
    %get3A_162 = tpu.vector_load %arg7[%get3A_159, %get3A_160, %get3A_161] {strides = array<i32>} : memref<98x1x64xf32, #tpu.memory_space<vmem>>, vector<1x1x16xf32>,
    %get3A_163 = vector.shape_cast %get3A_162 : vector<1x1x16xf32> to vector<16xf32>
    %scan3A_164 = arith.constant 0 : i32
    %scan3A_165 = arith.constant 0 : i32
    %scan3A_166 = arith.constant 16 : i32
    %scan3A_167 = arith.addi %scan3A_165, %scan3A_166 : i32
    %scan3A_168 = arith.constant 1 : i32
    scf.for %scan3A_215 = %scan3A_165 to %scan3A_167 step %scan3A_168  : i32 {
      %broadcast_in_dim3A = arith.constant 0 : i32
      %broadcast_in_dim3A_216 = vector.broadcast %broadcast_in_dim3A : i32 to vector<16xi32>
      %add3A_217 = vector.broadcast %scan3A_215 : i32 to vector<16xi32>
      %add3A_218 = arith.addi %broadcast_in_dim3A_216, %add3A_217 : vector<16xi32>
      %lt3A = arith.constant 0 : i32
      %lt3A_219 = vector.broadcast %lt3A : i32 to vector<16xi32>
      %lt3A_220 = arith.cmpi slt, %add3A_218, %lt3A_219 : vector<16xi32>
      %add3A_221 = arith.constant 16 : i32
      %add3A_222 = vector.broadcast %add3A_221 : i32 to vector<16xi32>
      %add3A_223 = arith.addi %add3A_218, %add3A_222 : vector<16xi32>
      %select_n3A = arith.select %lt3A_220, %add3A_223, %add3A_218 : vector<16xi1>, vector<16xi32>
      %broadcast_in_dim3A_224 = vector.shape_cast %select_n3A : vector<16xi32> to vector<16x1xi32>
      %gather3A = vector.shape_cast %broadcast_in_dim3A_224 : vector<16x1xi32> to vector<16xi32>
      %gather3A_225 = tpu.dynamic_gather %get3A_142[%gather3A] in [0] : vector<16xf32>, vector<16xi32> -> vector<16xf32>
      %lt3A_226 = arith.constant 0 : i32
      %lt3A_227 = vector.broadcast %lt3A_226 : i32 to vector<16xi32>
      %lt3A_228 = arith.cmpi slt, %add3A_218, %lt3A_227 : vector<16xi32>
      %add3A_229 = arith.constant 16 : i32
      %add3A_230 = vector.broadcast %add3A_229 : i32 to vector<16xi32>
      %add3A_231 = arith.addi %add3A_218, %add3A_230 : vector<16xi32>
      %select_n3A_232 = arith.select %lt3A_228, %add3A_231, %add3A_218 : vector<16xi1>, vector<16xi32>
      %broadcast_in_dim3A_233 = vector.shape_cast %select_n3A_232 : vector<16xi32> to vector<16x1xi32>
      %gather3A_234 = vector.shape_cast %broadcast_in_dim3A_233 : vector<16x1xi32> to vector<16xi32>
      %gather3A_235 = tpu.dynamic_gather %get3A_149[%gather3A_234] in [0] : vector<16xf32>, vector<16xi32> -> vector<16xf32>
      %lt3A_236 = arith.constant 0 : i32
      %lt3A_237 = vector.broadcast %lt3A_236 : i32 to vector<16xi32>
      %lt3A_238 = arith.cmpi slt, %add3A_218, %lt3A_237 : vector<16xi32>
      %add3A_239 = arith.constant 16 : i32
      %add3A_240 = vector.broadcast %add3A_239 : i32 to vector<16xi32>
      %add3A_241 = arith.addi %add3A_218, %add3A_240 : vector<16xi32>
      %select_n3A_242 = arith.select %lt3A_238, %add3A_241, %add3A_218 : vector<16xi1>, vector<16xi32>
      %broadcast_in_dim3A_243 = vector.shape_cast %select_n3A_242 : vector<16xi32> to vector<16x1xi32>
      %gather3A_244 = vector.shape_cast %broadcast_in_dim3A_243 : vector<16x1xi32> to vector<16xi32>
      %gather3A_245 = tpu.dynamic_gather %get3A_156[%gather3A_244] in [0] : vector<16xf32>, vector<16xi32> -> vector<16xf32>
      %lt3A_246 = arith.constant 0 : i32
      %lt3A_247 = vector.broadcast %lt3A_246 : i32 to vector<16xi32>
      %lt3A_248 = arith.cmpi slt, %add3A_218, %lt3A_247 : vector<16xi32>
      %add3A_249 = arith.constant 16 : i32
      %add3A_250 = vector.broadcast %add3A_249 : i32 to vector<16xi32>
      %add3A_251 = arith.addi %add3A_218, %add3A_250 : vector<16xi32>
      %select_n3A_252 = arith.select %lt3A_248, %add3A_251, %add3A_218 : vector<16xi1>, vector<16xi32>
      %broadcast_in_dim3A_253 = vector.shape_cast %select_n3A_252 : vector<16xi32> to vector<16x1xi32>
      %gather3A_254 = vector.shape_cast %broadcast_in_dim3A_253 : vector<16x1xi32> to vector<16xi32>
      %gather3A_255 = tpu.dynamic_gather %get3A_163[%gather3A_254] in [0] : vector<16xf32>, vector<16xi32> -> vector<16xf32>
      %add3A_256 = arith.constant 16 : i32
      %add3A_257 = arith.addi %add3A_256, %scan3A_215 : i32
      %get3A_258 = arith.constant 1 : i32
      %get3A_259 = arith.index_cast %get3A_258 : i32 to index
      %get3A_260 = arith.index_cast %scan3A_215 : i32 to index
      %get3A_261 = arith.constant 0 : index
      %get3A_262 = tpu.vector_load %arg8[%get3A_259, %get3A_260, %get3A_261] {strides = array<i32>} : memref<2x32x256xi32, #tpu.memory_space<vmem>>, vector<1x1x16xi32>,
      %get3A_263 = vector.shape_cast %get3A_262 : vector<1x1x16xi32> to vector<16xi32>
      %get3A_264 = arith.constant 1 : i32
      %get3A_265 = arith.index_cast %get3A_264 : i32 to index
      %get3A_266 = arith.index_cast %scan3A_215 : i32 to index
      %get3A_267 = arith.constant 128 : index
      %get3A_268 = tpu.vector_load %arg8[%get3A_265, %get3A_266, %get3A_267] {strides = array<i32>} : memref<2x32x256xi32, #tpu.memory_space<vmem>>, vector<1x1x16xi32>,
      %get3A_269 = vector.shape_cast %get3A_268 : vector<1x1x16xi32> to vector<16xi32>
      %get3A_270 = arith.constant 1 : i32
      %get3A_271 = arith.index_cast %get3A_270 : i32 to index
      %get3A_272 = arith.index_cast %add3A_257 : i32 to index
      %get3A_273 = arith.constant 0 : index
      %get3A_274 = tpu.vector_load %arg8[%get3A_271, %get3A_272, %get3A_273] {strides = array<i32>} : memref<2x32x256xi32, #tpu.memory_space<vmem>>, vector<1x1x16xi32>,
      %get3A_275 = vector.shape_cast %get3A_274 : vector<1x1x16xi32> to vector<16xi32>
      %get3A_276 = arith.constant 1 : i32
      %get3A_277 = arith.index_cast %get3A_276 : i32 to index
      %get3A_278 = arith.index_cast %add3A_257 : i32 to index
      %get3A_279 = arith.constant 128 : index
      %get3A_280 = tpu.vector_load %arg8[%get3A_277, %get3A_278, %get3A_279] {strides = array<i32>} : memref<2x32x256xi32, #tpu.memory_space<vmem>>, vector<1x1x16xi32>,
      %get3A_281 = vector.shape_cast %get3A_280 : vector<1x1x16xi32> to vector<16xi32>
      %shift_left3A = arith.constant 16 : i32
      %shift_left3A_282 = vector.broadcast %shift_left3A : i32 to vector<16xi32>
      %shift_left3A_283 = arith.shli %get3A_263, %shift_left3A_282 : vector<16xi32>
      %bitcast_convert_type3A = tpu.bitcast %shift_left3A_283 : vector<16xi32> -> vector<16xf32>
      %mul3A_284 = arith.mulf %bitcast_convert_type3A, %gather3A_225 : vector<16xf32>
      %and3A = arith.constant -65536 : i32
      %and3A_285 = vector.broadcast %and3A : i32 to vector<16xi32>
      %and3A_286 = arith.andi %get3A_263, %and3A_285 : vector<16xi32>
      %bitcast_convert_type3A_287 = tpu.bitcast %and3A_286 : vector<16xi32> -> vector<16xf32>
      %mul3A_288 = arith.mulf %bitcast_convert_type3A_287, %gather3A_225 : vector<16xf32>
      %shift_left3A_289 = arith.constant 16 : i32
      %shift_left3A_290 = vector.broadcast %shift_left3A_289 : i32 to vector<16xi32>
      %shift_left3A_291 = arith.shli %get3A_269, %shift_left3A_290 : vector<16xi32>
      %bitcast_convert_type3A_292 = tpu.bitcast %shift_left3A_291 : vector<16xi32> -> vector<16xf32>
      %mul3A_293 = arith.mulf %bitcast_convert_type3A_292, %gather3A_235 : vector<16xf32>
      %add3A_294 = arith.addf %mul3A_284, %mul3A_293 : vector<16xf32>
      %and3A_295 = arith.constant -65536 : i32
      %and3A_296 = vector.broadcast %and3A_295 : i32 to vector<16xi32>
      %and3A_297 = arith.andi %get3A_269, %and3A_296 : vector<16xi32>
      %bitcast_convert_type3A_298 = tpu.bitcast %and3A_297 : vector<16xi32> -> vector<16xf32>
      %mul3A_299 = arith.mulf %bitcast_convert_type3A_298, %gather3A_235 : vector<16xf32>
      %add3A_300 = arith.addf %mul3A_288, %mul3A_299 : vector<16xf32>
      %shift_left3A_301 = arith.constant 16 : i32
      %shift_left3A_302 = vector.broadcast %shift_left3A_301 : i32 to vector<16xi32>
      %shift_left3A_303 = arith.shli %get3A_275, %shift_left3A_302 : vector<16xi32>
      %bitcast_convert_type3A_304 = tpu.bitcast %shift_left3A_303 : vector<16xi32> -> vector<16xf32>
      %mul3A_305 = arith.mulf %bitcast_convert_type3A_304, %gather3A_245 : vector<16xf32>
      %add3A_306 = arith.addf %add3A_294, %mul3A_305 : vector<16xf32>
      %and3A_307 = arith.constant -65536 : i32
      %and3A_308 = vector.broadcast %and3A_307 : i32 to vector<16xi32>
      %and3A_309 = arith.andi %get3A_275, %and3A_308 : vector<16xi32>
      %bitcast_convert_type3A_310 = tpu.bitcast %and3A_309 : vector<16xi32> -> vector<16xf32>
      %mul3A_311 = arith.mulf %bitcast_convert_type3A_310, %gather3A_245 : vector<16xf32>
      %add3A_312 = arith.addf %add3A_300, %mul3A_311 : vector<16xf32>
      %shift_left3A_313 = arith.constant 16 : i32
      %shift_left3A_314 = vector.broadcast %shift_left3A_313 : i32 to vector<16xi32>
      %shift_left3A_315 = arith.shli %get3A_281, %shift_left3A_314 : vector<16xi32>
      %bitcast_convert_type3A_316 = tpu.bitcast %shift_left3A_315 : vector<16xi32> -> vector<16xf32>
      %mul3A_317 = arith.mulf %bitcast_convert_type3A_316, %gather3A_255 : vector<16xf32>
      %add3A_318 = arith.addf %add3A_306, %mul3A_317 : vector<16xf32>
      %and3A_319 = arith.constant -65536 : i32
      %and3A_320 = vector.broadcast %and3A_319 : i32 to vector<16xi32>
      %and3A_321 = arith.andi %get3A_281, %and3A_320 : vector<16xi32>
      %bitcast_convert_type3A_322 = tpu.bitcast %and3A_321 : vector<16xi32> -> vector<16xf32>
      %mul3A_323 = arith.mulf %bitcast_convert_type3A_322, %gather3A_255 : vector<16xf32>
      %add3A_324 = arith.addf %add3A_312, %mul3A_323 : vector<16xf32>
      %bitcast_convert_type3A_325 = tpu.bitcast %add3A_318 : vector<16xf32> -> vector<16xi32>
      %shift_right_logical3A = arith.constant 16 : i32
      %shift_right_logical3A_326 = vector.broadcast %shift_right_logical3A : i32 to vector<16xi32>
      %shift_right_logical3A_327 = arith.shrui %bitcast_convert_type3A_325, %shift_right_logical3A_326 : vector<16xi32>
      %bitcast_convert_type3A_328 = tpu.bitcast %add3A_324 : vector<16xf32> -> vector<16xi32>
      %and3A_329 = arith.constant -65536 : i32
      %and3A_330 = vector.broadcast %and3A_329 : i32 to vector<16xi32>
      %and3A_331 = arith.andi %bitcast_convert_type3A_328, %and3A_330 : vector<16xi32>
      %or3A = arith.ori %shift_right_logical3A_327, %and3A_331 : vector<16xi32>
      %swap3A = arith.constant 1 : i32
      %swap3A_332 = arith.index_cast %swap3A : i32 to index
      %swap3A_333 = arith.index_cast %scan3A_215 : i32 to index
      %swap3A_334 = arith.constant 0 : index
      %swap3A_335 = tpu.vector_load %arg9[%swap3A_332, %swap3A_333, %swap3A_334] {strides = array<i32>} : memref<2x16x128xi32, #tpu.memory_space<vmem>>, vector<1x1x16xi32>,
      %swap3A_336 = vector.shape_cast %swap3A_335 : vector<1x1x16xi32> to vector<16xi32>
      %swap3A_337 = vector.shape_cast %or3A : vector<16xi32> to vector<1x1x16xi32>
      tpu.vector_store %arg9[%swap3A_332, %swap3A_333, %swap3A_334], %swap3A_337 {strides = array<i32>} : memref<2x16x128xi32, #tpu.memory_space<vmem>>, vector<1x1x16xi32>,
      %get3A_338 = arith.constant 1 : i32
      %get3A_339 = arith.index_cast %get3A_338 : i32 to index
      %get3A_340 = arith.index_cast %scan3A_215 : i32 to index
      %get3A_341 = arith.constant 16 : index
      %get3A_342 = tpu.vector_load %arg8[%get3A_339, %get3A_340, %get3A_341] {strides = array<i32>} : memref<2x32x256xi32, #tpu.memory_space<vmem>>, vector<1x1x16xi32>,
      %get3A_343 = vector.shape_cast %get3A_342 : vector<1x1x16xi32> to vector<16xi32>
      %get3A_344 = arith.constant 1 : i32
      %get3A_345 = arith.index_cast %get3A_344 : i32 to index
      %get3A_346 = arith.index_cast %scan3A_215 : i32 to index
      %get3A_347 = arith.constant 144 : index
      %get3A_348 = tpu.vector_load %arg8[%get3A_345, %get3A_346, %get3A_347] {strides = array<i32>} : memref<2x32x256xi32, #tpu.memory_space<vmem>>, vector<1x1x16xi32>,
      %get3A_349 = vector.shape_cast %get3A_348 : vector<1x1x16xi32> to vector<16xi32>
      %get3A_350 = arith.constant 1 : i32
      %get3A_351 = arith.index_cast %get3A_350 : i32 to index
      %get3A_352 = arith.index_cast %add3A_257 : i32 to index
      %get3A_353 = arith.constant 16 : index
      %get3A_354 = tpu.vector_load %arg8[%get3A_351, %get3A_352, %get3A_353] {strides = array<i32>} : memref<2x32x256xi32, #tpu.memory_space<vmem>>, vector<1x1x16xi32>,
      %get3A_355 = vector.shape_cast %get3A_354 : vector<1x1x16xi32> to vector<16xi32>
      %get3A_356 = arith.constant 1 : i32
      %get3A_357 = arith.index_cast %get3A_356 : i32 to index
      %get3A_358 = arith.index_cast %add3A_257 : i32 to index
      %get3A_359 = arith.constant 144 : index
      %get3A_360 = tpu.vector_load %arg8[%get3A_357, %get3A_358, %get3A_359] {strides = array<i32>} : memref<2x32x256xi32, #tpu.memory_space<vmem>>, vector<1x1x16xi32>,
      %get3A_361 = vector.shape_cast %get3A_360 : vector<1x1x16xi32> to vector<16xi32>
      %shift_left3A_362 = arith.constant 16 : i32
      %shift_left3A_363 = vector.broadcast %shift_left3A_362 : i32 to vector<16xi32>
      %shift_left3A_364 = arith.shli %get3A_343, %shift_left3A_363 : vector<16xi32>
      %bitcast_convert_type3A_365 = tpu.bitcast %shift_left3A_364 : vector<16xi32> -> vector<16xf32>
      %mul3A_366 = arith.mulf %bitcast_convert_type3A_365, %gather3A_225 : vector<16xf32>
      %and3A_367 = arith.constant -65536 : i32
      %and3A_368 = vector.broadcast %and3A_367 : i32 to vector<16xi32>
      %and3A_369 = arith.andi %get3A_343, %and3A_368 : vector<16xi32>
      %bitcast_convert_type3A_370 = tpu.bitcast %and3A_369 : vector<16xi32> -> vector<16xf32>
      %mul3A_371 = arith.mulf %bitcast_convert_type3A_370, %gather3A_225 : vector<16xf32>
      %shift_left3A_372 = arith.constant 16 : i32
      %shift_left3A_373 = vector.broadcast %shift_left3A_372 : i32 to vector<16xi32>
      %shift_left3A_374 = arith.shli %get3A_349, %shift_left3A_373 : vector<16xi32>
      %bitcast_convert_type3A_375 = tpu.bitcast %shift_left3A_374 : vector<16xi32> -> vector<16xf32>
      %mul3A_376 = arith.mulf %bitcast_convert_type3A_375, %gather3A_235 : vector<16xf32>
      %add3A_377 = arith.addf %mul3A_366, %mul3A_376 : vector<16xf32>
      %and3A_378 = arith.constant -65536 : i32
      %and3A_379 = vector.broadcast %and3A_378 : i32 to vector<16xi32>
      %and3A_380 = arith.andi %get3A_349, %and3A_379 : vector<16xi32>
      %bitcast_convert_type3A_381 = tpu.bitcast %and3A_380 : vector<16xi32> -> vector<16xf32>
      %mul3A_382 = arith.mulf %bitcast_convert_type3A_381, %gather3A_235 : vector<16xf32>
      %add3A_383 = arith.addf %mul3A_371, %mul3A_382 : vector<16xf32>
      %shift_left3A_384 = arith.constant 16 : i32
      %shift_left3A_385 = vector.broadcast %shift_left3A_384 : i32 to vector<16xi32>
      %shift_left3A_386 = arith.shli %get3A_355, %shift_left3A_385 : vector<16xi32>
      %bitcast_convert_type3A_387 = tpu.bitcast %shift_left3A_386 : vector<16xi32> -> vector<16xf32>
      %mul3A_388 = arith.mulf %bitcast_convert_type3A_387, %gather3A_245 : vector<16xf32>
      %add3A_389 = arith.addf %add3A_377, %mul3A_388 : vector<16xf32>
      %and3A_390 = arith.constant -65536 : i32
      %and3A_391 = vector.broadcast %and3A_390 : i32 to vector<16xi32>
      %and3A_392 = arith.andi %get3A_355, %and3A_391 : vector<16xi32>
      %bitcast_convert_type3A_393 = tpu.bitcast %and3A_392 : vector<16xi32> -> vector<16xf32>
      %mul3A_394 = arith.mulf %bitcast_convert_type3A_393, %gather3A_245 : vector<16xf32>
      %add3A_395 = arith.addf %add3A_383, %mul3A_394 : vector<16xf32>
      %shift_left3A_396 = arith.constant 16 : i32
      %shift_left3A_397 = vector.broadcast %shift_left3A_396 : i32 to vector<16xi32>
      %shift_left3A_398 = arith.shli %get3A_361, %shift_left3A_397 : vector<16xi32>
      %bitcast_convert_type3A_399 = tpu.bitcast %shift_left3A_398 : vector<16xi32> -> vector<16xf32>
      %mul3A_400 = arith.mulf %bitcast_convert_type3A_399, %gather3A_255 : vector<16xf32>
      %add3A_401 = arith.addf %add3A_389, %mul3A_400 : vector<16xf32>
      %and3A_402 = arith.constant -65536 : i32
      %and3A_403 = vector.broadcast %and3A_402 : i32 to vector<16xi32>
      %and3A_404 = arith.andi %get3A_361, %and3A_403 : vector<16xi32>
      %bitcast_convert_type3A_405 = tpu.bitcast %and3A_404 : vector<16xi32> -> vector<16xf32>
      %mul3A_406 = arith.mulf %bitcast_convert_type3A_405, %gather3A_255 : vector<16xf32>
      %add3A_407 = arith.addf %add3A_395, %mul3A_406 : vector<16xf32>
      %bitcast_convert_type3A_408 = tpu.bitcast %add3A_401 : vector<16xf32> -> vector<16xi32>
      %shift_right_logical3A_409 = arith.constant 16 : i32
      %shift_right_logical3A_410 = vector.broadcast %shift_right_logical3A_409 : i32 to vector<16xi32>
      %shift_right_logical3A_411 = arith.shrui %bitcast_convert_type3A_408, %shift_right_logical3A_410 : vector<16xi32>
      %bitcast_convert_type3A_412 = tpu.bitcast %add3A_407 : vector<16xf32> -> vector<16xi32>
      %and3A_413 = arith.constant -65536 : i32
      %and3A_414 = vector.broadcast %and3A_413 : i32 to vector<16xi32>
      %and3A_415 = arith.andi %bitcast_convert_type3A_412, %and3A_414 : vector<16xi32>
      %or3A_416 = arith.ori %shift_right_logical3A_411, %and3A_415 : vector<16xi32>
      %swap3A_417 = arith.constant 1 : i32
      %swap3A_418 = arith.index_cast %swap3A_417 : i32 to index
      %swap3A_419 = arith.index_cast %scan3A_215 : i32 to index
      %swap3A_420 = arith.constant 16 : index
      %swap3A_421 = tpu.vector_load %arg9[%swap3A_418, %swap3A_419, %swap3A_420] {strides = array<i32>} : memref<2x16x128xi32, #tpu.memory_space<vmem>>, vector<1x1x16xi32>,
      %swap3A_422 = vector.shape_cast %swap3A_421 : vector<1x1x16xi32> to vector<16xi32>
      %swap3A_423 = vector.shape_cast %or3A_416 : vector<16xi32> to vector<1x1x16xi32>
      tpu.vector_store %arg9[%swap3A_418, %swap3A_419, %swap3A_420], %swap3A_423 {strides = array<i32>} : memref<2x16x128xi32, #tpu.memory_space<vmem>>, vector<1x1x16xi32>,
      %get3A_424 = arith.constant 1 : i32
      %get3A_425 = arith.index_cast %get3A_424 : i32 to index
      %get3A_426 = arith.index_cast %scan3A_215 : i32 to index
      %get3A_427 = arith.constant 32 : index
      %get3A_428 = tpu.vector_load %arg8[%get3A_425, %get3A_426, %get3A_427] {strides = array<i32>} : memref<2x32x256xi32, #tpu.memory_space<vmem>>, vector<1x1x16xi32>,
      %get3A_429 = vector.shape_cast %get3A_428 : vector<1x1x16xi32> to vector<16xi32>
      %get3A_430 = arith.constant 1 : i32
      %get3A_431 = arith.index_cast %get3A_430 : i32 to index
      %get3A_432 = arith.index_cast %scan3A_215 : i32 to index
      %get3A_433 = arith.constant 160 : index
      %get3A_434 = tpu.vector_load %arg8[%get3A_431, %get3A_432, %get3A_433] {strides = array<i32>} : memref<2x32x256xi32, #tpu.memory_space<vmem>>, vector<1x1x16xi32>,
      %get3A_435 = vector.shape_cast %get3A_434 : vector<1x1x16xi32> to vector<16xi32>
      %get3A_436 = arith.constant 1 : i32
      %get3A_437 = arith.index_cast %get3A_436 : i32 to index
      %get3A_438 = arith.index_cast %add3A_257 : i32 to index
      %get3A_439 = arith.constant 32 : index
      %get3A_440 = tpu.vector_load %arg8[%get3A_437, %get3A_438, %get3A_439] {strides = array<i32>} : memref<2x32x256xi32, #tpu.memory_space<vmem>>, vector<1x1x16xi32>,
      %get3A_441 = vector.shape_cast %get3A_440 : vector<1x1x16xi32> to vector<16xi32>
      %get3A_442 = arith.constant 1 : i32
      %get3A_443 = arith.index_cast %get3A_442 : i32 to index
      %get3A_444 = arith.index_cast %add3A_257 : i32 to index
      %get3A_445 = arith.constant 160 : index
      %get3A_446 = tpu.vector_load %arg8[%get3A_443, %get3A_444, %get3A_445] {strides = array<i32>} : memref<2x32x256xi32, #tpu.memory_space<vmem>>, vector<1x1x16xi32>,
      %get3A_447 = vector.shape_cast %get3A_446 : vector<1x1x16xi32> to vector<16xi32>
      %shift_left3A_448 = arith.constant 16 : i32
      %shift_left3A_449 = vector.broadcast %shift_left3A_448 : i32 to vector<16xi32>
      %shift_left3A_450 = arith.shli %get3A_429, %shift_left3A_449 : vector<16xi32>
      %bitcast_convert_type3A_451 = tpu.bitcast %shift_left3A_450 : vector<16xi32> -> vector<16xf32>
      %mul3A_452 = arith.mulf %bitcast_convert_type3A_451, %gather3A_225 : vector<16xf32>
      %and3A_453 = arith.constant -65536 : i32
      %and3A_454 = vector.broadcast %and3A_453 : i32 to vector<16xi32>
      %and3A_455 = arith.andi %get3A_429, %and3A_454 : vector<16xi32>
      %bitcast_convert_type3A_456 = tpu.bitcast %and3A_455 : vector<16xi32> -> vector<16xf32>
      %mul3A_457 = arith.mulf %bitcast_convert_type3A_456, %gather3A_225 : vector<16xf32>
      %shift_left3A_458 = arith.constant 16 : i32
      %shift_left3A_459 = vector.broadcast %shift_left3A_458 : i32 to vector<16xi32>
      %shift_left3A_460 = arith.shli %get3A_435, %shift_left3A_459 : vector<16xi32>
      %bitcast_convert_type3A_461 = tpu.bitcast %shift_left3A_460 : vector<16xi32> -> vector<16xf32>
      %mul3A_462 = arith.mulf %bitcast_convert_type3A_461, %gather3A_235 : vector<16xf32>
      %add3A_463 = arith.addf %mul3A_452, %mul3A_462 : vector<16xf32>
      %and3A_464 = arith.constant -65536 : i32
      %and3A_465 = vector.broadcast %and3A_464 : i32 to vector<16xi32>
      %and3A_466 = arith.andi %get3A_435, %and3A_465 : vector<16xi32>
      %bitcast_convert_type3A_467 = tpu.bitcast %and3A_466 : vector<16xi32> -> vector<16xf32>
      %mul3A_468 = arith.mulf %bitcast_convert_type3A_467, %gather3A_235 : vector<16xf32>
      %add3A_469 = arith.addf %mul3A_457, %mul3A_468 : vector<16xf32>
      %shift_left3A_470 = arith.constant 16 : i32
      %shift_left3A_471 = vector.broadcast %shift_left3A_470 : i32 to vector<16xi32>
      %shift_left3A_472 = arith.shli %get3A_441, %shift_left3A_471 : vector<16xi32>
      %bitcast_convert_type3A_473 = tpu.bitcast %shift_left3A_472 : vector<16xi32> -> vector<16xf32>
      %mul3A_474 = arith.mulf %bitcast_convert_type3A_473, %gather3A_245 : vector<16xf32>
      %add3A_475 = arith.addf %add3A_463, %mul3A_474 : vector<16xf32>
      %and3A_476 = arith.constant -65536 : i32
      %and3A_477 = vector.broadcast %and3A_476 : i32 to vector<16xi32>
      %and3A_478 = arith.andi %get3A_441, %and3A_477 : vector<16xi32>
      %bitcast_convert_type3A_479 = tpu.bitcast %and3A_478 : vector<16xi32> -> vector<16xf32>
      %mul3A_480 = arith.mulf %bitcast_convert_type3A_479, %gather3A_245 : vector<16xf32>
      %add3A_481 = arith.addf %add3A_469, %mul3A_480 : vector<16xf32>
      %shift_left3A_482 = arith.constant 16 : i32
      %shift_left3A_483 = vector.broadcast %shift_left3A_482 : i32 to vector<16xi32>
      %shift_left3A_484 = arith.shli %get3A_447, %shift_left3A_483 : vector<16xi32>
      %bitcast_convert_type3A_485 = tpu.bitcast %shift_left3A_484 : vector<16xi32> -> vector<16xf32>
      %mul3A_486 = arith.mulf %bitcast_convert_type3A_485, %gather3A_255 : vector<16xf32>
      %add3A_487 = arith.addf %add3A_475, %mul3A_486 : vector<16xf32>
      %and3A_488 = arith.constant -65536 : i32
      %and3A_489 = vector.broadcast %and3A_488 : i32 to vector<16xi32>
      %and3A_490 = arith.andi %get3A_447, %and3A_489 : vector<16xi32>
      %bitcast_convert_type3A_491 = tpu.bitcast %and3A_490 : vector<16xi32> -> vector<16xf32>
      %mul3A_492 = arith.mulf %bitcast_convert_type3A_491, %gather3A_255 : vector<16xf32>
      %add3A_493 = arith.addf %add3A_481, %mul3A_492 : vector<16xf32>
      %bitcast_convert_type3A_494 = tpu.bitcast %add3A_487 : vector<16xf32> -> vector<16xi32>
      %shift_right_logical3A_495 = arith.constant 16 : i32
      %shift_right_logical3A_496 = vector.broadcast %shift_right_logical3A_495 : i32 to vector<16xi32>
      %shift_right_logical3A_497 = arith.shrui %bitcast_convert_type3A_494, %shift_right_logical3A_496 : vector<16xi32>
      %bitcast_convert_type3A_498 = tpu.bitcast %add3A_493 : vector<16xf32> -> vector<16xi32>
      %and3A_499 = arith.constant -65536 : i32
      %and3A_500 = vector.broadcast %and3A_499 : i32 to vector<16xi32>
      %and3A_501 = arith.andi %bitcast_convert_type3A_498, %and3A_500 : vector<16xi32>
      %or3A_502 = arith.ori %shift_right_logical3A_497, %and3A_501 : vector<16xi32>
      %swap3A_503 = arith.constant 1 : i32
      %swap3A_504 = arith.index_cast %swap3A_503 : i32 to index
      %swap3A_505 = arith.index_cast %scan3A_215 : i32 to index
      %swap3A_506 = arith.constant 32 : index
      %swap3A_507 = tpu.vector_load %arg9[%swap3A_504, %swap3A_505, %swap3A_506] {strides = array<i32>} : memref<2x16x128xi32, #tpu.memory_space<vmem>>, vector<1x1x16xi32>,
      %swap3A_508 = vector.shape_cast %swap3A_507 : vector<1x1x16xi32> to vector<16xi32>
      %swap3A_509 = vector.shape_cast %or3A_502 : vector<16xi32> to vector<1x1x16xi32>
      tpu.vector_store %arg9[%swap3A_504, %swap3A_505, %swap3A_506], %swap3A_509 {strides = array<i32>} : memref<2x16x128xi32, #tpu.memory_space<vmem>>, vector<1x1x16xi32>,
      %get3A_510 = arith.constant 1 : i32
      %get3A_511 = arith.index_cast %get3A_510 : i32 to index
      %get3A_512 = arith.index_cast %scan3A_215 : i32 to index
      %get3A_513 = arith.constant 48 : index
      %get3A_514 = tpu.vector_load %arg8[%get3A_511, %get3A_512, %get3A_513] {strides = array<i32>} : memref<2x32x256xi32, #tpu.memory_space<vmem>>, vector<1x1x16xi32>,
      %get3A_515 = vector.shape_cast %get3A_514 : vector<1x1x16xi32> to vector<16xi32>
      %get3A_516 = arith.constant 1 : i32
      %get3A_517 = arith.index_cast %get3A_516 : i32 to index
      %get3A_518 = arith.index_cast %scan3A_215 : i32 to index
      %get3A_519 = arith.constant 176 : index
      %get3A_520 = tpu.vector_load %arg8[%get3A_517, %get3A_518, %get3A_519] {strides = array<i32>} : memref<2x32x256xi32, #tpu.memory_space<vmem>>, vector<1x1x16xi32>,
      %get3A_521 = vector.shape_cast %get3A_520 : vector<1x1x16xi32> to vector<16xi32>
      %get3A_522 = arith.constant 1 : i32
      %get3A_523 = arith.index_cast %get3A_522 : i32 to index
      %get3A_524 = arith.index_cast %add3A_257 : i32 to index
      %get3A_525 = arith.constant 48 : index
      %get3A_526 = tpu.vector_load %arg8[%get3A_523, %get3A_524, %get3A_525] {strides = array<i32>} : memref<2x32x256xi32, #tpu.memory_space<vmem>>, vector<1x1x16xi32>,
      %get3A_527 = vector.shape_cast %get3A_526 : vector<1x1x16xi32> to vector<16xi32>
      %get3A_528 = arith.constant 1 : i32
      %get3A_529 = arith.index_cast %get3A_528 : i32 to index
      %get3A_530 = arith.index_cast %add3A_257 : i32 to index
      %get3A_531 = arith.constant 176 : index
      %get3A_532 = tpu.vector_load %arg8[%get3A_529, %get3A_530, %get3A_531] {strides = array<i32>} : memref<2x32x256xi32, #tpu.memory_space<vmem>>, vector<1x1x16xi32>,
      %get3A_533 = vector.shape_cast %get3A_532 : vector<1x1x16xi32> to vector<16xi32>
      %shift_left3A_534 = arith.constant 16 : i32
      %shift_left3A_535 = vector.broadcast %shift_left3A_534 : i32 to vector<16xi32>
      %shift_left3A_536 = arith.shli %get3A_515, %shift_left3A_535 : vector<16xi32>
      %bitcast_convert_type3A_537 = tpu.bitcast %shift_left3A_536 : vector<16xi32> -> vector<16xf32>
      %mul3A_538 = arith.mulf %bitcast_convert_type3A_537, %gather3A_225 : vector<16xf32>
      %and3A_539 = arith.constant -65536 : i32
      %and3A_540 = vector.broadcast %and3A_539 : i32 to vector<16xi32>
      %and3A_541 = arith.andi %get3A_515, %and3A_540 : vector<16xi32>
      %bitcast_convert_type3A_542 = tpu.bitcast %and3A_541 : vector<16xi32> -> vector<16xf32>
      %mul3A_543 = arith.mulf %bitcast_convert_type3A_542, %gather3A_225 : vector<16xf32>
      %shift_left3A_544 = arith.constant 16 : i32
      %shift_left3A_545 = vector.broadcast %shift_left3A_544 : i32 to vector<16xi32>
      %shift_left3A_546 = arith.shli %get3A_521, %shift_left3A_545 : vector<16xi32>
      %bitcast_convert_type3A_547 = tpu.bitcast %shift_left3A_546 : vector<16xi32> -> vector<16xf32>
      %mul3A_548 = arith.mulf %bitcast_convert_type3A_547, %gather3A_235 : vector<16xf32>
      %add3A_549 = arith.addf %mul3A_538, %mul3A_548 : vector<16xf32>
      %and3A_550 = arith.constant -65536 : i32
      %and3A_551 = vector.broadcast %and3A_550 : i32 to vector<16xi32>
      %and3A_552 = arith.andi %get3A_521, %and3A_551 : vector<16xi32>
      %bitcast_convert_type3A_553 = tpu.bitcast %and3A_552 : vector<16xi32> -> vector<16xf32>
      %mul3A_554 = arith.mulf %bitcast_convert_type3A_553, %gather3A_235 : vector<16xf32>
      %add3A_555 = arith.addf %mul3A_543, %mul3A_554 : vector<16xf32>
      %shift_left3A_556 = arith.constant 16 : i32
      %shift_left3A_557 = vector.broadcast %shift_left3A_556 : i32 to vector<16xi32>
      %shift_left3A_558 = arith.shli %get3A_527, %shift_left3A_557 : vector<16xi32>
      %bitcast_convert_type3A_559 = tpu.bitcast %shift_left3A_558 : vector<16xi32> -> vector<16xf32>
      %mul3A_560 = arith.mulf %bitcast_convert_type3A_559, %gather3A_245 : vector<16xf32>
      %add3A_561 = arith.addf %add3A_549, %mul3A_560 : vector<16xf32>
      %and3A_562 = arith.constant -65536 : i32
      %and3A_563 = vector.broadcast %and3A_562 : i32 to vector<16xi32>
      %and3A_564 = arith.andi %get3A_527, %and3A_563 : vector<16xi32>
      %bitcast_convert_type3A_565 = tpu.bitcast %and3A_564 : vector<16xi32> -> vector<16xf32>
      %mul3A_566 = arith.mulf %bitcast_convert_type3A_565, %gather3A_245 : vector<16xf32>
      %add3A_567 = arith.addf %add3A_555, %mul3A_566 : vector<16xf32>
      %shift_left3A_568 = arith.constant 16 : i32
      %shift_left3A_569 = vector.broadcast %shift_left3A_568 : i32 to vector<16xi32>
      %shift_left3A_570 = arith.shli %get3A_533, %shift_left3A_569 : vector<16xi32>
      %bitcast_convert_type3A_571 = tpu.bitcast %shift_left3A_570 : vector<16xi32> -> vector<16xf32>
      %mul3A_572 = arith.mulf %bitcast_convert_type3A_571, %gather3A_255 : vector<16xf32>
      %add3A_573 = arith.addf %add3A_561, %mul3A_572 : vector<16xf32>
      %and3A_574 = arith.constant -65536 : i32
      %and3A_575 = vector.broadcast %and3A_574 : i32 to vector<16xi32>
      %and3A_576 = arith.andi %get3A_533, %and3A_575 : vector<16xi32>
      %bitcast_convert_type3A_577 = tpu.bitcast %and3A_576 : vector<16xi32> -> vector<16xf32>
      %mul3A_578 = arith.mulf %bitcast_convert_type3A_577, %gather3A_255 : vector<16xf32>
      %add3A_579 = arith.addf %add3A_567, %mul3A_578 : vector<16xf32>
      %bitcast_convert_type3A_580 = tpu.bitcast %add3A_573 : vector<16xf32> -> vector<16xi32>
      %shift_right_logical3A_581 = arith.constant 16 : i32
      %shift_right_logical3A_582 = vector.broadcast %shift_right_logical3A_581 : i32 to vector<16xi32>
      %shift_right_logical3A_583 = arith.shrui %bitcast_convert_type3A_580, %shift_right_logical3A_582 : vector<16xi32>
      %bitcast_convert_type3A_584 = tpu.bitcast %add3A_579 : vector<16xf32> -> vector<16xi32>
      %and3A_585 = arith.constant -65536 : i32
      %and3A_586 = vector.broadcast %and3A_585 : i32 to vector<16xi32>
      %and3A_587 = arith.andi %bitcast_convert_type3A_584, %and3A_586 : vector<16xi32>
      %or3A_588 = arith.ori %shift_right_logical3A_583, %and3A_587 : vector<16xi32>
      %swap3A_589 = arith.constant 1 : i32
      %swap3A_590 = arith.index_cast %swap3A_589 : i32 to index
      %swap3A_591 = arith.index_cast %scan3A_215 : i32 to index
      %swap3A_592 = arith.constant 48 : index
      %swap3A_593 = tpu.vector_load %arg9[%swap3A_590, %swap3A_591, %swap3A_592] {strides = array<i32>} : memref<2x16x128xi32, #tpu.memory_space<vmem>>, vector<1x1x16xi32>,
      %swap3A_594 = vector.shape_cast %swap3A_593 : vector<1x1x16xi32> to vector<16xi32>
      %swap3A_595 = vector.shape_cast %or3A_588 : vector<16xi32> to vector<1x1x16xi32>
      tpu.vector_store %arg9[%swap3A_590, %swap3A_591, %swap3A_592], %swap3A_595 {strides = array<i32>} : memref<2x16x128xi32, #tpu.memory_space<vmem>>, vector<1x1x16xi32>,
      %get3A_596 = arith.constant 1 : i32
      %get3A_597 = arith.index_cast %get3A_596 : i32 to index
      %get3A_598 = arith.index_cast %scan3A_215 : i32 to index
      %get3A_599 = arith.constant 64 : index
      %get3A_600 = tpu.vector_load %arg8[%get3A_597, %get3A_598, %get3A_599] {strides = array<i32>} : memref<2x32x256xi32, #tpu.memory_space<vmem>>, vector<1x1x16xi32>,
      %get3A_601 = vector.shape_cast %get3A_600 : vector<1x1x16xi32> to vector<16xi32>
      %get3A_602 = arith.constant 1 : i32
      %get3A_603 = arith.index_cast %get3A_602 : i32 to index
      %get3A_604 = arith.index_cast %scan3A_215 : i32 to index
      %get3A_605 = arith.constant 192 : index
      %get3A_606 = tpu.vector_load %arg8[%get3A_603, %get3A_604, %get3A_605] {strides = array<i32>} : memref<2x32x256xi32, #tpu.memory_space<vmem>>, vector<1x1x16xi32>,
      %get3A_607 = vector.shape_cast %get3A_606 : vector<1x1x16xi32> to vector<16xi32>
      %get3A_608 = arith.constant 1 : i32
      %get3A_609 = arith.index_cast %get3A_608 : i32 to index
      %get3A_610 = arith.index_cast %add3A_257 : i32 to index
      %get3A_611 = arith.constant 64 : index
      %get3A_612 = tpu.vector_load %arg8[%get3A_609, %get3A_610, %get3A_611] {strides = array<i32>} : memref<2x32x256xi32, #tpu.memory_space<vmem>>, vector<1x1x16xi32>,
      %get3A_613 = vector.shape_cast %get3A_612 : vector<1x1x16xi32> to vector<16xi32>
      %get3A_614 = arith.constant 1 : i32
      %get3A_615 = arith.index_cast %get3A_614 : i32 to index
      %get3A_616 = arith.index_cast %add3A_257 : i32 to index
      %get3A_617 = arith.constant 192 : index
      %get3A_618 = tpu.vector_load %arg8[%get3A_615, %get3A_616, %get3A_617] {strides = array<i32>} : memref<2x32x256xi32, #tpu.memory_space<vmem>>, vector<1x1x16xi32>,
      %get3A_619 = vector.shape_cast %get3A_618 : vector<1x1x16xi32> to vector<16xi32>
      %shift_left3A_620 = arith.constant 16 : i32
      %shift_left3A_621 = vector.broadcast %shift_left3A_620 : i32 to vector<16xi32>
      %shift_left3A_622 = arith.shli %get3A_601, %shift_left3A_621 : vector<16xi32>
      %bitcast_convert_type3A_623 = tpu.bitcast %shift_left3A_622 : vector<16xi32> -> vector<16xf32>
      %mul3A_624 = arith.mulf %bitcast_convert_type3A_623, %gather3A_225 : vector<16xf32>
      %and3A_625 = arith.constant -65536 : i32
      %and3A_626 = vector.broadcast %and3A_625 : i32 to vector<16xi32>
      %and3A_627 = arith.andi %get3A_601, %and3A_626 : vector<16xi32>
      %bitcast_convert_type3A_628 = tpu.bitcast %and3A_627 : vector<16xi32> -> vector<16xf32>
      %mul3A_629 = arith.mulf %bitcast_convert_type3A_628, %gather3A_225 : vector<16xf32>
      %shift_left3A_630 = arith.constant 16 : i32
      %shift_left3A_631 = vector.broadcast %shift_left3A_630 : i32 to vector<16xi32>
      %shift_left3A_632 = arith.shli %get3A_607, %shift_left3A_631 : vector<16xi32>
      %bitcast_convert_type3A_633 = tpu.bitcast %shift_left3A_632 : vector<16xi32> -> vector<16xf32>
      %mul3A_634 = arith.mulf %bitcast_convert_type3A_633, %gather3A_235 : vector<16xf32>
      %add3A_635 = arith.addf %mul3A_624, %mul3A_634 : vector<16xf32>
      %and3A_636 = arith.constant -65536 : i32
      %and3A_637 = vector.broadcast %and3A_636 : i32 to vector<16xi32>
      %and3A_638 = arith.andi %get3A_607, %and3A_637 : vector<16xi32>
      %bitcast_convert_type3A_639 = tpu.bitcast %and3A_638 : vector<16xi32> -> vector<16xf32>
      %mul3A_640 = arith.mulf %bitcast_convert_type3A_639, %gather3A_235 : vector<16xf32>
      %add3A_641 = arith.addf %mul3A_629, %mul3A_640 : vector<16xf32>
      %shift_left3A_642 = arith.constant 16 : i32
      %shift_left3A_643 = vector.broadcast %shift_left3A_642 : i32 to vector<16xi32>
      %shift_left3A_644 = arith.shli %get3A_613, %shift_left3A_643 : vector<16xi32>
      %bitcast_convert_type3A_645 = tpu.bitcast %shift_left3A_644 : vector<16xi32> -> vector<16xf32>
      %mul3A_646 = arith.mulf %bitcast_convert_type3A_645, %gather3A_245 : vector<16xf32>
      %add3A_647 = arith.addf %add3A_635, %mul3A_646 : vector<16xf32>
      %and3A_648 = arith.constant -65536 : i32
      %and3A_649 = vector.broadcast %and3A_648 : i32 to vector<16xi32>
      %and3A_650 = arith.andi %get3A_613, %and3A_649 : vector<16xi32>
      %bitcast_convert_type3A_651 = tpu.bitcast %and3A_650 : vector<16xi32> -> vector<16xf32>
      %mul3A_652 = arith.mulf %bitcast_convert_type3A_651, %gather3A_245 : vector<16xf32>
      %add3A_653 = arith.addf %add3A_641, %mul3A_652 : vector<16xf32>
      %shift_left3A_654 = arith.constant 16 : i32
      %shift_left3A_655 = vector.broadcast %shift_left3A_654 : i32 to vector<16xi32>
      %shift_left3A_656 = arith.shli %get3A_619, %shift_left3A_655 : vector<16xi32>
      %bitcast_convert_type3A_657 = tpu.bitcast %shift_left3A_656 : vector<16xi32> -> vector<16xf32>
      %mul3A_658 = arith.mulf %bitcast_convert_type3A_657, %gather3A_255 : vector<16xf32>
      %add3A_659 = arith.addf %add3A_647, %mul3A_658 : vector<16xf32>
      %and3A_660 = arith.constant -65536 : i32
      %and3A_661 = vector.broadcast %and3A_660 : i32 to vector<16xi32>
      %and3A_662 = arith.andi %get3A_619, %and3A_661 : vector<16xi32>
      %bitcast_convert_type3A_663 = tpu.bitcast %and3A_662 : vector<16xi32> -> vector<16xf32>
      %mul3A_664 = arith.mulf %bitcast_convert_type3A_663, %gather3A_255 : vector<16xf32>
      %add3A_665 = arith.addf %add3A_653, %mul3A_664 : vector<16xf32>
      %bitcast_convert_type3A_666 = tpu.bitcast %add3A_659 : vector<16xf32> -> vector<16xi32>
      %shift_right_logical3A_667 = arith.constant 16 : i32
      %shift_right_logical3A_668 = vector.broadcast %shift_right_logical3A_667 : i32 to vector<16xi32>
      %shift_right_logical3A_669 = arith.shrui %bitcast_convert_type3A_666, %shift_right_logical3A_668 : vector<16xi32>
      %bitcast_convert_type3A_670 = tpu.bitcast %add3A_665 : vector<16xf32> -> vector<16xi32>
      %and3A_671 = arith.constant -65536 : i32
      %and3A_672 = vector.broadcast %and3A_671 : i32 to vector<16xi32>
      %and3A_673 = arith.andi %bitcast_convert_type3A_670, %and3A_672 : vector<16xi32>
      %or3A_674 = arith.ori %shift_right_logical3A_669, %and3A_673 : vector<16xi32>
      %swap3A_675 = arith.constant 1 : i32
      %swap3A_676 = arith.index_cast %swap3A_675 : i32 to index
      %swap3A_677 = arith.index_cast %scan3A_215 : i32 to index
      %swap3A_678 = arith.constant 64 : index
      %swap3A_679 = tpu.vector_load %arg9[%swap3A_676, %swap3A_677, %swap3A_678] {strides = array<i32>} : memref<2x16x128xi32, #tpu.memory_space<vmem>>, vector<1x1x16xi32>,
      %swap3A_680 = vector.shape_cast %swap3A_679 : vector<1x1x16xi32> to vector<16xi32>
      %swap3A_681 = vector.shape_cast %or3A_674 : vector<16xi32> to vector<1x1x16xi32>
      tpu.vector_store %arg9[%swap3A_676, %swap3A_677, %swap3A_678], %swap3A_681 {strides = array<i32>} : memref<2x16x128xi32, #tpu.memory_space<vmem>>, vector<1x1x16xi32>,
      %get3A_682 = arith.constant 1 : i32
      %get3A_683 = arith.index_cast %get3A_682 : i32 to index
      %get3A_684 = arith.index_cast %scan3A_215 : i32 to index
      %get3A_685 = arith.constant 80 : index
      %get3A_686 = tpu.vector_load %arg8[%get3A_683, %get3A_684, %get3A_685] {strides = array<i32>} : memref<2x32x256xi32, #tpu.memory_space<vmem>>, vector<1x1x16xi32>,
      %get3A_687 = vector.shape_cast %get3A_686 : vector<1x1x16xi32> to vector<16xi32>
      %get3A_688 = arith.constant 1 : i32
      %get3A_689 = arith.index_cast %get3A_688 : i32 to index
      %get3A_690 = arith.index_cast %scan3A_215 : i32 to index
      %get3A_691 = arith.constant 208 : index
      %get3A_692 = tpu.vector_load %arg8[%get3A_689, %get3A_690, %get3A_691] {strides = array<i32>} : memref<2x32x256xi32, #tpu.memory_space<vmem>>, vector<1x1x16xi32>,
      %get3A_693 = vector.shape_cast %get3A_692 : vector<1x1x16xi32> to vector<16xi32>
      %get3A_694 = arith.constant 1 : i32
      %get3A_695 = arith.index_cast %get3A_694 : i32 to index
      %get3A_696 = arith.index_cast %add3A_257 : i32 to index
      %get3A_697 = arith.constant 80 : index
      %get3A_698 = tpu.vector_load %arg8[%get3A_695, %get3A_696, %get3A_697] {strides = array<i32>} : memref<2x32x256xi32, #tpu.memory_space<vmem>>, vector<1x1x16xi32>,
      %get3A_699 = vector.shape_cast %get3A_698 : vector<1x1x16xi32> to vector<16xi32>
      %get3A_700 = arith.constant 1 : i32
      %get3A_701 = arith.index_cast %get3A_700 : i32 to index
      %get3A_702 = arith.index_cast %add3A_257 : i32 to index
      %get3A_703 = arith.constant 208 : index
      %get3A_704 = tpu.vector_load %arg8[%get3A_701, %get3A_702, %get3A_703] {strides = array<i32>} : memref<2x32x256xi32, #tpu.memory_space<vmem>>, vector<1x1x16xi32>,
      %get3A_705 = vector.shape_cast %get3A_704 : vector<1x1x16xi32> to vector<16xi32>
      %shift_left3A_706 = arith.constant 16 : i32
      %shift_left3A_707 = vector.broadcast %shift_left3A_706 : i32 to vector<16xi32>
      %shift_left3A_708 = arith.shli %get3A_687, %shift_left3A_707 : vector<16xi32>
      %bitcast_convert_type3A_709 = tpu.bitcast %shift_left3A_708 : vector<16xi32> -> vector<16xf32>
      %mul3A_710 = arith.mulf %bitcast_convert_type3A_709, %gather3A_225 : vector<16xf32>
      %and3A_711 = arith.constant -65536 : i32
      %and3A_712 = vector.broadcast %and3A_711 : i32 to vector<16xi32>
      %and3A_713 = arith.andi %get3A_687, %and3A_712 : vector<16xi32>
      %bitcast_convert_type3A_714 = tpu.bitcast %and3A_713 : vector<16xi32> -> vector<16xf32>
      %mul3A_715 = arith.mulf %bitcast_convert_type3A_714, %gather3A_225 : vector<16xf32>
      %shift_left3A_716 = arith.constant 16 : i32
      %shift_left3A_717 = vector.broadcast %shift_left3A_716 : i32 to vector<16xi32>
      %shift_left3A_718 = arith.shli %get3A_693, %shift_left3A_717 : vector<16xi32>
      %bitcast_convert_type3A_719 = tpu.bitcast %shift_left3A_718 : vector<16xi32> -> vector<16xf32>
      %mul3A_720 = arith.mulf %bitcast_convert_type3A_719, %gather3A_235 : vector<16xf32>
      %add3A_721 = arith.addf %mul3A_710, %mul3A_720 : vector<16xf32>
      %and3A_722 = arith.constant -65536 : i32
      %and3A_723 = vector.broadcast %and3A_722 : i32 to vector<16xi32>
      %and3A_724 = arith.andi %get3A_693, %and3A_723 : vector<16xi32>
      %bitcast_convert_type3A_725 = tpu.bitcast %and3A_724 : vector<16xi32> -> vector<16xf32>
      %mul3A_726 = arith.mulf %bitcast_convert_type3A_725, %gather3A_235 : vector<16xf32>
      %add3A_727 = arith.addf %mul3A_715, %mul3A_726 : vector<16xf32>
      %shift_left3A_728 = arith.constant 16 : i32
      %shift_left3A_729 = vector.broadcast %shift_left3A_728 : i32 to vector<16xi32>
      %shift_left3A_730 = arith.shli %get3A_699, %shift_left3A_729 : vector<16xi32>
      %bitcast_convert_type3A_731 = tpu.bitcast %shift_left3A_730 : vector<16xi32> -> vector<16xf32>
      %mul3A_732 = arith.mulf %bitcast_convert_type3A_731, %gather3A_245 : vector<16xf32>
      %add3A_733 = arith.addf %add3A_721, %mul3A_732 : vector<16xf32>
      %and3A_734 = arith.constant -65536 : i32
      %and3A_735 = vector.broadcast %and3A_734 : i32 to vector<16xi32>
      %and3A_736 = arith.andi %get3A_699, %and3A_735 : vector<16xi32>
      %bitcast_convert_type3A_737 = tpu.bitcast %and3A_736 : vector<16xi32> -> vector<16xf32>
      %mul3A_738 = arith.mulf %bitcast_convert_type3A_737, %gather3A_245 : vector<16xf32>
      %add3A_739 = arith.addf %add3A_727, %mul3A_738 : vector<16xf32>
      %shift_left3A_740 = arith.constant 16 : i32
      %shift_left3A_741 = vector.broadcast %shift_left3A_740 : i32 to vector<16xi32>
      %shift_left3A_742 = arith.shli %get3A_705, %shift_left3A_741 : vector<16xi32>
      %bitcast_convert_type3A_743 = tpu.bitcast %shift_left3A_742 : vector<16xi32> -> vector<16xf32>
      %mul3A_744 = arith.mulf %bitcast_convert_type3A_743, %gather3A_255 : vector<16xf32>
      %add3A_745 = arith.addf %add3A_733, %mul3A_744 : vector<16xf32>
      %and3A_746 = arith.constant -65536 : i32
      %and3A_747 = vector.broadcast %and3A_746 : i32 to vector<16xi32>
      %and3A_748 = arith.andi %get3A_705, %and3A_747 : vector<16xi32>
      %bitcast_convert_type3A_749 = tpu.bitcast %and3A_748 : vector<16xi32> -> vector<16xf32>
      %mul3A_750 = arith.mulf %bitcast_convert_type3A_749, %gather3A_255 : vector<16xf32>
      %add3A_751 = arith.addf %add3A_739, %mul3A_750 : vector<16xf32>
      %bitcast_convert_type3A_752 = tpu.bitcast %add3A_745 : vector<16xf32> -> vector<16xi32>
      %shift_right_logical3A_753 = arith.constant 16 : i32
      %shift_right_logical3A_754 = vector.broadcast %shift_right_logical3A_753 : i32 to vector<16xi32>
      %shift_right_logical3A_755 = arith.shrui %bitcast_convert_type3A_752, %shift_right_logical3A_754 : vector<16xi32>
      %bitcast_convert_type3A_756 = tpu.bitcast %add3A_751 : vector<16xf32> -> vector<16xi32>
      %and3A_757 = arith.constant -65536 : i32
      %and3A_758 = vector.broadcast %and3A_757 : i32 to vector<16xi32>
      %and3A_759 = arith.andi %bitcast_convert_type3A_756, %and3A_758 : vector<16xi32>
      %or3A_760 = arith.ori %shift_right_logical3A_755, %and3A_759 : vector<16xi32>
      %swap3A_761 = arith.constant 1 : i32
      %swap3A_762 = arith.index_cast %swap3A_761 : i32 to index
      %swap3A_763 = arith.index_cast %scan3A_215 : i32 to index
      %swap3A_764 = arith.constant 80 : index
      %swap3A_765 = tpu.vector_load %arg9[%swap3A_762, %swap3A_763, %swap3A_764] {strides = array<i32>} : memref<2x16x128xi32, #tpu.memory_space<vmem>>, vector<1x1x16xi32>,
      %swap3A_766 = vector.shape_cast %swap3A_765 : vector<1x1x16xi32> to vector<16xi32>
      %swap3A_767 = vector.shape_cast %or3A_760 : vector<16xi32> to vector<1x1x16xi32>
      tpu.vector_store %arg9[%swap3A_762, %swap3A_763, %swap3A_764], %swap3A_767 {strides = array<i32>} : memref<2x16x128xi32, #tpu.memory_space<vmem>>, vector<1x1x16xi32>,
      %get3A_768 = arith.constant 1 : i32
      %get3A_769 = arith.index_cast %get3A_768 : i32 to index
      %get3A_770 = arith.index_cast %scan3A_215 : i32 to index
      %get3A_771 = arith.constant 96 : index
      %get3A_772 = tpu.vector_load %arg8[%get3A_769, %get3A_770, %get3A_771] {strides = array<i32>} : memref<2x32x256xi32, #tpu.memory_space<vmem>>, vector<1x1x16xi32>,
      %get3A_773 = vector.shape_cast %get3A_772 : vector<1x1x16xi32> to vector<16xi32>
      %get3A_774 = arith.constant 1 : i32
      %get3A_775 = arith.index_cast %get3A_774 : i32 to index
      %get3A_776 = arith.index_cast %scan3A_215 : i32 to index
      %get3A_777 = arith.constant 224 : index
      %get3A_778 = tpu.vector_load %arg8[%get3A_775, %get3A_776, %get3A_777] {strides = array<i32>} : memref<2x32x256xi32, #tpu.memory_space<vmem>>, vector<1x1x16xi32>,
      %get3A_779 = vector.shape_cast %get3A_778 : vector<1x1x16xi32> to vector<16xi32>
      %get3A_780 = arith.constant 1 : i32
      %get3A_781 = arith.index_cast %get3A_780 : i32 to index
      %get3A_782 = arith.index_cast %add3A_257 : i32 to index
      %get3A_783 = arith.constant 96 : index
      %get3A_784 = tpu.vector_load %arg8[%get3A_781, %get3A_782, %get3A_783] {strides = array<i32>} : memref<2x32x256xi32, #tpu.memory_space<vmem>>, vector<1x1x16xi32>,
      %get3A_785 = vector.shape_cast %get3A_784 : vector<1x1x16xi32> to vector<16xi32>
      %get3A_786 = arith.constant 1 : i32
      %get3A_787 = arith.index_cast %get3A_786 : i32 to index
      %get3A_788 = arith.index_cast %add3A_257 : i32 to index
      %get3A_789 = arith.constant 224 : index
      %get3A_790 = tpu.vector_load %arg8[%get3A_787, %get3A_788, %get3A_789] {strides = array<i32>} : memref<2x32x256xi32, #tpu.memory_space<vmem>>, vector<1x1x16xi32>,
      %get3A_791 = vector.shape_cast %get3A_790 : vector<1x1x16xi32> to vector<16xi32>
      %shift_left3A_792 = arith.constant 16 : i32
      %shift_left3A_793 = vector.broadcast %shift_left3A_792 : i32 to vector<16xi32>
      %shift_left3A_794 = arith.shli %get3A_773, %shift_left3A_793 : vector<16xi32>
      %bitcast_convert_type3A_795 = tpu.bitcast %shift_left3A_794 : vector<16xi32> -> vector<16xf32>
      %mul3A_796 = arith.mulf %bitcast_convert_type3A_795, %gather3A_225 : vector<16xf32>
      %and3A_797 = arith.constant -65536 : i32
      %and3A_798 = vector.broadcast %and3A_797 : i32 to vector<16xi32>
      %and3A_799 = arith.andi %get3A_773, %and3A_798 : vector<16xi32>
      %bitcast_convert_type3A_800 = tpu.bitcast %and3A_799 : vector<16xi32> -> vector<16xf32>
      %mul3A_801 = arith.mulf %bitcast_convert_type3A_800, %gather3A_225 : vector<16xf32>
      %shift_left3A_802 = arith.constant 16 : i32
      %shift_left3A_803 = vector.broadcast %shift_left3A_802 : i32 to vector<16xi32>
      %shift_left3A_804 = arith.shli %get3A_779, %shift_left3A_803 : vector<16xi32>
      %bitcast_convert_type3A_805 = tpu.bitcast %shift_left3A_804 : vector<16xi32> -> vector<16xf32>
      %mul3A_806 = arith.mulf %bitcast_convert_type3A_805, %gather3A_235 : vector<16xf32>
      %add3A_807 = arith.addf %mul3A_796, %mul3A_806 : vector<16xf32>
      %and3A_808 = arith.constant -65536 : i32
      %and3A_809 = vector.broadcast %and3A_808 : i32 to vector<16xi32>
      %and3A_810 = arith.andi %get3A_779, %and3A_809 : vector<16xi32>
      %bitcast_convert_type3A_811 = tpu.bitcast %and3A_810 : vector<16xi32> -> vector<16xf32>
      %mul3A_812 = arith.mulf %bitcast_convert_type3A_811, %gather3A_235 : vector<16xf32>
      %add3A_813 = arith.addf %mul3A_801, %mul3A_812 : vector<16xf32>
      %shift_left3A_814 = arith.constant 16 : i32
      %shift_left3A_815 = vector.broadcast %shift_left3A_814 : i32 to vector<16xi32>
      %shift_left3A_816 = arith.shli %get3A_785, %shift_left3A_815 : vector<16xi32>
      %bitcast_convert_type3A_817 = tpu.bitcast %shift_left3A_816 : vector<16xi32> -> vector<16xf32>
      %mul3A_818 = arith.mulf %bitcast_convert_type3A_817, %gather3A_245 : vector<16xf32>
      %add3A_819 = arith.addf %add3A_807, %mul3A_818 : vector<16xf32>
      %and3A_820 = arith.constant -65536 : i32
      %and3A_821 = vector.broadcast %and3A_820 : i32 to vector<16xi32>
      %and3A_822 = arith.andi %get3A_785, %and3A_821 : vector<16xi32>
      %bitcast_convert_type3A_823 = tpu.bitcast %and3A_822 : vector<16xi32> -> vector<16xf32>
      %mul3A_824 = arith.mulf %bitcast_convert_type3A_823, %gather3A_245 : vector<16xf32>
      %add3A_825 = arith.addf %add3A_813, %mul3A_824 : vector<16xf32>
      %shift_left3A_826 = arith.constant 16 : i32
      %shift_left3A_827 = vector.broadcast %shift_left3A_826 : i32 to vector<16xi32>
      %shift_left3A_828 = arith.shli %get3A_791, %shift_left3A_827 : vector<16xi32>
      %bitcast_convert_type3A_829 = tpu.bitcast %shift_left3A_828 : vector<16xi32> -> vector<16xf32>
      %mul3A_830 = arith.mulf %bitcast_convert_type3A_829, %gather3A_255 : vector<16xf32>
      %add3A_831 = arith.addf %add3A_819, %mul3A_830 : vector<16xf32>
      %and3A_832 = arith.constant -65536 : i32
      %and3A_833 = vector.broadcast %and3A_832 : i32 to vector<16xi32>
      %and3A_834 = arith.andi %get3A_791, %and3A_833 : vector<16xi32>
      %bitcast_convert_type3A_835 = tpu.bitcast %and3A_834 : vector<16xi32> -> vector<16xf32>
      %mul3A_836 = arith.mulf %bitcast_convert_type3A_835, %gather3A_255 : vector<16xf32>
      %add3A_837 = arith.addf %add3A_825, %mul3A_836 : vector<16xf32>
      %bitcast_convert_type3A_838 = tpu.bitcast %add3A_831 : vector<16xf32> -> vector<16xi32>
      %shift_right_logical3A_839 = arith.constant 16 : i32
      %shift_right_logical3A_840 = vector.broadcast %shift_right_logical3A_839 : i32 to vector<16xi32>
      %shift_right_logical3A_841 = arith.shrui %bitcast_convert_type3A_838, %shift_right_logical3A_840 : vector<16xi32>
      %bitcast_convert_type3A_842 = tpu.bitcast %add3A_837 : vector<16xf32> -> vector<16xi32>
      %and3A_843 = arith.constant -65536 : i32
      %and3A_844 = vector.broadcast %and3A_843 : i32 to vector<16xi32>
      %and3A_845 = arith.andi %bitcast_convert_type3A_842, %and3A_844 : vector<16xi32>
      %or3A_846 = arith.ori %shift_right_logical3A_841, %and3A_845 : vector<16xi32>
      %swap3A_847 = arith.constant 1 : i32
      %swap3A_848 = arith.index_cast %swap3A_847 : i32 to index
      %swap3A_849 = arith.index_cast %scan3A_215 : i32 to index
      %swap3A_850 = arith.constant 96 : index
      %swap3A_851 = tpu.vector_load %arg9[%swap3A_848, %swap3A_849, %swap3A_850] {strides = array<i32>} : memref<2x16x128xi32, #tpu.memory_space<vmem>>, vector<1x1x16xi32>,
      %swap3A_852 = vector.shape_cast %swap3A_851 : vector<1x1x16xi32> to vector<16xi32>
      %swap3A_853 = vector.shape_cast %or3A_846 : vector<16xi32> to vector<1x1x16xi32>
      tpu.vector_store %arg9[%swap3A_848, %swap3A_849, %swap3A_850], %swap3A_853 {strides = array<i32>} : memref<2x16x128xi32, #tpu.memory_space<vmem>>, vector<1x1x16xi32>,
      %get3A_854 = arith.constant 1 : i32
      %get3A_855 = arith.index_cast %get3A_854 : i32 to index
      %get3A_856 = arith.index_cast %scan3A_215 : i32 to index
      %get3A_857 = arith.constant 112 : index
      %get3A_858 = tpu.vector_load %arg8[%get3A_855, %get3A_856, %get3A_857] {strides = array<i32>} : memref<2x32x256xi32, #tpu.memory_space<vmem>>, vector<1x1x16xi32>,
      %get3A_859 = vector.shape_cast %get3A_858 : vector<1x1x16xi32> to vector<16xi32>
      %get3A_860 = arith.constant 1 : i32
      %get3A_861 = arith.index_cast %get3A_860 : i32 to index
      %get3A_862 = arith.index_cast %scan3A_215 : i32 to index
      %get3A_863 = arith.constant 240 : index
      %get3A_864 = tpu.vector_load %arg8[%get3A_861, %get3A_862, %get3A_863] {strides = array<i32>} : memref<2x32x256xi32, #tpu.memory_space<vmem>>, vector<1x1x16xi32>,
      %get3A_865 = vector.shape_cast %get3A_864 : vector<1x1x16xi32> to vector<16xi32>
      %get3A_866 = arith.constant 1 : i32
      %get3A_867 = arith.index_cast %get3A_866 : i32 to index
      %get3A_868 = arith.index_cast %add3A_257 : i32 to index
      %get3A_869 = arith.constant 112 : index
      %get3A_870 = tpu.vector_load %arg8[%get3A_867, %get3A_868, %get3A_869] {strides = array<i32>} : memref<2x32x256xi32, #tpu.memory_space<vmem>>, vector<1x1x16xi32>,
      %get3A_871 = vector.shape_cast %get3A_870 : vector<1x1x16xi32> to vector<16xi32>
      %get3A_872 = arith.constant 1 : i32
      %get3A_873 = arith.index_cast %get3A_872 : i32 to index
      %get3A_874 = arith.index_cast %add3A_257 : i32 to index
      %get3A_875 = arith.constant 240 : index
      %get3A_876 = tpu.vector_load %arg8[%get3A_873, %get3A_874, %get3A_875] {strides = array<i32>} : memref<2x32x256xi32, #tpu.memory_space<vmem>>, vector<1x1x16xi32>,
      %get3A_877 = vector.shape_cast %get3A_876 : vector<1x1x16xi32> to vector<16xi32>
      %shift_left3A_878 = arith.constant 16 : i32
      %shift_left3A_879 = vector.broadcast %shift_left3A_878 : i32 to vector<16xi32>
      %shift_left3A_880 = arith.shli %get3A_859, %shift_left3A_879 : vector<16xi32>
      %bitcast_convert_type3A_881 = tpu.bitcast %shift_left3A_880 : vector<16xi32> -> vector<16xf32>
      %mul3A_882 = arith.mulf %bitcast_convert_type3A_881, %gather3A_225 : vector<16xf32>
      %and3A_883 = arith.constant -65536 : i32
      %and3A_884 = vector.broadcast %and3A_883 : i32 to vector<16xi32>
      %and3A_885 = arith.andi %get3A_859, %and3A_884 : vector<16xi32>
      %bitcast_convert_type3A_886 = tpu.bitcast %and3A_885 : vector<16xi32> -> vector<16xf32>
      %mul3A_887 = arith.mulf %bitcast_convert_type3A_886, %gather3A_225 : vector<16xf32>
      %shift_left3A_888 = arith.constant 16 : i32
      %shift_left3A_889 = vector.broadcast %shift_left3A_888 : i32 to vector<16xi32>
      %shift_left3A_890 = arith.shli %get3A_865, %shift_left3A_889 : vector<16xi32>
      %bitcast_convert_type3A_891 = tpu.bitcast %shift_left3A_890 : vector<16xi32> -> vector<16xf32>
      %mul3A_892 = arith.mulf %bitcast_convert_type3A_891, %gather3A_235 : vector<16xf32>
      %add3A_893 = arith.addf %mul3A_882, %mul3A_892 : vector<16xf32>
      %and3A_894 = arith.constant -65536 : i32
      %and3A_895 = vector.broadcast %and3A_894 : i32 to vector<16xi32>
      %and3A_896 = arith.andi %get3A_865, %and3A_895 : vector<16xi32>
      %bitcast_convert_type3A_897 = tpu.bitcast %and3A_896 : vector<16xi32> -> vector<16xf32>
      %mul3A_898 = arith.mulf %bitcast_convert_type3A_897, %gather3A_235 : vector<16xf32>
      %add3A_899 = arith.addf %mul3A_887, %mul3A_898 : vector<16xf32>
      %shift_left3A_900 = arith.constant 16 : i32
      %shift_left3A_901 = vector.broadcast %shift_left3A_900 : i32 to vector<16xi32>
      %shift_left3A_902 = arith.shli %get3A_871, %shift_left3A_901 : vector<16xi32>
      %bitcast_convert_type3A_903 = tpu.bitcast %shift_left3A_902 : vector<16xi32> -> vector<16xf32>
      %mul3A_904 = arith.mulf %bitcast_convert_type3A_903, %gather3A_245 : vector<16xf32>
      %add3A_905 = arith.addf %add3A_893, %mul3A_904 : vector<16xf32>
      %and3A_906 = arith.constant -65536 : i32
      %and3A_907 = vector.broadcast %and3A_906 : i32 to vector<16xi32>
      %and3A_908 = arith.andi %get3A_871, %and3A_907 : vector<16xi32>
      %bitcast_convert_type3A_909 = tpu.bitcast %and3A_908 : vector<16xi32> -> vector<16xf32>
      %mul3A_910 = arith.mulf %bitcast_convert_type3A_909, %gather3A_245 : vector<16xf32>
      %add3A_911 = arith.addf %add3A_899, %mul3A_910 : vector<16xf32>
      %shift_left3A_912 = arith.constant 16 : i32
      %shift_left3A_913 = vector.broadcast %shift_left3A_912 : i32 to vector<16xi32>
      %shift_left3A_914 = arith.shli %get3A_877, %shift_left3A_913 : vector<16xi32>
      %bitcast_convert_type3A_915 = tpu.bitcast %shift_left3A_914 : vector<16xi32> -> vector<16xf32>
      %mul3A_916 = arith.mulf %bitcast_convert_type3A_915, %gather3A_255 : vector<16xf32>
      %add3A_917 = arith.addf %add3A_905, %mul3A_916 : vector<16xf32>
      %and3A_918 = arith.constant -65536 : i32
      %and3A_919 = vector.broadcast %and3A_918 : i32 to vector<16xi32>
      %and3A_920 = arith.andi %get3A_877, %and3A_919 : vector<16xi32>
      %bitcast_convert_type3A_921 = tpu.bitcast %and3A_920 : vector<16xi32> -> vector<16xf32>
      %mul3A_922 = arith.mulf %bitcast_convert_type3A_921, %gather3A_255 : vector<16xf32>
      %add3A_923 = arith.addf %add3A_911, %mul3A_922 : vector<16xf32>
      %bitcast_convert_type3A_924 = tpu.bitcast %add3A_917 : vector<16xf32> -> vector<16xi32>
      %shift_right_logical3A_925 = arith.constant 16 : i32
      %shift_right_logical3A_926 = vector.broadcast %shift_right_logical3A_925 : i32 to vector<16xi32>
      %shift_right_logical3A_927 = arith.shrui %bitcast_convert_type3A_924, %shift_right_logical3A_926 : vector<16xi32>
      %bitcast_convert_type3A_928 = tpu.bitcast %add3A_923 : vector<16xf32> -> vector<16xi32>
      %and3A_929 = arith.constant -65536 : i32
      %and3A_930 = vector.broadcast %and3A_929 : i32 to vector<16xi32>
      %and3A_931 = arith.andi %bitcast_convert_type3A_928, %and3A_930 : vector<16xi32>
      %or3A_932 = arith.ori %shift_right_logical3A_927, %and3A_931 : vector<16xi32>
      %swap3A_933 = arith.constant 1 : i32
      %swap3A_934 = arith.index_cast %swap3A_933 : i32 to index
      %swap3A_935 = arith.index_cast %scan3A_215 : i32 to index
      %swap3A_936 = arith.constant 112 : index
      %swap3A_937 = tpu.vector_load %arg9[%swap3A_934, %swap3A_935, %swap3A_936] {strides = array<i32>} : memref<2x16x128xi32, #tpu.memory_space<vmem>>, vector<1x1x16xi32>,
      %swap3A_938 = vector.shape_cast %swap3A_937 : vector<1x1x16xi32> to vector<16xi32>
      %swap3A_939 = vector.shape_cast %or3A_932 : vector<16xi32> to vector<1x1x16xi32>
      tpu.vector_store %arg9[%swap3A_934, %swap3A_935, %swap3A_936], %swap3A_939 {strides = array<i32>} : memref<2x16x128xi32, #tpu.memory_space<vmem>>, vector<1x1x16xi32>,
    }
    %scan3A_169 = arith.constant 16 : i32
    %add3A_170 = arith.constant 1552 : i32
    %add3A_171 = arith.addi %mul3A_2, %add3A_170 : i32
    %dma_start3A_172 = arith.constant 1 : i32
    %dma_start3A_173 = arith.constant 0 : i32
    %dma_start3A_174 = arith.constant 0 : i32
    %dma_start3A_175 = tpu.memref_slice %arg9[%dma_start3A_172, %dma_start3A_173, %dma_start3A_174] : memref<2x16x128xi32, #tpu.memory_space<vmem>> -> memref<1x16x128xi32, #tpu.memory_space<vmem>>
    %dma_start3A_176 = tpu.memref_squeeze %dma_start3A_175 : memref<1x16x128xi32, #tpu.memory_space<vmem>> -> memref<16x128xi32, #tpu.memory_space<vmem>>
    %dma_start3A_177 = arith.constant 0 : i32
    %dma_start3A_178 = tpu.memref_slice %arg5[%add3A_171, %dma_start3A_177] : memref<50176x128xi32, #tpu.memory_space<hbm>> -> memref<16x128xi32, #tpu.memory_space<hbm>>
    %dma_start3A_179 = arith.constant 0 : i32
    %dma_start3A_180 = tpu.memref_slice %arg5[%add3A_171, %dma_start3A_179] : memref<50176x128xi32, #tpu.memory_space<hbm>> -> memref<16x128xi32, #tpu.memory_space<hbm>>
    %dma_start3A_181 = arith.constant 0 : i32
    %dma_start3A_182 = arith.constant 0 : i32
    %dma_start3A_183 = tpu.memref_slice %arg9[%dma_start3A_172, %dma_start3A_181, %dma_start3A_182] : memref<2x16x128xi32, #tpu.memory_space<vmem>> -> memref<1x16x128xi32, #tpu.memory_space<vmem>>
    %dma_start3A_184 = tpu.memref_squeeze %dma_start3A_183 : memref<1x16x128xi32, #tpu.memory_space<vmem>> -> memref<16x128xi32, #tpu.memory_space<vmem>>
    tpu.enqueue_dma source(%dma_start3A_184 : memref<16x128xi32, #tpu.memory_space<vmem>>) target(%dma_start3A_180 : memref<16x128xi32, #tpu.memory_space<hbm>>) target_semaphore(%arg13 : memref<!tpu.dma_semaphore, #tpu.memory_space<semaphore_mem>>)
    %dma_wait3A_185 = arith.constant 0 : i32
    %dma_wait3A_186 = arith.constant 0 : i32
    %dma_wait3A_187 = arith.constant 0 : i32
    %dma_wait3A_188 = tpu.memref_slice %arg9[%dma_wait3A_185, %dma_wait3A_186, %dma_wait3A_187] : memref<2x16x128xi32, #tpu.memory_space<vmem>> -> memref<1x16x128xi32, #tpu.memory_space<vmem>>
    %dma_wait3A_189 = tpu.memref_squeeze %dma_wait3A_188 : memref<1x16x128xi32, #tpu.memory_space<vmem>> -> memref<16x128xi32, #tpu.memory_space<vmem>>
    %dma_wait3A_190 = arith.constant 0 : i32
    %dma_wait3A_191 = arith.constant 0 : i32
    %dma_wait3A_192 = tpu.memref_slice %arg5[%dma_wait3A_190, %dma_wait3A_191] : memref<50176x128xi32, #tpu.memory_space<hbm>> -> memref<16x128xi32, #tpu.memory_space<hbm>>
    %dma_wait3A_193 = arith.constant 0 : i32
    %dma_wait3A_194 = arith.constant 0 : i32
    %dma_wait3A_195 = tpu.memref_slice %arg5[%dma_wait3A_193, %dma_wait3A_194] : memref<50176x128xi32, #tpu.memory_space<hbm>> -> memref<16x128xi32, #tpu.memory_space<hbm>>
    %dma_wait3A_196 = arith.constant 0 : i32
    %dma_wait3A_197 = arith.constant 0 : i32
    %dma_wait3A_198 = tpu.memref_slice %arg9[%dma_wait3A_185, %dma_wait3A_196, %dma_wait3A_197] : memref<2x16x128xi32, #tpu.memory_space<vmem>> -> memref<1x16x128xi32, #tpu.memory_space<vmem>>
    %dma_wait3A_199 = tpu.memref_squeeze %dma_wait3A_198 : memref<1x16x128xi32, #tpu.memory_space<vmem>> -> memref<16x128xi32, #tpu.memory_space<vmem>>
    tpu.wait_dma2 semaphore(%arg12 : memref<!tpu.dma_semaphore, #tpu.memory_space<semaphore_mem>>) src(%dma_wait3A_199 : memref<16x128xi32, #tpu.memory_space<vmem>>) dst(%dma_wait3A_195 : memref<16x128xi32, #tpu.memory_space<hbm>>)
    %dma_wait3A_200 = arith.constant 1 : i32
    %dma_wait3A_201 = arith.constant 0 : i32
    %dma_wait3A_202 = arith.constant 0 : i32
    %dma_wait3A_203 = tpu.memref_slice %arg9[%dma_wait3A_200, %dma_wait3A_201, %dma_wait3A_202] : memref<2x16x128xi32, #tpu.memory_space<vmem>> -> memref<1x16x128xi32, #tpu.memory_space<vmem>>
    %dma_wait3A_204 = tpu.memref_squeeze %dma_wait3A_203 : memref<1x16x128xi32, #tpu.memory_space<vmem>> -> memref<16x128xi32, #tpu.memory_space<vmem>>
    %dma_wait3A_205 = arith.constant 0 : i32
    %dma_wait3A_206 = arith.constant 0 : i32
    %dma_wait3A_207 = tpu.memref_slice %arg5[%dma_wait3A_205, %dma_wait3A_206] : memref<50176x128xi32, #tpu.memory_space<hbm>> -> memref<16x128xi32, #tpu.memory_space<hbm>>
    %dma_wait3A_208 = arith.constant 0 : i32
    %dma_wait3A_209 = arith.constant 0 : i32
    %dma_wait3A_210 = tpu.memref_slice %arg5[%dma_wait3A_208, %dma_wait3A_209] : memref<50176x128xi32, #tpu.memory_space<hbm>> -> memref<16x128xi32, #tpu.memory_space<hbm>>
    %dma_wait3A_211 = arith.constant 0 : i32
    %dma_wait3A_212 = arith.constant 0 : i32
    %dma_wait3A_213 = tpu.memref_slice %arg9[%dma_wait3A_200, %dma_wait3A_211, %dma_wait3A_212] : memref<2x16x128xi32, #tpu.memory_space<vmem>> -> memref<1x16x128xi32, #tpu.memory_space<vmem>>
    %dma_wait3A_214 = tpu.memref_squeeze %dma_wait3A_213 : memref<1x16x128xi32, #tpu.memory_space<vmem>> -> memref<16x128xi32, #tpu.memory_space<vmem>>
    tpu.wait_dma2 semaphore(%arg13 : memref<!tpu.dma_semaphore, #tpu.memory_space<semaphore_mem>>) src(%dma_wait3A_214 : memref<16x128xi32, #tpu.memory_space<vmem>>) dst(%dma_wait3A_210 : memref<16x128xi32, #tpu.memory_space<hbm>>)
    return
  }
}

module attributes {stable_mosaic.version = 14 : i64} {
  func.func @_tc_index_kernel(%arg0: memref<8x1024xf32, #tpu.memory_space<vmem>>, %arg1: memref<2x49x1024xi32, #tpu.memory_space<vmem>>, %arg2: memref<4x49x1024xf32, #tpu.memory_space<vmem>>) attributes {dimension_semantics = [], scalar_prefetch = 0 : i64, scratch_operands = 0 : i64, tpu.core_type = #tpu.core_type<tc>} {
    %get3A = arith.constant 0 : index
    %get3A_0 = arith.constant 0 : index
    %get3A_1 = vector.load %arg0[%get3A, %get3A_0] : memref<8x1024xf32, #tpu.memory_space<vmem>>, vector<1x1024xf32>
    %convert_element_type3A = arith.fptosi %get3A_1 : vector<1x1024xf32> to vector<1x1024xi32>
    %get3A_2 = arith.constant 1 : index
    %get3A_3 = arith.constant 0 : index
    %get3A_4 = vector.load %arg0[%get3A_2, %get3A_3] : memref<8x1024xf32, #tpu.memory_space<vmem>>, vector<1x1024xf32>
    %get3A_5 = arith.constant 2 : index
    %get3A_6 = arith.constant 0 : index
    %get3A_7 = vector.load %arg0[%get3A_5, %get3A_6] : memref<8x1024xf32, #tpu.memory_space<vmem>>, vector<1x1024xf32>
    %get3A_8 = arith.constant 3 : index
    %get3A_9 = arith.constant 0 : index
    %get3A_10 = vector.load %arg0[%get3A_8, %get3A_9] : memref<8x1024xf32, #tpu.memory_space<vmem>>, vector<1x1024xf32>
    %get3A_11 = arith.constant 4 : index
    %get3A_12 = arith.constant 0 : index
    %get3A_13 = vector.load %arg0[%get3A_11, %get3A_12] : memref<8x1024xf32, #tpu.memory_space<vmem>>, vector<1x1024xf32>
    %get3A_14 = arith.constant 5 : index
    %get3A_15 = arith.constant 0 : index
    %get3A_16 = vector.load %arg0[%get3A_14, %get3A_15] : memref<8x1024xf32, #tpu.memory_space<vmem>>, vector<1x1024xf32>
    %get3A_17 = arith.constant 6 : index
    %get3A_18 = arith.constant 0 : index
    %get3A_19 = vector.load %arg0[%get3A_17, %get3A_18] : memref<8x1024xf32, #tpu.memory_space<vmem>>, vector<1x1024xf32>
    %iota3A = tpu.iota {dimensions = array<i32: 0>} : vector<49x1024xi32>
    %jit3A = arith.constant 7 : i32
    %eq3A = arith.constant 0 : i32
    %eq3A_20 = arith.cmpi eq, %jit3A, %eq3A : i32
    %jit3A_21 = arith.constant 1 : i32
    %select_n3A = arith.select %eq3A_20, %jit3A_21, %jit3A : i32
    %rem3A = vector.broadcast %select_n3A : i32 to vector<49x1024xi32>
    %rem3A_22 = arith.remsi %iota3A, %rem3A : vector<49x1024xi32>
    %ne3A = arith.constant 0 : i32
    %ne3A_23 = vector.broadcast %ne3A : i32 to vector<49x1024xi32>
    %ne3A_24 = arith.cmpi ne, %rem3A_22, %ne3A_23 : vector<49x1024xi32>
    %lt3A = arith.constant 0 : i32
    %lt3A_25 = vector.broadcast %lt3A : i32 to vector<49x1024xi32>
    %lt3A_26 = arith.cmpi slt, %rem3A_22, %lt3A_25 : vector<49x1024xi32>
    %lt3A_27 = arith.constant 0 : i32
    %lt3A_28 = arith.cmpi slt, %select_n3A, %lt3A_27 : i32
    %ne3A_29 = vector.broadcast %lt3A_28 : i1 to vector<49x1024xi1>
    %ne3A_30 = vector.broadcast %ne3A_29 : vector<49x1024xi1> to vector<49x1024xi1>
    %ne3A_31 = arith.xori %lt3A_26, %ne3A_30 : vector<49x1024xi1>
    %and3A = arith.andi %ne3A_31, %ne3A_24 : vector<49x1024xi1>
    %add3A = vector.broadcast %select_n3A : i32 to vector<49x1024xi32>
    %add3A_32 = arith.addi %rem3A_22, %add3A : vector<49x1024xi32>
    %select_n3A_33 = arith.select %and3A, %add3A_32, %rem3A_22 : vector<49x1024xi1>, vector<49x1024xi32>
    %convert_element_type3A_34 = arith.sitofp %select_n3A_33 : vector<49x1024xi32> to vector<49x1024xf32>
    %jit3A_35 = arith.constant 7 : i32
    %div3A = vector.broadcast %jit3A_35 : i32 to vector<49x1024xi32>
    %div3A_36 = arith.divsi %iota3A, %div3A : vector<49x1024xi32>
    %sign3A = arith.constant 0 : i32
    %sign3A_37 = vector.broadcast %sign3A : i32 to vector<49x1024xi32>
    %sign3A_38 = arith.cmpi sgt, %iota3A, %sign3A_37 : vector<49x1024xi32>
    %sign3A_39 = arith.extui %sign3A_38 : vector<49x1024xi1> to vector<49x1024xi32>
    %sign3A_40 = arith.constant 0 : i32
    %sign3A_41 = vector.broadcast %sign3A_40 : i32 to vector<49x1024xi32>
    %sign3A_42 = arith.cmpi slt, %iota3A, %sign3A_41 : vector<49x1024xi32>
    %sign3A_43 = arith.extui %sign3A_42 : vector<49x1024xi1> to vector<49x1024xi32>
    %sign3A_44 = arith.subi %sign3A_39, %sign3A_43 : vector<49x1024xi32>
    %sign3A_45 = arith.constant 0 : i32
    %sign3A_46 = arith.cmpi sgt, %jit3A_35, %sign3A_45 : i32
    %sign3A_47 = arith.extui %sign3A_46 : i1 to i32
    %sign3A_48 = arith.constant 0 : i32
    %sign3A_49 = arith.cmpi slt, %jit3A_35, %sign3A_48 : i32
    %sign3A_50 = arith.extui %sign3A_49 : i1 to i32
    %sign3A_51 = arith.subi %sign3A_47, %sign3A_50 : i32
    %ne3A_52 = vector.broadcast %sign3A_51 : i32 to vector<49x1024xi32>
    %ne3A_53 = arith.cmpi ne, %sign3A_44, %ne3A_52 : vector<49x1024xi32>
    %rem3A_54 = vector.broadcast %jit3A_35 : i32 to vector<49x1024xi32>
    %rem3A_55 = arith.remsi %iota3A, %rem3A_54 : vector<49x1024xi32>
    %ne3A_56 = arith.constant 0 : i32
    %ne3A_57 = vector.broadcast %ne3A_56 : i32 to vector<49x1024xi32>
    %ne3A_58 = arith.cmpi ne, %rem3A_55, %ne3A_57 : vector<49x1024xi32>
    %and3A_59 = arith.andi %ne3A_53, %ne3A_58 : vector<49x1024xi1>
    %sub3A = arith.constant 1 : i32
    %sub3A_60 = vector.broadcast %sub3A : i32 to vector<49x1024xi32>
    %sub3A_61 = arith.subi %div3A_36, %sub3A_60 : vector<49x1024xi32>
    %select_n3A_62 = arith.select %and3A_59, %sub3A_61, %div3A_36 : vector<49x1024xi1>, vector<49x1024xi32>
    %convert_element_type3A_63 = arith.sitofp %select_n3A_62 : vector<49x1024xi32> to vector<49x1024xf32>
    %add3A_64 = arith.constant 5.000000e-01 : f32
    %add3A_65 = vector.broadcast %add3A_64 : f32 to vector<49x1024xf32>
    %add3A_66 = arith.addf %convert_element_type3A_34, %add3A_65 : vector<49x1024xf32>
    %div3A_67 = arith.constant 7.000000e+00 : f32
    %div3A_68 = vector.broadcast %div3A_67 : f32 to vector<49x1024xf32>
    %div3A_69 = arith.divf %add3A_66, %div3A_68 : vector<49x1024xf32>
    %sub3A_70 = arith.constant 5.000000e-01 : f32
    %sub3A_71 = vector.broadcast %sub3A_70 : f32 to vector<49x1024xf32>
    %sub3A_72 = arith.subf %div3A_69, %sub3A_71 : vector<49x1024xf32>
    %add3A_73 = arith.constant 5.000000e-01 : f32
    %add3A_74 = vector.broadcast %add3A_73 : f32 to vector<49x1024xf32>
    %add3A_75 = arith.addf %convert_element_type3A_63, %add3A_74 : vector<49x1024xf32>
    %div3A_76 = arith.constant 7.000000e+00 : f32
    %div3A_77 = vector.broadcast %div3A_76 : f32 to vector<49x1024xf32>
    %div3A_78 = arith.divf %add3A_75, %div3A_77 : vector<49x1024xf32>
    %sub3A_79 = arith.constant 5.000000e-01 : f32
    %sub3A_80 = vector.broadcast %sub3A_79 : f32 to vector<49x1024xf32>
    %sub3A_81 = arith.subf %div3A_78, %sub3A_80 : vector<49x1024xf32>
    %mul3A = vector.broadcast %get3A_10 : vector<1x1024xf32> to vector<49x1024xf32>
    %mul3A_82 = arith.mulf %sub3A_72, %mul3A : vector<49x1024xf32>
    %mul3A_83 = vector.broadcast %get3A_13 : vector<1x1024xf32> to vector<49x1024xf32>
    %mul3A_84 = arith.mulf %sub3A_81, %mul3A_83 : vector<49x1024xf32>
    %mul3A_85 = vector.broadcast %get3A_16 : vector<1x1024xf32> to vector<49x1024xf32>
    %mul3A_86 = arith.mulf %mul3A_82, %mul3A_85 : vector<49x1024xf32>
    %mul3A_87 = vector.broadcast %get3A_19 : vector<1x1024xf32> to vector<49x1024xf32>
    %mul3A_88 = arith.mulf %mul3A_84, %mul3A_87 : vector<49x1024xf32>
    %sub3A_89 = arith.subf %mul3A_86, %mul3A_88 : vector<49x1024xf32>
    %add3A_90 = vector.broadcast %get3A_4 : vector<1x1024xf32> to vector<49x1024xf32>
    %add3A_91 = arith.addf %sub3A_89, %add3A_90 : vector<49x1024xf32>
    %sub3A_92 = arith.constant 5.000000e-01 : f32
    %sub3A_93 = vector.broadcast %sub3A_92 : f32 to vector<49x1024xf32>
    %sub3A_94 = arith.subf %add3A_91, %sub3A_93 : vector<49x1024xf32>
    %mul3A_95 = vector.broadcast %get3A_19 : vector<1x1024xf32> to vector<49x1024xf32>
    %mul3A_96 = arith.mulf %mul3A_82, %mul3A_95 : vector<49x1024xf32>
    %mul3A_97 = vector.broadcast %get3A_16 : vector<1x1024xf32> to vector<49x1024xf32>
    %mul3A_98 = arith.mulf %mul3A_84, %mul3A_97 : vector<49x1024xf32>
    %add3A_99 = arith.addf %mul3A_96, %mul3A_98 : vector<49x1024xf32>
    %add3A_100 = vector.broadcast %get3A_7 : vector<1x1024xf32> to vector<49x1024xf32>
    %add3A_101 = arith.addf %add3A_99, %add3A_100 : vector<49x1024xf32>
    %sub3A_102 = arith.constant 5.000000e-01 : f32
    %sub3A_103 = vector.broadcast %sub3A_102 : f32 to vector<49x1024xf32>
    %sub3A_104 = arith.subf %add3A_101, %sub3A_103 : vector<49x1024xf32>
    %floor3A = math.floor %sub3A_94 : vector<49x1024xf32>
    %floor3A_105 = math.floor %sub3A_104 : vector<49x1024xf32>
    %add3A_106 = arith.constant 1.000000e+00 : f32
    %add3A_107 = vector.broadcast %add3A_106 : f32 to vector<49x1024xf32>
    %add3A_108 = arith.addf %floor3A, %add3A_107 : vector<49x1024xf32>
    %add3A_109 = arith.constant 1.000000e+00 : f32
    %add3A_110 = vector.broadcast %add3A_109 : f32 to vector<49x1024xf32>
    %add3A_111 = arith.addf %floor3A_105, %add3A_110 : vector<49x1024xf32>
    %sub3A_112 = arith.subf %sub3A_94, %floor3A : vector<49x1024xf32>
    %sub3A_113 = arith.constant 1.000000e+00 : f32
    %sub3A_114 = vector.broadcast %sub3A_113 : f32 to vector<49x1024xf32>
    %sub3A_115 = arith.subf %sub3A_114, %sub3A_112 : vector<49x1024xf32>
    %sub3A_116 = arith.subf %sub3A_104, %floor3A_105 : vector<49x1024xf32>
    %sub3A_117 = arith.constant 1.000000e+00 : f32
    %sub3A_118 = vector.broadcast %sub3A_117 : f32 to vector<49x1024xf32>
    %sub3A_119 = arith.subf %sub3A_118, %sub3A_116 : vector<49x1024xf32>
    %jit3A_120 = arith.constant 0.000000e+00 : f32
    %jit3A_121 = arith.constant 1.260000e+02 : f32
    %max3A = vector.broadcast %jit3A_120 : f32 to vector<49x1024xf32>
    %max3A_122 = arith.maximumf %max3A, %floor3A : vector<49x1024xf32>
    %min3A = vector.broadcast %jit3A_121 : f32 to vector<49x1024xf32>
    %min3A_123 = arith.minimumf %min3A, %max3A_122 : vector<49x1024xf32>
    %ge3A = arith.constant 0.000000e+00 : f32
    %ge3A_124 = vector.broadcast %ge3A : f32 to vector<49x1024xf32>
    %ge3A_125 = arith.cmpf oge, %floor3A, %ge3A_124 : vector<49x1024xf32>
    %le3A = arith.constant 1.270000e+02 : f32
    %le3A_126 = vector.broadcast %le3A : f32 to vector<49x1024xf32>
    %le3A_127 = arith.cmpf ole, %floor3A, %le3A_126 : vector<49x1024xf32>
    %and3A_128 = arith.andi %ge3A_125, %le3A_127 : vector<49x1024xi1>
    %jit3A_129 = arith.constant 0.000000e+00 : f32
    %broadcast_in_dim3A = vector.broadcast %jit3A_129 : f32 to vector<49x1024xf32>
    %select_n3A_130 = arith.select %and3A_128, %sub3A_115, %broadcast_in_dim3A : vector<49x1024xi1>, vector<49x1024xf32>
    %ge3A_131 = arith.constant 0.000000e+00 : f32
    %ge3A_132 = vector.broadcast %ge3A_131 : f32 to vector<49x1024xf32>
    %ge3A_133 = arith.cmpf oge, %add3A_108, %ge3A_132 : vector<49x1024xf32>
    %le3A_134 = arith.constant 1.270000e+02 : f32
    %le3A_135 = vector.broadcast %le3A_134 : f32 to vector<49x1024xf32>
    %le3A_136 = arith.cmpf ole, %add3A_108, %le3A_135 : vector<49x1024xf32>
    %and3A_137 = arith.andi %ge3A_133, %le3A_136 : vector<49x1024xi1>
    %jit3A_138 = arith.constant 0.000000e+00 : f32
    %broadcast_in_dim3A_139 = vector.broadcast %jit3A_138 : f32 to vector<49x1024xf32>
    %select_n3A_140 = arith.select %and3A_137, %sub3A_112, %broadcast_in_dim3A_139 : vector<49x1024xi1>, vector<49x1024xf32>
    %eq3A_141 = arith.cmpf oeq, %floor3A, %min3A_123 : vector<49x1024xf32>
    %jit3A_142 = arith.constant 0.000000e+00 : f32
    %broadcast_in_dim3A_143 = vector.broadcast %jit3A_142 : f32 to vector<49x1024xf32>
    %select_n3A_144 = arith.select %eq3A_141, %select_n3A_130, %broadcast_in_dim3A_143 : vector<49x1024xi1>, vector<49x1024xf32>
    %eq3A_145 = arith.cmpf oeq, %add3A_108, %min3A_123 : vector<49x1024xf32>
    %jit3A_146 = arith.constant 0.000000e+00 : f32
    %broadcast_in_dim3A_147 = vector.broadcast %jit3A_146 : f32 to vector<49x1024xf32>
    %select_n3A_148 = arith.select %eq3A_145, %select_n3A_140, %broadcast_in_dim3A_147 : vector<49x1024xi1>, vector<49x1024xf32>
    %add3A_149 = arith.addf %select_n3A_144, %select_n3A_148 : vector<49x1024xf32>
    %add3A_150 = arith.constant 1.000000e+00 : f32
    %add3A_151 = vector.broadcast %add3A_150 : f32 to vector<49x1024xf32>
    %add3A_152 = arith.addf %min3A_123, %add3A_151 : vector<49x1024xf32>
    %eq3A_153 = arith.cmpf oeq, %floor3A, %add3A_152 : vector<49x1024xf32>
    %jit3A_154 = arith.constant 0.000000e+00 : f32
    %broadcast_in_dim3A_155 = vector.broadcast %jit3A_154 : f32 to vector<49x1024xf32>
    %select_n3A_156 = arith.select %eq3A_153, %select_n3A_130, %broadcast_in_dim3A_155 : vector<49x1024xi1>, vector<49x1024xf32>
    %add3A_157 = arith.constant 1.000000e+00 : f32
    %add3A_158 = vector.broadcast %add3A_157 : f32 to vector<49x1024xf32>
    %add3A_159 = arith.addf %min3A_123, %add3A_158 : vector<49x1024xf32>
    %eq3A_160 = arith.cmpf oeq, %add3A_108, %add3A_159 : vector<49x1024xf32>
    %jit3A_161 = arith.constant 0.000000e+00 : f32
    %broadcast_in_dim3A_162 = vector.broadcast %jit3A_161 : f32 to vector<49x1024xf32>
    %select_n3A_163 = arith.select %eq3A_160, %select_n3A_140, %broadcast_in_dim3A_162 : vector<49x1024xi1>, vector<49x1024xf32>
    %add3A_164 = arith.addf %select_n3A_156, %select_n3A_163 : vector<49x1024xf32>
    %convert_element_type3A_165 = arith.fptosi %min3A_123 : vector<49x1024xf32> to vector<49x1024xi32>
    %mul3A_166 = arith.constant 16384 : i32
    %mul3A_167 = vector.broadcast %mul3A_166 : i32 to vector<1x1024xi32>
    %mul3A_168 = arith.muli %convert_element_type3A, %mul3A_167 : vector<1x1024xi32>
    %ge3A_169 = arith.constant 0.000000e+00 : f32
    %ge3A_170 = vector.broadcast %ge3A_169 : f32 to vector<49x1024xf32>
    %ge3A_171 = arith.cmpf oge, %floor3A_105, %ge3A_170 : vector<49x1024xf32>
    %le3A_172 = arith.constant 1.270000e+02 : f32
    %le3A_173 = vector.broadcast %le3A_172 : f32 to vector<49x1024xf32>
    %le3A_174 = arith.cmpf ole, %floor3A_105, %le3A_173 : vector<49x1024xf32>
    %and3A_175 = arith.andi %ge3A_171, %le3A_174 : vector<49x1024xi1>
    %jit3A_176 = arith.constant 0.000000e+00 : f32
    %jit3A_177 = arith.constant 1.270000e+02 : f32
    %max3A_178 = vector.broadcast %jit3A_176 : f32 to vector<49x1024xf32>
    %max3A_179 = arith.maximumf %max3A_178, %floor3A_105 : vector<49x1024xf32>
    %min3A_180 = vector.broadcast %jit3A_177 : f32 to vector<49x1024xf32>
    %min3A_181 = arith.minimumf %min3A_180, %max3A_179 : vector<49x1024xf32>
    %convert_element_type3A_182 = arith.fptosi %min3A_181 : vector<49x1024xf32> to vector<49x1024xi32>
    %mul3A_183 = arith.constant 128 : i32
    %mul3A_184 = vector.broadcast %mul3A_183 : i32 to vector<49x1024xi32>
    %mul3A_185 = arith.muli %convert_element_type3A_182, %mul3A_184 : vector<49x1024xi32>
    %add3A_186 = vector.broadcast %mul3A_168 : vector<1x1024xi32> to vector<49x1024xi32>
    %add3A_187 = arith.addi %add3A_186, %mul3A_185 : vector<49x1024xi32>
    %add3A_188 = arith.addi %add3A_187, %convert_element_type3A_165 : vector<49x1024xi32>
    %shift_right_arithmetic3A = arith.constant 1 : i32
    %shift_right_arithmetic3A_189 = vector.broadcast %shift_right_arithmetic3A : i32 to vector<49x1024xi32>
    %shift_right_arithmetic3A_190 = arith.shrsi %add3A_188, %shift_right_arithmetic3A_189 : vector<49x1024xi32>
    %and3A_191 = arith.constant 1 : i32
    %and3A_192 = vector.broadcast %and3A_191 : i32 to vector<49x1024xi32>
    %and3A_193 = arith.andi %add3A_188, %and3A_192 : vector<49x1024xi32>
    %mul3A_194 = arith.constant 16384 : i32
    %mul3A_195 = vector.broadcast %mul3A_194 : i32 to vector<49x1024xi32>
    %mul3A_196 = arith.muli %and3A_193, %mul3A_195 : vector<49x1024xi32>
    %add3A_197 = arith.addi %shift_right_arithmetic3A_190, %mul3A_196 : vector<49x1024xi32>
    %swap3A = arith.constant 0 : index
    %swap3A_198 = arith.constant 0 : index
    %swap3A_199 = arith.constant 0 : index
    %swap3A_200 = vector.load %arg1[%swap3A, %swap3A_198, %swap3A_199] : memref<2x49x1024xi32, #tpu.memory_space<vmem>>, vector<1x49x1024xi32>
    %swap3A_201 = vector.shape_cast %swap3A_200 : vector<1x49x1024xi32> to vector<49x1024xi32>
    %swap3A_202 = vector.shape_cast %add3A_197 : vector<49x1024xi32> to vector<1x49x1024xi32>
    tpu.vector_store %arg1[%swap3A, %swap3A_198, %swap3A_199], %swap3A_202 {strides = array<i32>} : memref<2x49x1024xi32, #tpu.memory_space<vmem>>, vector<1x49x1024xi32>,
    %jit3A_203 = arith.constant 0.000000e+00 : f32
    %broadcast_in_dim3A_204 = vector.broadcast %jit3A_203 : f32 to vector<49x1024xf32>
    %select_n3A_205 = arith.select %and3A_175, %sub3A_119, %broadcast_in_dim3A_204 : vector<49x1024xi1>, vector<49x1024xf32>
    %mul3A_206 = arith.mulf %select_n3A_205, %add3A_149 : vector<49x1024xf32>
    %swap3A_207 = arith.constant 0 : index
    %swap3A_208 = arith.constant 0 : index
    %swap3A_209 = arith.constant 0 : index
    %swap3A_210 = vector.load %arg2[%swap3A_207, %swap3A_208, %swap3A_209] : memref<4x49x1024xf32, #tpu.memory_space<vmem>>, vector<1x49x1024xf32>
    %swap3A_211 = vector.shape_cast %swap3A_210 : vector<1x49x1024xf32> to vector<49x1024xf32>
    %swap3A_212 = vector.shape_cast %mul3A_206 : vector<49x1024xf32> to vector<1x49x1024xf32>
    tpu.vector_store %arg2[%swap3A_207, %swap3A_208, %swap3A_209], %swap3A_212 {strides = array<i32>} : memref<4x49x1024xf32, #tpu.memory_space<vmem>>, vector<1x49x1024xf32>,
    %mul3A_213 = arith.mulf %select_n3A_205, %add3A_164 : vector<49x1024xf32>
    %swap3A_214 = arith.constant 1 : index
    %swap3A_215 = arith.constant 0 : index
    %swap3A_216 = arith.constant 0 : index
    %swap3A_217 = vector.load %arg2[%swap3A_214, %swap3A_215, %swap3A_216] : memref<4x49x1024xf32, #tpu.memory_space<vmem>>, vector<1x49x1024xf32>
    %swap3A_218 = vector.shape_cast %swap3A_217 : vector<1x49x1024xf32> to vector<49x1024xf32>
    %swap3A_219 = vector.shape_cast %mul3A_213 : vector<49x1024xf32> to vector<1x49x1024xf32>
    tpu.vector_store %arg2[%swap3A_214, %swap3A_215, %swap3A_216], %swap3A_219 {strides = array<i32>} : memref<4x49x1024xf32, #tpu.memory_space<vmem>>, vector<1x49x1024xf32>,
    %ge3A_220 = arith.constant 0.000000e+00 : f32
    %ge3A_221 = vector.broadcast %ge3A_220 : f32 to vector<49x1024xf32>
    %ge3A_222 = arith.cmpf oge, %add3A_111, %ge3A_221 : vector<49x1024xf32>
    %le3A_223 = arith.constant 1.270000e+02 : f32
    %le3A_224 = vector.broadcast %le3A_223 : f32 to vector<49x1024xf32>
    %le3A_225 = arith.cmpf ole, %add3A_111, %le3A_224 : vector<49x1024xf32>
    %and3A_226 = arith.andi %ge3A_222, %le3A_225 : vector<49x1024xi1>
    %jit3A_227 = arith.constant 0.000000e+00 : f32
    %jit3A_228 = arith.constant 1.270000e+02 : f32
    %max3A_229 = vector.broadcast %jit3A_227 : f32 to vector<49x1024xf32>
    %max3A_230 = arith.maximumf %max3A_229, %add3A_111 : vector<49x1024xf32>
    %min3A_231 = vector.broadcast %jit3A_228 : f32 to vector<49x1024xf32>
    %min3A_232 = arith.minimumf %min3A_231, %max3A_230 : vector<49x1024xf32>
    %convert_element_type3A_233 = arith.fptosi %min3A_232 : vector<49x1024xf32> to vector<49x1024xi32>
    %mul3A_234 = arith.constant 128 : i32
    %mul3A_235 = vector.broadcast %mul3A_234 : i32 to vector<49x1024xi32>
    %mul3A_236 = arith.muli %convert_element_type3A_233, %mul3A_235 : vector<49x1024xi32>
    %add3A_237 = vector.broadcast %mul3A_168 : vector<1x1024xi32> to vector<49x1024xi32>
    %add3A_238 = arith.addi %add3A_237, %mul3A_236 : vector<49x1024xi32>
    %add3A_239 = arith.addi %add3A_238, %convert_element_type3A_165 : vector<49x1024xi32>
    %shift_right_arithmetic3A_240 = arith.constant 1 : i32
    %shift_right_arithmetic3A_241 = vector.broadcast %shift_right_arithmetic3A_240 : i32 to vector<49x1024xi32>
    %shift_right_arithmetic3A_242 = arith.shrsi %add3A_239, %shift_right_arithmetic3A_241 : vector<49x1024xi32>
    %and3A_243 = arith.constant 1 : i32
    %and3A_244 = vector.broadcast %and3A_243 : i32 to vector<49x1024xi32>
    %and3A_245 = arith.andi %add3A_239, %and3A_244 : vector<49x1024xi32>
    %mul3A_246 = arith.constant 16384 : i32
    %mul3A_247 = vector.broadcast %mul3A_246 : i32 to vector<49x1024xi32>
    %mul3A_248 = arith.muli %and3A_245, %mul3A_247 : vector<49x1024xi32>
    %add3A_249 = arith.addi %shift_right_arithmetic3A_242, %mul3A_248 : vector<49x1024xi32>
    %swap3A_250 = arith.constant 1 : index
    %swap3A_251 = arith.constant 0 : index
    %swap3A_252 = arith.constant 0 : index
    %swap3A_253 = vector.load %arg1[%swap3A_250, %swap3A_251, %swap3A_252] : memref<2x49x1024xi32, #tpu.memory_space<vmem>>, vector<1x49x1024xi32>
    %swap3A_254 = vector.shape_cast %swap3A_253 : vector<1x49x1024xi32> to vector<49x1024xi32>
    %swap3A_255 = vector.shape_cast %add3A_249 : vector<49x1024xi32> to vector<1x49x1024xi32>
    tpu.vector_store %arg1[%swap3A_250, %swap3A_251, %swap3A_252], %swap3A_255 {strides = array<i32>} : memref<2x49x1024xi32, #tpu.memory_space<vmem>>, vector<1x49x1024xi32>,
    %jit3A_256 = arith.constant 0.000000e+00 : f32
    %broadcast_in_dim3A_257 = vector.broadcast %jit3A_256 : f32 to vector<49x1024xf32>
    %select_n3A_258 = arith.select %and3A_226, %sub3A_116, %broadcast_in_dim3A_257 : vector<49x1024xi1>, vector<49x1024xf32>
    %mul3A_259 = arith.mulf %select_n3A_258, %add3A_149 : vector<49x1024xf32>
    %swap3A_260 = arith.constant 2 : index
    %swap3A_261 = arith.constant 0 : index
    %swap3A_262 = arith.constant 0 : index
    %swap3A_263 = vector.load %arg2[%swap3A_260, %swap3A_261, %swap3A_262] : memref<4x49x1024xf32, #tpu.memory_space<vmem>>, vector<1x49x1024xf32>
    %swap3A_264 = vector.shape_cast %swap3A_263 : vector<1x49x1024xf32> to vector<49x1024xf32>
    %swap3A_265 = vector.shape_cast %mul3A_259 : vector<49x1024xf32> to vector<1x49x1024xf32>
    tpu.vector_store %arg2[%swap3A_260, %swap3A_261, %swap3A_262], %swap3A_265 {strides = array<i32>} : memref<4x49x1024xf32, #tpu.memory_space<vmem>>, vector<1x49x1024xf32>,
    %mul3A_266 = arith.mulf %select_n3A_258, %add3A_164 : vector<49x1024xf32>
    %swap3A_267 = arith.constant 3 : index
    %swap3A_268 = arith.constant 0 : index
    %swap3A_269 = arith.constant 0 : index
    %swap3A_270 = vector.load %arg2[%swap3A_267, %swap3A_268, %swap3A_269] : memref<4x49x1024xf32, #tpu.memory_space<vmem>>, vector<1x49x1024xf32>
    %swap3A_271 = vector.shape_cast %swap3A_270 : vector<1x49x1024xf32> to vector<49x1024xf32>
    %swap3A_272 = vector.shape_cast %mul3A_266 : vector<49x1024xf32> to vector<1x49x1024xf32>
    tpu.vector_store %arg2[%swap3A_267, %swap3A_268, %swap3A_269], %swap3A_272 {strides = array<i32>} : memref<4x49x1024xf32, #tpu.memory_space<vmem>>, vector<1x49x1024xf32>,
    return
  }
}

</mosaic_0001>

<sc_bundles>
// kernel: kernel.4.cloned.1.call-start
scs
__scs_entry_jumppad:
0x0: {  	(pc) =	sbr.rel $0x88, $3  }
0x1: {  	(tag) =	ssettag $0x0;
	lr =	simm.s32 $0x1  }
0x2: {  	[smem:$0x3F9F] =	sst lr;
	_ =	strace $0xD0000000  }
0x3: {  	_ = 	snop  }
0x4: {  	_ = 	snop  }
0x5: {  	_ = 	snop  }
0x6: {  	_ = 	snop  }
0x7: {  	_ = 	snop  }
__scs_overlays_trampoline_lowered:
0x8: {  	[smem:$0x3FAE] =	sst s0  }
0x9: {  	[smem:$0x3FAF] =	sst s1  }
0xa: {  	[smem:$0x3FB0] =	sst s2  }
0xb: {  	[smem:$0x3FB1] =	sst s3  }
0xc: {  	[smem:$0x3FB2] =	sst s4  }
0xd: {  	[smem:$0x3FB3] =	sst s5  }
0xe: {  	[smem:$0x3FB4] =	sst s6  }
0xf: {  	[smem:$0x3FB5] =	sst s7  }
0x10: {  	[smem:$0x3FB6] =	sst s8  }
0x11: {  	[smem:$0x3FB7] =	sst s9;
	s0 =	simm.s32 @!p0 $0x0  }
0x12: {  	s1 =	sld [smem:$0x3F9D];
	s0 =	simm.s32 @p0 $0x1  }
0x13: {  	[smem:$0x3FB8] =	sst s0;
	s0 =	simm.s32 @!p1 $0x0  }
0x14: {  	s2 =	sld [smem:$0x3F9C];
	s0 =	simm.s32 @p1 $0x1  }
0x15: {  	[smem:$0x3FB9] =	sst s0;
	s0 =	simm.s32 @!p2 $0x0  }
0x16: {  	s3 =	sld [smem:$0x3FDB];
	s0 =	simm.s32 @p2 $0x1  }
0x17: {  	s4 =	simm.s32 $0x1BF5;
	[smem:$0x3FBB] =	sst s0  }
0x18: {  	s0 =	sld [smem:$0x3F9E];
	_ =	swait.ge [sflag:s4], $0x0  }
0x19: {  	s7 =	sld [smem:$0x3F9F]  }
0x1a: {  	s8 =	sadd.s32 $0xFFFFE003, lr  }
0x1b: {  	s9 =	sadd.s32 $0xFFFFFEF7, lr;
	s5 =	simm.s32 $0xFFFFFFFF;
	p2 =	slt.u32 s8, $0xFFFFF086  }
0x1c: {  	p1 =	slt.u32 s9, $0xF7A;
	s5 =	simm.s32 @!p2 $0x0  }
0x1d: {  	s5 =	simm.s32 @p1 $0x1;
	p0 =	seq.s32 s7, s2  }
0x1e: {  	s7 =	smul.u32 @!p0 $0xF7A, s2;
	p2 =	seq.s32 @!p0 s5, $0x0  }
0x1f: {  	s9 =	smul.u32 $0xF7A, s1;
	s8 =	simm.s32 @!p0 $0x1BF5;
	p2 =	por !p2, p0  }
0x20: {  	[sflag:s8] =	ssyncset.s32 @!p0 $0xFFFFF086;
	s6 =	sadd.s32 @!p0 s3, s7;
	s7 =	simm.s32 @!p0 $0x108  }
0x21: {  	s3 =	sadd.s32 s3, s9;
	s6 =	sadd.s32 @!p0 $0x88, s6;
	s7 =	simm.s32 @p2 $0x1082  }
0x22: {  	[simem:s7], [sflag:s8] =	dma.local @!p0 [hbm:s6], $0xF7A  }
0x23: {  	s9 =	sor.u32 $0xD0000000, s2;
	s6 =	simm.s32 $0x108;
	_ =	swait.ge @!p0 [sflag:s8], $0x0  }
0x24: {  	s3 =	sadd.s32 $0x88, s3;
	s6 =	simm.s32 @!p1 $0x1082;
	[sflag:s4] =	ssyncset.s32 $0xFFFFF086  }
0x25: {  	[simem:s6], [sflag:s4] =	dma.local [hbm:s3], $0xF7A  }
0x26: {  	[smem:$0x3F9F] =	sst s1;
	(tag) =	ssettag s2;
	_ =	strace s9  }
0x27: {  	s1 =	sld [smem:$0x3FAF]  }
0x28: {  	s2 =	sld [smem:$0x3FB0]  }
0x29: {  	s4 =	sld [smem:$0x3FB2]  }
0x2a: {  	p0 =	seq.s32 s5, $0x0;
	s5 =	sld [smem:$0x3FB3]  }
0x2b: {  	s6 =	sld [smem:$0x3FB4]  }
0x2c: {  	s7 =	sld [smem:$0x3FB5]  }
0x2d: {  	s3 =	simm.s32 $0x108;
	s8 =	sld [smem:$0x3FB6]  }
0x2e: {  	s3 =	simm.s32 @!p0 $0x1082;
	s9 =	sld [smem:$0x3FB7]  }
0x2f: {  	lr =	sadd.s32 s0, s3;
	s0 =	sld [smem:$0x3FAE]  }
0x30: {  	s3 =	sld [smem:$0x3FB1]  }
0x31: {  	[smem:$0x3FBA] =	sst s10  }
0x32: {  	s10 =	sld [smem:$0x3FB8];
	_ =	sdelay $0x3  }
0x33: {  	p0 =	seq.s32 s10, $0x1;
	s10 =	sld [smem:$0x3FBA];
	_ =	sdelay $0x3  }
0x34: {  	[smem:$0x3FBA] =	sst s10  }
0x35: {  	s10 =	sld [smem:$0x3FB9];
	_ =	sdelay $0x3  }
0x36: {  	p1 =	seq.s32 s10, $0x1;
	s10 =	sld [smem:$0x3FBA];
	_ =	sdelay $0x3  }
0x37: {  	[smem:$0x3FBA] =	sst s10  }
0x38: {  	s10 =	sld [smem:$0x3FBB]  }
0x39: {  	_ = 	snop;
	(pc) =	sbr.ind lr, $3  }
0x3a: {  	_ = 	snop  }
0x3b: {  	_ = 	snop  }
0x3c: {  	p2 =	seq.s32 s10, $0x1;
	s10 =	sld [smem:$0x3FBA]  }
0x3d: {  	_ =	shalt  }
0x3e: {  	_ =	shalt  }
0x3f: {  	_ =	shalt  }
0x40: {  	_ =	shalt  }
0x41: {  	_ =	shalt  }
0x42: {  	_ =	shalt  }
0x43: {  	_ =	shalt  }
0x44: {  	_ =	shalt  }
0x45: {  	_ =	shalt  }
0x46: {  	_ =	shalt  }
0x47: {  	_ =	shalt  }
0x48: {  	_ =	shalt  }
0x49: {  	_ =	shalt  }
0x4a: {  	_ =	shalt  }
0x4b: {  	_ =	shalt  }
0x4c: {  	_ =	shalt  }
0x4d: {  	_ =	shalt  }
0x4e: {  	_ =	shalt  }
0x4f: {  	_ =	shalt  }
0x50: {  	_ =	shalt  }
0x51: {  	_ =	shalt  }
0x52: {  	_ =	shalt  }
0x53: {  	_ =	shalt  }
0x54: {  	_ =	shalt  }
0x55: {  	_ =	shalt  }
0x56: {  	_ =	shalt  }
0x57: {  	_ =	shalt  }
0x58: {  	_ =	shalt  }
0x59: {  	_ =	shalt  }
0x5a: {  	_ =	shalt  }
0x5b: {  	_ =	shalt  }
0x5c: {  	_ =	shalt  }
0x5d: {  	_ =	shalt  }
0x5e: {  	_ =	shalt  }
0x5f: {  	_ =	shalt  }
0x60: {  	_ =	shalt  }
0x61: {  	_ =	shalt  }
0x62: {  	_ =	shalt  }
0x63: {  	_ =	shalt  }
0x64: {  	_ =	shalt  }
0x65: {  	_ =	shalt  }
0x66: {  	_ =	shalt  }
0x67: {  	_ =	shalt  }
0x68: {  	_ =	shalt  }
0x69: {  	_ =	shalt  }
0x6a: {  	_ =	shalt  }
0x6b: {  	_ =	shalt  }
0x6c: {  	_ =	shalt  }
0x6d: {  	_ =	shalt  }
0x6e: {  	_ =	shalt  }
0x6f: {  	_ =	shalt  }
0x70: {  	_ =	shalt  }
0x71: {  	_ =	shalt  }
0x72: {  	_ =	shalt  }
0x73: {  	_ =	shalt  }
0x74: {  	_ =	shalt  }
0x75: {  	_ =	shalt  }
0x76: {  	_ =	shalt  }
0x77: {  	_ =	shalt  }
0x78: {  	_ =	shalt  }
0x79: {  	_ =	shalt  }
0x7a: {  	_ =	shalt  }
0x7b: {  	_ =	shalt  }
0x7c: {  	_ =	shalt  }
0x7d: {  	_ =	shalt  }
0x7e: {  	_ =	shalt  }
0x7f: {  	_ =	shalt  }
0x80: {  	_ =	shalt  }
0x81: {  	_ =	shalt  }
0x82: {  	_ =	shalt  }
0x83: {  	_ =	shalt  }
0x84: {  	_ =	shalt  }
0x85: {  	_ =	shalt  }
0x86: {  	_ =	shalt  }
0x87: {  	_ =	shalt  }
.Lfunc_end0:
.L_simem_size_0:
called_computation.1_lowered:
.L_overlay_start_0:
0x88: {  	s2 =	sld [smem:$0x3FD9]  }
0x89: {  	s3 =	sld [smem:$0x3FFE];
	_ =	sdelay $0x1  }
0x8a: {  	s1 =	srdreg.scid  }
0x8b: {  	s0 =	sand.u32 $0x1, s1  }
0x8c: {  	s17 =	sshll.u32 s0, $0xA;
	s2 =	sadd.s32 s3, s2  }
0x8d: {  	s2 =	sadd.s32 s2, s17  }
0x8e: {  	[smem:$0x3FC6] =	sst s2  }
0x8f: {  	_ = 	snop  }
0x90: {  	s2 =	sld [smem:$0x3FD0];
	(tm) =	ssettm $0x1  }
0x91: {  	s18 =	sld [smem:$0x3FFB];
	_ =	sdelay $0x3  }
0x92: {  	_ =	strace s18  }
0x93: {  	s3 =	sld [smem:$0x3FFC];
	_ =	sdelay $0x3  }
0x94: {  	_ =	strace s3  }
0x95: {  	s3 =	sld [smem:$0x3FFD];
	_ =	sdelay $0x3  }
0x96: {  	_ =	strace s3  }
0x97: {  	_ =	strace $0x8FFFFFFF  }
0x98: {  	s19 =	sld [smem:$0x3FDB];
	_ =	sdelay $0x1  }
0x99: {  	s4 =	simm.s32 $_scs_section_size  }
0x9a: {  	s5 =	simm.s32 $_size__tile_overlayer_lowered;
	s6 =	simm.s32 $_tile_overlayer_lowered  }
0x9b: {  	s22 =	simm.s32 $0x1BFF;
	s21 =	sshll.u32 s6, $0x1;
	s3 =	sadd.s32 s4, s19  }
0x9c: {  	s7 =	simm.s32 $0x0;
	s20 =	sshll.u32 s5, $0x1;
	s5 =	sadd.s32 s21, s3  }
0x9d: {  	[timem:s7], [sflag:s22] =	dma.local [hbm:s5], s20  }
0x9e: {  	_ =	swait.ge [sflag:s22], s20  }
0x9f: {  	s4 =	ssub.s32 $0x0, s20;
	[sflag:s22] =	ssyncset.done $0x0  }
0xa0: {  	[sflag:s22] =	ssyncadd.s32 s4;
	_ =	sdelay $0x1  }
0xa1: {  	s23 =	simm.s32 $0x1B8B  }
0xa2: {  	_ =	swait.ge [sflag:s23], $0x1  }
0xa3: {  	[sflag:s23] =	ssyncset.done $0x0  }
0xa4: {  	s25 =	simm.s32 $0x1B8E;
	s24 =	sld [smem:$0x3FFE];
	[sflag:s23] =	ssyncadd.s32 $0xFFFFFFFF  }
0xa5: {  	s26 =	simm.s32 $execute0_lowered;
	[smem:$0x3FD2] =	sst s25  }
0xa6: {  	s5 =	sshll.u32 s26, $0x1;
	_ =	strace $0x80000049;
	[dreg:$0x1] =	wrdreg $0xFFFFFFFF  }
0xa7: {  	s28 =	simm.s32 $_size_execute0_lowered;
	s3 =	sadd.s32 s3, s5;
	[dreg:$0x0] =	wrdreg $0x0  }
0xa8: {  	s5 =	sshll.u32 s28, $0x1;
	[dreg:$0x2] =	wrdreg s3  }
0xa9: {  	[dreg:$0x3] =	wrdreg s5  }
0xaa: {  	[dreg:$0x4] =	wrdreg $0xC0  }
0xab: {  	_ =	task [dreg:s7], $0x5FFFF  }
0xac: {  	[dreg:$0x1] =	wrdreg $0xFFFFFFFF  }
0xad: {  	[dreg:$0x0] =	wrdreg $0x60  }
0xae: {  	[dreg:$0x2] =	wrdreg s2  }
0xaf: {  	[dreg:$0x3] =	wrdreg s24  }
0xb0: {  	[dreg:$0x4] =	wrdreg $0x9  }
0xb1: {  	_ =	task.clear_ibuf [dreg:s7], $0x5FFFF;
	_ =	strace $0x90000049  }
0xb2: {  	s29 =	simm.s32 $0x9;
	_ =	strace $0x8000004B  }
0xb3: {  	_ =	swait.ge [sflag:s29], $0x1  }
0xb4: {  	[sflag:s29] =	ssyncadd.s32 $0xFFFFFFFF  }
0xb5: {  	_ =	strace $0x9000004B  }
0xb6: {  	_ =	sfence  }
0xb7: {  	s30 =	sld [smem:$0x0];
	_ =	sdelay $0x2  }
0xb8: {  	s31 =	sshll.u32 s1, $0xD;
	s1 =	sshrl.u32 s1, $0x2  }
0xb9: {  	s3 =	sand.u32 $0x4000, s31;
	s1 =	sadd.s32 s1, s30  }
0xba: {  	s0 =	sor.u32 s3, s0;
	s1 =	sshll.u32 s1, $0x11  }
0xbb: {  	s0 =	sor.u32 s1, s0  }
0xbc: {  	s0 =	sadd.s32 $0x8F2B, s0  }
0xbd: {  	[sflag:s0] =	ssyncadd.remote.s32 $0x1  }
0xbe: {  	_ =	sfence.sel $0xFFFF  }
0xbf: {  	[dreg:$0x0] =	wrdreg $0xFFFFFFFF;
	(pc) =	sbr.abs _section_cstart, $3  }
0xc0: {  	[dreg:$0x1] =	wrdreg $0xFFFFFFFF  }
0xc1: {  	_ =	task.clear_ibuf [dreg:s7], $0x2FFFF;
	_ =	strace $0x9FFFFFFF  }
0xc2: {  	(tm) =	ssettm $0x7FFFFFFF  }
0xc3: {  	_ =	shalt  }
tec
execute0_lowered:
.L_overlay_start_1:
0x0: {  	(tag) =	ssettag $0x1  }
0x1: {  	s0 =	srdreg.scid;
	s2 =	rddreg [dreg:$0x0]  }
0x2: {  	s1 =	stileid.u32;
	s5 =	rddreg [dreg:$0x1];
	s3 =	simm.s32 $0x0  }
0x3: {  	s13 =	simm.s32 $0x6200;
	s14 =	simm.s32 $0x6A00;
	s15 =	simm.s32 $0x7200  }
0x4: {  	s16 =	simm.s32 $0x7A00;
	s17 =	simm.s32 $0x8200;
	s18 =	simm.s32 $0x8A00  }
0x5: {  	s19 =	simm.s32 $0x9200;
	s20 =	simm.s32 $0x9A00;
	s21 =	simm.s32 $0x1  }
0x6: {  	s22 =	simm.s32 $0xA200;
	s0 =	sand.u32 $0x1, s0;
	s1 =	sshll.u32 s1, $0x1  }
0x7: {  	s23 =	simm.s32 $0x2;
	s1 =	sor.u32 s0, s1;
	s0 =	ssub.s32 $0x2, s0  }
0x8: {  	[smem:$0x7FF] =	sst s3;
	s6 =	smul.u32 $0x620, s1;
	s25 =	sshrl.u32 s0, $0x1  }
0x9: {  	_ =	strace $0x8000004A;
	s4 =	smul.u32 $0x31000, s1;
	s0 =	ssub.s32 s0, s25  }
0xa: {  	s24 =	sadd.s32 s6, s5;
	s5 =	sadd.s32 $0x2200, s5;
	s0 =	smax.u32 s0, $0x1  }
0xb: {  	s7 =	sshrl.u32 s4, $0x3;
	s26 =	sadd.s32 $0x102200, s24;
	[dreg:$0x7] =	wrdreg s0  }
0xc: {  	s29 =	sadd.s32 s5, s7;
	s1 =	sadd.s32 $0x10E600, s24;
	[dreg:$0x3] =	wrdreg s26  }
0xd: {  	v2 =	vlaneseq.u32;
	s28 =	simm.s32 $0x0;
	[dreg:$0x4] =	wrdreg s1;
	s30 =	sadd.s32 $0x6000, s29  }
0xe: {  	vm0 =	vmmov $0xffff;
	v1 =	vshrl.u32 v2, $0x3;
	s25 =	simm.s32 $0x3;
	s31 =	sadd.s32 $0x6100, s29;
	[dreg:$0x5] =	wrdreg s30  }
0xf: {  	v0 =	vand.u32 $0x7, v2;
	v2 =	vor.u32 $0x8, v2;
	v1 =	vmul.u32 $0x8, v1;
	s24 =	simm.s32 $0xAA00;
	s26 =	simm.s32 $0x4;
	[dreg:$0x6] =	wrdreg s31  }
.LBB2_1:
0x10: {  	s0 =	rddreg [dreg:$0x3];
	s1 =	simm.s32 $0x5  }
0x11: {  	[tilespmem:s3], [sflag:$0x5] =	stream.linear.gather [hbm4b:s0+s3], $0x3100, $0x38;
	[tilespmem:$0xB200] =	vst v63  }
0x12: {  	_ =	swait.ge [sflag:s1], $0x3100  }
0x13: {  	[sflag:s1] =	ssyncset.done $0x0  }
0x14: {  	s6 =	simm.s32 $0x3100;
	s31 =	rddreg [dreg:$0x4];
	[sflag:s1] =	ssyncadd.s32 $0xFFFFCF00  }
0x15: {  	[tilespmem:s6], [sflag:$0x5] =	stream.linear.gather [hbm4b:s31+s3], $0x3100, $0x38;
	[tilespmem:$0xB200] =	vst v63  }
0x16: {  	_ =	swait.ge [sflag:s1], $0x3100  }
0x17: {  	[sflag:s1] =	ssyncset.done $0x0  }
0x18: {  	[sflag:s1] =	ssyncadd.s32 $0xFFFFCF00  }
0x19: {  	v3 =	vld [tilespmem:$0x0];
	_ =	sdelay $0x4  }
0x1a: {  	v4 =	vshll.u32 v3, $0x1  }
0x1b: {  	v3 =	vand.u32 $0x7, v3;
	v4 =	vand.u32 $0xFFFFFFF0, v4  }
0x1c: {  	v3 =	vor.u32 v3, v4  }
0x1d: {  	v4 =	vperm.xlane v3, v0;
	_ =	sdelay $0x1  }
0x1e: {  	v3 =	vperm.xlane v3, v2;
	v4 =	vadd.s32 v1, v4;
	_ =	sdelay $0x1  }
0x1f: {  	v3 =	vadd.s32 v1, v3;
	_ =	sdelay $0x2  }
0x20: {  	[tilespmem:s13], [sflag:$0x1] =	stream.indirect_vreg.gather [hbm4b:s2+s3], $0x80, v4, vm0, $0xb8;
	[tilespmem:$0xB200] =	vst v63  }
0x21: {  	_ = 	snop  }
0x22: {  	[tilespmem:s14], [sflag:$0x1] =	stream.indirect_vreg.gather [hbm4b:s2+s3], $0x80, v3, vm0, $0xb8;
	[tilespmem:$0xB200] =	vst v63  }
0x23: {  	v3 =	vld [tilespmem:$0x10];
	_ =	sdelay $0x4  }
0x24: {  	v63 =	vshll.u32 v3, $0x1  }
0x25: {  	v3 =	vand.u32 $0x7, v3;
	v4 =	vand.u32 $0xFFFFFFF0, v63  }
0x26: {  	v3 =	vor.u32 v3, v4  }
0x27: {  	v4 =	vperm.xlane v3, v0;
	_ =	sdelay $0x1  }
0x28: {  	v3 =	vperm.xlane v3, v2;
	v4 =	vadd.s32 v1, v4;
	_ =	sdelay $0x1  }
0x29: {  	v3 =	vadd.s32 v1, v3;
	_ =	sdelay $0x2  }
0x2a: {  	[tilespmem:s15], [sflag:$0x1] =	stream.indirect_vreg.gather [hbm4b:s2+s3], $0x80, v4, vm0, $0xb8;
	[tilespmem:$0xB200] =	vst v63  }
0x2b: {  	s29 =	simm.s32 $0x0  }
0x2c: {  	[tilespmem:s16], [sflag:$0x1] =	stream.indirect_vreg.gather [hbm4b:s2+s3], $0x80, v3, vm0, $0xb8;
	[tilespmem:$0xB200] =	vst v63  }
.LBB2_2:
0x2d: {  	s30 =	sshllo.u32 s29, $0x1  }
0x2e: {  	s31 =	sshll.u32 s30, $0x7  }
0x2f: {  	v3 =	vld [tilespmem:s31+$0x0];
	_ =	sdelay $0x4  }
0x30: {  	v4 =	vshll.u32 v3, $0x1  }
0x31: {  	v3 =	vand.u32 $0x7, v3;
	v4 =	vand.u32 $0xFFFFFFF0, v4  }
0x32: {  	v3 =	vor.u32 v3, v4  }
0x33: {  	v4 =	vperm.xlane v3, v0;
	_ =	sdelay $0x1  }
0x34: {  	v3 =	vperm.xlane v3, v2;
	v4 =	vadd.s32 v1, v4;
	_ =	sdelay $0x1  }
0x35: {  	v3 =	vadd.s32 v1, v3;
	_ =	sdelay $0x2  }
0x36: {  	[tilespmem:s17], [sflag:$0x2] =	stream.indirect_vreg.gather [hbm4b:s2+s3], $0x80, v4, vm0, $0xb8;
	[tilespmem:$0xB200] =	vst v63  }
0x37: {  	_ = 	snop  }
0x38: {  	[tilespmem:s18], [sflag:$0x2] =	stream.indirect_vreg.gather [hbm4b:s2+s3], $0x80, v3, vm0, $0xb8;
	[tilespmem:$0xB200] =	vst v63  }
0x39: {  	v3 =	vld [tilespmem:s31+$0x10];
	_ =	sdelay $0x4  }
0x3a: {  	v4 =	vshll.u32 v3, $0x1  }
0x3b: {  	v3 =	vand.u32 $0x7, v3;
	v4 =	vand.u32 $0xFFFFFFF0, v4  }
0x3c: {  	v3 =	vor.u32 v3, v4  }
0x3d: {  	v4 =	vperm.xlane v3, v0;
	_ =	sdelay $0x1  }
0x3e: {  	v3 =	vperm.xlane v3, v2;
	v4 =	vadd.s32 v1, v4;
	_ =	sdelay $0x1  }
0x3f: {  	v3 =	vadd.s32 v1, v3;
	_ =	sdelay $0x2  }
0x40: {  	[tilespmem:s19], [sflag:$0x2] =	stream.indirect_vreg.gather [hbm4b:s2+s3], $0x80, v4, vm0, $0xb8;
	[tilespmem:$0xB200] =	vst v63  }
0x41: {  	_ = 	snop  }
0x42: {  	[tilespmem:s20], [sflag:$0x2] =	stream.indirect_vreg.gather [hbm4b:s2+s3], $0x80, v3, vm0, $0xb8;
	[tilespmem:$0xB200] =	vst v63  }
0x43: {  	_ =	swait.ge [sflag:s21], $0x2000  }
0x44: {  	p0 =	seq.s32 s29, $0x0;
	[sflag:s21] =	ssyncset.done $0x0  }
0x45: {  	s0 =	simm.s32 @!p0 $0x3;
	[sflag:s21] =	ssyncadd.s32 $0xFFFFE000  }
0x46: {  	_ =	swait.ge @!p0 [sflag:s0], $0x800  }
0x47: {  	s1 =	sshll.u32 s29, $0xA;
	[sflag:s0] =	ssyncset.done @!p0 $0x0  }
0x48: {  	s1 =	sshrl.u32 s1, $0x2;
	[sflag:s0] =	ssyncadd.s32 @!p0 $0xFFFFF800  }
0x49: {  	s0 =	simm.s32 $0x0;
	v3 =	vld [tilespmem:s1+$0x3100]  }
0x4a: {  	v4 =	vld [tilespmem:s1+$0x3110];
	s6 =	sand.u32 $0x800, s0;
	s7 =	sand.u32 $0x380, s0  }
0x4b: {  	v5 =	vld [tilespmem:s1+$0x3120];
	s12 =	sor.u32 s7, s6  }
0x4c: {  	v9 =	vld [tilespmem:s12+$0x6600]  }
0x4d: {  	v6 =	vmov s0;
	v11 =	vld [tilespmem:s12+$0x6200]  }
0x4e: {  	v7 =	vand.u32 $0xF, v6  }
0x4f: {  	v12 =	vbroadcast v7, $0x0;
	v13 =	vld [tilespmem:s12+$0x7200]  }
0x50: {  	v6 =	vld [tilespmem:s1+$0x3130];
	s6 =	sor.u32 s6, s0  }
0x51: {  	s7 =	sor.u32 $0x1400, s6;
	v7 =	vperm.xlane v4, v12;
	v10 =	vperm.xlane v3, v12  }
0x52: {  	v14 =	vld [tilespmem:s7+$0x6200];
	v8 =	vperm.xlane v5, v12;
	v15 =	vshll.u32 v9, $0x10;
	v16 =	vshll.u32 v11, $0x10  }
0x53: {  	v9 =	vand.u32 $0xFFFF0000, v9;
	v11 =	vand.u32 $0xFFFF0000, v11;
	v15 =	vmul.f32 v15, v7  }
0x54: {  	v18 =	vshll.u32 v13, $0x10;
	v16 =	vmul.f32 v16, v10;
	v17 =	vmul.f32 v9, v7  }
0x55: {  	v13 =	vand.u32 $0xFFFF0000, v13;
	v9 =	vperm.xlane v6, v12;
	v11 =	vmul.f32 v11, v10  }
0x56: {  	v12 =	vmul.f32 v18, v8;
	v13 =	vmul.f32 v13, v8  }
0x57: {  	v45 =	vshll.u32 v14, $0x10;
	v15 =	vadd.f32 v15, v16;
	v11 =	vadd.f32 v17, v11  }
0x58: {  	v14 =	vand.u32 $0xFFFF0000, v14;
	v16 =	vmul.f32 v45, v9  }
0x59: {  	v14 =	vmul.f32 v14, v9;
	v12 =	vadd.f32 v12, v15;
	v11 =	vadd.f32 v13, v11;
	_ =	sdelay $0x1  }
0x5a: {  	v12 =	vadd.f32 v16, v12;
	v11 =	vadd.f32 v14, v11;
	_ =	sdelay $0x1  }
0x5b: {  	v12 =	vshrl.u32 v12, $0x10;
	v11 =	vand.u32 $0xFFFF0000, v11  }
0x5c: {  	s6 =	simm.s32 $0xA240;
	v11 =	vor.u32 v11, v12  }
0x5d: {  	[tilespmem:s6+$0xFFFFFFC0] =	vst v11  }
0x5e: {  	v11 =	vld [tilespmem:s12+$0x6210]  }
0x5f: {  	v12 =	vld [tilespmem:s12+$0x6610]  }
0x60: {  	v13 =	vld [tilespmem:s12+$0x7210]  }
0x61: {  	v14 =	vld [tilespmem:s7+$0x6210];
	_ =	sdelay $0x1  }
0x62: {  	v15 =	vshll.u32 v11, $0x10  }
0x63: {  	v11 =	vand.u32 $0xFFFF0000, v11;
	v46 =	vshll.u32 v12, $0x10;
	v12 =	vand.u32 $0xFFFF0000, v12  }
0x64: {  	v47 =	vshll.u32 v13, $0x10;
	v15 =	vmul.f32 v15, v10;
	v16 =	vmul.f32 v46, v7  }
0x65: {  	v48 =	vshll.u32 v14, $0x10;
	v12 =	vmul.f32 v12, v7;
	v11 =	vmul.f32 v11, v10  }
0x66: {  	v13 =	vand.u32 $0xFFFF0000, v13;
	v14 =	vand.u32 $0xFFFF0000, v14;
	v17 =	vmul.f32 v47, v8  }
0x67: {  	v15 =	vadd.f32 v16, v15;
	v11 =	vadd.f32 v12, v11;
	v12 =	vmul.f32 v13, v8  }
0x68: {  	v14 =	vmul.f32 v14, v9  }
0x69: {  	v13 =	vmul.f32 v48, v9;
	v15 =	vadd.f32 v17, v15;
	v11 =	vadd.f32 v12, v11;
	_ =	sdelay $0x1  }
0x6a: {  	v12 =	vadd.f32 v13, v15;
	v11 =	vadd.f32 v14, v11;
	_ =	sdelay $0x1  }
0x6b: {  	v12 =	vshrl.u32 v12, $0x10;
	v11 =	vand.u32 $0xFFFF0000, v11  }
0x6c: {  	v11 =	vor.u32 v11, v12  }
0x6d: {  	[tilespmem:s6+$0xFFFFFFD0] =	vst v11  }
0x6e: {  	v11 =	vld [tilespmem:s12+$0x6220]  }
0x6f: {  	v12 =	vld [tilespmem:s12+$0x6620]  }
0x70: {  	v13 =	vld [tilespmem:s12+$0x7220]  }
0x71: {  	v14 =	vld [tilespmem:s7+$0x6220];
	_ =	sdelay $0x1  }
0x72: {  	v15 =	vshll.u32 v11, $0x10  }
0x73: {  	v11 =	vand.u32 $0xFFFF0000, v11;
	v49 =	vshll.u32 v12, $0x10;
	v12 =	vand.u32 $0xFFFF0000, v12  }
0x74: {  	v50 =	vand.u32 $0xFFFF0000, v13;
	v15 =	vmul.f32 v15, v10;
	v11 =	vmul.f32 v11, v10  }
0x75: {  	v51 =	vand.u32 $0xFFFF0000, v14;
	v12 =	vmul.f32 v12, v7;
	v16 =	vmul.f32 v49, v7  }
0x76: {  	v13 =	vshll.u32 v13, $0x10;
	v14 =	vshll.u32 v14, $0x10;
	v17 =	vmul.f32 v50, v8  }
0x77: {  	v13 =	vmul.f32 v13, v8;
	v11 =	vadd.f32 v12, v11;
	v12 =	vadd.f32 v16, v15  }
0x78: {  	v14 =	vmul.f32 v14, v9  }
0x79: {  	v15 =	vmul.f32 v51, v9;
	v11 =	vadd.f32 v17, v11;
	v12 =	vadd.f32 v13, v12;
	_ =	sdelay $0x1  }
0x7a: {  	v11 =	vadd.f32 v15, v11;
	v12 =	vadd.f32 v14, v12;
	_ =	sdelay $0x1  }
0x7b: {  	v11 =	vand.u32 $0xFFFF0000, v11;
	v12 =	vshrl.u32 v12, $0x10  }
0x7c: {  	v11 =	vor.u32 v11, v12  }
0x7d: {  	[tilespmem:s6+$0xFFFFFFE0] =	vst v11  }
0x7e: {  	v12 =	vld [tilespmem:s12+$0x6230]  }
0x7f: {  	v11 =	vld [tilespmem:s12+$0x6630]  }
0x80: {  	v13 =	vld [tilespmem:s12+$0x7230];
	_ =	sdelay $0x1  }
0x81: {  	v14 =	vld [tilespmem:s7+$0x6230]  }
0x82: {  	v15 =	vshll.u32 v12, $0x10  }
0x83: {  	v52 =	vshll.u32 v11, $0x10;
	v11 =	vand.u32 $0xFFFF0000, v11;
	v12 =	vand.u32 $0xFFFF0000, v12  }
0x84: {  	v53 =	vshll.u32 v13, $0x10;
	v16 =	vmul.f32 v52, v7;
	v11 =	vmul.f32 v11, v7  }
0x85: {  	v13 =	vand.u32 $0xFFFF0000, v13;
	v15 =	vmul.f32 v15, v10;
	v12 =	vmul.f32 v12, v10  }
0x86: {  	v54 =	vshll.u32 v14, $0x10;
	v14 =	vand.u32 $0xFFFF0000, v14;
	v17 =	vmul.f32 v53, v8  }
0x87: {  	v13 =	vmul.f32 v13, v8;
	v15 =	vadd.f32 v16, v15;
	v11 =	vadd.f32 v11, v12  }
0x88: {  	v14 =	vmul.f32 v14, v9  }
0x89: {  	v12 =	vmul.f32 v54, v9;
	v15 =	vadd.f32 v17, v15;
	v11 =	vadd.f32 v13, v11;
	_ =	sdelay $0x1  }
0x8a: {  	v12 =	vadd.f32 v12, v15;
	v11 =	vadd.f32 v14, v11;
	_ =	sdelay $0x1  }
0x8b: {  	v12 =	vshrl.u32 v12, $0x10;
	v11 =	vand.u32 $0xFFFF0000, v11  }
0x8c: {  	v11 =	vor.u32 v11, v12  }
0x8d: {  	[tilespmem:s6+$0xFFFFFFF0] =	vst v11  }
0x8e: {  	v11 =	vld [tilespmem:s12+$0x6240]  }
0x8f: {  	v12 =	vld [tilespmem:s12+$0x6640]  }
0x90: {  	v13 =	vld [tilespmem:s12+$0x7240]  }
0x91: {  	v14 =	vld [tilespmem:s7+$0x6240];
	_ =	sdelay $0x1  }
0x92: {  	v15 =	vshll.u32 v11, $0x10  }
0x93: {  	v11 =	vand.u32 $0xFFFF0000, v11;
	v55 =	vshll.u32 v12, $0x10;
	v12 =	vand.u32 $0xFFFF0000, v12  }
0x94: {  	v56 =	vshll.u32 v13, $0x10;
	v15 =	vmul.f32 v15, v10;
	v16 =	vmul.f32 v55, v7  }
0x95: {  	v57 =	vshll.u32 v14, $0x10;
	v12 =	vmul.f32 v12, v7;
	v11 =	vmul.f32 v11, v10  }
0x96: {  	v13 =	vand.u32 $0xFFFF0000, v13;
	v14 =	vand.u32 $0xFFFF0000, v14;
	v17 =	vmul.f32 v56, v8  }
0x97: {  	v15 =	vadd.f32 v16, v15;
	v11 =	vadd.f32 v12, v11;
	v12 =	vmul.f32 v13, v8  }
0x98: {  	v14 =	vmul.f32 v14, v9  }
0x99: {  	v13 =	vmul.f32 v57, v9;
	v15 =	vadd.f32 v17, v15;
	v11 =	vadd.f32 v12, v11;
	_ =	sdelay $0x1  }
0x9a: {  	v12 =	vadd.f32 v13, v15;
	v11 =	vadd.f32 v14, v11;
	_ =	sdelay $0x1  }
0x9b: {  	v12 =	vshrl.u32 v12, $0x10;
	v11 =	vand.u32 $0xFFFF0000, v11  }
0x9c: {  	v11 =	vor.u32 v11, v12  }
0x9d: {  	[tilespmem:s6+$0x0] =	vst v11  }
0x9e: {  	v11 =	vld [tilespmem:s12+$0x6250]  }
0x9f: {  	v12 =	vld [tilespmem:s12+$0x6650]  }
0xa0: {  	v13 =	vld [tilespmem:s12+$0x7250]  }
0xa1: {  	v14 =	vld [tilespmem:s7+$0x6250];
	_ =	sdelay $0x1  }
0xa2: {  	v15 =	vshll.u32 v11, $0x10  }
0xa3: {  	v11 =	vand.u32 $0xFFFF0000, v11;
	v58 =	vshll.u32 v12, $0x10;
	v12 =	vand.u32 $0xFFFF0000, v12  }
0xa4: {  	v59 =	vshll.u32 v13, $0x10;
	v15 =	vmul.f32 v15, v10;
	v16 =	vmul.f32 v58, v7  }
0xa5: {  	v60 =	vshll.u32 v14, $0x10;
	v12 =	vmul.f32 v12, v7;
	v11 =	vmul.f32 v11, v10  }
0xa6: {  	v13 =	vand.u32 $0xFFFF0000, v13;
	v14 =	vand.u32 $0xFFFF0000, v14;
	v17 =	vmul.f32 v59, v8  }
0xa7: {  	v15 =	vadd.f32 v16, v15;
	v11 =	vadd.f32 v12, v11;
	v12 =	vmul.f32 v13, v8  }
0xa8: {  	v14 =	vmul.f32 v14, v9  }
0xa9: {  	v13 =	vmul.f32 v60, v9;
	v15 =	vadd.f32 v17, v15;
	v11 =	vadd.f32 v12, v11;
	_ =	sdelay $0x1  }
0xaa: {  	v12 =	vadd.f32 v13, v15;
	v11 =	vadd.f32 v14, v11;
	_ =	sdelay $0x1  }
0xab: {  	v12 =	vshrl.u32 v12, $0x10;
	v11 =	vand.u32 $0xFFFF0000, v11  }
0xac: {  	v11 =	vor.u32 v11, v12  }
0xad: {  	[tilespmem:s6+$0x10] =	vst v11  }
0xae: {  	v11 =	vld [tilespmem:s12+$0x6660]  }
0xaf: {  	v12 =	vld [tilespmem:s12+$0x6260]  }
0xb0: {  	v13 =	vld [tilespmem:s12+$0x7260];
	_ =	sdelay $0x2  }
0xb1: {  	v15 =	vld [tilespmem:s7+$0x6260];
	v14 =	vshll.u32 v11, $0x10  }
0xb2: {  	v61 =	vshll.u32 v12, $0x10;
	v11 =	vand.u32 $0xFFFF0000, v11;
	v12 =	vand.u32 $0xFFFF0000, v12  }
0xb3: {  	v62 =	vshll.u32 v13, $0x10;
	v14 =	vmul.f32 v14, v7;
	v16 =	vmul.f32 v61, v10  }
0xb4: {  	v13 =	vand.u32 $0xFFFF0000, v13;
	v11 =	vmul.f32 v11, v7;
	v12 =	vmul.f32 v12, v10  }
0xb5: {  	v63 =	vmul.f32 v62, v8;
	v13 =	vmul.f32 v13, v8  }
0xb6: {  	v14 =	vadd.f32 v14, v16;
	v11 =	vadd.f32 v11, v12;
	v12 =	vshll.u32 v15, $0x10  }
0xb7: {  	v15 =	vand.u32 $0xFFFF0000, v15;
	v12 =	vmul.f32 v12, v9  }
0xb8: {  	v15 =	vmul.f32 v15, v9;
	v14 =	vadd.f32 v63, v14;
	v13 =	vadd.f32 v13, v11;
	_ =	sdelay $0x1  }
0xb9: {  	s9 =	simm.s32 $0x1;
	s10 =	simm.s32 $0x0;
	s8 =	simm.s32 $0xA240;
	v11 =	vadd.f32 v12, v14;
	v12 =	vadd.f32 v15, v13  }
.LBB2_3:
0xba: {  	s0 =	sadd.s32 $0x80, s0;
	s10 =	sadd.s32 $0x100, s10;
	s6 =	sadd.s32 $0x80, s6  }
0xbb: {  	p1 =	sne.s32 s9, $0xF;
	v11 =	vshrl.u32 v11, $0x10;
	s11 =	smov.u32 s9;
	s9 =	sadd.s32 $0x1, s9;
	v12 =	vand.u32 $0xFFFF0000, v12  }
0xbc: {  	v11 =	vor.u32 v12, v11  }
0xbd: {  	[tilespmem:s8+$0x20] =	vst v11  }
0xbe: {  	v11 =	vld [tilespmem:s12+$0x6270]  }
0xbf: {  	v12 =	vld [tilespmem:s12+$0x7270]  }
0xc0: {  	v13 =	vld [tilespmem:s7+$0x6270]  }
0xc1: {  	v14 =	vld [tilespmem:s12+$0x6670];
	_ =	sdelay $0x1  }
0xc2: {  	v15 =	vshll.u32 v11, $0x10;
	v11 =	vand.u32 $0xFFFF0000, v11  }
0xc3: {  	v15 =	vmul.f32 v15, v10;
	v10 =	vmul.f32 v11, v10;
	v11 =	vshll.u32 v12, $0x10  }
0xc4: {  	v12 =	vand.u32 $0xFFFF0000, v12;
	v11 =	vmul.f32 v11, v8;
	v16 =	vshll.u32 v13, $0x10  }
0xc5: {  	v8 =	vmul.f32 v12, v8;
	v17 =	vshll.u32 v14, $0x10;
	v14 =	vand.u32 $0xFFFF0000, v14  }
0xc6: {  	v13 =	vand.u32 $0xFFFF0000, v13;
	v12 =	vmul.f32 v17, v7;
	v7 =	vmul.f32 v14, v7  }
0xc7: {  	v14 =	vmul.f32 v16, v9;
	v9 =	vmul.f32 v13, v9  }
0xc8: {  	v12 =	vadd.f32 v12, v15;
	v7 =	vadd.f32 v7, v10;
	_ =	sdelay $0x1  }
0xc9: {  	v10 =	vadd.f32 v11, v12;
	v7 =	vadd.f32 v8, v7;
	_ =	sdelay $0x1  }
0xca: {  	v8 =	vadd.f32 v14, v10;
	v7 =	vadd.f32 v9, v7  }
0xcb: {  	s7 =	sand.u32 $0x800, s10;
	s12 =	sand.u32 $0x380, s0  }
0xcc: {  	s12 =	sor.u32 s12, s7;
	s7 =	sor.u32 s7, s0;
	v8 =	vshrl.u32 v8, $0x10;
	v7 =	vand.u32 $0xFFFF0000, v7  }
0xcd: {  	s7 =	sor.u32 $0x1400, s7;
	v7 =	vor.u32 v7, v8  }
0xce: {  	v8 =	vmov s11;
	[tilespmem:s8+$0x30] =	vst v7;
	s8 =	smov.u32 s6  }
0xcf: {  	v7 =	vand.u32 $0xF, v8;
	v9 =	vld [tilespmem:s12+$0x6600]  }
0xd0: {  	v11 =	vbroadcast v7, $0x0;
	v12 =	vld [tilespmem:s12+$0x6200]  }
0xd1: {  	v13 =	vld [tilespmem:s12+$0x7200]  }
0xd2: {  	v10 =	vperm.xlane v3, v11  }
0xd3: {  	v7 =	vperm.xlane v4, v11;
	v14 =	vld [tilespmem:s7+$0x6200]  }
0xd4: {  	v8 =	vperm.xlane v5, v11;
	v15 =	vshll.u32 v9, $0x10  }
0xd5: {  	v9 =	vand.u32 $0xFFFF0000, v9;
	v16 =	vshll.u32 v12, $0x10;
	v15 =	vmul.f32 v15, v7  }
0xd6: {  	v17 =	vmul.f32 v9, v7;
	v16 =	vmul.f32 v16, v10;
	v18 =	vshll.u32 v13, $0x10  }
0xd7: {  	v9 =	vperm.xlane v6, v11;
	v13 =	vand.u32 $0xFFFF0000, v13;
	v11 =	vmul.f32 v18, v8  }
0xd8: {  	v13 =	vmul.f32 v13, v8;
	v15 =	vadd.f32 v15, v16;
	v16 =	vshll.u32 v14, $0x10  }
0xd9: {  	v12 =	vand.u32 $0xFFFF0000, v12;
	v14 =	vand.u32 $0xFFFF0000, v14;
	v16 =	vmul.f32 v16, v9  }
0xda: {  	v12 =	vmul.f32 v12, v10;
	v14 =	vmul.f32 v14, v9  }
0xdb: {  	v11 =	vadd.f32 v11, v15  }
0xdc: {  	v12 =	vadd.f32 v17, v12  }
0xdd: {  	v11 =	vadd.f32 v16, v11  }
0xde: {  	v12 =	vadd.f32 v13, v12;
	_ =	sdelay $0x1  }
0xdf: {  	v12 =	vadd.f32 v14, v12;
	v11 =	vshrl.u32 v11, $0x10;
	_ =	sdelay $0x1  }
0xe0: {  	v12 =	vand.u32 $0xFFFF0000, v12  }
0xe1: {  	v11 =	vor.u32 v12, v11  }
0xe2: {  	[tilespmem:s6+$0xFFFFFFC0] =	vst v11  }
0xe3: {  	v11 =	vld [tilespmem:s12+$0x6210]  }
0xe4: {  	v12 =	vld [tilespmem:s12+$0x6610]  }
0xe5: {  	v13 =	vld [tilespmem:s12+$0x7210]  }
0xe6: {  	v14 =	vld [tilespmem:s7+$0x6210];
	_ =	sdelay $0x1  }
0xe7: {  	v15 =	vshll.u32 v11, $0x10;
	v11 =	vand.u32 $0xFFFF0000, v11  }
0xe8: {  	v15 =	vmul.f32 v15, v10;
	v16 =	vshll.u32 v12, $0x10;
	v12 =	vand.u32 $0xFFFF0000, v12  }
0xe9: {  	v16 =	vmul.f32 v16, v7;
	v12 =	vmul.f32 v12, v7;
	v17 =	vshll.u32 v13, $0x10  }
0xea: {  	v11 =	vmul.f32 v11, v10;
	v17 =	vmul.f32 v17, v8;
	v18 =	vshll.u32 v14, $0x10  }
0xeb: {  	v13 =	vand.u32 $0xFFFF0000, v13;
	v15 =	vadd.f32 v16, v15;
	v16 =	vmul.f32 v18, v9  }
0xec: {  	v11 =	vadd.f32 v12, v11;
	v12 =	vmul.f32 v13, v8;
	v13 =	vand.u32 $0xFFFF0000, v14  }
0xed: {  	v13 =	vmul.f32 v13, v9;
	v14 =	vadd.f32 v17, v15  }
0xee: {  	v11 =	vadd.f32 v12, v11  }
0xef: {  	v12 =	vadd.f32 v16, v14  }
0xf0: {  	v11 =	vadd.f32 v13, v11  }
0xf1: {  	v12 =	vshrl.u32 v12, $0x10  }
0xf2: {  	v11 =	vand.u32 $0xFFFF0000, v11  }
0xf3: {  	v11 =	vor.u32 v11, v12  }
0xf4: {  	[tilespmem:s6+$0xFFFFFFD0] =	vst v11  }
0xf5: {  	v11 =	vld [tilespmem:s12+$0x6220]  }
0xf6: {  	v12 =	vld [tilespmem:s12+$0x6620]  }
0xf7: {  	v13 =	vld [tilespmem:s12+$0x7220]  }
0xf8: {  	v14 =	vld [tilespmem:s7+$0x6220];
	_ =	sdelay $0x1  }
0xf9: {  	v15 =	vshll.u32 v11, $0x10;
	v11 =	vand.u32 $0xFFFF0000, v11  }
0xfa: {  	v15 =	vmul.f32 v15, v10;
	v16 =	vshll.u32 v12, $0x10;
	v12 =	vand.u32 $0xFFFF0000, v12  }
0xfb: {  	v11 =	vmul.f32 v11, v10;
	v12 =	vmul.f32 v12, v7;
	v17 =	vand.u32 $0xFFFF0000, v13  }
0xfc: {  	v16 =	vmul.f32 v16, v7;
	v17 =	vmul.f32 v17, v8;
	v18 =	vand.u32 $0xFFFF0000, v14  }
0xfd: {  	v11 =	vadd.f32 v12, v11;
	v12 =	vshll.u32 v13, $0x10;
	v13 =	vmul.f32 v18, v9  }
0xfe: {  	v14 =	vshll.u32 v14, $0x10;
	v15 =	vadd.f32 v16, v15;
	v12 =	vmul.f32 v12, v8  }
0xff: {  	v14 =	vmul.f32 v14, v9;
	v11 =	vadd.f32 v17, v11  }
0x100: {  	v12 =	vadd.f32 v12, v15  }
0x101: {  	v11 =	vadd.f32 v13, v11  }
0x102: {  	v12 =	vadd.f32 v14, v12  }
0x103: {  	v11 =	vand.u32 $0xFFFF0000, v11  }
0x104: {  	v12 =	vshrl.u32 v12, $0x10  }
0x105: {  	v11 =	vor.u32 v11, v12  }
0x106: {  	[tilespmem:s6+$0xFFFFFFE0] =	vst v11  }
0x107: {  	v11 =	vld [tilespmem:s12+$0x6630]  }
0x108: {  	v12 =	vld [tilespmem:s12+$0x6230]  }
0x109: {  	v13 =	vld [tilespmem:s12+$0x7230]  }
0x10a: {  	v14 =	vld [tilespmem:s7+$0x6230];
	_ =	sdelay $0x2  }
0x10b: {  	v16 =	vshll.u32 v11, $0x10;
	v11 =	vand.u32 $0xFFFF0000, v11;
	v15 =	vshll.u32 v12, $0x10  }
0x10c: {  	v16 =	vmul.f32 v16, v7;
	v11 =	vmul.f32 v11, v7;
	v17 =	vshll.u32 v13, $0x10  }
0x10d: {  	v12 =	vand.u32 $0xFFFF0000, v12;
	v15 =	vmul.f32 v15, v10;
	v17 =	vmul.f32 v17, v8  }
0x10e: {  	v12 =	vmul.f32 v12, v10;
	v13 =	vand.u32 $0xFFFF0000, v13;
	v18 =	vshll.u32 v14, $0x10  }
0x10f: {  	v13 =	vmul.f32 v13, v8;
	v15 =	vadd.f32 v16, v15;
	v16 =	vmul.f32 v18, v9  }
0x110: {  	v11 =	vadd.f32 v11, v12;
	v12 =	vand.u32 $0xFFFF0000, v14  }
0x111: {  	v12 =	vmul.f32 v12, v9;
	v14 =	vadd.f32 v17, v15  }
0x112: {  	v11 =	vadd.f32 v13, v11  }
0x113: {  	v13 =	vadd.f32 v16, v14  }
0x114: {  	v11 =	vadd.f32 v12, v11;
	_ =	sdelay $0x1  }
0x115: {  	v12 =	vshrl.u32 v13, $0x10;
	v11 =	vand.u32 $0xFFFF0000, v11  }
0x116: {  	v11 =	vor.u32 v11, v12  }
0x117: {  	[tilespmem:s6+$0xFFFFFFF0] =	vst v11  }
0x118: {  	v11 =	vld [tilespmem:s12+$0x6240]  }
0x119: {  	v12 =	vld [tilespmem:s12+$0x6640]  }
0x11a: {  	v13 =	vld [tilespmem:s12+$0x7240]  }
0x11b: {  	v14 =	vld [tilespmem:s7+$0x6240];
	_ =	sdelay $0x1  }
0x11c: {  	v15 =	vshll.u32 v11, $0x10;
	v11 =	vand.u32 $0xFFFF0000, v11  }
0x11d: {  	v15 =	vmul.f32 v15, v10;
	v16 =	vshll.u32 v12, $0x10;
	v12 =	vand.u32 $0xFFFF0000, v12  }
0x11e: {  	v16 =	vmul.f32 v16, v7;
	v12 =	vmul.f32 v12, v7;
	v17 =	vshll.u32 v13, $0x10  }
0x11f: {  	v11 =	vmul.f32 v11, v10;
	v17 =	vmul.f32 v17, v8;
	v18 =	vshll.u32 v14, $0x10  }
0x120: {  	v13 =	vand.u32 $0xFFFF0000, v13;
	v15 =	vadd.f32 v16, v15;
	v16 =	vmul.f32 v18, v9  }
0x121: {  	v11 =	vadd.f32 v12, v11;
	v12 =	vmul.f32 v13, v8;
	v13 =	vand.u32 $0xFFFF0000, v14  }
0x122: {  	v13 =	vmul.f32 v13, v9;
	v14 =	vadd.f32 v17, v15  }
0x123: {  	v11 =	vadd.f32 v12, v11  }
0x124: {  	v12 =	vadd.f32 v16, v14  }
0x125: {  	v11 =	vadd.f32 v13, v11  }
0x126: {  	v12 =	vshrl.u32 v12, $0x10  }
0x127: {  	v11 =	vand.u32 $0xFFFF0000, v11  }
0x128: {  	v11 =	vor.u32 v11, v12  }
0x129: {  	[tilespmem:s6+$0x0] =	vst v11  }
0x12a: {  	v11 =	vld [tilespmem:s12+$0x6250]  }
0x12b: {  	v12 =	vld [tilespmem:s12+$0x6650]  }
0x12c: {  	v13 =	vld [tilespmem:s12+$0x7250]  }
0x12d: {  	v14 =	vld [tilespmem:s7+$0x6250];
	_ =	sdelay $0x1  }
0x12e: {  	v15 =	vshll.u32 v11, $0x10;
	v11 =	vand.u32 $0xFFFF0000, v11  }
0x12f: {  	v15 =	vmul.f32 v15, v10;
	v16 =	vshll.u32 v12, $0x10;
	v12 =	vand.u32 $0xFFFF0000, v12  }
0x130: {  	v16 =	vmul.f32 v16, v7;
	v12 =	vmul.f32 v12, v7;
	v17 =	vshll.u32 v13, $0x10  }
0x131: {  	v11 =	vmul.f32 v11, v10;
	v17 =	vmul.f32 v17, v8;
	v18 =	vshll.u32 v14, $0x10  }
0x132: {  	v13 =	vand.u32 $0xFFFF0000, v13;
	v15 =	vadd.f32 v16, v15;
	v16 =	vmul.f32 v18, v9  }
0x133: {  	v11 =	vadd.f32 v12, v11;
	v12 =	vmul.f32 v13, v8;
	v13 =	vand.u32 $0xFFFF0000, v14  }
0x134: {  	v13 =	vmul.f32 v13, v9;
	v14 =	vadd.f32 v17, v15  }
0x135: {  	v11 =	vadd.f32 v12, v11  }
0x136: {  	v12 =	vadd.f32 v16, v14  }
0x137: {  	v11 =	vadd.f32 v13, v11;
	_ =	sdelay $0x1  }
0x138: {  	v12 =	vshrl.u32 v12, $0x10;
	v11 =	vand.u32 $0xFFFF0000, v11  }
0x139: {  	v11 =	vor.u32 v11, v12  }
0x13a: {  	[tilespmem:s6+$0x10] =	vst v11  }
0x13b: {  	v11 =	vld [tilespmem:s12+$0x6660]  }
0x13c: {  	v12 =	vld [tilespmem:s12+$0x6260]  }
0x13d: {  	v13 =	vld [tilespmem:s12+$0x7260]  }
0x13e: {  	v14 =	vld [tilespmem:s7+$0x6260];
	_ =	sdelay $0x1  }
0x13f: {  	v15 =	vshll.u32 v11, $0x10  }
0x140: {  	v11 =	vand.u32 $0xFFFF0000, v11;
	v16 =	vshll.u32 v12, $0x10;
	v15 =	vmul.f32 v15, v7  }
0x141: {  	v12 =	vand.u32 $0xFFFF0000, v12;
	v11 =	vmul.f32 v11, v7;
	v16 =	vmul.f32 v16, v10  }
0x142: {  	v12 =	vmul.f32 v12, v10;
	v17 =	vshll.u32 v13, $0x10;
	v13 =	vand.u32 $0xFFFF0000, v13  }
0x143: {  	v13 =	vmul.f32 v13, v8;
	v15 =	vadd.f32 v15, v16;
	v16 =	vmul.f32 v17, v8  }
.Ltmp0:
0x144: {  	v11 =	vadd.f32 v11, v12;
	v12 =	vshll.u32 v14, $0x10;
	(pc) =	sbr.rel @p1 .LBB2_3-.Ltmp0, $4  }
0x145: {  	v14 =	vand.u32 $0xFFFF0000, v14;
	v12 =	vmul.f32 v12, v9;
	v15 =	vadd.f32 v16, v15  }
0x146: {  	v14 =	vmul.f32 v14, v9;
	v13 =	vadd.f32 v13, v11  }
0x147: {  	v11 =	vadd.f32 v12, v15  }
0x148: {  	v12 =	vadd.f32 v14, v13  }
0x149: {  	_ = 	snop  }
0x14a: {  	v3 =	vshrl.u32 v11, $0x10;
	v4 =	vand.u32 $0xFFFF0000, v12  }
0x14b: {  	v3 =	vor.u32 v4, v3  }
0x14c: {  	[tilespmem:s8+$0x20] =	vst v3  }
0x14d: {  	v3 =	vld [tilespmem:s12+$0x6270]  }
0x14e: {  	v5 =	vld [tilespmem:s12+$0x7270]  }
0x14f: {  	v4 =	vld [tilespmem:s12+$0x6670];
	_ =	sdelay $0x1  }
0x150: {  	v6 =	vld [tilespmem:s7+$0x6270]  }
0x151: {  	v11 =	vshll.u32 v3, $0x10  }
0x152: {  	v3 =	vand.u32 $0xFFFF0000, v3;
	v49 =	vshll.u32 v5, $0x10;
	v11 =	vmul.f32 v11, v10  }
0x153: {  	v3 =	vmul.f32 v3, v10;
	v10 =	vshll.u32 v4, $0x10;
	v4 =	vand.u32 $0xFFFF0000, v4  }
0x154: {  	v5 =	vand.u32 $0xFFFF0000, v5;
	v10 =	vmul.f32 v10, v7;
	v4 =	vmul.f32 v4, v7  }
0x155: {  	v50 =	vshll.u32 v6, $0x10;
	v5 =	vmul.f32 v5, v8  }
0x156: {  	v7 =	vmul.f32 v49, v8;
	v8 =	vadd.f32 v10, v11;
	v3 =	vadd.f32 v4, v3  }
0x157: {  	v4 =	vand.u32 $0xFFFF0000, v6;
	v6 =	vmul.f32 v50, v9  }
0x158: {  	v4 =	vmul.f32 v4, v9;
	v7 =	vadd.f32 v7, v8;
	v3 =	vadd.f32 v5, v3;
	_ =	sdelay $0x1  }
0x159: {  	v5 =	vadd.f32 v6, v7;
	v3 =	vadd.f32 v4, v3  }
0x15a: {  	s0 =	sshll.u32 s29, $0xC  }
0x15b: {  	s0 =	sadd.s32 s4, s0;
	v4 =	vshrl.u32 v5, $0x10;
	v3 =	vand.u32 $0xFFFF0000, v3  }
0x15c: {  	s0 =	sshrl.u32 s0, $0x3;
	v3 =	vor.u32 v3, v4  }
0x15d: {  	s0 =	sadd.s32 s5, s0;
	[tilespmem:s8+$0x30] =	vst v3  }
0x15e: {  	[hbm4b:s0+s3] =	stream.linear.scatter [tilespmem:s22], [sflag:$0x3], $0x800, $0x38;
	[tilespmem:$0xB200] =	vst v63  }
0x15f: {  	v3 =	vld [tilespmem:s1+$0x100];
	_ =	sdelay $0x4  }
0x160: {  	v4 =	vshll.u32 v3, $0x1  }
0x161: {  	v3 =	vand.u32 $0x7, v3;
	v4 =	vand.u32 $0xFFFFFFF0, v4  }
0x162: {  	v3 =	vor.u32 v3, v4  }
0x163: {  	v4 =	vperm.xlane v3, v0;
	_ =	sdelay $0x1  }
0x164: {  	v3 =	vperm.xlane v3, v2;
	v4 =	vadd.s32 v1, v4;
	_ =	sdelay $0x1  }
0x165: {  	v3 =	vadd.s32 v1, v3;
	_ =	sdelay $0x2  }
0x166: {  	[tilespmem:s13], [sflag:$0x1] =	stream.indirect_vreg.gather [hbm4b:s2+s3], $0x80, v4, vm0, $0xb8;
	[tilespmem:$0xB200] =	vst v63  }
0x167: {  	_ = 	snop  }
0x168: {  	[tilespmem:s14], [sflag:$0x1] =	stream.indirect_vreg.gather [hbm4b:s2+s3], $0x80, v3, vm0, $0xb8;
	[tilespmem:$0xB200] =	vst v63  }
0x169: {  	v3 =	vld [tilespmem:s1+$0x110];
	_ =	sdelay $0x4  }
0x16a: {  	v4 =	vshll.u32 v3, $0x1  }
0x16b: {  	v3 =	vand.u32 $0x7, v3;
	v4 =	vand.u32 $0xFFFFFFF0, v4  }
0x16c: {  	v3 =	vor.u32 v3, v4  }
0x16d: {  	v4 =	vperm.xlane v3, v0;
	_ =	sdelay $0x1  }
0x16e: {  	v3 =	vperm.xlane v3, v2;
	v4 =	vadd.s32 v1, v4;
	_ =	sdelay $0x1  }
0x16f: {  	v3 =	vadd.s32 v1, v3;
	_ =	sdelay $0x2  }
0x170: {  	[tilespmem:s15], [sflag:$0x1] =	stream.indirect_vreg.gather [hbm4b:s2+s3], $0x80, v4, vm0, $0xb8;
	[tilespmem:$0xB200] =	vst v63  }
0x171: {  	_ = 	snop  }
0x172: {  	[tilespmem:s16], [sflag:$0x1] =	stream.indirect_vreg.gather [hbm4b:s2+s3], $0x80, v3, vm0, $0xb8;
	[tilespmem:$0xB200] =	vst v63  }
0x173: {  	_ =	swait.ge [sflag:s23], $0x2000  }
0x174: {  	[sflag:s23] =	ssyncset.done $0x0  }
0x175: {  	s0 =	simm.s32 @!p0 $0x4;
	[sflag:s23] =	ssyncadd.s32 $0xFFFFE000  }
0x176: {  	_ =	swait.ge @!p0 [sflag:s0], $0x800  }
0x177: {  	[sflag:s0] =	ssyncset.done @!p0 $0x0  }
0x178: {  	[sflag:s0] =	ssyncadd.s32 @!p0 $0xFFFFF800  }
0x179: {  	s1 =	simm.s32 $0x0;
	v3 =	vld [tilespmem:s31+$0x3100]  }
0x17a: {  	s6 =	sand.u32 $0x800, s1;
	s12 =	sand.u32 $0x380, s1;
	v4 =	vld [tilespmem:s31+$0x3110]  }
0x17b: {  	s11 =	sand.u32 $0xFFFFF800, s1;
	s12 =	sor.u32 s12, s6;
	v5 =	vld [tilespmem:s31+$0x3120]  }
0x17c: {  	s0 =	sadd.s32 $0x0, s11;
	v11 =	vld [tilespmem:s12+$0x8200]  }
0x17d: {  	v7 =	vmov s1;
	s7 =	sor.u32 $0x2400, s0;
	v14 =	vld [tilespmem:s12+$0x9200]  }
0x17e: {  	v7 =	vand.u32 $0xF, v7;
	v51 =	vld [tilespmem:s7+$0x6200]  }
0x17f: {  	v7 =	vbroadcast v7, $0x0  }
0x180: {  	v6 =	vld [tilespmem:s31+$0x3130];
	s6 =	sor.u32 $0x3400, s0  }
0x181: {  	v13 =	vld [tilespmem:s6+$0x6200];
	v10 =	vperm.xlane v3, v7  }
0x182: {  	v9 =	vperm.xlane v4, v7;
	v8 =	vperm.xlane v5, v7;
	v15 =	vshll.u32 v11, $0x10  }
0x183: {  	v11 =	vand.u32 $0xFFFF0000, v11;
	v18 =	vand.u32 $0xFFFF0000, v14;
	v16 =	vshll.u32 v51, $0x10  }
0x184: {  	v12 =	vand.u32 $0xFFFF0000, v51;
	v15 =	vmul.f32 v15, v10;
	v16 =	vmul.f32 v16, v9  }
0x185: {  	v14 =	vshll.u32 v14, $0x10;
	v11 =	vmul.f32 v11, v10;
	v12 =	vmul.f32 v12, v9  }
0x186: {  	v7 =	vperm.xlane v6, v7;
	v17 =	vshll.u32 v13, $0x10;
	v14 =	vmul.f32 v14, v8  }
0x187: {  	v52 =	vmul.f32 v18, v8;
	v15 =	vadd.f32 v16, v15;
	v11 =	vadd.f32 v12, v11  }
0x188: {  	v53 =	vand.u32 $0xFFFF0000, v13;
	v54 =	vmul.f32 v17, v7  }
0x189: {  	v12 =	vmul.f32 v53, v7;
	v14 =	vadd.f32 v14, v15;
	v11 =	vadd.f32 v52, v11;
	_ =	sdelay $0x1  }
0x18a: {  	v13 =	vadd.f32 v54, v14;
	v11 =	vadd.f32 v12, v11;
	_ =	sdelay $0x1  }
0x18b: {  	v55 =	vshrl.u32 v13, $0x10;
	v11 =	vand.u32 $0xFFFF0000, v11  }
0x18c: {  	s0 =	simm.s32 $0xAA70;
	v11 =	vor.u32 v11, v55  }
0x18d: {  	[tilespmem:s0+$0xFFFFFF90] =	vst v11  }
0x18e: {  	v11 =	vld [tilespmem:s12+$0x8210]  }
0x18f: {  	v56 =	vld [tilespmem:s7+$0x6210];
	_ =	sdelay $0x1  }
0x190: {  	v57 =	vld [tilespmem:s12+$0x9210]  }
0x191: {  	v58 =	vld [tilespmem:s6+$0x6210];
	_ =	sdelay $0x1  }
0x192: {  	v59 =	vshll.u32 v11, $0x10;
	v11 =	vand.u32 $0xFFFF0000, v11;
	v60 =	vshll.u32 v56, $0x10  }
0x193: {  	v12 =	vand.u32 $0xFFFF0000, v56;
	v15 =	vmul.f32 v59, v10;
	v16 =	vmul.f32 v60, v9  }
0x194: {  	v61 =	vshll.u32 v57, $0x10;
	v12 =	vmul.f32 v12, v9;
	v11 =	vmul.f32 v11, v10  }
0x195: {  	v62 =	vshll.u32 v58, $0x10;
	v13 =	vand.u32 $0xFFFF0000, v57;
	v17 =	vmul.f32 v61, v8  }
0x196: {  	v63 =	vmul.f32 v13, v8;
	v15 =	vadd.f32 v16, v15;
	v11 =	vadd.f32 v12, v11  }
0x197: {  	v14 =	vand.u32 $0xFFFF0000, v58;
	v18 =	vmul.f32 v62, v7  }
0x198: {  	v14 =	vmul.f32 v14, v7;
	v15 =	vadd.f32 v17, v15;
	v11 =	vadd.f32 v63, v11;
	_ =	sdelay $0x1  }
0x199: {  	v19 =	vadd.f32 v18, v15;
	v11 =	vadd.f32 v14, v11;
	_ =	sdelay $0x1  }
0x19a: {  	v12 =	vshrl.u32 v19, $0x10;
	v11 =	vand.u32 $0xFFFF0000, v11  }
0x19b: {  	v11 =	vor.u32 v11, v12  }
0x19c: {  	[tilespmem:s0+$0xFFFFFFA0] =	vst v11  }
0x19d: {  	v11 =	vld [tilespmem:s12+$0x8220]  }
0x19e: {  	v20 =	vld [tilespmem:s7+$0x6220];
	_ =	sdelay $0x1  }
0x19f: {  	v21 =	vld [tilespmem:s12+$0x9220]  }
0x1a0: {  	v22 =	vld [tilespmem:s6+$0x6220];
	_ =	sdelay $0x1  }
0x1a1: {  	v23 =	vshll.u32 v11, $0x10;
	v11 =	vand.u32 $0xFFFF0000, v11;
	v24 =	vshll.u32 v20, $0x10  }
0x1a2: {  	v12 =	vand.u32 $0xFFFF0000, v20;
	v15 =	vmul.f32 v23, v10;
	v16 =	vmul.f32 v24, v9  }
0x1a3: {  	v25 =	vshll.u32 v21, $0x10;
	v12 =	vmul.f32 v12, v9;
	v11 =	vmul.f32 v11, v10  }
0x1a4: {  	v13 =	vand.u32 $0xFFFF0000, v21;
	v26 =	vshll.u32 v22, $0x10;
	v17 =	vmul.f32 v25, v8  }
0x1a5: {  	v13 =	vmul.f32 v13, v8;
	v15 =	vadd.f32 v16, v15;
	v11 =	vadd.f32 v12, v11  }
0x1a6: {  	v14 =	vand.u32 $0xFFFF0000, v22;
	v27 =	vmul.f32 v26, v7  }
0x1a7: {  	v14 =	vmul.f32 v14, v7;
	v15 =	vadd.f32 v17, v15;
	v11 =	vadd.f32 v13, v11;
	_ =	sdelay $0x1  }
0x1a8: {  	v12 =	vadd.f32 v27, v15;
	v11 =	vadd.f32 v14, v11;
	_ =	sdelay $0x1  }
0x1a9: {  	v12 =	vshrl.u32 v12, $0x10;
	v11 =	vand.u32 $0xFFFF0000, v11  }
0x1aa: {  	v11 =	vor.u32 v11, v12  }
0x1ab: {  	[tilespmem:s0+$0xFFFFFFB0] =	vst v11  }
0x1ac: {  	v11 =	vld [tilespmem:s12+$0x8230]  }
0x1ad: {  	v28 =	vld [tilespmem:s7+$0x6230];
	_ =	sdelay $0x1  }
0x1ae: {  	v29 =	vld [tilespmem:s12+$0x9230]  }
0x1af: {  	v30 =	vld [tilespmem:s6+$0x6230];
	_ =	sdelay $0x1  }
0x1b0: {  	v31 =	vshll.u32 v11, $0x10;
	v11 =	vand.u32 $0xFFFF0000, v11;
	v32 =	vshll.u32 v28, $0x10  }
0x1b1: {  	v12 =	vand.u32 $0xFFFF0000, v28;
	v15 =	vmul.f32 v31, v10;
	v16 =	vmul.f32 v32, v9  }
0x1b2: {  	v33 =	vshll.u32 v29, $0x10;
	v12 =	vmul.f32 v12, v9;
	v11 =	vmul.f32 v11, v10  }
0x1b3: {  	v34 =	vshll.u32 v30, $0x10;
	v13 =	vand.u32 $0xFFFF0000, v29;
	v17 =	vmul.f32 v33, v8  }
0x1b4: {  	v35 =	vmul.f32 v13, v8;
	v15 =	vadd.f32 v16, v15;
	v11 =	vadd.f32 v12, v11  }
0x1b5: {  	v14 =	vand.u32 $0xFFFF0000, v30;
	v36 =	vmul.f32 v34, v7  }
0x1b6: {  	v14 =	vmul.f32 v14, v7;
	v15 =	vadd.f32 v17, v15;
	v11 =	vadd.f32 v35, v11;
	_ =	sdelay $0x1  }
0x1b7: {  	v37 =	vadd.f32 v36, v15;
	v11 =	vadd.f32 v14, v11;
	_ =	sdelay $0x1  }
0x1b8: {  	v12 =	vshrl.u32 v37, $0x10;
	v11 =	vand.u32 $0xFFFF0000, v11  }
0x1b9: {  	v11 =	vor.u32 v11, v12  }
0x1ba: {  	[tilespmem:s0+$0xFFFFFFC0] =	vst v11  }
0x1bb: {  	v11 =	vld [tilespmem:s12+$0x8240]  }
0x1bc: {  	v38 =	vld [tilespmem:s7+$0x6240];
	_ =	sdelay $0x1  }
0x1bd: {  	v39 =	vld [tilespmem:s12+$0x9240]  }
0x1be: {  	v40 =	vld [tilespmem:s6+$0x6240];
	_ =	sdelay $0x1  }
0x1bf: {  	v41 =	vshll.u32 v11, $0x10;
	v11 =	vand.u32 $0xFFFF0000, v11;
	v42 =	vshll.u32 v38, $0x10  }
0x1c0: {  	v12 =	vand.u32 $0xFFFF0000, v38;
	v15 =	vmul.f32 v41, v10;
	v11 =	vmul.f32 v11, v10  }
0x1c1: {  	v43 =	vand.u32 $0xFFFF0000, v39;
	v12 =	vmul.f32 v12, v9;
	v16 =	vmul.f32 v42, v9  }
0x1c2: {  	v44 =	vand.u32 $0xFFFF0000, v40;
	v13 =	vshll.u32 v39, $0x10;
	v17 =	vmul.f32 v43, v8  }
0x1c3: {  	v13 =	vmul.f32 v13, v8;
	v11 =	vadd.f32 v12, v11;
	v45 =	vadd.f32 v16, v15  }
0x1c4: {  	v14 =	vshll.u32 v40, $0x10;
	v46 =	vmul.f32 v44, v7  }
0x1c5: {  	v14 =	vmul.f32 v14, v7;
	v11 =	vadd.f32 v17, v11;
	v12 =	vadd.f32 v13, v45;
	_ =	sdelay $0x1  }
0x1c6: {  	v11 =	vadd.f32 v46, v11;
	v12 =	vadd.f32 v14, v12;
	_ =	sdelay $0x1  }
0x1c7: {  	v11 =	vand.u32 $0xFFFF0000, v11;
	v12 =	vshrl.u32 v12, $0x10  }
0x1c8: {  	v11 =	vor.u32 v11, v12  }
0x1c9: {  	[tilespmem:s0+$0xFFFFFFD0] =	vst v11  }
0x1ca: {  	v11 =	vld [tilespmem:s12+$0x8250]  }
0x1cb: {  	v47 =	vld [tilespmem:s7+$0x6250];
	_ =	sdelay $0x1  }
0x1cc: {  	v48 =	vld [tilespmem:s12+$0x9250]  }
0x1cd: {  	v49 =	vld [tilespmem:s6+$0x6250];
	_ =	sdelay $0x1  }
0x1ce: {  	v50 =	vshll.u32 v11, $0x10;
	v11 =	vand.u32 $0xFFFF0000, v11;
	v51 =	vshll.u32 v47, $0x10  }
0x1cf: {  	v12 =	vand.u32 $0xFFFF0000, v47;
	v15 =	vmul.f32 v50, v10;
	v16 =	vmul.f32 v51, v9  }
0x1d0: {  	v52 =	vshll.u32 v48, $0x10;
	v12 =	vmul.f32 v12, v9;
	v11 =	vmul.f32 v11, v10  }
0x1d1: {  	v13 =	vand.u32 $0xFFFF0000, v48;
	v53 =	vshll.u32 v49, $0x10;
	v17 =	vmul.f32 v52, v8  }
0x1d2: {  	v13 =	vmul.f32 v13, v8;
	v15 =	vadd.f32 v16, v15;
	v11 =	vadd.f32 v12, v11  }
0x1d3: {  	v14 =	vand.u32 $0xFFFF0000, v49;
	v54 =	vmul.f32 v53, v7  }
0x1d4: {  	v14 =	vmul.f32 v14, v7;
	v15 =	vadd.f32 v17, v15;
	v11 =	vadd.f32 v13, v11;
	_ =	sdelay $0x1  }
0x1d5: {  	v12 =	vadd.f32 v54, v15;
	v11 =	vadd.f32 v14, v11;
	_ =	sdelay $0x1  }
0x1d6: {  	v12 =	vshrl.u32 v12, $0x10;
	v11 =	vand.u32 $0xFFFF0000, v11  }
0x1d7: {  	v11 =	vor.u32 v11, v12  }
0x1d8: {  	[tilespmem:s0+$0xFFFFFFE0] =	vst v11  }
0x1d9: {  	v11 =	vld [tilespmem:s12+$0x8260]  }
0x1da: {  	v55 =	vld [tilespmem:s7+$0x6260];
	_ =	sdelay $0x1  }
0x1db: {  	v56 =	vld [tilespmem:s12+$0x9260]  }
0x1dc: {  	v57 =	vld [tilespmem:s6+$0x6260];
	_ =	sdelay $0x1  }
0x1dd: {  	v58 =	vshll.u32 v11, $0x10;
	v11 =	vand.u32 $0xFFFF0000, v11;
	v59 =	vshll.u32 v55, $0x10  }
0x1de: {  	v12 =	vand.u32 $0xFFFF0000, v55;
	v15 =	vmul.f32 v58, v10;
	v16 =	vmul.f32 v59, v9  }
0x1df: {  	v60 =	vshll.u32 v56, $0x10;
	v12 =	vmul.f32 v12, v9;
	v11 =	vmul.f32 v11, v10  }
0x1e0: {  	v13 =	vand.u32 $0xFFFF0000, v56;
	v61 =	vshll.u32 v57, $0x10;
	v17 =	vmul.f32 v60, v8  }
0x1e1: {  	v13 =	vmul.f32 v13, v8;
	v15 =	vadd.f32 v16, v15;
	v11 =	vadd.f32 v12, v11  }
0x1e2: {  	v14 =	vand.u32 $0xFFFF0000, v57;
	v62 =	vmul.f32 v61, v7  }
0x1e3: {  	v63 =	vmul.f32 v14, v7;
	v15 =	vadd.f32 v17, v15;
	v11 =	vadd.f32 v13, v11;
	_ =	sdelay $0x1  }
0x1e4: {  	v12 =	vadd.f32 v62, v15;
	v11 =	vadd.f32 v63, v11;
	_ =	sdelay $0x1  }
0x1e5: {  	v12 =	vshrl.u32 v12, $0x10;
	v11 =	vand.u32 $0xFFFF0000, v11  }
0x1e6: {  	s9 =	simm.s32 $0x0;
	s8 =	simm.s32 $0xAA70;
	s31 =	simm.s32 $0x1;
	v11 =	vor.u32 v11, v12  }
.LBB2_5:
0x1e7: {  	s1 =	sadd.s32 $0x100, s1;
	s9 =	sadd.s32 $0x80, s9;
	s0 =	sadd.s32 $0x80, s0  }
0x1e8: {  	p0 =	sne.s32 s31, $0xF;
	s10 =	smov.u32 s31;
	s31 =	sadd.s32 $0x1, s31;
	[tilespmem:s8+$0xFFFFFFF0] =	vst v11  }
0x1e9: {  	v11 =	vld [tilespmem:s12+$0x8270]  }
0x1ea: {  	v12 =	vld [tilespmem:s7+$0x6270]  }
0x1eb: {  	v13 =	vld [tilespmem:s12+$0x9270]  }
0x1ec: {  	v14 =	vld [tilespmem:s6+$0x6270];
	_ =	sdelay $0x1  }
0x1ed: {  	v15 =	vshll.u32 v11, $0x10;
	v11 =	vand.u32 $0xFFFF0000, v11  }
0x1ee: {  	v15 =	vmul.f32 v15, v10;
	v10 =	vmul.f32 v11, v10;
	v11 =	vshll.u32 v12, $0x10  }
0x1ef: {  	v12 =	vand.u32 $0xFFFF0000, v12;
	v11 =	vmul.f32 v11, v9;
	v16 =	vshll.u32 v13, $0x10  }
0x1f0: {  	v9 =	vmul.f32 v12, v9;
	v12 =	vand.u32 $0xFFFF0000, v13;
	v13 =	vand.u32 $0xFFFF0000, v14  }
0x1f1: {  	v14 =	vshll.u32 v14, $0x10;
	v11 =	vadd.f32 v11, v15;
	v15 =	vmul.f32 v16, v8  }
0x1f2: {  	v9 =	vadd.f32 v9, v10;
	v8 =	vmul.f32 v12, v8;
	v10 =	vmul.f32 v14, v7  }
0x1f3: {  	v7 =	vmul.f32 v13, v7;
	v11 =	vadd.f32 v15, v11  }
0x1f4: {  	v8 =	vadd.f32 v8, v9  }
0x1f5: {  	v9 =	vadd.f32 v10, v11  }
0x1f6: {  	v7 =	vadd.f32 v7, v8  }
0x1f7: {  	v8 =	vshrl.u32 v9, $0x10  }
0x1f8: {  	v7 =	vand.u32 $0xFFFF0000, v7  }
0x1f9: {  	s11 =	sand.u32 $0x380, s9;
	s7 =	sand.u32 $0x800, s1;
	s6 =	sand.u32 $0xFFFFF800, s1;
	v7 =	vor.u32 v7, v8  }
0x1fa: {  	s12 =	sor.u32 s11, s7;
	s6 =	sadd.s32 s6, s9;
	[tilespmem:s8+$0x0] =	vst v7;
	s8 =	smov.u32 s0  }
0x1fb: {  	s7 =	sor.u32 $0x2400, s6;
	s6 =	sor.u32 $0x3400, s6;
	v7 =	vmov s10;
	v11 =	vld [tilespmem:s12+$0x8200]  }
0x1fc: {  	v7 =	vand.u32 $0xF, v7;
	v12 =	vld [tilespmem:s7+$0x6200]  }
0x1fd: {  	v7 =	vbroadcast v7, $0x0;
	v13 =	vld [tilespmem:s6+$0x6200]  }
0x1fe: {  	v14 =	vld [tilespmem:s12+$0x9200]  }
0x1ff: {  	v10 =	vperm.xlane v3, v7;
	v9 =	vperm.xlane v4, v7  }
0x200: {  	v8 =	vperm.xlane v5, v7;
	v15 =	vshll.u32 v11, $0x10;
	v11 =	vand.u32 $0xFFFF0000, v11  }
0x201: {  	v7 =	vperm.xlane v6, v7;
	v16 =	vshll.u32 v12, $0x10;
	v12 =	vand.u32 $0xFFFF0000, v12  }
0x202: {  	v15 =	vmul.f32 v15, v10;
	v16 =	vmul.f32 v16, v9;
	v17 =	vshll.u32 v13, $0x10  }
0x203: {  	v11 =	vmul.f32 v11, v10;
	v13 =	vand.u32 $0xFFFF0000, v13;
	v18 =	vand.u32 $0xFFFF0000, v14  }
0x204: {  	v14 =	vshll.u32 v14, $0x10;
	v15 =	vadd.f32 v16, v15  }
0x205: {  	v14 =	vmul.f32 v14, v8;
	v16 =	vmul.f32 v18, v8  }
0x206: {  	v12 =	vmul.f32 v12, v9;
	v17 =	vmul.f32 v17, v7  }
0x207: {  	v13 =	vmul.f32 v13, v7;
	v14 =	vadd.f32 v14, v15  }
0x208: {  	v11 =	vadd.f32 v12, v11  }
0x209: {  	v12 =	vadd.f32 v17, v14  }
0x20a: {  	v11 =	vadd.f32 v16, v11  }
0x20b: {  	v12 =	vshrl.u32 v12, $0x10  }
0x20c: {  	v11 =	vadd.f32 v13, v11;
	_ =	sdelay $0x1  }
0x20d: {  	v11 =	vand.u32 $0xFFFF0000, v11  }
0x20e: {  	v11 =	vor.u32 v11, v12  }
0x20f: {  	[tilespmem:s0+$0xFFFFFF90] =	vst v11  }
0x210: {  	v11 =	vld [tilespmem:s12+$0x8210]  }
0x211: {  	v12 =	vld [tilespmem:s7+$0x6210]  }
0x212: {  	v13 =	vld [tilespmem:s12+$0x9210]  }
0x213: {  	v14 =	vld [tilespmem:s6+$0x6210];
	_ =	sdelay $0x1  }
0x214: {  	v15 =	vshll.u32 v11, $0x10;
	v11 =	vand.u32 $0xFFFF0000, v11  }
0x215: {  	v15 =	vmul.f32 v15, v10;
	v16 =	vshll.u32 v12, $0x10;
	v12 =	vand.u32 $0xFFFF0000, v12  }
0x216: {  	v16 =	vmul.f32 v16, v9;
	v12 =	vmul.f32 v12, v9;
	v17 =	vshll.u32 v13, $0x10  }
0x217: {  	v11 =	vmul.f32 v11, v10;
	v17 =	vmul.f32 v17, v8;
	v18 =	vshll.u32 v14, $0x10  }
0x218: {  	v13 =	vand.u32 $0xFFFF0000, v13;
	v15 =	vadd.f32 v16, v15;
	v16 =	vmul.f32 v18, v7  }
0x219: {  	v11 =	vadd.f32 v12, v11;
	v12 =	vmul.f32 v13, v8;
	v13 =	vand.u32 $0xFFFF0000, v14  }
0x21a: {  	v13 =	vmul.f32 v13, v7;
	v14 =	vadd.f32 v17, v15  }
0x21b: {  	v11 =	vadd.f32 v12, v11  }
0x21c: {  	v12 =	vadd.f32 v16, v14  }
0x21d: {  	v11 =	vadd.f32 v13, v11;
	_ =	sdelay $0x1  }
0x21e: {  	v12 =	vshrl.u32 v12, $0x10;
	v11 =	vand.u32 $0xFFFF0000, v11  }
0x21f: {  	v11 =	vor.u32 v11, v12  }
0x220: {  	[tilespmem:s0+$0xFFFFFFA0] =	vst v11  }
0x221: {  	v11 =	vld [tilespmem:s12+$0x8220]  }
0x222: {  	v12 =	vld [tilespmem:s7+$0x6220]  }
0x223: {  	v13 =	vld [tilespmem:s12+$0x9220]  }
0x224: {  	v14 =	vld [tilespmem:s6+$0x6220];
	_ =	sdelay $0x1  }
0x225: {  	v15 =	vshll.u32 v11, $0x10;
	v11 =	vand.u32 $0xFFFF0000, v11  }
0x226: {  	v15 =	vmul.f32 v15, v10;
	v16 =	vshll.u32 v12, $0x10;
	v12 =	vand.u32 $0xFFFF0000, v12  }
0x227: {  	v16 =	vmul.f32 v16, v9;
	v12 =	vmul.f32 v12, v9;
	v17 =	vshll.u32 v13, $0x10  }
0x228: {  	v11 =	vmul.f32 v11, v10;
	v13 =	vand.u32 $0xFFFF0000, v13;
	v17 =	vmul.f32 v17, v8  }
0x229: {  	v13 =	vmul.f32 v13, v8;
	v15 =	vadd.f32 v16, v15;
	v16 =	vshll.u32 v14, $0x10  }
0x22a: {  	v11 =	vadd.f32 v12, v11;
	v14 =	vand.u32 $0xFFFF0000, v14;
	v12 =	vmul.f32 v16, v7  }
0x22b: {  	v14 =	vmul.f32 v14, v7;
	v15 =	vadd.f32 v17, v15  }
0x22c: {  	v11 =	vadd.f32 v13, v11  }
0x22d: {  	v12 =	vadd.f32 v12, v15  }
0x22e: {  	v11 =	vadd.f32 v14, v11;
	_ =	sdelay $0x1  }
0x22f: {  	v12 =	vshrl.u32 v12, $0x10;
	v11 =	vand.u32 $0xFFFF0000, v11  }
0x230: {  	v11 =	vor.u32 v11, v12  }
0x231: {  	[tilespmem:s0+$0xFFFFFFB0] =	vst v11  }
0x232: {  	v11 =	vld [tilespmem:s12+$0x8230]  }
0x233: {  	v12 =	vld [tilespmem:s7+$0x6230]  }
0x234: {  	v13 =	vld [tilespmem:s12+$0x9230]  }
0x235: {  	v14 =	vld [tilespmem:s6+$0x6230];
	_ =	sdelay $0x1  }
0x236: {  	v15 =	vshll.u32 v11, $0x10;
	v11 =	vand.u32 $0xFFFF0000, v11  }
0x237: {  	v15 =	vmul.f32 v15, v10;
	v16 =	vshll.u32 v12, $0x10;
	v12 =	vand.u32 $0xFFFF0000, v12  }
0x238: {  	v16 =	vmul.f32 v16, v9;
	v12 =	vmul.f32 v12, v9;
	v17 =	vshll.u32 v13, $0x10  }
0x239: {  	v11 =	vmul.f32 v11, v10;
	v17 =	vmul.f32 v17, v8;
	v18 =	vshll.u32 v14, $0x10  }
0x23a: {  	v13 =	vand.u32 $0xFFFF0000, v13;
	v15 =	vadd.f32 v16, v15;
	v16 =	vmul.f32 v18, v7  }
0x23b: {  	v11 =	vadd.f32 v12, v11;
	v12 =	vmul.f32 v13, v8;
	v13 =	vand.u32 $0xFFFF0000, v14  }
0x23c: {  	v13 =	vmul.f32 v13, v7;
	v14 =	vadd.f32 v17, v15  }
0x23d: {  	v11 =	vadd.f32 v12, v11  }
0x23e: {  	v12 =	vadd.f32 v16, v14  }
0x23f: {  	v11 =	vadd.f32 v13, v11;
	_ =	sdelay $0x1  }
0x240: {  	v12 =	vshrl.u32 v12, $0x10;
	v11 =	vand.u32 $0xFFFF0000, v11  }
0x241: {  	v11 =	vor.u32 v11, v12  }
0x242: {  	[tilespmem:s0+$0xFFFFFFC0] =	vst v11  }
0x243: {  	v11 =	vld [tilespmem:s12+$0x8240]  }
0x244: {  	v12 =	vld [tilespmem:s7+$0x6240]  }
0x245: {  	v13 =	vld [tilespmem:s12+$0x9240]  }
0x246: {  	v14 =	vld [tilespmem:s6+$0x6240];
	_ =	sdelay $0x1  }
0x247: {  	v15 =	vshll.u32 v11, $0x10;
	v11 =	vand.u32 $0xFFFF0000, v11  }
0x248: {  	v15 =	vmul.f32 v15, v10;
	v16 =	vshll.u32 v12, $0x10;
	v12 =	vand.u32 $0xFFFF0000, v12  }
0x249: {  	v11 =	vmul.f32 v11, v10;
	v12 =	vmul.f32 v12, v9;
	v17 =	vand.u32 $0xFFFF0000, v13  }
0x24a: {  	v16 =	vmul.f32 v16, v9;
	v17 =	vmul.f32 v17, v8;
	v18 =	vand.u32 $0xFFFF0000, v14  }
0x24b: {  	v11 =	vadd.f32 v12, v11;
	v12 =	vshll.u32 v13, $0x10;
	v13 =	vmul.f32 v18, v7  }
0x24c: {  	v14 =	vshll.u32 v14, $0x10;
	v15 =	vadd.f32 v16, v15;
	v12 =	vmul.f32 v12, v8  }
0x24d: {  	v14 =	vmul.f32 v14, v7;
	v11 =	vadd.f32 v17, v11  }
0x24e: {  	v12 =	vadd.f32 v12, v15  }
0x24f: {  	v11 =	vadd.f32 v13, v11  }
0x250: {  	v12 =	vadd.f32 v14, v12  }
0x251: {  	v11 =	vand.u32 $0xFFFF0000, v11  }
0x252: {  	v12 =	vshrl.u32 v12, $0x10  }
0x253: {  	v11 =	vor.u32 v11, v12  }
0x254: {  	[tilespmem:s0+$0xFFFFFFD0] =	vst v11  }
0x255: {  	v11 =	vld [tilespmem:s12+$0x8250]  }
0x256: {  	v12 =	vld [tilespmem:s7+$0x6250]  }
0x257: {  	v13 =	vld [tilespmem:s12+$0x9250]  }
0x258: {  	v14 =	vld [tilespmem:s6+$0x6250];
	_ =	sdelay $0x1  }
0x259: {  	v15 =	vshll.u32 v11, $0x10;
	v11 =	vand.u32 $0xFFFF0000, v11  }
0x25a: {  	v15 =	vmul.f32 v15, v10;
	v16 =	vshll.u32 v12, $0x10;
	v12 =	vand.u32 $0xFFFF0000, v12  }
0x25b: {  	v16 =	vmul.f32 v16, v9;
	v12 =	vmul.f32 v12, v9;
	v17 =	vshll.u32 v13, $0x10  }
0x25c: {  	v13 =	vand.u32 $0xFFFF0000, v13;
	v17 =	vmul.f32 v17, v8;
	v18 =	vshll.u32 v14, $0x10  }
0x25d: {  	v11 =	vmul.f32 v11, v10;
	v13 =	vmul.f32 v13, v8;
	v15 =	vadd.f32 v16, v15  }
0x25e: {  	v14 =	vand.u32 $0xFFFF0000, v14;
	v16 =	vmul.f32 v18, v7  }
0x25f: {  	v11 =	vadd.f32 v12, v11;
	v14 =	vmul.f32 v14, v7;
	v12 =	vadd.f32 v17, v15;
	_ =	sdelay $0x1  }
0x260: {  	v11 =	vadd.f32 v13, v11;
	v12 =	vadd.f32 v16, v12;
	_ =	sdelay $0x1  }
0x261: {  	v11 =	vadd.f32 v14, v11;
	_ =	sdelay $0x1  }
0x262: {  	v12 =	vshrl.u32 v12, $0x10;
	v11 =	vand.u32 $0xFFFF0000, v11  }
0x263: {  	v11 =	vor.u32 v11, v12  }
0x264: {  	[tilespmem:s0+$0xFFFFFFE0] =	vst v11  }
0x265: {  	v11 =	vld [tilespmem:s12+$0x8260]  }
0x266: {  	v12 =	vld [tilespmem:s7+$0x6260]  }
0x267: {  	v13 =	vld [tilespmem:s12+$0x9260]  }
0x268: {  	v14 =	vld [tilespmem:s6+$0x6260];
	_ =	sdelay $0x1  }
0x269: {  	v15 =	vshll.u32 v11, $0x10;
	v11 =	vand.u32 $0xFFFF0000, v11  }
0x26a: {  	v15 =	vmul.f32 v15, v10;
	v16 =	vshll.u32 v12, $0x10;
	v12 =	vand.u32 $0xFFFF0000, v12  }
0x26b: {  	v16 =	vmul.f32 v16, v9;
	v12 =	vmul.f32 v12, v9;
	v17 =	vshll.u32 v13, $0x10  }
0x26c: {  	v11 =	vmul.f32 v11, v10;
	v13 =	vand.u32 $0xFFFF0000, v13;
	v17 =	vmul.f32 v17, v8  }
0x26d: {  	v13 =	vmul.f32 v13, v8;
	v15 =	vadd.f32 v16, v15;
	v16 =	vshll.u32 v14, $0x10  }
0x26e: {  	v11 =	vadd.f32 v12, v11;
	v12 =	vmul.f32 v16, v7  }
0x26f: {  	v14 =	vand.u32 $0xFFFF0000, v14;
	v15 =	vadd.f32 v17, v15  }
0x270: {  	v11 =	vadd.f32 v13, v11;
	v13 =	vmul.f32 v14, v7  }
.Ltmp1:
0x271: {  	v12 =	vadd.f32 v12, v15;
	(pc) =	sbr.rel @p0 .LBB2_5-.Ltmp1, $3  }
0x272: {  	v11 =	vadd.f32 v13, v11;
	_ =	sdelay $0x1  }
0x273: {  	v12 =	vshrl.u32 v12, $0x10;
	v11 =	vand.u32 $0xFFFF0000, v11  }
0x274: {  	v11 =	vor.u32 v11, v12  }
0x275: {  	[tilespmem:s8+$0xFFFFFFF0] =	vst v11  }
0x276: {  	v3 =	vld [tilespmem:s12+$0x8270]  }
0x277: {  	v4 =	vld [tilespmem:s7+$0x6270];
	_ =	sdelay $0x1  }
0x278: {  	v5 =	vld [tilespmem:s12+$0x9270]  }
0x279: {  	v6 =	vld [tilespmem:s6+$0x6270];
	_ =	sdelay $0x1  }
0x27a: {  	v55 =	vshll.u32 v3, $0x10;
	v3 =	vand.u32 $0xFFFF0000, v3;
	v12 =	vshll.u32 v4, $0x10  }
0x27b: {  	v4 =	vand.u32 $0xFFFF0000, v4;
	v11 =	vmul.f32 v55, v10;
	v12 =	vmul.f32 v12, v9  }
0x27c: {  	v56 =	vshll.u32 v5, $0x10;
	v3 =	vmul.f32 v3, v10;
	v4 =	vmul.f32 v4, v9  }
0x27d: {  	v5 =	vand.u32 $0xFFFF0000, v5;
	v58 =	vshll.u32 v6, $0x10;
	v10 =	vmul.f32 v56, v8  }
0x27e: {  	v59 =	vmul.f32 v5, v8;
	v57 =	vadd.f32 v12, v11;
	v3 =	vadd.f32 v4, v3  }
0x27f: {  	v60 =	vand.u32 $0xFFFF0000, v6;
	v61 =	vmul.f32 v58, v7  }
0x280: {  	v5 =	vmul.f32 v60, v7;
	v62 =	vadd.f32 v10, v57;
	v3 =	vadd.f32 v59, v3  }
0x281: {  	s29 =	sadd.s32 $0x1, s29  }
0x282: {  	p0 =	sne.s32 s29, $0x30;
	v63 =	vadd.f32 v61, v62;
	v3 =	vadd.f32 v5, v3  }
.Ltmp2:
0x283: {  	s0 =	sshll.u32 s30, $0xB;
	(pc) =	sbr.rel @p0 .LBB2_2-.Ltmp2, $4  }
0x284: {  	s0 =	sadd.s32 s4, s0;
	v4 =	vshrl.u32 v63, $0x10;
	v3 =	vand.u32 $0xFFFF0000, v3  }
0x285: {  	s0 =	sshrl.u32 s0, $0x3;
	v3 =	vor.u32 v3, v4  }
0x286: {  	s0 =	sadd.s32 s5, s0;
	[tilespmem:s8+$0x0] =	vst v3  }
0x287: {  	[hbm4b:s0+s3] =	stream.linear.scatter [tilespmem:s24], [sflag:$0x4], $0x800, $0x38;
	[tilespmem:$0xB200] =	vst v63  }
0x288: {  	v3 =	vld [tilespmem:$0x3080];
	_ =	sdelay $0x4  }
0x289: {  	v4 =	vshll.u32 v3, $0x1  }
0x28a: {  	v3 =	vand.u32 $0x7, v3;
	v4 =	vand.u32 $0xFFFFFFF0, v4  }
0x28b: {  	v3 =	vor.u32 v3, v4  }
0x28c: {  	v4 =	vperm.xlane v3, v0;
	_ =	sdelay $0x1  }
0x28d: {  	v3 =	vperm.xlane v3, v2;
	v4 =	vadd.s32 v1, v4;
	_ =	sdelay $0x1  }
0x28e: {  	v3 =	vadd.s32 v1, v3;
	_ =	sdelay $0x1  }
0x28f: {  	s1 =	simm.s32 $0x0  }
0x290: {  	[tilespmem:s17], [sflag:$0x2] =	stream.indirect_vreg.gather [hbm4b:s2+s1], $0x80, v4, vm0, $0xb8;
	[tilespmem:$0xB200] =	vst v63  }
0x291: {  	_ = 	snop  }
0x292: {  	[tilespmem:s18], [sflag:$0x2] =	stream.indirect_vreg.gather [hbm4b:s2+s1], $0x80, v3, vm0, $0xb8;
	[tilespmem:$0xB200] =	vst v63  }
0x293: {  	v3 =	vld [tilespmem:$0x3090];
	_ =	sdelay $0x4  }
0x294: {  	v4 =	vshll.u32 v3, $0x1  }
0x295: {  	v3 =	vand.u32 $0x7, v3;
	v4 =	vand.u32 $0xFFFFFFF0, v4  }
0x296: {  	v3 =	vor.u32 v3, v4  }
0x297: {  	v4 =	vperm.xlane v3, v0;
	_ =	sdelay $0x1  }
0x298: {  	v3 =	vperm.xlane v3, v2;
	v4 =	vadd.s32 v1, v4;
	_ =	sdelay $0x1  }
0x299: {  	v3 =	vadd.s32 v1, v3;
	_ =	sdelay $0x2  }
0x29a: {  	[tilespmem:s19], [sflag:$0x2] =	stream.indirect_vreg.gather [hbm4b:s2+s1], $0x80, v4, vm0, $0xb8;
	[tilespmem:$0xB200] =	vst v63  }
0x29b: {  	_ = 	snop  }
0x29c: {  	[tilespmem:s20], [sflag:$0x2] =	stream.indirect_vreg.gather [hbm4b:s2+s1], $0x80, v3, vm0, $0xb8;
	[tilespmem:$0xB200] =	vst v63  }
0x29d: {  	_ =	swait.ge [sflag:s21], $0x2000  }
0x29e: {  	[sflag:s21] =	ssyncset.done $0x0  }
0x29f: {  	[sflag:s21] =	ssyncadd.s32 $0xFFFFE000  }
0x2a0: {  	_ =	swait.ge [sflag:s25], $0x800  }
0x2a1: {  	[sflag:s25] =	ssyncset.done $0x0  }
0x2a2: {  	[sflag:s25] =	ssyncadd.s32 $0xFFFFF800  }
0x2a3: {  	v3 =	vld [tilespmem:$0x6100]  }
0x2a4: {  	s6 =	sand.u32 $0x800, s1;
	s0 =	sand.u32 $0x380, s1;
	v4 =	vld [tilespmem:$0x6110]  }
0x2a5: {  	s0 =	sor.u32 s0, s6;
	v5 =	vld [tilespmem:$0x6120]  }
0x2a6: {  	v6 =	vmov s1;
	v9 =	vld [tilespmem:s0+$0x6600]  }
0x2a7: {  	v7 =	vand.u32 $0xF, v6;
	v11 =	vld [tilespmem:s0+$0x6200]  }
0x2a8: {  	s6 =	sor.u32 s6, s1;
	v12 =	vbroadcast v7, $0x0;
	v13 =	vld [tilespmem:s0+$0x7200]  }
0x2a9: {  	s7 =	sor.u32 $0x1400, s6;
	v6 =	vld [tilespmem:$0x6130]  }
0x2aa: {  	v14 =	vld [tilespmem:s7+$0x6200];
	v7 =	vperm.xlane v4, v12  }
0x2ab: {  	v10 =	vperm.xlane v3, v12;
	v8 =	vperm.xlane v5, v12;
	v15 =	vshll.u32 v9, $0x10  }
0x2ac: {  	v16 =	vshll.u32 v11, $0x10;
	v9 =	vand.u32 $0xFFFF0000, v9;
	v11 =	vand.u32 $0xFFFF0000, v11  }
0x2ad: {  	v18 =	vshll.u32 v13, $0x10;
	v15 =	vmul.f32 v15, v7;
	v16 =	vmul.f32 v16, v10  }
0x2ae: {  	v13 =	vand.u32 $0xFFFF0000, v13;
	v17 =	vmul.f32 v9, v7;
	v11 =	vmul.f32 v11, v10  }
0x2af: {  	v45 =	vshll.u32 v14, $0x10;
	v9 =	vperm.xlane v6, v12;
	v12 =	vmul.f32 v18, v8  }
0x2b0: {  	v13 =	vmul.f32 v13, v8;
	v15 =	vadd.f32 v15, v16;
	v11 =	vadd.f32 v17, v11  }
0x2b1: {  	v14 =	vand.u32 $0xFFFF0000, v14;
	v16 =	vmul.f32 v45, v9  }
0x2b2: {  	v14 =	vmul.f32 v14, v9;
	v12 =	vadd.f32 v12, v15;
	v11 =	vadd.f32 v13, v11;
	_ =	sdelay $0x1  }
0x2b3: {  	v12 =	vadd.f32 v16, v12;
	v11 =	vadd.f32 v14, v11;
	_ =	sdelay $0x1  }
0x2b4: {  	v12 =	vshrl.u32 v12, $0x10;
	v11 =	vand.u32 $0xFFFF0000, v11  }
0x2b5: {  	s6 =	simm.s32 $0xA240;
	v11 =	vor.u32 v11, v12  }
0x2b6: {  	[tilespmem:s6+$0xFFFFFFC0] =	vst v11  }
0x2b7: {  	v11 =	vld [tilespmem:s0+$0x6210]  }
0x2b8: {  	v12 =	vld [tilespmem:s0+$0x6610]  }
0x2b9: {  	v13 =	vld [tilespmem:s0+$0x7210]  }
0x2ba: {  	v14 =	vld [tilespmem:s7+$0x6210];
	_ =	sdelay $0x1  }
0x2bb: {  	v15 =	vshll.u32 v11, $0x10  }
0x2bc: {  	v11 =	vand.u32 $0xFFFF0000, v11;
	v46 =	vshll.u32 v12, $0x10;
	v12 =	vand.u32 $0xFFFF0000, v12  }
0x2bd: {  	v47 =	vshll.u32 v13, $0x10;
	v15 =	vmul.f32 v15, v10;
	v16 =	vmul.f32 v46, v7  }
0x2be: {  	v48 =	vshll.u32 v14, $0x10;
	v12 =	vmul.f32 v12, v7;
	v11 =	vmul.f32 v11, v10  }
0x2bf: {  	v13 =	vand.u32 $0xFFFF0000, v13;
	v14 =	vand.u32 $0xFFFF0000, v14;
	v17 =	vmul.f32 v47, v8  }
0x2c0: {  	v15 =	vadd.f32 v16, v15;
	v11 =	vadd.f32 v12, v11;
	v12 =	vmul.f32 v13, v8  }
0x2c1: {  	v14 =	vmul.f32 v14, v9  }
0x2c2: {  	v13 =	vmul.f32 v48, v9;
	v15 =	vadd.f32 v17, v15;
	v11 =	vadd.f32 v12, v11;
	_ =	sdelay $0x1  }
0x2c3: {  	v12 =	vadd.f32 v13, v15;
	v11 =	vadd.f32 v14, v11;
	_ =	sdelay $0x1  }
0x2c4: {  	v12 =	vshrl.u32 v12, $0x10;
	v11 =	vand.u32 $0xFFFF0000, v11  }
0x2c5: {  	v11 =	vor.u32 v11, v12  }
0x2c6: {  	[tilespmem:s6+$0xFFFFFFD0] =	vst v11  }
0x2c7: {  	v11 =	vld [tilespmem:s0+$0x6220]  }
0x2c8: {  	v12 =	vld [tilespmem:s0+$0x6620]  }
0x2c9: {  	v13 =	vld [tilespmem:s0+$0x7220]  }
0x2ca: {  	v14 =	vld [tilespmem:s7+$0x6220];
	_ =	sdelay $0x1  }
0x2cb: {  	v15 =	vshll.u32 v11, $0x10  }
0x2cc: {  	v11 =	vand.u32 $0xFFFF0000, v11;
	v49 =	vshll.u32 v12, $0x10;
	v12 =	vand.u32 $0xFFFF0000, v12  }
0x2cd: {  	v50 =	vand.u32 $0xFFFF0000, v13;
	v15 =	vmul.f32 v15, v10;
	v11 =	vmul.f32 v11, v10  }
0x2ce: {  	v51 =	vand.u32 $0xFFFF0000, v14;
	v12 =	vmul.f32 v12, v7;
	v16 =	vmul.f32 v49, v7  }
0x2cf: {  	v13 =	vshll.u32 v13, $0x10;
	v14 =	vshll.u32 v14, $0x10;
	v17 =	vmul.f32 v50, v8  }
0x2d0: {  	v13 =	vmul.f32 v13, v8;
	v11 =	vadd.f32 v12, v11;
	v12 =	vadd.f32 v16, v15  }
0x2d1: {  	v14 =	vmul.f32 v14, v9  }
0x2d2: {  	v15 =	vmul.f32 v51, v9;
	v11 =	vadd.f32 v17, v11;
	v12 =	vadd.f32 v13, v12;
	_ =	sdelay $0x1  }
0x2d3: {  	v11 =	vadd.f32 v15, v11;
	v12 =	vadd.f32 v14, v12;
	_ =	sdelay $0x1  }
0x2d4: {  	v11 =	vand.u32 $0xFFFF0000, v11;
	v12 =	vshrl.u32 v12, $0x10  }
0x2d5: {  	v11 =	vor.u32 v11, v12  }
0x2d6: {  	[tilespmem:s6+$0xFFFFFFE0] =	vst v11  }
0x2d7: {  	v12 =	vld [tilespmem:s0+$0x6230]  }
0x2d8: {  	v11 =	vld [tilespmem:s0+$0x6630]  }
0x2d9: {  	v13 =	vld [tilespmem:s0+$0x7230];
	_ =	sdelay $0x1  }
0x2da: {  	v14 =	vld [tilespmem:s7+$0x6230]  }
0x2db: {  	v15 =	vshll.u32 v12, $0x10  }
0x2dc: {  	v52 =	vshll.u32 v11, $0x10;
	v11 =	vand.u32 $0xFFFF0000, v11;
	v12 =	vand.u32 $0xFFFF0000, v12  }
0x2dd: {  	v53 =	vshll.u32 v13, $0x10;
	v16 =	vmul.f32 v52, v7;
	v11 =	vmul.f32 v11, v7  }
0x2de: {  	v13 =	vand.u32 $0xFFFF0000, v13;
	v15 =	vmul.f32 v15, v10;
	v12 =	vmul.f32 v12, v10  }
0x2df: {  	v54 =	vshll.u32 v14, $0x10;
	v14 =	vand.u32 $0xFFFF0000, v14;
	v17 =	vmul.f32 v53, v8  }
0x2e0: {  	v13 =	vmul.f32 v13, v8;
	v15 =	vadd.f32 v16, v15;
	v11 =	vadd.f32 v11, v12  }
0x2e1: {  	v14 =	vmul.f32 v14, v9  }
0x2e2: {  	v12 =	vmul.f32 v54, v9;
	v15 =	vadd.f32 v17, v15;
	v11 =	vadd.f32 v13, v11;
	_ =	sdelay $0x1  }
0x2e3: {  	v12 =	vadd.f32 v12, v15;
	v11 =	vadd.f32 v14, v11;
	_ =	sdelay $0x1  }
0x2e4: {  	v12 =	vshrl.u32 v12, $0x10;
	v11 =	vand.u32 $0xFFFF0000, v11  }
0x2e5: {  	v11 =	vor.u32 v11, v12  }
0x2e6: {  	[tilespmem:s6+$0xFFFFFFF0] =	vst v11  }
0x2e7: {  	v11 =	vld [tilespmem:s0+$0x6240]  }
0x2e8: {  	v12 =	vld [tilespmem:s0+$0x6640]  }
0x2e9: {  	v13 =	vld [tilespmem:s0+$0x7240]  }
0x2ea: {  	v14 =	vld [tilespmem:s7+$0x6240];
	_ =	sdelay $0x1  }
0x2eb: {  	v15 =	vshll.u32 v11, $0x10  }
0x2ec: {  	v11 =	vand.u32 $0xFFFF0000, v11;
	v55 =	vshll.u32 v12, $0x10;
	v12 =	vand.u32 $0xFFFF0000, v12  }
0x2ed: {  	v56 =	vshll.u32 v13, $0x10;
	v15 =	vmul.f32 v15, v10;
	v16 =	vmul.f32 v55, v7  }
0x2ee: {  	v57 =	vshll.u32 v14, $0x10;
	v12 =	vmul.f32 v12, v7;
	v11 =	vmul.f32 v11, v10  }
0x2ef: {  	v13 =	vand.u32 $0xFFFF0000, v13;
	v14 =	vand.u32 $0xFFFF0000, v14;
	v17 =	vmul.f32 v56, v8  }
0x2f0: {  	v15 =	vadd.f32 v16, v15;
	v11 =	vadd.f32 v12, v11;
	v12 =	vmul.f32 v13, v8  }
0x2f1: {  	v14 =	vmul.f32 v14, v9  }
0x2f2: {  	v13 =	vmul.f32 v57, v9;
	v15 =	vadd.f32 v17, v15;
	v11 =	vadd.f32 v12, v11;
	_ =	sdelay $0x1  }
0x2f3: {  	v12 =	vadd.f32 v13, v15;
	v11 =	vadd.f32 v14, v11;
	_ =	sdelay $0x1  }
0x2f4: {  	v12 =	vshrl.u32 v12, $0x10;
	v11 =	vand.u32 $0xFFFF0000, v11  }
0x2f5: {  	v11 =	vor.u32 v11, v12  }
0x2f6: {  	[tilespmem:s6+$0x0] =	vst v11  }
0x2f7: {  	v11 =	vld [tilespmem:s0+$0x6250]  }
0x2f8: {  	v12 =	vld [tilespmem:s0+$0x6650]  }
0x2f9: {  	v13 =	vld [tilespmem:s0+$0x7250]  }
0x2fa: {  	v14 =	vld [tilespmem:s7+$0x6250];
	_ =	sdelay $0x1  }
0x2fb: {  	v15 =	vshll.u32 v11, $0x10  }
0x2fc: {  	v11 =	vand.u32 $0xFFFF0000, v11;
	v58 =	vshll.u32 v12, $0x10;
	v12 =	vand.u32 $0xFFFF0000, v12  }
0x2fd: {  	v59 =	vshll.u32 v13, $0x10;
	v15 =	vmul.f32 v15, v10;
	v16 =	vmul.f32 v58, v7  }
0x2fe: {  	v60 =	vshll.u32 v14, $0x10;
	v12 =	vmul.f32 v12, v7;
	v11 =	vmul.f32 v11, v10  }
0x2ff: {  	v13 =	vand.u32 $0xFFFF0000, v13;
	v14 =	vand.u32 $0xFFFF0000, v14;
	v17 =	vmul.f32 v59, v8  }
0x300: {  	v15 =	vadd.f32 v16, v15;
	v11 =	vadd.f32 v12, v11;
	v12 =	vmul.f32 v13, v8  }
0x301: {  	v14 =	vmul.f32 v14, v9  }
0x302: {  	v13 =	vmul.f32 v60, v9;
	v15 =	vadd.f32 v17, v15;
	v11 =	vadd.f32 v12, v11;
	_ =	sdelay $0x1  }
0x303: {  	v12 =	vadd.f32 v13, v15;
	v11 =	vadd.f32 v14, v11;
	_ =	sdelay $0x1  }
0x304: {  	v12 =	vshrl.u32 v12, $0x10;
	v11 =	vand.u32 $0xFFFF0000, v11  }
0x305: {  	v11 =	vor.u32 v11, v12  }
0x306: {  	[tilespmem:s6+$0x10] =	vst v11  }
0x307: {  	v11 =	vld [tilespmem:s0+$0x6660]  }
0x308: {  	v12 =	vld [tilespmem:s0+$0x6260]  }
0x309: {  	v13 =	vld [tilespmem:s0+$0x7260];
	_ =	sdelay $0x2  }
0x30a: {  	v15 =	vld [tilespmem:s7+$0x6260];
	v14 =	vshll.u32 v11, $0x10  }
0x30b: {  	v61 =	vshll.u32 v12, $0x10;
	v11 =	vand.u32 $0xFFFF0000, v11;
	v12 =	vand.u32 $0xFFFF0000, v12  }
0x30c: {  	v62 =	vshll.u32 v13, $0x10;
	v14 =	vmul.f32 v14, v7;
	v16 =	vmul.f32 v61, v10  }
0x30d: {  	v13 =	vand.u32 $0xFFFF0000, v13;
	v11 =	vmul.f32 v11, v7;
	v12 =	vmul.f32 v12, v10  }
0x30e: {  	v63 =	vmul.f32 v62, v8;
	v13 =	vmul.f32 v13, v8  }
0x30f: {  	v14 =	vadd.f32 v14, v16;
	v11 =	vadd.f32 v11, v12;
	v12 =	vshll.u32 v15, $0x10  }
0x310: {  	v15 =	vand.u32 $0xFFFF0000, v15;
	v12 =	vmul.f32 v12, v9  }
0x311: {  	v15 =	vmul.f32 v15, v9;
	v14 =	vadd.f32 v63, v14;
	v13 =	vadd.f32 v13, v11;
	_ =	sdelay $0x1  }
0x312: {  	s9 =	simm.s32 $0x1;
	s10 =	simm.s32 $0x0;
	s8 =	simm.s32 $0xA240;
	v11 =	vadd.f32 v12, v14;
	v12 =	vadd.f32 v15, v13  }
.LBB2_8:
0x313: {  	s1 =	sadd.s32 $0x80, s1;
	s10 =	sadd.s32 $0x100, s10;
	s6 =	sadd.s32 $0x80, s6  }
0x314: {  	p0 =	sne.s32 s9, $0xF;
	v11 =	vshrl.u32 v11, $0x10;
	s11 =	smov.u32 s9;
	s9 =	sadd.s32 $0x1, s9;
	v12 =	vand.u32 $0xFFFF0000, v12  }
0x315: {  	v11 =	vor.u32 v12, v11  }
0x316: {  	[tilespmem:s8+$0x20] =	vst v11  }
0x317: {  	v11 =	vld [tilespmem:s0+$0x6270]  }
0x318: {  	v12 =	vld [tilespmem:s0+$0x7270]  }
0x319: {  	v13 =	vld [tilespmem:s7+$0x6270]  }
0x31a: {  	v14 =	vld [tilespmem:s0+$0x6670];
	_ =	sdelay $0x1  }
0x31b: {  	v15 =	vshll.u32 v11, $0x10;
	v11 =	vand.u32 $0xFFFF0000, v11  }
0x31c: {  	v15 =	vmul.f32 v15, v10;
	v10 =	vmul.f32 v11, v10;
	v11 =	vshll.u32 v12, $0x10  }
0x31d: {  	v12 =	vand.u32 $0xFFFF0000, v12;
	v11 =	vmul.f32 v11, v8;
	v16 =	vshll.u32 v13, $0x10  }
0x31e: {  	v8 =	vmul.f32 v12, v8;
	v17 =	vshll.u32 v14, $0x10;
	v14 =	vand.u32 $0xFFFF0000, v14  }
0x31f: {  	v13 =	vand.u32 $0xFFFF0000, v13;
	v12 =	vmul.f32 v17, v7;
	v7 =	vmul.f32 v14, v7  }
0x320: {  	v14 =	vmul.f32 v16, v9;
	v9 =	vmul.f32 v13, v9  }
0x321: {  	v12 =	vadd.f32 v12, v15;
	v7 =	vadd.f32 v7, v10;
	_ =	sdelay $0x1  }
0x322: {  	v10 =	vadd.f32 v11, v12;
	v7 =	vadd.f32 v8, v7;
	_ =	sdelay $0x1  }
0x323: {  	v8 =	vadd.f32 v14, v10;
	v7 =	vadd.f32 v9, v7  }
0x324: {  	s7 =	sand.u32 $0x800, s10;
	s0 =	sand.u32 $0x380, s1  }
0x325: {  	s0 =	sor.u32 s0, s7;
	s7 =	sor.u32 s7, s1;
	v8 =	vshrl.u32 v8, $0x10;
	v7 =	vand.u32 $0xFFFF0000, v7  }
0x326: {  	s7 =	sor.u32 $0x1400, s7;
	v7 =	vor.u32 v7, v8  }
0x327: {  	v8 =	vmov s11;
	[tilespmem:s8+$0x30] =	vst v7;
	s8 =	smov.u32 s6  }
0x328: {  	v7 =	vand.u32 $0xF, v8;
	v9 =	vld [tilespmem:s0+$0x6600]  }
0x329: {  	v11 =	vbroadcast v7, $0x0;
	v12 =	vld [tilespmem:s0+$0x6200]  }
0x32a: {  	v13 =	vld [tilespmem:s0+$0x7200]  }
0x32b: {  	v10 =	vperm.xlane v3, v11  }
0x32c: {  	v7 =	vperm.xlane v4, v11;
	v14 =	vld [tilespmem:s7+$0x6200]  }
0x32d: {  	v8 =	vperm.xlane v5, v11;
	v15 =	vshll.u32 v9, $0x10  }
0x32e: {  	v9 =	vand.u32 $0xFFFF0000, v9;
	v16 =	vshll.u32 v12, $0x10;
	v15 =	vmul.f32 v15, v7  }
0x32f: {  	v17 =	vmul.f32 v9, v7;
	v16 =	vmul.f32 v16, v10;
	v18 =	vshll.u32 v13, $0x10  }
0x330: {  	v9 =	vperm.xlane v6, v11;
	v13 =	vand.u32 $0xFFFF0000, v13;
	v11 =	vmul.f32 v18, v8  }
0x331: {  	v13 =	vmul.f32 v13, v8;
	v15 =	vadd.f32 v15, v16;
	v16 =	vshll.u32 v14, $0x10  }
0x332: {  	v12 =	vand.u32 $0xFFFF0000, v12;
	v14 =	vand.u32 $0xFFFF0000, v14;
	v16 =	vmul.f32 v16, v9  }
0x333: {  	v12 =	vmul.f32 v12, v10;
	v14 =	vmul.f32 v14, v9  }
0x334: {  	v11 =	vadd.f32 v11, v15  }
0x335: {  	v12 =	vadd.f32 v17, v12  }
0x336: {  	v11 =	vadd.f32 v16, v11  }
0x337: {  	v12 =	vadd.f32 v13, v12;
	_ =	sdelay $0x1  }
0x338: {  	v12 =	vadd.f32 v14, v12;
	v11 =	vshrl.u32 v11, $0x10;
	_ =	sdelay $0x1  }
0x339: {  	v12 =	vand.u32 $0xFFFF0000, v12  }
0x33a: {  	v11 =	vor.u32 v12, v11  }
0x33b: {  	[tilespmem:s6+$0xFFFFFFC0] =	vst v11  }
0x33c: {  	v11 =	vld [tilespmem:s0+$0x6210]  }
0x33d: {  	v12 =	vld [tilespmem:s0+$0x6610]  }
0x33e: {  	v13 =	vld [tilespmem:s0+$0x7210]  }
0x33f: {  	v14 =	vld [tilespmem:s7+$0x6210];
	_ =	sdelay $0x1  }
0x340: {  	v15 =	vshll.u32 v11, $0x10;
	v11 =	vand.u32 $0xFFFF0000, v11  }
0x341: {  	v15 =	vmul.f32 v15, v10;
	v16 =	vshll.u32 v12, $0x10;
	v12 =	vand.u32 $0xFFFF0000, v12  }
0x342: {  	v16 =	vmul.f32 v16, v7;
	v12 =	vmul.f32 v12, v7;
	v17 =	vshll.u32 v13, $0x10  }
0x343: {  	v11 =	vmul.f32 v11, v10;
	v17 =	vmul.f32 v17, v8;
	v18 =	vshll.u32 v14, $0x10  }
0x344: {  	v13 =	vand.u32 $0xFFFF0000, v13;
	v15 =	vadd.f32 v16, v15;
	v16 =	vmul.f32 v18, v9  }
0x345: {  	v11 =	vadd.f32 v12, v11;
	v12 =	vmul.f32 v13, v8;
	v13 =	vand.u32 $0xFFFF0000, v14  }
0x346: {  	v13 =	vmul.f32 v13, v9;
	v14 =	vadd.f32 v17, v15  }
0x347: {  	v11 =	vadd.f32 v12, v11  }
0x348: {  	v12 =	vadd.f32 v16, v14  }
0x349: {  	v11 =	vadd.f32 v13, v11  }
0x34a: {  	v12 =	vshrl.u32 v12, $0x10  }
0x34b: {  	v11 =	vand.u32 $0xFFFF0000, v11  }
0x34c: {  	v11 =	vor.u32 v11, v12  }
0x34d: {  	[tilespmem:s6+$0xFFFFFFD0] =	vst v11  }
0x34e: {  	v11 =	vld [tilespmem:s0+$0x6220]  }
0x34f: {  	v12 =	vld [tilespmem:s0+$0x6620]  }
0x350: {  	v13 =	vld [tilespmem:s0+$0x7220]  }
0x351: {  	v14 =	vld [tilespmem:s7+$0x6220];
	_ =	sdelay $0x1  }
0x352: {  	v15 =	vshll.u32 v11, $0x10;
	v11 =	vand.u32 $0xFFFF0000, v11  }
0x353: {  	v15 =	vmul.f32 v15, v10;
	v16 =	vshll.u32 v12, $0x10;
	v12 =	vand.u32 $0xFFFF0000, v12  }
0x354: {  	v11 =	vmul.f32 v11, v10;
	v12 =	vmul.f32 v12, v7;
	v17 =	vand.u32 $0xFFFF0000, v13  }
0x355: {  	v16 =	vmul.f32 v16, v7;
	v17 =	vmul.f32 v17, v8;
	v18 =	vand.u32 $0xFFFF0000, v14  }
0x356: {  	v11 =	vadd.f32 v12, v11;
	v12 =	vshll.u32 v13, $0x10;
	v13 =	vmul.f32 v18, v9  }
0x357: {  	v14 =	vshll.u32 v14, $0x10;
	v15 =	vadd.f32 v16, v15;
	v12 =	vmul.f32 v12, v8  }
0x358: {  	v14 =	vmul.f32 v14, v9;
	v11 =	vadd.f32 v17, v11  }
0x359: {  	v12 =	vadd.f32 v12, v15  }
0x35a: {  	v11 =	vadd.f32 v13, v11  }
0x35b: {  	v12 =	vadd.f32 v14, v12  }
0x35c: {  	v11 =	vand.u32 $0xFFFF0000, v11  }
0x35d: {  	v12 =	vshrl.u32 v12, $0x10  }
0x35e: {  	v11 =	vor.u32 v11, v12  }
0x35f: {  	[tilespmem:s6+$0xFFFFFFE0] =	vst v11  }
0x360: {  	v11 =	vld [tilespmem:s0+$0x6630]  }
0x361: {  	v12 =	vld [tilespmem:s0+$0x6230]  }
0x362: {  	v13 =	vld [tilespmem:s0+$0x7230]  }
0x363: {  	v14 =	vld [tilespmem:s7+$0x6230];
	_ =	sdelay $0x2  }
0x364: {  	v16 =	vshll.u32 v11, $0x10;
	v11 =	vand.u32 $0xFFFF0000, v11;
	v15 =	vshll.u32 v12, $0x10  }
0x365: {  	v16 =	vmul.f32 v16, v7;
	v11 =	vmul.f32 v11, v7;
	v17 =	vshll.u32 v13, $0x10  }
0x366: {  	v12 =	vand.u32 $0xFFFF0000, v12;
	v15 =	vmul.f32 v15, v10;
	v17 =	vmul.f32 v17, v8  }
0x367: {  	v12 =	vmul.f32 v12, v10;
	v13 =	vand.u32 $0xFFFF0000, v13;
	v18 =	vshll.u32 v14, $0x10  }
0x368: {  	v13 =	vmul.f32 v13, v8;
	v15 =	vadd.f32 v16, v15;
	v16 =	vmul.f32 v18, v9  }
0x369: {  	v11 =	vadd.f32 v11, v12;
	v12 =	vand.u32 $0xFFFF0000, v14  }
0x36a: {  	v12 =	vmul.f32 v12, v9;
	v14 =	vadd.f32 v17, v15  }
0x36b: {  	v11 =	vadd.f32 v13, v11  }
0x36c: {  	v13 =	vadd.f32 v16, v14  }
0x36d: {  	v11 =	vadd.f32 v12, v11;
	_ =	sdelay $0x1  }
0x36e: {  	v12 =	vshrl.u32 v13, $0x10;
	v11 =	vand.u32 $0xFFFF0000, v11  }
0x36f: {  	v11 =	vor.u32 v11, v12  }
0x370: {  	[tilespmem:s6+$0xFFFFFFF0] =	vst v11  }
0x371: {  	v11 =	vld [tilespmem:s0+$0x6240]  }
0x372: {  	v12 =	vld [tilespmem:s0+$0x6640]  }
0x373: {  	v13 =	vld [tilespmem:s0+$0x7240]  }
0x374: {  	v14 =	vld [tilespmem:s7+$0x6240];
	_ =	sdelay $0x1  }
0x375: {  	v15 =	vshll.u32 v11, $0x10;
	v11 =	vand.u32 $0xFFFF0000, v11  }
0x376: {  	v15 =	vmul.f32 v15, v10;
	v16 =	vshll.u32 v12, $0x10;
	v12 =	vand.u32 $0xFFFF0000, v12  }
0x377: {  	v16 =	vmul.f32 v16, v7;
	v12 =	vmul.f32 v12, v7;
	v17 =	vshll.u32 v13, $0x10  }
0x378: {  	v11 =	vmul.f32 v11, v10;
	v17 =	vmul.f32 v17, v8;
	v18 =	vshll.u32 v14, $0x10  }
0x379: {  	v13 =	vand.u32 $0xFFFF0000, v13;
	v15 =	vadd.f32 v16, v15;
	v16 =	vmul.f32 v18, v9  }
0x37a: {  	v11 =	vadd.f32 v12, v11;
	v12 =	vmul.f32 v13, v8;
	v13 =	vand.u32 $0xFFFF0000, v14  }
0x37b: {  	v13 =	vmul.f32 v13, v9;
	v14 =	vadd.f32 v17, v15  }
0x37c: {  	v11 =	vadd.f32 v12, v11  }
0x37d: {  	v12 =	vadd.f32 v16, v14  }
0x37e: {  	v11 =	vadd.f32 v13, v11  }
0x37f: {  	v12 =	vshrl.u32 v12, $0x10  }
0x380: {  	v11 =	vand.u32 $0xFFFF0000, v11  }
0x381: {  	v11 =	vor.u32 v11, v12  }
0x382: {  	[tilespmem:s6+$0x0] =	vst v11  }
0x383: {  	v11 =	vld [tilespmem:s0+$0x6250]  }
0x384: {  	v12 =	vld [tilespmem:s0+$0x6650]  }
0x385: {  	v13 =	vld [tilespmem:s0+$0x7250]  }
0x386: {  	v14 =	vld [tilespmem:s7+$0x6250];
	_ =	sdelay $0x1  }
0x387: {  	v15 =	vshll.u32 v11, $0x10;
	v11 =	vand.u32 $0xFFFF0000, v11  }
0x388: {  	v15 =	vmul.f32 v15, v10;
	v16 =	vshll.u32 v12, $0x10;
	v12 =	vand.u32 $0xFFFF0000, v12  }
0x389: {  	v16 =	vmul.f32 v16, v7;
	v12 =	vmul.f32 v12, v7;
	v17 =	vshll.u32 v13, $0x10  }
0x38a: {  	v11 =	vmul.f32 v11, v10;
	v17 =	vmul.f32 v17, v8;
	v18 =	vshll.u32 v14, $0x10  }
0x38b: {  	v13 =	vand.u32 $0xFFFF0000, v13;
	v15 =	vadd.f32 v16, v15;
	v16 =	vmul.f32 v18, v9  }
0x38c: {  	v11 =	vadd.f32 v12, v11;
	v12 =	vmul.f32 v13, v8;
	v13 =	vand.u32 $0xFFFF0000, v14  }
0x38d: {  	v13 =	vmul.f32 v13, v9;
	v14 =	vadd.f32 v17, v15  }
0x38e: {  	v11 =	vadd.f32 v12, v11  }
0x38f: {  	v12 =	vadd.f32 v16, v14  }
0x390: {  	v11 =	vadd.f32 v13, v11;
	_ =	sdelay $0x1  }
0x391: {  	v12 =	vshrl.u32 v12, $0x10;
	v11 =	vand.u32 $0xFFFF0000, v11  }
0x392: {  	v11 =	vor.u32 v11, v12  }
0x393: {  	[tilespmem:s6+$0x10] =	vst v11  }
0x394: {  	v11 =	vld [tilespmem:s0+$0x6660]  }
0x395: {  	v12 =	vld [tilespmem:s0+$0x6260]  }
0x396: {  	v13 =	vld [tilespmem:s0+$0x7260]  }
0x397: {  	v14 =	vld [tilespmem:s7+$0x6260];
	_ =	sdelay $0x1  }
0x398: {  	v15 =	vshll.u32 v11, $0x10  }
0x399: {  	v11 =	vand.u32 $0xFFFF0000, v11;
	v16 =	vshll.u32 v12, $0x10;
	v15 =	vmul.f32 v15, v7  }
0x39a: {  	v12 =	vand.u32 $0xFFFF0000, v12;
	v11 =	vmul.f32 v11, v7;
	v16 =	vmul.f32 v16, v10  }
0x39b: {  	v12 =	vmul.f32 v12, v10;
	v17 =	vshll.u32 v13, $0x10;
	v13 =	vand.u32 $0xFFFF0000, v13  }
0x39c: {  	v13 =	vmul.f32 v13, v8;
	v15 =	vadd.f32 v15, v16;
	v16 =	vmul.f32 v17, v8  }
.Ltmp3:
0x39d: {  	v11 =	vadd.f32 v11, v12;
	v12 =	vshll.u32 v14, $0x10;
	(pc) =	sbr.rel @p0 .LBB2_8-.Ltmp3, $4  }
0x39e: {  	v14 =	vand.u32 $0xFFFF0000, v14;
	v12 =	vmul.f32 v12, v9;
	v15 =	vadd.f32 v16, v15  }
0x39f: {  	v14 =	vmul.f32 v14, v9;
	v13 =	vadd.f32 v13, v11  }
0x3a0: {  	v11 =	vadd.f32 v12, v15  }
0x3a1: {  	v12 =	vadd.f32 v14, v13  }
0x3a2: {  	_ = 	snop  }
0x3a3: {  	v3 =	vshrl.u32 v11, $0x10;
	v4 =	vand.u32 $0xFFFF0000, v12  }
0x3a4: {  	v3 =	vor.u32 v4, v3  }
0x3a5: {  	[tilespmem:s8+$0x20] =	vst v3  }
0x3a6: {  	v3 =	vld [tilespmem:s0+$0x6270]  }
0x3a7: {  	v5 =	vld [tilespmem:s0+$0x7270]  }
0x3a8: {  	v4 =	vld [tilespmem:s0+$0x6670];
	_ =	sdelay $0x1  }
0x3a9: {  	v6 =	vld [tilespmem:s7+$0x6270]  }
0x3aa: {  	v11 =	vshll.u32 v3, $0x10  }
0x3ab: {  	v3 =	vand.u32 $0xFFFF0000, v3;
	v49 =	vshll.u32 v5, $0x10;
	v11 =	vmul.f32 v11, v10  }
0x3ac: {  	v3 =	vmul.f32 v3, v10;
	v10 =	vshll.u32 v4, $0x10;
	v4 =	vand.u32 $0xFFFF0000, v4  }
0x3ad: {  	v5 =	vand.u32 $0xFFFF0000, v5;
	v10 =	vmul.f32 v10, v7;
	v4 =	vmul.f32 v4, v7  }
0x3ae: {  	v50 =	vshll.u32 v6, $0x10;
	v5 =	vmul.f32 v5, v8  }
0x3af: {  	v7 =	vmul.f32 v49, v8;
	v8 =	vadd.f32 v10, v11;
	v3 =	vadd.f32 v4, v3  }
0x3b0: {  	v4 =	vand.u32 $0xFFFF0000, v6;
	v6 =	vmul.f32 v50, v9  }
0x3b1: {  	v4 =	vmul.f32 v4, v9;
	v7 =	vadd.f32 v7, v8;
	v3 =	vadd.f32 v5, v3;
	_ =	sdelay $0x1  }
0x3b2: {  	v5 =	vadd.f32 v6, v7;
	v3 =	vadd.f32 v4, v3;
	_ =	sdelay $0x1  }
0x3b3: {  	v4 =	vshrl.u32 v5, $0x10;
	v3 =	vand.u32 $0xFFFF0000, v3  }
0x3b4: {  	v3 =	vor.u32 v3, v4  }
0x3b5: {  	s1 =	simm.s32 $0x0;
	s12 =	rddreg [dreg:$0x5];
	[tilespmem:s8+$0x30] =	vst v3  }
0x3b6: {  	[hbm4b:s12+s1] =	stream.linear.scatter [tilespmem:s22], [sflag:$0x3], $0x800, $0x38;
	[tilespmem:$0xB200] =	vst v63  }
0x3b7: {  	_ =	swait.ge [sflag:s23], $0x2000  }
0x3b8: {  	[sflag:s23] =	ssyncset.done $0x0  }
0x3b9: {  	[sflag:s23] =	ssyncadd.s32 $0xFFFFE000  }
0x3ba: {  	_ =	swait.ge [sflag:s26], $0x800  }
0x3bb: {  	[sflag:s26] =	ssyncset.done $0x0  }
0x3bc: {  	[sflag:s26] =	ssyncadd.s32 $0xFFFFF800  }
0x3bd: {  	v3 =	vld [tilespmem:$0x6180]  }
0x3be: {  	s30 =	sand.u32 $0xFFFFF800, s1;
	s6 =	sand.u32 $0x800, s1;
	s31 =	sand.u32 $0x380, s1;
	v4 =	vld [tilespmem:$0x6190]  }
0x3bf: {  	s0 =	sadd.s32 $0x0, s30;
	s12 =	sor.u32 s31, s6;
	v5 =	vld [tilespmem:$0x61A0]  }
0x3c0: {  	s7 =	sor.u32 $0x2400, s0;
	v7 =	vmov s1;
	v11 =	vld [tilespmem:s12+$0x8200]  }
0x3c1: {  	v7 =	vand.u32 $0xF, v7;
	v51 =	vld [tilespmem:s7+$0x6200]  }
0x3c2: {  	v7 =	vbroadcast v7, $0x0;
	v14 =	vld [tilespmem:s12+$0x9200]  }
0x3c3: {  	s6 =	sor.u32 $0x3400, s0;
	v6 =	vld [tilespmem:$0x61B0]  }
0x3c4: {  	v13 =	vld [tilespmem:s6+$0x6200];
	v10 =	vperm.xlane v3, v7  }
0x3c5: {  	v9 =	vperm.xlane v4, v7;
	v8 =	vperm.xlane v5, v7;
	v15 =	vshll.u32 v11, $0x10  }
0x3c6: {  	v11 =	vand.u32 $0xFFFF0000, v11;
	v16 =	vshll.u32 v51, $0x10;
	v12 =	vand.u32 $0xFFFF0000, v51  }
0x3c7: {  	v18 =	vand.u32 $0xFFFF0000, v14;
	v15 =	vmul.f32 v15, v10;
	v16 =	vmul.f32 v16, v9  }
0x3c8: {  	v14 =	vshll.u32 v14, $0x10;
	v11 =	vmul.f32 v11, v10;
	v12 =	vmul.f32 v12, v9  }
0x3c9: {  	v7 =	vperm.xlane v6, v7;
	v17 =	vshll.u32 v13, $0x10;
	v14 =	vmul.f32 v14, v8  }
0x3ca: {  	v52 =	vmul.f32 v18, v8;
	v15 =	vadd.f32 v16, v15;
	v11 =	vadd.f32 v12, v11  }
0x3cb: {  	v53 =	vand.u32 $0xFFFF0000, v13;
	v54 =	vmul.f32 v17, v7  }
0x3cc: {  	v12 =	vmul.f32 v53, v7;
	v14 =	vadd.f32 v14, v15;
	v11 =	vadd.f32 v52, v11;
	_ =	sdelay $0x1  }
0x3cd: {  	v13 =	vadd.f32 v54, v14;
	v11 =	vadd.f32 v12, v11;
	_ =	sdelay $0x1  }
0x3ce: {  	v55 =	vshrl.u32 v13, $0x10;
	v11 =	vand.u32 $0xFFFF0000, v11  }
0x3cf: {  	s0 =	simm.s32 $0xAA70;
	v11 =	vor.u32 v11, v55  }
0x3d0: {  	[tilespmem:s0+$0xFFFFFF90] =	vst v11  }
0x3d1: {  	v11 =	vld [tilespmem:s12+$0x8210]  }
0x3d2: {  	v56 =	vld [tilespmem:s7+$0x6210];
	_ =	sdelay $0x1  }
0x3d3: {  	v57 =	vld [tilespmem:s12+$0x9210]  }
0x3d4: {  	v58 =	vld [tilespmem:s6+$0x6210];
	_ =	sdelay $0x1  }
0x3d5: {  	v59 =	vshll.u32 v11, $0x10;
	v11 =	vand.u32 $0xFFFF0000, v11;
	v60 =	vshll.u32 v56, $0x10  }
0x3d6: {  	v12 =	vand.u32 $0xFFFF0000, v56;
	v15 =	vmul.f32 v59, v10;
	v16 =	vmul.f32 v60, v9  }
0x3d7: {  	v61 =	vshll.u32 v57, $0x10;
	v12 =	vmul.f32 v12, v9;
	v11 =	vmul.f32 v11, v10  }
0x3d8: {  	v62 =	vshll.u32 v58, $0x10;
	v13 =	vand.u32 $0xFFFF0000, v57;
	v17 =	vmul.f32 v61, v8  }
0x3d9: {  	v63 =	vmul.f32 v13, v8;
	v15 =	vadd.f32 v16, v15;
	v11 =	vadd.f32 v12, v11  }
0x3da: {  	v14 =	vand.u32 $0xFFFF0000, v58;
	v18 =	vmul.f32 v62, v7  }
0x3db: {  	v14 =	vmul.f32 v14, v7;
	v15 =	vadd.f32 v17, v15;
	v11 =	vadd.f32 v63, v11;
	_ =	sdelay $0x1  }
0x3dc: {  	v19 =	vadd.f32 v18, v15;
	v11 =	vadd.f32 v14, v11;
	_ =	sdelay $0x1  }
0x3dd: {  	v12 =	vshrl.u32 v19, $0x10;
	v11 =	vand.u32 $0xFFFF0000, v11  }
0x3de: {  	v11 =	vor.u32 v11, v12  }
0x3df: {  	[tilespmem:s0+$0xFFFFFFA0] =	vst v11  }
0x3e0: {  	v11 =	vld [tilespmem:s12+$0x8220]  }
0x3e1: {  	v20 =	vld [tilespmem:s7+$0x6220];
	_ =	sdelay $0x1  }
0x3e2: {  	v21 =	vld [tilespmem:s12+$0x9220]  }
0x3e3: {  	v22 =	vld [tilespmem:s6+$0x6220];
	_ =	sdelay $0x1  }
0x3e4: {  	v23 =	vshll.u32 v11, $0x10;
	v11 =	vand.u32 $0xFFFF0000, v11;
	v24 =	vshll.u32 v20, $0x10  }
0x3e5: {  	v12 =	vand.u32 $0xFFFF0000, v20;
	v15 =	vmul.f32 v23, v10;
	v16 =	vmul.f32 v24, v9  }
0x3e6: {  	v25 =	vshll.u32 v21, $0x10;
	v12 =	vmul.f32 v12, v9;
	v11 =	vmul.f32 v11, v10  }
0x3e7: {  	v13 =	vand.u32 $0xFFFF0000, v21;
	v26 =	vshll.u32 v22, $0x10;
	v17 =	vmul.f32 v25, v8  }
0x3e8: {  	v13 =	vmul.f32 v13, v8;
	v15 =	vadd.f32 v16, v15;
	v11 =	vadd.f32 v12, v11  }
0x3e9: {  	v14 =	vand.u32 $0xFFFF0000, v22;
	v27 =	vmul.f32 v26, v7  }
0x3ea: {  	v14 =	vmul.f32 v14, v7;
	v15 =	vadd.f32 v17, v15;
	v11 =	vadd.f32 v13, v11;
	_ =	sdelay $0x1  }
0x3eb: {  	v12 =	vadd.f32 v27, v15;
	v11 =	vadd.f32 v14, v11;
	_ =	sdelay $0x1  }
0x3ec: {  	v12 =	vshrl.u32 v12, $0x10;
	v11 =	vand.u32 $0xFFFF0000, v11  }
0x3ed: {  	v11 =	vor.u32 v11, v12  }
0x3ee: {  	[tilespmem:s0+$0xFFFFFFB0] =	vst v11  }
0x3ef: {  	v11 =	vld [tilespmem:s12+$0x8230]  }
0x3f0: {  	v28 =	vld [tilespmem:s7+$0x6230];
	_ =	sdelay $0x1  }
0x3f1: {  	v29 =	vld [tilespmem:s12+$0x9230]  }
0x3f2: {  	v30 =	vld [tilespmem:s6+$0x6230];
	_ =	sdelay $0x1  }
0x3f3: {  	v31 =	vshll.u32 v11, $0x10;
	v11 =	vand.u32 $0xFFFF0000, v11;
	v32 =	vshll.u32 v28, $0x10  }
0x3f4: {  	v12 =	vand.u32 $0xFFFF0000, v28;
	v15 =	vmul.f32 v31, v10;
	v16 =	vmul.f32 v32, v9  }
0x3f5: {  	v33 =	vshll.u32 v29, $0x10;
	v12 =	vmul.f32 v12, v9;
	v11 =	vmul.f32 v11, v10  }
0x3f6: {  	v34 =	vshll.u32 v30, $0x10;
	v13 =	vand.u32 $0xFFFF0000, v29;
	v17 =	vmul.f32 v33, v8  }
0x3f7: {  	v35 =	vmul.f32 v13, v8;
	v15 =	vadd.f32 v16, v15;
	v11 =	vadd.f32 v12, v11  }
0x3f8: {  	v14 =	vand.u32 $0xFFFF0000, v30;
	v36 =	vmul.f32 v34, v7  }
0x3f9: {  	v14 =	vmul.f32 v14, v7;
	v15 =	vadd.f32 v17, v15;
	v11 =	vadd.f32 v35, v11;
	_ =	sdelay $0x1  }
0x3fa: {  	v37 =	vadd.f32 v36, v15;
	v11 =	vadd.f32 v14, v11;
	_ =	sdelay $0x1  }
0x3fb: {  	v12 =	vshrl.u32 v37, $0x10;
	v11 =	vand.u32 $0xFFFF0000, v11  }
0x3fc: {  	v11 =	vor.u32 v11, v12  }
0x3fd: {  	[tilespmem:s0+$0xFFFFFFC0] =	vst v11  }
0x3fe: {  	v11 =	vld [tilespmem:s12+$0x8240]  }
0x3ff: {  	v38 =	vld [tilespmem:s7+$0x6240];
	_ =	sdelay $0x1  }
0x400: {  	v39 =	vld [tilespmem:s12+$0x9240]  }
0x401: {  	v40 =	vld [tilespmem:s6+$0x6240];
	_ =	sdelay $0x1  }
0x402: {  	v41 =	vshll.u32 v11, $0x10;
	v11 =	vand.u32 $0xFFFF0000, v11;
	v42 =	vshll.u32 v38, $0x10  }
0x403: {  	v12 =	vand.u32 $0xFFFF0000, v38;
	v15 =	vmul.f32 v41, v10;
	v11 =	vmul.f32 v11, v10  }
0x404: {  	v43 =	vand.u32 $0xFFFF0000, v39;
	v12 =	vmul.f32 v12, v9;
	v16 =	vmul.f32 v42, v9  }
0x405: {  	v44 =	vand.u32 $0xFFFF0000, v40;
	v13 =	vshll.u32 v39, $0x10;
	v17 =	vmul.f32 v43, v8  }
0x406: {  	v13 =	vmul.f32 v13, v8;
	v11 =	vadd.f32 v12, v11;
	v45 =	vadd.f32 v16, v15  }
0x407: {  	v14 =	vshll.u32 v40, $0x10;
	v46 =	vmul.f32 v44, v7  }
0x408: {  	v14 =	vmul.f32 v14, v7;
	v11 =	vadd.f32 v17, v11;
	v12 =	vadd.f32 v13, v45;
	_ =	sdelay $0x1  }
0x409: {  	v11 =	vadd.f32 v46, v11;
	v12 =	vadd.f32 v14, v12;
	_ =	sdelay $0x1  }
0x40a: {  	v11 =	vand.u32 $0xFFFF0000, v11;
	v12 =	vshrl.u32 v12, $0x10  }
0x40b: {  	v11 =	vor.u32 v11, v12  }
0x40c: {  	[tilespmem:s0+$0xFFFFFFD0] =	vst v11  }
0x40d: {  	v11 =	vld [tilespmem:s12+$0x8250]  }
0x40e: {  	v47 =	vld [tilespmem:s7+$0x6250];
	_ =	sdelay $0x1  }
0x40f: {  	v48 =	vld [tilespmem:s12+$0x9250]  }
0x410: {  	v49 =	vld [tilespmem:s6+$0x6250];
	_ =	sdelay $0x1  }
0x411: {  	v50 =	vshll.u32 v11, $0x10;
	v11 =	vand.u32 $0xFFFF0000, v11;
	v51 =	vshll.u32 v47, $0x10  }
0x412: {  	v12 =	vand.u32 $0xFFFF0000, v47;
	v15 =	vmul.f32 v50, v10;
	v16 =	vmul.f32 v51, v9  }
0x413: {  	v52 =	vshll.u32 v48, $0x10;
	v12 =	vmul.f32 v12, v9;
	v11 =	vmul.f32 v11, v10  }
0x414: {  	v13 =	vand.u32 $0xFFFF0000, v48;
	v53 =	vshll.u32 v49, $0x10;
	v17 =	vmul.f32 v52, v8  }
0x415: {  	v13 =	vmul.f32 v13, v8;
	v15 =	vadd.f32 v16, v15;
	v11 =	vadd.f32 v12, v11  }
0x416: {  	v14 =	vand.u32 $0xFFFF0000, v49;
	v54 =	vmul.f32 v53, v7  }
0x417: {  	v14 =	vmul.f32 v14, v7;
	v15 =	vadd.f32 v17, v15;
	v11 =	vadd.f32 v13, v11;
	_ =	sdelay $0x1  }
0x418: {  	v12 =	vadd.f32 v54, v15;
	v11 =	vadd.f32 v14, v11;
	_ =	sdelay $0x1  }
0x419: {  	v12 =	vshrl.u32 v12, $0x10;
	v11 =	vand.u32 $0xFFFF0000, v11  }
0x41a: {  	v11 =	vor.u32 v11, v12  }
0x41b: {  	[tilespmem:s0+$0xFFFFFFE0] =	vst v11  }
0x41c: {  	v11 =	vld [tilespmem:s12+$0x8260]  }
0x41d: {  	v55 =	vld [tilespmem:s7+$0x6260];
	_ =	sdelay $0x1  }
0x41e: {  	v56 =	vld [tilespmem:s12+$0x9260]  }
0x41f: {  	v57 =	vld [tilespmem:s6+$0x6260];
	_ =	sdelay $0x1  }
0x420: {  	v58 =	vshll.u32 v11, $0x10;
	v11 =	vand.u32 $0xFFFF0000, v11;
	v59 =	vshll.u32 v55, $0x10  }
0x421: {  	v12 =	vand.u32 $0xFFFF0000, v55;
	v15 =	vmul.f32 v58, v10;
	v16 =	vmul.f32 v59, v9  }
0x422: {  	v60 =	vshll.u32 v56, $0x10;
	v12 =	vmul.f32 v12, v9;
	v11 =	vmul.f32 v11, v10  }
0x423: {  	v13 =	vand.u32 $0xFFFF0000, v56;
	v61 =	vshll.u32 v57, $0x10;
	v17 =	vmul.f32 v60, v8  }
0x424: {  	v13 =	vmul.f32 v13, v8;
	v15 =	vadd.f32 v16, v15;
	v11 =	vadd.f32 v12, v11  }
0x425: {  	v14 =	vand.u32 $0xFFFF0000, v57;
	v62 =	vmul.f32 v61, v7  }
0x426: {  	v63 =	vmul.f32 v14, v7;
	v15 =	vadd.f32 v17, v15;
	v11 =	vadd.f32 v13, v11;
	_ =	sdelay $0x1  }
0x427: {  	v12 =	vadd.f32 v62, v15;
	v11 =	vadd.f32 v63, v11;
	_ =	sdelay $0x1  }
0x428: {  	v12 =	vshrl.u32 v12, $0x10;
	v11 =	vand.u32 $0xFFFF0000, v11  }
0x429: {  	s29 =	simm.s32 $0x1;
	s9 =	simm.s32 $0x0;
	s8 =	simm.s32 $0xAA70;
	v11 =	vor.u32 v11, v12  }
.LBB2_10:
0x42a: {  	s1 =	sadd.s32 $0x100, s1;
	s9 =	sadd.s32 $0x80, s9;
	s0 =	sadd.s32 $0x80, s0  }
0x42b: {  	p0 =	sne.s32 s29, $0xF;
	s10 =	smov.u32 s29;
	s29 =	sadd.s32 $0x1, s29;
	[tilespmem:s8+$0xFFFFFFF0] =	vst v11  }
0x42c: {  	v11 =	vld [tilespmem:s12+$0x8270]  }
0x42d: {  	v12 =	vld [tilespmem:s7+$0x6270]  }
0x42e: {  	v13 =	vld [tilespmem:s12+$0x9270]  }
0x42f: {  	v14 =	vld [tilespmem:s6+$0x6270];
	_ =	sdelay $0x1  }
0x430: {  	v15 =	vshll.u32 v11, $0x10;
	v11 =	vand.u32 $0xFFFF0000, v11  }
0x431: {  	v15 =	vmul.f32 v15, v10;
	v10 =	vmul.f32 v11, v10;
	v11 =	vshll.u32 v12, $0x10  }
0x432: {  	v12 =	vand.u32 $0xFFFF0000, v12;
	v11 =	vmul.f32 v11, v9;
	v16 =	vshll.u32 v13, $0x10  }
0x433: {  	v9 =	vmul.f32 v12, v9;
	v12 =	vand.u32 $0xFFFF0000, v13;
	v13 =	vand.u32 $0xFFFF0000, v14  }
0x434: {  	v14 =	vshll.u32 v14, $0x10;
	v11 =	vadd.f32 v11, v15;
	v15 =	vmul.f32 v16, v8  }
0x435: {  	v9 =	vadd.f32 v9, v10;
	v8 =	vmul.f32 v12, v8;
	v10 =	vmul.f32 v14, v7  }
0x436: {  	v7 =	vmul.f32 v13, v7;
	v11 =	vadd.f32 v15, v11  }
0x437: {  	v8 =	vadd.f32 v8, v9  }
0x438: {  	v9 =	vadd.f32 v10, v11  }
0x439: {  	v7 =	vadd.f32 v7, v8  }
0x43a: {  	v8 =	vshrl.u32 v9, $0x10  }
0x43b: {  	v7 =	vand.u32 $0xFFFF0000, v7  }
0x43c: {  	s11 =	sand.u32 $0x380, s9;
	s7 =	sand.u32 $0x800, s1;
	s6 =	sand.u32 $0xFFFFF800, s1;
	v7 =	vor.u32 v7, v8  }
0x43d: {  	s12 =	sor.u32 s11, s7;
	s6 =	sadd.s32 s6, s9;
	[tilespmem:s8+$0x0] =	vst v7;
	s8 =	smov.u32 s0  }
0x43e: {  	s7 =	sor.u32 $0x2400, s6;
	s6 =	sor.u32 $0x3400, s6;
	v7 =	vmov s10;
	v11 =	vld [tilespmem:s12+$0x8200]  }
0x43f: {  	v7 =	vand.u32 $0xF, v7;
	v12 =	vld [tilespmem:s7+$0x6200]  }
0x440: {  	v7 =	vbroadcast v7, $0x0;
	v13 =	vld [tilespmem:s6+$0x6200]  }
0x441: {  	v14 =	vld [tilespmem:s12+$0x9200]  }
0x442: {  	v10 =	vperm.xlane v3, v7;
	v9 =	vperm.xlane v4, v7  }
0x443: {  	v8 =	vperm.xlane v5, v7;
	v15 =	vshll.u32 v11, $0x10;
	v11 =	vand.u32 $0xFFFF0000, v11  }
0x444: {  	v7 =	vperm.xlane v6, v7;
	v16 =	vshll.u32 v12, $0x10;
	v12 =	vand.u32 $0xFFFF0000, v12  }
0x445: {  	v15 =	vmul.f32 v15, v10;
	v16 =	vmul.f32 v16, v9;
	v17 =	vshll.u32 v13, $0x10  }
0x446: {  	v11 =	vmul.f32 v11, v10;
	v13 =	vand.u32 $0xFFFF0000, v13;
	v18 =	vand.u32 $0xFFFF0000, v14  }
0x447: {  	v14 =	vshll.u32 v14, $0x10;
	v15 =	vadd.f32 v16, v15  }
0x448: {  	v14 =	vmul.f32 v14, v8;
	v16 =	vmul.f32 v18, v8  }
0x449: {  	v12 =	vmul.f32 v12, v9;
	v17 =	vmul.f32 v17, v7  }
0x44a: {  	v13 =	vmul.f32 v13, v7;
	v14 =	vadd.f32 v14, v15  }
0x44b: {  	v11 =	vadd.f32 v12, v11  }
0x44c: {  	v12 =	vadd.f32 v17, v14  }
0x44d: {  	v11 =	vadd.f32 v16, v11  }
0x44e: {  	v12 =	vshrl.u32 v12, $0x10  }
0x44f: {  	v11 =	vadd.f32 v13, v11;
	_ =	sdelay $0x1  }
0x450: {  	v11 =	vand.u32 $0xFFFF0000, v11  }
0x451: {  	v11 =	vor.u32 v11, v12  }
0x452: {  	[tilespmem:s0+$0xFFFFFF90] =	vst v11  }
0x453: {  	v11 =	vld [tilespmem:s12+$0x8210]  }
0x454: {  	v12 =	vld [tilespmem:s7+$0x6210]  }
0x455: {  	v13 =	vld [tilespmem:s12+$0x9210]  }
0x456: {  	v14 =	vld [tilespmem:s6+$0x6210];
	_ =	sdelay $0x1  }
0x457: {  	v15 =	vshll.u32 v11, $0x10;
	v11 =	vand.u32 $0xFFFF0000, v11  }
0x458: {  	v15 =	vmul.f32 v15, v10;
	v16 =	vshll.u32 v12, $0x10;
	v12 =	vand.u32 $0xFFFF0000, v12  }
0x459: {  	v16 =	vmul.f32 v16, v9;
	v12 =	vmul.f32 v12, v9;
	v17 =	vshll.u32 v13, $0x10  }
0x45a: {  	v11 =	vmul.f32 v11, v10;
	v17 =	vmul.f32 v17, v8;
	v18 =	vshll.u32 v14, $0x10  }
0x45b: {  	v13 =	vand.u32 $0xFFFF0000, v13;
	v15 =	vadd.f32 v16, v15;
	v16 =	vmul.f32 v18, v7  }
0x45c: {  	v11 =	vadd.f32 v12, v11;
	v12 =	vmul.f32 v13, v8;
	v13 =	vand.u32 $0xFFFF0000, v14  }
0x45d: {  	v13 =	vmul.f32 v13, v7;
	v14 =	vadd.f32 v17, v15  }
0x45e: {  	v11 =	vadd.f32 v12, v11  }
0x45f: {  	v12 =	vadd.f32 v16, v14  }
0x460: {  	v11 =	vadd.f32 v13, v11;
	_ =	sdelay $0x1  }
0x461: {  	v12 =	vshrl.u32 v12, $0x10;
	v11 =	vand.u32 $0xFFFF0000, v11  }
0x462: {  	v11 =	vor.u32 v11, v12  }
0x463: {  	[tilespmem:s0+$0xFFFFFFA0] =	vst v11  }
0x464: {  	v11 =	vld [tilespmem:s12+$0x8220]  }
0x465: {  	v12 =	vld [tilespmem:s7+$0x6220]  }
0x466: {  	v13 =	vld [tilespmem:s12+$0x9220]  }
0x467: {  	v14 =	vld [tilespmem:s6+$0x6220];
	_ =	sdelay $0x1  }
0x468: {  	v15 =	vshll.u32 v11, $0x10;
	v11 =	vand.u32 $0xFFFF0000, v11  }
0x469: {  	v15 =	vmul.f32 v15, v10;
	v16 =	vshll.u32 v12, $0x10;
	v12 =	vand.u32 $0xFFFF0000, v12  }
0x46a: {  	v16 =	vmul.f32 v16, v9;
	v12 =	vmul.f32 v12, v9;
	v17 =	vshll.u32 v13, $0x10  }
0x46b: {  	v11 =	vmul.f32 v11, v10;
	v13 =	vand.u32 $0xFFFF0000, v13;
	v17 =	vmul.f32 v17, v8  }
0x46c: {  	v13 =	vmul.f32 v13, v8;
	v15 =	vadd.f32 v16, v15;
	v16 =	vshll.u32 v14, $0x10  }
0x46d: {  	v11 =	vadd.f32 v12, v11;
	v14 =	vand.u32 $0xFFFF0000, v14;
	v12 =	vmul.f32 v16, v7  }
0x46e: {  	v14 =	vmul.f32 v14, v7;
	v15 =	vadd.f32 v17, v15  }
0x46f: {  	v11 =	vadd.f32 v13, v11  }
0x470: {  	v12 =	vadd.f32 v12, v15  }
0x471: {  	v11 =	vadd.f32 v14, v11;
	_ =	sdelay $0x1  }
0x472: {  	v12 =	vshrl.u32 v12, $0x10;
	v11 =	vand.u32 $0xFFFF0000, v11  }
0x473: {  	v11 =	vor.u32 v11, v12  }
0x474: {  	[tilespmem:s0+$0xFFFFFFB0] =	vst v11  }
0x475: {  	v11 =	vld [tilespmem:s12+$0x8230]  }
0x476: {  	v12 =	vld [tilespmem:s7+$0x6230]  }
0x477: {  	v13 =	vld [tilespmem:s12+$0x9230]  }
0x478: {  	v14 =	vld [tilespmem:s6+$0x6230];
	_ =	sdelay $0x1  }
0x479: {  	v15 =	vshll.u32 v11, $0x10;
	v11 =	vand.u32 $0xFFFF0000, v11  }
0x47a: {  	v15 =	vmul.f32 v15, v10;
	v16 =	vshll.u32 v12, $0x10;
	v12 =	vand.u32 $0xFFFF0000, v12  }
0x47b: {  	v16 =	vmul.f32 v16, v9;
	v12 =	vmul.f32 v12, v9;
	v17 =	vshll.u32 v13, $0x10  }
0x47c: {  	v11 =	vmul.f32 v11, v10;
	v17 =	vmul.f32 v17, v8;
	v18 =	vshll.u32 v14, $0x10  }
0x47d: {  	v13 =	vand.u32 $0xFFFF0000, v13;
	v15 =	vadd.f32 v16, v15;
	v16 =	vmul.f32 v18, v7  }
0x47e: {  	v11 =	vadd.f32 v12, v11;
	v12 =	vmul.f32 v13, v8;
	v13 =	vand.u32 $0xFFFF0000, v14  }
0x47f: {  	v13 =	vmul.f32 v13, v7;
	v14 =	vadd.f32 v17, v15  }
0x480: {  	v11 =	vadd.f32 v12, v11  }
0x481: {  	v12 =	vadd.f32 v16, v14  }
0x482: {  	v11 =	vadd.f32 v13, v11;
	_ =	sdelay $0x1  }
0x483: {  	v12 =	vshrl.u32 v12, $0x10;
	v11 =	vand.u32 $0xFFFF0000, v11  }
0x484: {  	v11 =	vor.u32 v11, v12  }
0x485: {  	[tilespmem:s0+$0xFFFFFFC0] =	vst v11  }
0x486: {  	v11 =	vld [tilespmem:s12+$0x8240]  }
0x487: {  	v12 =	vld [tilespmem:s7+$0x6240]  }
0x488: {  	v13 =	vld [tilespmem:s12+$0x9240]  }
0x489: {  	v14 =	vld [tilespmem:s6+$0x6240];
	_ =	sdelay $0x1  }
0x48a: {  	v15 =	vshll.u32 v11, $0x10;
	v11 =	vand.u32 $0xFFFF0000, v11  }
0x48b: {  	v15 =	vmul.f32 v15, v10;
	v16 =	vshll.u32 v12, $0x10;
	v12 =	vand.u32 $0xFFFF0000, v12  }
0x48c: {  	v11 =	vmul.f32 v11, v10;
	v12 =	vmul.f32 v12, v9;
	v17 =	vand.u32 $0xFFFF0000, v13  }
0x48d: {  	v16 =	vmul.f32 v16, v9;
	v17 =	vmul.f32 v17, v8;
	v18 =	vand.u32 $0xFFFF0000, v14  }
0x48e: {  	v11 =	vadd.f32 v12, v11;
	v12 =	vshll.u32 v13, $0x10;
	v13 =	vmul.f32 v18, v7  }
0x48f: {  	v14 =	vshll.u32 v14, $0x10;
	v15 =	vadd.f32 v16, v15;
	v12 =	vmul.f32 v12, v8  }
0x490: {  	v14 =	vmul.f32 v14, v7;
	v11 =	vadd.f32 v17, v11  }
0x491: {  	v12 =	vadd.f32 v12, v15  }
0x492: {  	v11 =	vadd.f32 v13, v11  }
0x493: {  	v12 =	vadd.f32 v14, v12  }
0x494: {  	v11 =	vand.u32 $0xFFFF0000, v11  }
0x495: {  	v12 =	vshrl.u32 v12, $0x10  }
0x496: {  	v11 =	vor.u32 v11, v12  }
0x497: {  	[tilespmem:s0+$0xFFFFFFD0] =	vst v11  }
0x498: {  	v11 =	vld [tilespmem:s12+$0x8250]  }
0x499: {  	v12 =	vld [tilespmem:s7+$0x6250]  }
0x49a: {  	v13 =	vld [tilespmem:s12+$0x9250]  }
0x49b: {  	v14 =	vld [tilespmem:s6+$0x6250];
	_ =	sdelay $0x1  }
0x49c: {  	v15 =	vshll.u32 v11, $0x10;
	v11 =	vand.u32 $0xFFFF0000, v11  }
0x49d: {  	v15 =	vmul.f32 v15, v10;
	v16 =	vshll.u32 v12, $0x10;
	v12 =	vand.u32 $0xFFFF0000, v12  }
0x49e: {  	v16 =	vmul.f32 v16, v9;
	v12 =	vmul.f32 v12, v9;
	v17 =	vshll.u32 v13, $0x10  }
0x49f: {  	v13 =	vand.u32 $0xFFFF0000, v13;
	v17 =	vmul.f32 v17, v8;
	v18 =	vshll.u32 v14, $0x10  }
0x4a0: {  	v11 =	vmul.f32 v11, v10;
	v13 =	vmul.f32 v13, v8;
	v15 =	vadd.f32 v16, v15  }
0x4a1: {  	v14 =	vand.u32 $0xFFFF0000, v14;
	v16 =	vmul.f32 v18, v7  }
0x4a2: {  	v11 =	vadd.f32 v12, v11;
	v14 =	vmul.f32 v14, v7;
	v12 =	vadd.f32 v17, v15;
	_ =	sdelay $0x1  }
0x4a3: {  	v11 =	vadd.f32 v13, v11;
	v12 =	vadd.f32 v16, v12;
	_ =	sdelay $0x1  }
0x4a4: {  	v11 =	vadd.f32 v14, v11;
	_ =	sdelay $0x1  }
0x4a5: {  	v12 =	vshrl.u32 v12, $0x10;
	v11 =	vand.u32 $0xFFFF0000, v11  }
0x4a6: {  	v11 =	vor.u32 v11, v12  }
0x4a7: {  	[tilespmem:s0+$0xFFFFFFE0] =	vst v11  }
0x4a8: {  	v11 =	vld [tilespmem:s12+$0x8260]  }
0x4a9: {  	v12 =	vld [tilespmem:s7+$0x6260]  }
0x4aa: {  	v13 =	vld [tilespmem:s12+$0x9260]  }
0x4ab: {  	v14 =	vld [tilespmem:s6+$0x6260];
	_ =	sdelay $0x1  }
0x4ac: {  	v15 =	vshll.u32 v11, $0x10;
	v11 =	vand.u32 $0xFFFF0000, v11  }
0x4ad: {  	v15 =	vmul.f32 v15, v10;
	v16 =	vshll.u32 v12, $0x10;
	v12 =	vand.u32 $0xFFFF0000, v12  }
0x4ae: {  	v16 =	vmul.f32 v16, v9;
	v12 =	vmul.f32 v12, v9;
	v17 =	vshll.u32 v13, $0x10  }
0x4af: {  	v11 =	vmul.f32 v11, v10;
	v13 =	vand.u32 $0xFFFF0000, v13;
	v17 =	vmul.f32 v17, v8  }
0x4b0: {  	v13 =	vmul.f32 v13, v8;
	v15 =	vadd.f32 v16, v15;
	v16 =	vshll.u32 v14, $0x10  }
0x4b1: {  	v11 =	vadd.f32 v12, v11;
	v12 =	vmul.f32 v16, v7  }
0x4b2: {  	v14 =	vand.u32 $0xFFFF0000, v14;
	v15 =	vadd.f32 v17, v15  }
0x4b3: {  	v11 =	vadd.f32 v13, v11;
	v13 =	vmul.f32 v14, v7  }
.Ltmp4:
0x4b4: {  	v12 =	vadd.f32 v12, v15;
	(pc) =	sbr.rel @p0 .LBB2_10-.Ltmp4, $3  }
0x4b5: {  	v11 =	vadd.f32 v13, v11;
	_ =	sdelay $0x1  }
0x4b6: {  	v12 =	vshrl.u32 v12, $0x10;
	v11 =	vand.u32 $0xFFFF0000, v11  }
0x4b7: {  	v11 =	vor.u32 v11, v12  }
0x4b8: {  	[tilespmem:s8+$0xFFFFFFF0] =	vst v11  }
0x4b9: {  	v3 =	vld [tilespmem:s12+$0x8270]  }
0x4ba: {  	v4 =	vld [tilespmem:s7+$0x6270];
	_ =	sdelay $0x1  }
0x4bb: {  	v5 =	vld [tilespmem:s12+$0x9270]  }
0x4bc: {  	v6 =	vld [tilespmem:s6+$0x6270];
	_ =	sdelay $0x1  }
0x4bd: {  	v55 =	vshll.u32 v3, $0x10;
	v3 =	vand.u32 $0xFFFF0000, v3;
	v12 =	vshll.u32 v4, $0x10  }
0x4be: {  	v4 =	vand.u32 $0xFFFF0000, v4;
	v11 =	vmul.f32 v55, v10;
	v12 =	vmul.f32 v12, v9  }
0x4bf: {  	v56 =	vshll.u32 v5, $0x10;
	v3 =	vmul.f32 v3, v10;
	v4 =	vmul.f32 v4, v9  }
0x4c0: {  	v5 =	vand.u32 $0xFFFF0000, v5;
	v58 =	vshll.u32 v6, $0x10;
	v10 =	vmul.f32 v56, v8  }
0x4c1: {  	v59 =	vmul.f32 v5, v8;
	v57 =	vadd.f32 v12, v11;
	v3 =	vadd.f32 v4, v3  }
0x4c2: {  	v60 =	vand.u32 $0xFFFF0000, v6;
	v61 =	vmul.f32 v58, v7  }
0x4c3: {  	v5 =	vmul.f32 v60, v7;
	v62 =	vadd.f32 v10, v57;
	v3 =	vadd.f32 v59, v3;
	_ =	sdelay $0x1  }
0x4c4: {  	v63 =	vadd.f32 v61, v62;
	v3 =	vadd.f32 v5, v3;
	_ =	sdelay $0x1  }
0x4c5: {  	v4 =	vshrl.u32 v63, $0x10;
	v3 =	vand.u32 $0xFFFF0000, v3  }
0x4c6: {  	v3 =	vor.u32 v3, v4  }
0x4c7: {  	s0 =	rddreg [dreg:$0x6];
	[tilespmem:s8+$0x0] =	vst v3  }
0x4c8: {  	[hbm4b:s0+s3] =	stream.linear.scatter [tilespmem:s24], [sflag:$0x4], $0x800, $0x38;
	[tilespmem:$0xB200] =	vst v63  }
0x4c9: {  	_ =	swait.ge [sflag:s25], $0x800  }
0x4ca: {  	[sflag:s25] =	ssyncset.done $0x0  }
0x4cb: {  	[sflag:s25] =	ssyncadd.s32 $0xFFFFF800  }
0x4cc: {  	_ =	swait.ge [sflag:s26], $0x800  }
0x4cd: {  	s28 =	sadd.s32 $0x1, s28;
	s31 =	rddreg [dreg:$0x7]  }
0x4ce: {  	p0 =	sne.s32 s28, s31  }
.Ltmp5:
0x4cf: {  	_ = 	snop;
	(pc) =	sbr.rel @p0 .LBB2_1-.Ltmp5, $3  }
0x4d0: {  	_ =	sdelay $0x1  }
0x4d1: {  	[sflag:s26] =	ssyncset.done $0x0  }
0x4d2: {  	[sflag:s26] =	ssyncadd.s32 $0xFFFFF800  }
0x4d3: {  	_ =	sfence.sel $0x180000  }
0x4d4: {  	[bflag:$0x0] =	sbarrier.arrive $0xFFFF  }
0x4d5: {  	_ =	strace $0x9000004A  }
0x4d6: {  	s0 =	stileid.u32;
	[bflag:$0x2] =	sbarrier.arrive $0xFFFF  }
0x4d7: {  	p0 =	sne.s32 s0, $0x0;
	s0 =	rddreg [dreg:$0x2]  }
0x4d8: {  	s0 =	sadd.s32 @!p0 $0x100000, s0  }
0x4d9: {  	[sflag:s0] =	ssyncadd.tile.s32 @!p0 $0x1;
	_ =	shalt  }
.Lfunc_end2:
_tile_overlayer_lowered:
.L_overlay_start_2:
0x4da: {  	(tag) =	ssettag $0x2  }
0x4db: {  	s0 =	rddreg [dreg:$0x0];
	s2 =	stileid.u32  }
0x4dc: {  	s1 =	rddreg [dreg:$0x1];
	p0 =	sne.s32 s2, $0x0  }
0x4dd: {  	s3 =	rddreg [dreg:$0x2];
	[bflag:$0x3] =	sbarrier.arrive $0xFFFF;
	s2 =	simm.s32 @!p0 $0x1C05  }
0x4de: {  	[timem:s3], [sflag:s2] =	dma.local @!p0 [hbm:s0], s1  }
0x4df: {  	s0 =	simm.s32 @!p0 $0x5  }
0x4e0: {  	_ =	swait.ge @!p0 [sflag:s0], s1  }
0x4e1: {  	s1 =	ssub.s32 @!p0 $0x0, s1;
	[sflag:s0] =	ssyncset.done @!p0 $0x0  }
0x4e2: {  	[sflag:s0] =	ssyncadd.s32 @!p0 s1  }
0x4e3: {  	[bflag:$0x3] =	sbarrier.arrive $0xFFFF  }
0x4e4: {  	_ =	shalt  }

// kernel: sparse-core-data-format-call.cloned.1.call-start
scs
called_computation_lowered:
.L_overlay_start_0:
0x0: {  	s2 =	sld [smem:$0x3FD9]  }
0x1: {  	s3 =	sld [smem:$0x3FFE];
	_ =	sdelay $0x1  }
0x2: {  	s1 =	srdreg.scid  }
0x3: {  	s0 =	sand.u32 $0x1, s1  }
0x4: {  	s18 =	sshll.u32 s0, $0xA;
	s2 =	sadd.s32 s3, s2  }
0x5: {  	s2 =	sadd.s32 s2, s18  }
0x6: {  	[smem:$0x3FC6] =	sst s2  }
0x7: {  	_ = 	snop  }
0x8: {  	s2 =	sld [smem:$0x3FD0];
	(tm) =	ssettm $0x1  }
0x9: {  	s19 =	sld [smem:$0x3FFB];
	_ =	sdelay $0x3  }
0xa: {  	_ =	strace s19  }
0xb: {  	s3 =	sld [smem:$0x3FFC];
	_ =	sdelay $0x3  }
0xc: {  	_ =	strace s3  }
0xd: {  	s3 =	sld [smem:$0x3FFD];
	_ =	sdelay $0x3  }
0xe: {  	_ =	strace s3  }
0xf: {  	_ =	strace $0x8FFFFFFF  }
0x10: {  	s20 =	sld [smem:$0x3FDB];
	_ =	sdelay $0x1  }
0x11: {  	s4 =	simm.s32 $_scs_section_size  }
0x12: {  	s5 =	simm.s32 $_size__tile_overlayer_lowered;
	s6 =	simm.s32 $_tile_overlayer_lowered  }
0x13: {  	s23 =	simm.s32 $0x1BFF;
	s22 =	sshll.u32 s6, $0x1;
	s3 =	sadd.s32 s4, s20  }
0x14: {  	s7 =	simm.s32 $0x0;
	s21 =	sshll.u32 s5, $0x1;
	s5 =	sadd.s32 s22, s3  }
0x15: {  	[timem:s7], [sflag:s23] =	dma.local [hbm:s5], s21  }
0x16: {  	_ =	swait.ge [sflag:s23], s21  }
0x17: {  	s4 =	ssub.s32 $0x0, s21;
	[sflag:s23] =	ssyncset.done $0x0  }
0x18: {  	[sflag:s23] =	ssyncadd.s32 s4;
	_ =	sdelay $0x1  }
0x19: {  	s24 =	simm.s32 $0x1B8B  }
0x1a: {  	_ =	swait.ge [sflag:s24], $0x1  }
0x1b: {  	[sflag:s24] =	ssyncset.done $0x0  }
0x1c: {  	s26 =	simm.s32 $0x1B8E;
	s25 =	sld [smem:$0x3FFE];
	[sflag:s24] =	ssyncadd.s32 $0xFFFFFFFF  }
0x1d: {  	s27 =	simm.s32 $execute0_lowered;
	[smem:$0x3FD2] =	sst s26  }
0x1e: {  	s5 =	sshll.u32 s27, $0x1;
	_ =	strace $0x80000046;
	[dreg:$0x1] =	wrdreg $0xFFFFFFFF  }
0x1f: {  	s28 =	simm.s32 $_size_execute0_lowered;
	s3 =	sadd.s32 s3, s5;
	[dreg:$0x0] =	wrdreg $0x0  }
0x20: {  	s5 =	sshll.u32 s28, $0x1;
	[dreg:$0x2] =	wrdreg s3  }
0x21: {  	[dreg:$0x3] =	wrdreg s5  }
0x22: {  	[dreg:$0x4] =	wrdreg $0xC0  }
0x23: {  	_ =	task [dreg:s7], $0x5FFFF  }
0x24: {  	[dreg:$0x1] =	wrdreg $0xFFFFFFFF  }
0x25: {  	[dreg:$0x0] =	wrdreg $0x60  }
0x26: {  	[dreg:$0x2] =	wrdreg s2  }
0x27: {  	[dreg:$0x3] =	wrdreg s25  }
0x28: {  	[dreg:$0x4] =	wrdreg $0x9  }
0x29: {  	_ =	task.clear_ibuf [dreg:s7], $0x5FFFF;
	_ =	strace $0x90000046  }
0x2a: {  	s29 =	simm.s32 $0x9;
	_ =	strace $0x80000048  }
0x2b: {  	_ =	swait.ge [sflag:s29], $0x1  }
0x2c: {  	[sflag:s29] =	ssyncadd.s32 $0xFFFFFFFF  }
0x2d: {  	_ =	strace $0x90000048  }
0x2e: {  	_ =	sfence  }
0x2f: {  	s30 =	sld [smem:$0x0];
	_ =	sdelay $0x2  }
0x30: {  	s31 =	sshll.u32 s1, $0xD;
	s1 =	sshrl.u32 s1, $0x2  }
0x31: {  	s3 =	sand.u32 $0x4000, s31;
	s1 =	sadd.s32 s1, s30  }
0x32: {  	s0 =	sor.u32 s3, s0;
	s1 =	sshll.u32 s1, $0x11  }
0x33: {  	s0 =	sor.u32 s1, s0  }
0x34: {  	s0 =	sadd.s32 $0x8F2B, s0  }
0x35: {  	[sflag:s0] =	ssyncadd.remote.s32 $0x1  }
0x36: {  	_ =	sfence.sel $0xFFFF  }
0x37: {  	[dreg:$0x0] =	wrdreg $0xFFFFFFFF;
	(pc) =	sbr.abs _section_cstart, $3  }
0x38: {  	[dreg:$0x1] =	wrdreg $0xFFFFFFFF  }
0x39: {  	_ =	task.clear_ibuf [dreg:s7], $0x2FFFF;
	_ =	strace $0x9FFFFFFF  }
0x3a: {  	(tm) =	ssettm $0x7FFFFFFF  }
0x3b: {  	_ =	shalt  }
tec
execute0_lowered:
.L_overlay_start_1:
0x0: {  	(tag) =	ssettag $0x1  }
0x1: {  	s2 =	rddreg [dreg:$0x0]  }
0x2: {  	s4 =	rddreg [dreg:$0x1];
	s3 =	srdreg.scid  }
0x3: {  	s0 =	rddreg [dreg:$0x2];
	s1 =	stileid.u32;
	_ =	strace $0x80000047  }
0x4: {  	s9 =	simm.s32 $0x2;
	p0 =	por $0x0, $0x0;
	s13 =	simm.s32 $0x0  }
0x5: {  	s14 =	simm.s32 $0x0;
	s12 =	simm.s32 $0x0;
	s3 =	sshll.u32 s3, $0x4  }
0x6: {  	s4 =	sadd.s32 $0x2200, s4;
	s5 =	sand.u32 $0x10, s3;
	s3 =	sand.u32 $0x1, s1  }
.Ltmp0:
0x7: {  	s6 =	sor.u32 s1, s5;
	s7 =	ssub.s32 $0x2, s3;
	(pc) =	sbr.rel .LBB1_1-.Ltmp0, $4  }
0x8: {  	s5 =	simm.s32 $0x1;
	s8 =	sshrl.u32 s7, $0x1;
	s7 =	sand.u32 $0x1, s7  }
0x9: {  	s11 =	smov.u32 s3;
	[sflag:s5] =	ssyncpa.u1 $0x0;
	s7 =	sadd.s32 s7, s8  }
0xa: {  	s6 =	sshrl.u32 s6, $0x1;
	[sflag:s9] =	ssyncpa.u1 $0x0;
	s7 =	sshll.u32 s7, $0x4  }
0xb: {  	s9 =	simm.s32 $0x0;
	s10 =	smov.u32 s6;
	s8 =	sor.u32 $0x1, s7  }
.LBB1_4:
0xc: {  	_ =	sdelay $0x3  }
0xd: {  	[tilespmem:v0+s16+$0xFFFFFFA0 ss:$0x1] =	vst.idx.msk $0xffff, v6  }
0xe: {  	v56 =	vld.idx.msk [tilespmem:v1+s17+$0x30 ss:$0x1], $0xffff;
	[tilespmem:v0+s16+$0xFFFFFFB0 ss:$0x1] =	vst.idx.msk $0xffff, v4  }
0xf: {  	v57 =	vld.idx.msk [tilespmem:v1+s17+$0xFFFFFFC0 ss:$0x1], $0xffff;
	[tilespmem:v0+s16+$0xFFFFFFC0 ss:$0x1] =	vst.idx.msk $0xffff, v2  }
0x10: {  	v58 =	vld.idx.msk [tilespmem:v1+s17+$0xFFFFFFD0 ss:$0x1], $0xffff;
	[tilespmem:v0+s16+$0xFFFFFFD0 ss:$0x1] =	vst.idx.msk $0xffff, v3  }
0x11: {  	v59 =	vld.idx.msk [tilespmem:v1+s17+$0xFFFFFFE0 ss:$0x1], $0xffff;
	[tilespmem:v0+s16+$0xFFFFFFE0 ss:$0x1] =	vst.idx.msk $0xffff, v5  }
0x12: {  	v60 =	vld.idx.msk [tilespmem:v1+s17+$0xFFFFFFF0 ss:$0x1], $0xffff;
	[tilespmem:v0+s16+$0xFFFFFFF0 ss:$0x1] =	vst.idx.msk $0xffff, v7  }
0x13: {  	v61 =	vld.idx.msk [tilespmem:v1+s17+$0x0 ss:$0x1], $0xffff;
	[tilespmem:v0+s17+$0x0 ss:$0x1] =	vst.idx.msk $0xffff, v56  }
0x14: {  	v62 =	vld.idx.msk [tilespmem:v1+s17+$0x10 ss:$0x1], $0xffff;
	[tilespmem:v0+s17+$0xFFFFFF90 ss:$0x1] =	vst.idx.msk $0xffff, v57  }
0x15: {  	v63 =	vld.idx.msk [tilespmem:v1+s17+$0x20 ss:$0x1], $0xffff;
	[tilespmem:v0+s17+$0xFFFFFFA0 ss:$0x1] =	vst.idx.msk $0xffff, v58  }
0x16: {  	[tilespmem:v0+s17+$0xFFFFFFB0 ss:$0x1] =	vst.idx.msk $0xffff, v59  }
0x17: {  	[tilespmem:v0+s17+$0xFFFFFFC0 ss:$0x1] =	vst.idx.msk $0xffff, v60  }
0x18: {  	s14 =	sshll.u32 s14, $0xB;
	[tilespmem:v0+s17+$0xFFFFFFD0 ss:$0x1] =	vst.idx.msk $0xffff, v61  }
0x19: {  	s13 =	sshll.u32 s13, $0xC;
	s14 =	sadd.s32 s4, s14;
	[tilespmem:v0+s17+$0xFFFFFFE0 ss:$0x1] =	vst.idx.msk $0xffff, v62  }
0x1a: {  	s13 =	sadd.s32 s13, s14;
	[tilespmem:v0+s17+$0xFFFFFFF0 ss:$0x1] =	vst.idx.msk $0xffff, v63  }
0x1b: {  	[hbm4b:s13+s9] =	stream.linear.scatter [tilespmem:s15], [sflag:$0x2], $0x4000, $0x38;
	[tilespmem:$0x10000] =	vst v63  }
.LBB1_5:
0x1c: {  	s15 =	sadd.s32 $0x10, s10  }
0x1d: {  	s13 =	sadd.s32 $0x2, s11;
	s17 =	smov.u32 s11;
	p2 =	sgt.s32 s15, $0xFF  }
0x1e: {  	s17 =	smov.u32 @p2 s13  }
0x1f: {  	s15 =	smov.u32 @p2 s6;
	p2 =	sgt.s32 s17, $0x1  }
0x20: {  	s17 =	smov.u32 @p2 s3;
	p2 =	sne.s32 s12, s8  }
.Ltmp1:
0x21: {  	p1 =	slt.u32 s12, $0x2;
	(pc) =	sbr.rel @!p2 .LBB1_6-.Ltmp1, $4  }
0x22: {  	s16 =	simm.s32 @!p1 $0x2  }
0x23: {  	s14 =	smov.u32 s11;
	p0 =	por !p0, !p0;
	_ =	swait.ge @!p1 [sflag:s16], $0x4000  }
0x24: {  	s13 =	smov.u32 s10;
	[sflag:s16] =	ssyncset.done @!p1 $0x0;
	s10 =	smov.u32 s15  }
0x25: {  	s12 =	sadd.s32 $0x1, s12;
	[sflag:s16] =	ssyncadd.s32 @!p1 $0xFFFFC000;
	s11 =	smov.u32 s17  }
.LBB1_1:
0x26: {  	p1 =	sge.u32 s12, s7  }
0x27: {  	s31 =	sadd.s32 $0xFFFFFFFF, s12;
	s15 =	sxor.u32 @!p1 $0xFFFFFFFF, s12;
	s16 =	sshll.u32 @!p1 s11, $0x13  }
0x28: {  	s17 =	sshll.u32 @!p1 s10, $0xB;
	s15 =	sshll.u32 @!p1 s15, $0xE;
	s16 =	sadd.s32 @!p1 s2, s16  }
0x29: {  	s15 =	sand.u32 @!p1 $0x4000, s15;
	s16 =	sadd.s32 @!p1 s17, s16;
	s17 =	simm.s32 @!p1 $0x0  }
0x2a: {  	[tilespmem:s15], [sflag:$0x1] =	stream.linear.gather @!p1 [hbm4b:s16+s17], $0x4000, $0x38;
	[tilespmem:$0x10000] =	vst v63  }
0x2b: {  	p1 =	sge.u32 s31, s7  }
.Ltmp2:
0x2c: {  	_ = 	snop;
	(pc) =	sbr.rel @p1 .LBB1_5-.Ltmp2, $1  }
0x2d: {  	_ =	sdelay $0x3  }
0x2e: {  	s15 =	simm.s32 $0x1  }
0x2f: {  	s15 =	simm.s32 @!p0 $0x0  }
0x30: {  	s15 =	sshll.u32 s15, $0xE  }
0x31: {  	s16 =	sor.u32 $0x40, s15  }
0x32: {  	v1 =	vmov s16;
	_ =	sdelay $0x1  }
0x33: {  	_ =	swait.ge [sflag:s5], $0x4000  }
0x34: {  	[sflag:s5] =	ssyncset.done $0x0  }
0x35: {  	[sflag:s5] =	ssyncadd.s32 $0xFFFFC000;
	s16 =	simm.s32 $0x0  }
0x36: {  	s15 =	sor.u32 $0x8070, s15;
	v7 =	vld.idx.msk [tilespmem:v1+s16+$0x30 ss:$0x1], $0xffff  }
0x37: {  	v0 =	vmov s15;
	v8 =	vld.idx.msk [tilespmem:v1+s16+$0xFFFFFFC0 ss:$0x1], $0xffff  }
0x38: {  	v6 =	vld.idx.msk [tilespmem:v1+s16+$0xFFFFFFD0 ss:$0x1], $0xffff  }
0x39: {  	v4 =	vld.idx.msk [tilespmem:v1+s16+$0xFFFFFFE0 ss:$0x1], $0xffff  }
0x3a: {  	v2 =	vld.idx.msk [tilespmem:v1+s16+$0xFFFFFFF0 ss:$0x1], $0xffff  }
0x3b: {  	s31 =	sshll.u32 s12, $0xE;
	v3 =	vld.idx.msk [tilespmem:v1+s16+$0x0 ss:$0x1], $0xffff  }
0x3c: {  	s15 =	sand.u32 $0x4000, s31;
	v5 =	vld.idx.msk [tilespmem:v1+s16+$0x10 ss:$0x1], $0xffff;
	[tilespmem:v0+s16+$0x0 ss:$0x1] =	vst.idx.msk $0xffff, v7  }
0x3d: {  	s17 =	simm.s32 $0x80;
	s18 =	simm.s32 $0x400;
	s15 =	sor.u32 $0x8000, s15;
	[tilespmem:v0+s16+$0xFFFFFF90 ss:$0x1] =	vst.idx.msk $0xffff, v8;
	v7 =	vld.idx.msk [tilespmem:v1+s16+$0x20 ss:$0x1], $0xffff  }
.LBB1_3:
0x3e: {  	p1 =	sne.s32 s18, $0xFE00;
	v8 =	vld.idx.msk [tilespmem:v1+s17+$0x30 ss:$0x1], $0xffff;
	[tilespmem:v0+s16+$0xFFFFFFA0 ss:$0x1] =	vst.idx.msk $0xffff, v6  }
0x3f: {  	v9 =	vld.idx.msk [tilespmem:v1+s17+$0xFFFFFFC0 ss:$0x1], $0xffff;
	[tilespmem:v0+s16+$0xFFFFFFB0 ss:$0x1] =	vst.idx.msk $0xffff, v4  }
0x40: {  	v6 =	vld.idx.msk [tilespmem:v1+s17+$0xFFFFFFD0 ss:$0x1], $0xffff;
	[tilespmem:v0+s16+$0xFFFFFFC0 ss:$0x1] =	vst.idx.msk $0xffff, v2  }
.Ltmp3:
0x41: {  	v4 =	vld.idx.msk [tilespmem:v1+s17+$0xFFFFFFE0 ss:$0x1], $0xffff;
	[tilespmem:v0+s16+$0xFFFFFFD0 ss:$0x1] =	vst.idx.msk $0xffff, v3;
	(pc) =	sbr.rel @p1 .LBB1_3-.Ltmp3, $4  }
0x42: {  	v2 =	vld.idx.msk [tilespmem:v1+s17+$0xFFFFFFF0 ss:$0x1], $0xffff;
	[tilespmem:v0+s16+$0xFFFFFFE0 ss:$0x1] =	vst.idx.msk $0xffff, v5  }
0x43: {  	v3 =	vld.idx.msk [tilespmem:v1+s17+$0x0 ss:$0x1], $0xffff;
	[tilespmem:v0+s16+$0xFFFFFFF0 ss:$0x1] =	vst.idx.msk $0xffff, v7;
	s16 =	smov.u32 s17  }
0x44: {  	v5 =	vld.idx.msk [tilespmem:v1+s16+$0x10 ss:$0x1], $0xffff;
	[tilespmem:v0+s16+$0x0 ss:$0x1] =	vst.idx.msk $0xffff, v8  }
0x45: {  	s17 =	sshra.s32 s18, $0x2;
	s18 =	sadd.s32 $0x200, s18;
	[tilespmem:v0+s16+$0xFFFFFF90 ss:$0x1] =	vst.idx.msk $0xffff, v9;
	v7 =	vld.idx.msk [tilespmem:v1+s16+$0x20 ss:$0x1], $0xffff  }
.Ltmp4:
0x46: {  	_ = 	snop;
	(pc) =	sbr.rel .LBB1_4-.Ltmp4, $1  }
0x47: {  	_ =	sdelay $0x3  }
.LBB1_6:
0x48: {  	_ =	sfence.sel $0x180000  }
0x49: {  	s2 =	simm.s32 $0x1;
	[bflag:$0x0] =	sbarrier.arrive $0xFFFF  }
0x4a: {  	s31 =	simm.s32 $0x2;
	[sflag:s2] =	ssyncpa.u1 $0x1  }
0x4b: {  	[sflag:s31] =	ssyncpa.u1 $0x1  }
0x4c: {  	p0 =	sne.s32 s1, $0x0;
	_ =	strace $0x90000047  }
0x4d: {  	s0 =	sadd.s32 @!p0 $0x100000, s0;
	[bflag:$0x2] =	sbarrier.arrive $0xFFFF  }
0x4e: {  	[sflag:s0] =	ssyncadd.tile.s32 @!p0 $0x1;
	_ =	shalt  }
.Lfunc_end1:
_tile_overlayer_lowered:
.L_overlay_start_2:
0x4f: {  	(tag) =	ssettag $0x2  }
0x50: {  	s0 =	rddreg [dreg:$0x0];
	s2 =	stileid.u32  }
0x51: {  	s1 =	rddreg [dreg:$0x1];
	p0 =	sne.s32 s2, $0x0  }
0x52: {  	s3 =	rddreg [dreg:$0x2];
	[bflag:$0x3] =	sbarrier.arrive $0xFFFF;
	s2 =	simm.s32 @!p0 $0x1C01  }
0x53: {  	[timem:s3], [sflag:s2] =	dma.local @!p0 [hbm:s0], s1  }
0x54: {  	s0 =	simm.s32 @!p0 $0x1  }
0x55: {  	_ =	swait.ge @!p0 [sflag:s0], s1  }
0x56: {  	s1 =	ssub.s32 @!p0 $0x0, s1;
	[sflag:s0] =	ssyncset.done @!p0 $0x0  }
0x57: {  	[sflag:s0] =	ssyncadd.s32 @!p0 s1  }
0x58: {  	[bflag:$0x3] =	sbarrier.arrive $0xFFFF  }
0x59: {  	_ =	shalt  }

</sc_bundles>
